<compile_context>
chip_gen: v7x
topology: tpu7x:2x2x1
jax: 0.10.2.dev20260603
libtpu: 0.0.44.dev20260713+nightly
codegen_flags: <defaults>
</compile_context>

<pallas_src>
import functools

import jax
import jax.numpy as jnp
from jax import lax
from jax.experimental import pallas as pl
from jax.experimental.pallas import tpu as pltpu
from jax.experimental.pallas import tpu_sc as plsc

_L = 16
_BAND = 32
_TAIL = _BAND * 32


def _sc_body(x_hbm, t_hbm, o_hbm,
             in0, in1, ou0, ou1, tbuf,
             tin0, tin1, tou0, tou1, ttail,
             si0, si1, so0, so1, tsi0, tsi1, tso0, tso1):
    batch = x_hbm.shape[0]
    dim = x_hbm.shape[2]
    nvec = dim // _L
    wid = lax.axis_index("s") * 2 + lax.axis_index("c")
    rows = pl.ds(wid * _BAND, _BAND)
    trow = pl.ds(_TAIL, 1)
    is_tail_tile = wid == 31

    in_bufs, out_bufs = (in0, in1), (ou0, ou1)
    in_sems, out_sems = (si0, si1), (so0, so1)
    tin_bufs, tout_bufs = (tin0, tin1), (tou0, tou1)
    tin_sems, tout_sems = (tsi0, tsi1), (tso0, tso1)

    pltpu.sync_copy(t_hbm.at[rows], tbuf)

    @pl.when(is_tail_tile)
    def _():
        pltpu.sync_copy(t_hbm.at[trow], ttail)

    half = pl.ds(wid * _BAND, 16)
    half2 = pl.ds(wid * _BAND + 16, 16)

    def in_copy_a(b, j):
        return pltpu.make_async_copy(
            x_hbm.at[b, half], in_bufs[j].at[pl.ds(0, 16)], in_sems[j])

    def in_copy_b(b, j):
        return pltpu.make_async_copy(
            x_hbm.at[b, half2], in_bufs[j].at[pl.ds(16, 16)], in_sems[j])

    class _InPair:
        def __init__(self, b, j):
            self.b, self.j = b, j

        def start(self):
            in_copy_a(self.b, self.j).start()
            in_copy_b(self.b, self.j).start()

        def wait(self):
            in_copy_a(self.b, self.j).wait()
            in_copy_b(self.b, self.j).wait()

    def in_copy(b, j):
        return _InPair(b, j)

    def out_copy(b, j):
        return pltpu.make_async_copy(out_bufs[j], o_hbm.at[b, rows], out_sems[j])

    def tin_copy(b, j):
        return pltpu.make_async_copy(x_hbm.at[b, trow], tin_bufs[j], tin_sems[j])

    def tout_copy(b, j):
        return pltpu.make_async_copy(tout_bufs[j], o_hbm.at[b, trow], tout_sems[j])

    in_copy(0, 0).start()
    in_copy(1, 1).start()

    @pl.when(is_tail_tile)
    def _():
        tin_copy(0, 0).start()
        tin_copy(1, 1).start()

    def round_fn(g, carry):
        for j in range(2):
            b = g * 2 + j
            in_copy(b, j).wait()

            @pl.when(b >= 2)
            def _():
                out_copy(b - 2, j).wait()

            def per_row(r, c2):
                for c in range(nvec):
                    sl = pl.ds(c * _L, _L)
                    out_bufs[j][r, sl] = in_bufs[j][r, sl] + tbuf[r, sl]
                return c2

            lax.fori_loop(0, _BAND, per_row, 0)
            out_copy(b, j).start()

            @pl.when(b + 2 < batch)
            def _():
                in_copy(b + 2, j).start()

            @pl.when(is_tail_tile)
            def _():
                tin_copy(b, j).wait()

                @pl.when(b >= 2)
                def _():
                    tout_copy(b - 2, j).wait()

                for c in range(nvec):
                    sl = pl.ds(c * _L, _L)
                    tout_bufs[j][0, sl] = tin_bufs[j][0, sl] + ttail[0, sl]
                tout_copy(b, j).start()

                @pl.when(b + 2 < batch)
                def _():
                    tin_copy(b + 2, j).start()

        return carry

    lax.fori_loop(0, batch // 2, round_fn, 0)
    out_copy(batch - 2, 0).wait()
    out_copy(batch - 1, 1).wait()

    @pl.when(is_tail_tile)
    def _():
        tout_copy(batch - 2, 0).wait()
        tout_copy(batch - 1, 1).wait()


def kernel(inputs, pos_table):
    batch, positions, dim = inputs.shape
    mesh = plsc.VectorSubcoreMesh(core_axis_name="c", subcore_axis_name="s")
    band = pltpu.VMEM((_BAND, dim), inputs.dtype)
    row = pltpu.VMEM((1, dim), inputs.dtype)
    sem = pltpu.SemaphoreType.DMA
    sc_fn = functools.partial(
        pl.kernel,
        mesh=mesh,
        out_type=jax.ShapeDtypeStruct(inputs.shape, inputs.dtype),
        scratch_types=[band, band, band, band, band,
                       row, row, row, row, row,
                       sem, sem, sem, sem, sem, sem, sem, sem],
    )(_sc_body)
    return sc_fn(inputs, pos_table)

# --- scband reference (transcript-rebuilt; emitter-appended) ---
"""Pipeline reference for scband-positional-embedding-11424613007668 (READ-ONLY COPY).

The authoritative reference and input builder live on the scoring server;
editing this copy changes nothing except your own understanding.
"""

import jax, jax.numpy as jnp
import numpy as np

NUM_PATCHES = 1024
POSITIONS = NUM_PATCHES + 1  # classifier == 'token'
PROJ_DIM = 768
BATCH = 64

def setup_inputs(seed: int = 0) -> dict:
    key = jax.random.key(seed)
    k1, k2 = jax.random.split(key)
    inputs = jax.random.normal(k1, (BATCH, POSITIONS, PROJ_DIM), dtype=jnp.float32)
    # learned positional embedding table, RandomNormal(stddev=0.02)
    pos_table = jax.random.normal(k2, (POSITIONS, PROJ_DIM), dtype=jnp.float32) * 0.02
    return {"inputs": inputs, "pos_table": pos_table}

def reference(inputs, pos_table):
    # pos_flat_patches = tf.range(positions) used as lookup indices into the Embedding
    idx = jnp.arange(POSITIONS, dtype=jnp.int32)
    pos_emb = jnp.take(pos_table, idx, axis=0)  # embedding gather
    pos_emb = pos_emb.astype(inputs.dtype)
    outputs = inputs + pos_emb[None, :, :]
    return outputs

if __name__ == "__main__":
    import jax
    _d = setup_inputs()
    print(jax.jit(kernel)(*tuple(_d.values())))

</pallas_src>

<mosaic_0001>
#map = affine_map<(d0, d1) -> (0, 0, 0)>
#map1 = affine_map<(d0, d1) -> (0, 0)>
module attributes {stable_mosaic.version = 14 : i64} {
  func.func @_sc_body(%arg0: i32, %arg1: i32, %arg2: memref<64x1025x768xf32, #tpu.memory_space<hbm>>, %arg3: memref<1025x768xf32, #tpu.memory_space<hbm>>, %arg4: memref<64x1025x768xf32, #tpu.memory_space<hbm>>, %arg5: memref<32x768xf32, #tpu.memory_space<vmem>>, %arg6: memref<32x768xf32, #tpu.memory_space<vmem>>, %arg7: memref<32x768xf32, #tpu.memory_space<vmem>>, %arg8: memref<32x768xf32, #tpu.memory_space<vmem>>, %arg9: memref<32x768xf32, #tpu.memory_space<vmem>>, %arg10: memref<1x768xf32, #tpu.memory_space<vmem>>, %arg11: memref<1x768xf32, #tpu.memory_space<vmem>>, %arg12: memref<1x768xf32, #tpu.memory_space<vmem>>, %arg13: memref<1x768xf32, #tpu.memory_space<vmem>>, %arg14: memref<1x768xf32, #tpu.memory_space<vmem>>, %arg15: memref<!tpu.dma_semaphore, #tpu.memory_space<semaphore_mem>>, %arg16: memref<!tpu.dma_semaphore, #tpu.memory_space<semaphore_mem>>, %arg17: memref<!tpu.dma_semaphore, #tpu.memory_space<semaphore_mem>>, %arg18: memref<!tpu.dma_semaphore, #tpu.memory_space<semaphore_mem>>, %arg19: memref<!tpu.dma_semaphore, #tpu.memory_space<semaphore_mem>>, %arg20: memref<!tpu.dma_semaphore, #tpu.memory_space<semaphore_mem>>, %arg21: memref<!tpu.dma_semaphore, #tpu.memory_space<semaphore_mem>>, %arg22: memref<!tpu.dma_semaphore, #tpu.memory_space<semaphore_mem>>) attributes {dimension_semantics = [#tpu.dimension_semantics<core_parallel>, #tpu.dimension_semantics<subcore_parallel>], iteration_bounds = array<i64: 2, 16>, scalar_prefetch = 0 : i64, scratch_operands = 18 : i64, tpu.core_type = #tpu.core_type<sc_vector_subcore>, window_params = [{transform_indices = #map}, {transform_indices = #map1}, {transform_indices = #map}]} {
    %mul3A = arith.constant 2 : i32
    %mul3A_0 = arith.muli %arg1, %mul3A : i32
    %add3A = arith.addi %mul3A_0, %arg0 : i32
    %mul3A_1 = arith.constant 32 : i32
    %mul3A_2 = arith.muli %add3A, %mul3A_1 : i32
    %eq3A = arith.constant 31 : i32
    %eq3A_3 = arith.cmpi eq, %add3A, %eq3A : i32
    "tpu.region"() ({
      %run_scoped3A = tpu.sem_alloc : memref<!tpu.dma_semaphore, #tpu.memory_space<semaphore_mem>>
      %dma_start3A_86 = arith.constant 0 : i32
      %dma_start3A_87 = tpu.memref_slice %arg3[%mul3A_2, %dma_start3A_86] : memref<1025x768xf32, #tpu.memory_space<hbm>> -> memref<32x768xf32, #tpu.memory_space<hbm>>
      %dma_start3A_88 = arith.constant 0 : i32
      %dma_start3A_89 = tpu.memref_slice %arg3[%mul3A_2, %dma_start3A_88] : memref<1025x768xf32, #tpu.memory_space<hbm>> -> memref<32x768xf32, #tpu.memory_space<hbm>>
      tpu.enqueue_dma source(%dma_start3A_89 : memref<32x768xf32, #tpu.memory_space<hbm>>) target(%arg9 : memref<32x768xf32, #tpu.memory_space<vmem>>) target_semaphore(%run_scoped3A : memref<!tpu.dma_semaphore, #tpu.memory_space<semaphore_mem>>)
      %dma_wait3A_90 = arith.constant 0 : i32
      %dma_wait3A_91 = tpu.memref_slice %arg3[%mul3A_2, %dma_wait3A_90] : memref<1025x768xf32, #tpu.memory_space<hbm>> -> memref<32x768xf32, #tpu.memory_space<hbm>>
      %dma_wait3A_92 = arith.constant 0 : i32
      %dma_wait3A_93 = tpu.memref_slice %arg3[%mul3A_2, %dma_wait3A_92] : memref<1025x768xf32, #tpu.memory_space<hbm>> -> memref<32x768xf32, #tpu.memory_space<hbm>>
      tpu.wait_dma2 semaphore(%run_scoped3A : memref<!tpu.dma_semaphore, #tpu.memory_space<semaphore_mem>>) src(%dma_wait3A_93 : memref<32x768xf32, #tpu.memory_space<hbm>>) dst(%arg9 : memref<32x768xf32, #tpu.memory_space<vmem>>)
      tpu.yield
    }) : () -> ()
    %convert_element_type3A = arith.extui %eq3A_3 : i1 to i32
    %cond3A = arith.constant 0 : i32
    %cond3A_4 = arith.cmpi ne, %convert_element_type3A, %cond3A : i32
    scf.if %cond3A_4 {
      "tpu.region"() ({
        %run_scoped3A = tpu.sem_alloc : memref<!tpu.dma_semaphore, #tpu.memory_space<semaphore_mem>>
        %dma_start3A_86 = arith.constant 1024 : i32
        %dma_start3A_87 = arith.constant 0 : i32
        %dma_start3A_88 = tpu.memref_slice %arg3[%dma_start3A_86, %dma_start3A_87] : memref<1025x768xf32, #tpu.memory_space<hbm>> -> memref<1x768xf32, #tpu.memory_space<hbm>>
        %dma_start3A_89 = arith.constant 1024 : i32
        %dma_start3A_90 = arith.constant 0 : i32
        %dma_start3A_91 = tpu.memref_slice %arg3[%dma_start3A_89, %dma_start3A_90] : memref<1025x768xf32, #tpu.memory_space<hbm>> -> memref<1x768xf32, #tpu.memory_space<hbm>>
        tpu.enqueue_dma source(%dma_start3A_91 : memref<1x768xf32, #tpu.memory_space<hbm>>) target(%arg14 : memref<1x768xf32, #tpu.memory_space<vmem>>) target_semaphore(%run_scoped3A : memref<!tpu.dma_semaphore, #tpu.memory_space<semaphore_mem>>)
        %dma_wait3A_92 = arith.constant 1024 : i32
        %dma_wait3A_93 = arith.constant 0 : i32
        %dma_wait3A_94 = tpu.memref_slice %arg3[%dma_wait3A_92, %dma_wait3A_93] : memref<1025x768xf32, #tpu.memory_space<hbm>> -> memref<1x768xf32, #tpu.memory_space<hbm>>
        %dma_wait3A_95 = arith.constant 1024 : i32
        %dma_wait3A_96 = arith.constant 0 : i32
        %dma_wait3A_97 = tpu.memref_slice %arg3[%dma_wait3A_95, %dma_wait3A_96] : memref<1025x768xf32, #tpu.memory_space<hbm>> -> memref<1x768xf32, #tpu.memory_space<hbm>>
        tpu.wait_dma2 semaphore(%run_scoped3A : memref<!tpu.dma_semaphore, #tpu.memory_space<semaphore_mem>>) src(%dma_wait3A_97 : memref<1x768xf32, #tpu.memory_space<hbm>>) dst(%arg14 : memref<1x768xf32, #tpu.memory_space<vmem>>)
        tpu.yield
      }) : () -> ()
    } else {
    }
    %mul3A_5 = arith.constant 32 : i32
    %mul3A_6 = arith.muli %add3A, %mul3A_5 : i32
    %mul3A_7 = arith.constant 32 : i32
    %mul3A_8 = arith.muli %add3A, %mul3A_7 : i32
    %add3A_9 = arith.constant 16 : i32
    %add3A_10 = arith.addi %mul3A_8, %add3A_9 : i32
    %dma_start3A = arith.constant 0 : i32
    %dma_start3A_11 = arith.constant 0 : i32
    %dma_start3A_12 = arith.constant 0 : i32
    %dma_start3A_13 = tpu.memref_slice %arg5[%dma_start3A_11, %dma_start3A_12] : memref<32x768xf32, #tpu.memory_space<vmem>> -> memref<16x768xf32, #tpu.memory_space<vmem>>
    %dma_start3A_14 = arith.constant 0 : i32
    %dma_start3A_15 = tpu.memref_slice %arg2[%dma_start3A, %mul3A_6, %dma_start3A_14] : memref<64x1025x768xf32, #tpu.memory_space<hbm>> -> memref<1x16x768xf32, #tpu.memory_space<hbm>>
    %dma_start3A_16 = tpu.memref_squeeze %dma_start3A_15 : memref<1x16x768xf32, #tpu.memory_space<hbm>> -> memref<16x768xf32, #tpu.memory_space<hbm>>
    %dma_start3A_17 = arith.constant 0 : i32
    %dma_start3A_18 = arith.constant 0 : i32
    %dma_start3A_19 = tpu.memref_slice %arg5[%dma_start3A_17, %dma_start3A_18] : memref<32x768xf32, #tpu.memory_space<vmem>> -> memref<16x768xf32, #tpu.memory_space<vmem>>
    %dma_start3A_20 = arith.constant 0 : i32
    %dma_start3A_21 = tpu.memref_slice %arg2[%dma_start3A, %mul3A_6, %dma_start3A_20] : memref<64x1025x768xf32, #tpu.memory_space<hbm>> -> memref<1x16x768xf32, #tpu.memory_space<hbm>>
    %dma_start3A_22 = tpu.memref_squeeze %dma_start3A_21 : memref<1x16x768xf32, #tpu.memory_space<hbm>> -> memref<16x768xf32, #tpu.memory_space<hbm>>
    tpu.enqueue_dma source(%dma_start3A_22 : memref<16x768xf32, #tpu.memory_space<hbm>>) target(%dma_start3A_19 : memref<16x768xf32, #tpu.memory_space<vmem>>) target_semaphore(%arg15 : memref<!tpu.dma_semaphore, #tpu.memory_space<semaphore_mem>>)
    %dma_start3A_23 = arith.constant 0 : i32
    %dma_start3A_24 = arith.constant 16 : i32
    %dma_start3A_25 = arith.constant 0 : i32
    %dma_start3A_26 = tpu.memref_slice %arg5[%dma_start3A_24, %dma_start3A_25] : memref<32x768xf32, #tpu.memory_space<vmem>> -> memref<16x768xf32, #tpu.memory_space<vmem>>
    %dma_start3A_27 = arith.constant 0 : i32
    %dma_start3A_28 = tpu.memref_slice %arg2[%dma_start3A_23, %add3A_10, %dma_start3A_27] : memref<64x1025x768xf32, #tpu.memory_space<hbm>> -> memref<1x16x768xf32, #tpu.memory_space<hbm>>
    %dma_start3A_29 = tpu.memref_squeeze %dma_start3A_28 : memref<1x16x768xf32, #tpu.memory_space<hbm>> -> memref<16x768xf32, #tpu.memory_space<hbm>>
    %dma_start3A_30 = arith.constant 16 : i32
    %dma_start3A_31 = arith.constant 0 : i32
    %dma_start3A_32 = tpu.memref_slice %arg5[%dma_start3A_30, %dma_start3A_31] : memref<32x768xf32, #tpu.memory_space<vmem>> -> memref<16x768xf32, #tpu.memory_space<vmem>>
    %dma_start3A_33 = arith.constant 0 : i32
    %dma_start3A_34 = tpu.memref_slice %arg2[%dma_start3A_23, %add3A_10, %dma_start3A_33] : memref<64x1025x768xf32, #tpu.memory_space<hbm>> -> memref<1x16x768xf32, #tpu.memory_space<hbm>>
    %dma_start3A_35 = tpu.memref_squeeze %dma_start3A_34 : memref<1x16x768xf32, #tpu.memory_space<hbm>> -> memref<16x768xf32, #tpu.memory_space<hbm>>
    tpu.enqueue_dma source(%dma_start3A_35 : memref<16x768xf32, #tpu.memory_space<hbm>>) target(%dma_start3A_32 : memref<16x768xf32, #tpu.memory_space<vmem>>) target_semaphore(%arg15 : memref<!tpu.dma_semaphore, #tpu.memory_space<semaphore_mem>>)
    %dma_start3A_36 = arith.constant 1 : i32
    %dma_start3A_37 = arith.constant 0 : i32
    %dma_start3A_38 = arith.constant 0 : i32
    %dma_start3A_39 = tpu.memref_slice %arg6[%dma_start3A_37, %dma_start3A_38] : memref<32x768xf32, #tpu.memory_space<vmem>> -> memref<16x768xf32, #tpu.memory_space<vmem>>
    %dma_start3A_40 = arith.constant 0 : i32
    %dma_start3A_41 = tpu.memref_slice %arg2[%dma_start3A_36, %mul3A_6, %dma_start3A_40] : memref<64x1025x768xf32, #tpu.memory_space<hbm>> -> memref<1x16x768xf32, #tpu.memory_space<hbm>>
    %dma_start3A_42 = tpu.memref_squeeze %dma_start3A_41 : memref<1x16x768xf32, #tpu.memory_space<hbm>> -> memref<16x768xf32, #tpu.memory_space<hbm>>
    %dma_start3A_43 = arith.constant 0 : i32
    %dma_start3A_44 = arith.constant 0 : i32
    %dma_start3A_45 = tpu.memref_slice %arg6[%dma_start3A_43, %dma_start3A_44] : memref<32x768xf32, #tpu.memory_space<vmem>> -> memref<16x768xf32, #tpu.memory_space<vmem>>
    %dma_start3A_46 = arith.constant 0 : i32
    %dma_start3A_47 = tpu.memref_slice %arg2[%dma_start3A_36, %mul3A_6, %dma_start3A_46] : memref<64x1025x768xf32, #tpu.memory_space<hbm>> -> memref<1x16x768xf32, #tpu.memory_space<hbm>>
    %dma_start3A_48 = tpu.memref_squeeze %dma_start3A_47 : memref<1x16x768xf32, #tpu.memory_space<hbm>> -> memref<16x768xf32, #tpu.memory_space<hbm>>
    tpu.enqueue_dma source(%dma_start3A_48 : memref<16x768xf32, #tpu.memory_space<hbm>>) target(%dma_start3A_45 : memref<16x768xf32, #tpu.memory_space<vmem>>) target_semaphore(%arg16 : memref<!tpu.dma_semaphore, #tpu.memory_space<semaphore_mem>>)
    %dma_start3A_49 = arith.constant 1 : i32
    %dma_start3A_50 = arith.constant 16 : i32
    %dma_start3A_51 = arith.constant 0 : i32
    %dma_start3A_52 = tpu.memref_slice %arg6[%dma_start3A_50, %dma_start3A_51] : memref<32x768xf32, #tpu.memory_space<vmem>> -> memref<16x768xf32, #tpu.memory_space<vmem>>
    %dma_start3A_53 = arith.constant 0 : i32
    %dma_start3A_54 = tpu.memref_slice %arg2[%dma_start3A_49, %add3A_10, %dma_start3A_53] : memref<64x1025x768xf32, #tpu.memory_space<hbm>> -> memref<1x16x768xf32, #tpu.memory_space<hbm>>
    %dma_start3A_55 = tpu.memref_squeeze %dma_start3A_54 : memref<1x16x768xf32, #tpu.memory_space<hbm>> -> memref<16x768xf32, #tpu.memory_space<hbm>>
    %dma_start3A_56 = arith.constant 16 : i32
    %dma_start3A_57 = arith.constant 0 : i32
    %dma_start3A_58 = tpu.memref_slice %arg6[%dma_start3A_56, %dma_start3A_57] : memref<32x768xf32, #tpu.memory_space<vmem>> -> memref<16x768xf32, #tpu.memory_space<vmem>>
    %dma_start3A_59 = arith.constant 0 : i32
    %dma_start3A_60 = tpu.memref_slice %arg2[%dma_start3A_49, %add3A_10, %dma_start3A_59] : memref<64x1025x768xf32, #tpu.memory_space<hbm>> -> memref<1x16x768xf32, #tpu.memory_space<hbm>>
    %dma_start3A_61 = tpu.memref_squeeze %dma_start3A_60 : memref<1x16x768xf32, #tpu.memory_space<hbm>> -> memref<16x768xf32, #tpu.memory_space<hbm>>
    tpu.enqueue_dma source(%dma_start3A_61 : memref<16x768xf32, #tpu.memory_space<hbm>>) target(%dma_start3A_58 : memref<16x768xf32, #tpu.memory_space<vmem>>) target_semaphore(%arg16 : memref<!tpu.dma_semaphore, #tpu.memory_space<semaphore_mem>>)
    %convert_element_type3A_62 = arith.extui %eq3A_3 : i1 to i32
    %cond3A_63 = arith.constant 0 : i32
    %cond3A_64 = arith.cmpi ne, %convert_element_type3A_62, %cond3A_63 : i32
    scf.if %cond3A_64 {
      %dma_start3A_86 = arith.constant 0 : i32
      %dma_start3A_87 = arith.constant 1024 : i32
      %dma_start3A_88 = arith.constant 0 : i32
      %dma_start3A_89 = tpu.memref_slice %arg2[%dma_start3A_86, %dma_start3A_87, %dma_start3A_88] : memref<64x1025x768xf32, #tpu.memory_space<hbm>> -> memref<1x1x768xf32, #tpu.memory_space<hbm>>
      %dma_start3A_90 = tpu.memref_squeeze %dma_start3A_89 : memref<1x1x768xf32, #tpu.memory_space<hbm>> -> memref<1x768xf32, #tpu.memory_space<hbm>>
      %dma_start3A_91 = arith.constant 1024 : i32
      %dma_start3A_92 = arith.constant 0 : i32
      %dma_start3A_93 = tpu.memref_slice %arg2[%dma_start3A_86, %dma_start3A_91, %dma_start3A_92] : memref<64x1025x768xf32, #tpu.memory_space<hbm>> -> memref<1x1x768xf32, #tpu.memory_space<hbm>>
      %dma_start3A_94 = tpu.memref_squeeze %dma_start3A_93 : memref<1x1x768xf32, #tpu.memory_space<hbm>> -> memref<1x768xf32, #tpu.memory_space<hbm>>
      tpu.enqueue_dma source(%dma_start3A_94 : memref<1x768xf32, #tpu.memory_space<hbm>>) target(%arg10 : memref<1x768xf32, #tpu.memory_space<vmem>>) target_semaphore(%arg19 : memref<!tpu.dma_semaphore, #tpu.memory_space<semaphore_mem>>)
      %dma_start3A_95 = arith.constant 1 : i32
      %dma_start3A_96 = arith.constant 1024 : i32
      %dma_start3A_97 = arith.constant 0 : i32
      %dma_start3A_98 = tpu.memref_slice %arg2[%dma_start3A_95, %dma_start3A_96, %dma_start3A_97] : memref<64x1025x768xf32, #tpu.memory_space<hbm>> -> memref<1x1x768xf32, #tpu.memory_space<hbm>>
      %dma_start3A_99 = tpu.memref_squeeze %dma_start3A_98 : memref<1x1x768xf32, #tpu.memory_space<hbm>> -> memref<1x768xf32, #tpu.memory_space<hbm>>
      %dma_start3A_100 = arith.constant 1024 : i32
      %dma_start3A_101 = arith.constant 0 : i32
      %dma_start3A_102 = tpu.memref_slice %arg2[%dma_start3A_95, %dma_start3A_100, %dma_start3A_101] : memref<64x1025x768xf32, #tpu.memory_space<hbm>> -> memref<1x1x768xf32, #tpu.memory_space<hbm>>
      %dma_start3A_103 = tpu.memref_squeeze %dma_start3A_102 : memref<1x1x768xf32, #tpu.memory_space<hbm>> -> memref<1x768xf32, #tpu.memory_space<hbm>>
      tpu.enqueue_dma source(%dma_start3A_103 : memref<1x768xf32, #tpu.memory_space<hbm>>) target(%arg11 : memref<1x768xf32, #tpu.memory_space<vmem>>) target_semaphore(%arg20 : memref<!tpu.dma_semaphore, #tpu.memory_space<semaphore_mem>>)
    } else {
    }
    %scan3A = arith.constant 0 : i32
    %scan3A_65 = arith.constant 0 : i32
    %scan3A_66 = arith.constant 32 : i32
    %scan3A_67 = arith.addi %scan3A_65, %scan3A_66 : i32
    %scan3A_68 = arith.constant 1 : i32
    scf.for %scan3A_86 = %scan3A_65 to %scan3A_67 step %scan3A_68  : i32 {
      %mul3A_87 = arith.constant 2 : i32
      %mul3A_88 = arith.muli %scan3A_86, %mul3A_87 : i32
      %add3A_89 = arith.constant 0 : i32
      %add3A_90 = arith.addi %mul3A_88, %add3A_89 : i32
      %dma_wait3A_91 = arith.constant 0 : i32
      %dma_wait3A_92 = arith.constant 0 : i32
      %dma_wait3A_93 = tpu.memref_slice %arg5[%dma_wait3A_91, %dma_wait3A_92] : memref<32x768xf32, #tpu.memory_space<vmem>> -> memref<16x768xf32, #tpu.memory_space<vmem>>
      %dma_wait3A_94 = arith.constant 0 : i32
      %dma_wait3A_95 = tpu.memref_slice %arg2[%add3A_90, %mul3A_6, %dma_wait3A_94] : memref<64x1025x768xf32, #tpu.memory_space<hbm>> -> memref<1x16x768xf32, #tpu.memory_space<hbm>>
      %dma_wait3A_96 = tpu.memref_squeeze %dma_wait3A_95 : memref<1x16x768xf32, #tpu.memory_space<hbm>> -> memref<16x768xf32, #tpu.memory_space<hbm>>
      %dma_wait3A_97 = arith.constant 0 : i32
      %dma_wait3A_98 = arith.constant 0 : i32
      %dma_wait3A_99 = tpu.memref_slice %arg5[%dma_wait3A_97, %dma_wait3A_98] : memref<32x768xf32, #tpu.memory_space<vmem>> -> memref<16x768xf32, #tpu.memory_space<vmem>>
      %dma_wait3A_100 = arith.constant 0 : i32
      %dma_wait3A_101 = tpu.memref_slice %arg2[%add3A_90, %mul3A_6, %dma_wait3A_100] : memref<64x1025x768xf32, #tpu.memory_space<hbm>> -> memref<1x16x768xf32, #tpu.memory_space<hbm>>
      %dma_wait3A_102 = tpu.memref_squeeze %dma_wait3A_101 : memref<1x16x768xf32, #tpu.memory_space<hbm>> -> memref<16x768xf32, #tpu.memory_space<hbm>>
      tpu.wait_dma2 semaphore(%arg15 : memref<!tpu.dma_semaphore, #tpu.memory_space<semaphore_mem>>) src(%dma_wait3A_102 : memref<16x768xf32, #tpu.memory_space<hbm>>) dst(%dma_wait3A_99 : memref<16x768xf32, #tpu.memory_space<vmem>>)
      %dma_wait3A_103 = arith.constant 16 : i32
      %dma_wait3A_104 = arith.constant 0 : i32
      %dma_wait3A_105 = tpu.memref_slice %arg5[%dma_wait3A_103, %dma_wait3A_104] : memref<32x768xf32, #tpu.memory_space<vmem>> -> memref<16x768xf32, #tpu.memory_space<vmem>>
      %dma_wait3A_106 = arith.constant 0 : i32
      %dma_wait3A_107 = tpu.memref_slice %arg2[%add3A_90, %add3A_10, %dma_wait3A_106] : memref<64x1025x768xf32, #tpu.memory_space<hbm>> -> memref<1x16x768xf32, #tpu.memory_space<hbm>>
      %dma_wait3A_108 = tpu.memref_squeeze %dma_wait3A_107 : memref<1x16x768xf32, #tpu.memory_space<hbm>> -> memref<16x768xf32, #tpu.memory_space<hbm>>
      %dma_wait3A_109 = arith.constant 16 : i32
      %dma_wait3A_110 = arith.constant 0 : i32
      %dma_wait3A_111 = tpu.memref_slice %arg5[%dma_wait3A_109, %dma_wait3A_110] : memref<32x768xf32, #tpu.memory_space<vmem>> -> memref<16x768xf32, #tpu.memory_space<vmem>>
      %dma_wait3A_112 = arith.constant 0 : i32
      %dma_wait3A_113 = tpu.memref_slice %arg2[%add3A_90, %add3A_10, %dma_wait3A_112] : memref<64x1025x768xf32, #tpu.memory_space<hbm>> -> memref<1x16x768xf32, #tpu.memory_space<hbm>>
      %dma_wait3A_114 = tpu.memref_squeeze %dma_wait3A_113 : memref<1x16x768xf32, #tpu.memory_space<hbm>> -> memref<16x768xf32, #tpu.memory_space<hbm>>
      tpu.wait_dma2 semaphore(%arg15 : memref<!tpu.dma_semaphore, #tpu.memory_space<semaphore_mem>>) src(%dma_wait3A_114 : memref<16x768xf32, #tpu.memory_space<hbm>>) dst(%dma_wait3A_111 : memref<16x768xf32, #tpu.memory_space<vmem>>)
      %ge3A = arith.constant 2 : i32
      %ge3A_115 = arith.cmpi sge, %add3A_90, %ge3A : i32
      %convert_element_type3A_116 = arith.extui %ge3A_115 : i1 to i32
      %cond3A_117 = arith.constant 0 : i32
      %cond3A_118 = arith.cmpi ne, %convert_element_type3A_116, %cond3A_117 : i32
      scf.if %cond3A_118 {
        %sub3A = arith.constant 2 : i32
        %sub3A_195 = arith.subi %add3A_90, %sub3A : i32
        %dma_wait3A_196 = arith.constant 0 : i32
        %dma_wait3A_197 = tpu.memref_slice %arg4[%sub3A_195, %mul3A_2, %dma_wait3A_196] : memref<64x1025x768xf32, #tpu.memory_space<hbm>> -> memref<1x32x768xf32, #tpu.memory_space<hbm>>
        %dma_wait3A_198 = tpu.memref_squeeze %dma_wait3A_197 : memref<1x32x768xf32, #tpu.memory_space<hbm>> -> memref<32x768xf32, #tpu.memory_space<hbm>>
        %dma_wait3A_199 = arith.constant 0 : i32
        %dma_wait3A_200 = tpu.memref_slice %arg4[%sub3A_195, %mul3A_2, %dma_wait3A_199] : memref<64x1025x768xf32, #tpu.memory_space<hbm>> -> memref<1x32x768xf32, #tpu.memory_space<hbm>>
        %dma_wait3A_201 = tpu.memref_squeeze %dma_wait3A_200 : memref<1x32x768xf32, #tpu.memory_space<hbm>> -> memref<32x768xf32, #tpu.memory_space<hbm>>
        tpu.wait_dma2 semaphore(%arg17 : memref<!tpu.dma_semaphore, #tpu.memory_space<semaphore_mem>>) src(%arg7 : memref<32x768xf32, #tpu.memory_space<vmem>>) dst(%dma_wait3A_201 : memref<32x768xf32, #tpu.memory_space<hbm>>)
      } else {
      }
      %scan3A_119 = arith.constant 0 : i32
      %scan3A_120 = arith.constant 0 : i32
      %scan3A_121 = arith.constant 32 : i32
      %scan3A_122 = arith.addi %scan3A_120, %scan3A_121 : i32
      %scan3A_123 = arith.constant 1 : i32
      scf.for %scan3A_195 = %scan3A_120 to %scan3A_122 step %scan3A_123  : i32 {
        %get3A = arith.index_cast %scan3A_195 : i32 to index
        %get3A_196 = arith.constant 0 : index
        %get3A_197 = tpu.vector_load %arg5[%get3A, %get3A_196] {strides = array<i32>} : memref<32x768xf32, #tpu.memory_space<vmem>>, vector<1x16xf32>,
        %get3A_198 = vector.shape_cast %get3A_197 : vector<1x16xf32> to vector<16xf32>
        %get3A_199 = arith.index_cast %scan3A_195 : i32 to index
        %get3A_200 = arith.constant 0 : index
        %get3A_201 = tpu.vector_load %arg9[%get3A_199, %get3A_200] {strides = array<i32>} : memref<32x768xf32, #tpu.memory_space<vmem>>, vector<1x16xf32>,
        %get3A_202 = vector.shape_cast %get3A_201 : vector<1x16xf32> to vector<16xf32>
        %add3A_203 = arith.addf %get3A_198, %get3A_202 : vector<16xf32>
        %swap3A = arith.index_cast %scan3A_195 : i32 to index
        %swap3A_204 = arith.constant 0 : index
        %swap3A_205 = tpu.vector_load %arg7[%swap3A, %swap3A_204] {strides = array<i32>} : memref<32x768xf32, #tpu.memory_space<vmem>>, vector<1x16xf32>,
        %swap3A_206 = vector.shape_cast %swap3A_205 : vector<1x16xf32> to vector<16xf32>
        %swap3A_207 = vector.shape_cast %add3A_203 : vector<16xf32> to vector<1x16xf32>
        tpu.vector_store %arg7[%swap3A, %swap3A_204], %swap3A_207 {strides = array<i32>} : memref<32x768xf32, #tpu.memory_space<vmem>>, vector<1x16xf32>,
        %get3A_208 = arith.index_cast %scan3A_195 : i32 to index
        %get3A_209 = arith.constant 16 : index
        %get3A_210 = tpu.vector_load %arg5[%get3A_208, %get3A_209] {strides = array<i32>} : memref<32x768xf32, #tpu.memory_space<vmem>>, vector<1x16xf32>,
        %get3A_211 = vector.shape_cast %get3A_210 : vector<1x16xf32> to vector<16xf32>
        %get3A_212 = arith.index_cast %scan3A_195 : i32 to index
        %get3A_213 = arith.constant 16 : index
        %get3A_214 = tpu.vector_load %arg9[%get3A_212, %get3A_213] {strides = array<i32>} : memref<32x768xf32, #tpu.memory_space<vmem>>, vector<1x16xf32>,
        %get3A_215 = vector.shape_cast %get3A_214 : vector<1x16xf32> to vector<16xf32>
        %add3A_216 = arith.addf %get3A_211, %get3A_215 : vector<16xf32>
        %swap3A_217 = arith.index_cast %scan3A_195 : i32 to index
        %swap3A_218 = arith.constant 16 : index
        %swap3A_219 = tpu.vector_load %arg7[%swap3A_217, %swap3A_218] {strides = array<i32>} : memref<32x768xf32, #tpu.memory_space<vmem>>, vector<1x16xf32>,
        %swap3A_220 = vector.shape_cast %swap3A_219 : vector<1x16xf32> to vector<16xf32>
        %swap3A_221 = vector.shape_cast %add3A_216 : vector<16xf32> to vector<1x16xf32>
        tpu.vector_store %arg7[%swap3A_217, %swap3A_218], %swap3A_221 {strides = array<i32>} : memref<32x768xf32, #tpu.memory_space<vmem>>, vector<1x16xf32>,
        %get3A_222 = arith.index_cast %scan3A_195 : i32 to index
        %get3A_223 = arith.constant 32 : index
        %get3A_224 = tpu.vector_load %arg5[%get3A_222, %get3A_223] {strides = array<i32>} : memref<32x768xf32, #tpu.memory_space<vmem>>, vector<1x16xf32>,
        %get3A_225 = vector.shape_cast %get3A_224 : vector<1x16xf32> to vector<16xf32>
        %get3A_226 = arith.index_cast %scan3A_195 : i32 to index
        %get3A_227 = arith.constant 32 : index
        %get3A_228 = tpu.vector_load %arg9[%get3A_226, %get3A_227] {strides = array<i32>} : memref<32x768xf32, #tpu.memory_space<vmem>>, vector<1x16xf32>,
        %get3A_229 = vector.shape_cast %get3A_228 : vector<1x16xf32> to vector<16xf32>
        %add3A_230 = arith.addf %get3A_225, %get3A_229 : vector<16xf32>
        %swap3A_231 = arith.index_cast %scan3A_195 : i32 to index
        %swap3A_232 = arith.constant 32 : index
        %swap3A_233 = tpu.vector_load %arg7[%swap3A_231, %swap3A_232] {strides = array<i32>} : memref<32x768xf32, #tpu.memory_space<vmem>>, vector<1x16xf32>,
        %swap3A_234 = vector.shape_cast %swap3A_233 : vector<1x16xf32> to vector<16xf32>
        %swap3A_235 = vector.shape_cast %add3A_230 : vector<16xf32> to vector<1x16xf32>
        tpu.vector_store %arg7[%swap3A_231, %swap3A_232], %swap3A_235 {strides = array<i32>} : memref<32x768xf32, #tpu.memory_space<vmem>>, vector<1x16xf32>,
        %get3A_236 = arith.index_cast %scan3A_195 : i32 to index
        %get3A_237 = arith.constant 48 : index
        %get3A_238 = tpu.vector_load %arg5[%get3A_236, %get3A_237] {strides = array<i32>} : memref<32x768xf32, #tpu.memory_space<vmem>>, vector<1x16xf32>,
        %get3A_239 = vector.shape_cast %get3A_238 : vector<1x16xf32> to vector<16xf32>
        %get3A_240 = arith.index_cast %scan3A_195 : i32 to index
        %get3A_241 = arith.constant 48 : index
        %get3A_242 = tpu.vector_load %arg9[%get3A_240, %get3A_241] {strides = array<i32>} : memref<32x768xf32, #tpu.memory_space<vmem>>, vector<1x16xf32>,
        %get3A_243 = vector.shape_cast %get3A_242 : vector<1x16xf32> to vector<16xf32>
        %add3A_244 = arith.addf %get3A_239, %get3A_243 : vector<16xf32>
        %swap3A_245 = arith.index_cast %scan3A_195 : i32 to index
        %swap3A_246 = arith.constant 48 : index
        %swap3A_247 = tpu.vector_load %arg7[%swap3A_245, %swap3A_246] {strides = array<i32>} : memref<32x768xf32, #tpu.memory_space<vmem>>, vector<1x16xf32>,
        %swap3A_248 = vector.shape_cast %swap3A_247 : vector<1x16xf32> to vector<16xf32>
        %swap3A_249 = vector.shape_cast %add3A_244 : vector<16xf32> to vector<1x16xf32>
        tpu.vector_store %arg7[%swap3A_245, %swap3A_246], %swap3A_249 {strides = array<i32>} : memref<32x768xf32, #tpu.memory_space<vmem>>, vector<1x16xf32>,
        %get3A_250 = arith.index_cast %scan3A_195 : i32 to index
        %get3A_251 = arith.constant 64 : index
        %get3A_252 = tpu.vector_load %arg5[%get3A_250, %get3A_251] {strides = array<i32>} : memref<32x768xf32, #tpu.memory_space<vmem>>, vector<1x16xf32>,
        %get3A_253 = vector.shape_cast %get3A_252 : vector<1x16xf32> to vector<16xf32>
        %get3A_254 = arith.index_cast %scan3A_195 : i32 to index
        %get3A_255 = arith.constant 64 : index
        %get3A_256 = tpu.vector_load %arg9[%get3A_254, %get3A_255] {strides = array<i32>} : memref<32x768xf32, #tpu.memory_space<vmem>>, vector<1x16xf32>,
        %get3A_257 = vector.shape_cast %get3A_256 : vector<1x16xf32> to vector<16xf32>
        %add3A_258 = arith.addf %get3A_253, %get3A_257 : vector<16xf32>
        %swap3A_259 = arith.index_cast %scan3A_195 : i32 to index
        %swap3A_260 = arith.constant 64 : index
        %swap3A_261 = tpu.vector_load %arg7[%swap3A_259, %swap3A_260] {strides = array<i32>} : memref<32x768xf32, #tpu.memory_space<vmem>>, vector<1x16xf32>,
        %swap3A_262 = vector.shape_cast %swap3A_261 : vector<1x16xf32> to vector<16xf32>
        %swap3A_263 = vector.shape_cast %add3A_258 : vector<16xf32> to vector<1x16xf32>
        tpu.vector_store %arg7[%swap3A_259, %swap3A_260], %swap3A_263 {strides = array<i32>} : memref<32x768xf32, #tpu.memory_space<vmem>>, vector<1x16xf32>,
        %get3A_264 = arith.index_cast %scan3A_195 : i32 to index
        %get3A_265 = arith.constant 80 : index
        %get3A_266 = tpu.vector_load %arg5[%get3A_264, %get3A_265] {strides = array<i32>} : memref<32x768xf32, #tpu.memory_space<vmem>>, vector<1x16xf32>,
        %get3A_267 = vector.shape_cast %get3A_266 : vector<1x16xf32> to vector<16xf32>
        %get3A_268 = arith.index_cast %scan3A_195 : i32 to index
        %get3A_269 = arith.constant 80 : index
        %get3A_270 = tpu.vector_load %arg9[%get3A_268, %get3A_269] {strides = array<i32>} : memref<32x768xf32, #tpu.memory_space<vmem>>, vector<1x16xf32>,
        %get3A_271 = vector.shape_cast %get3A_270 : vector<1x16xf32> to vector<16xf32>
        %add3A_272 = arith.addf %get3A_267, %get3A_271 : vector<16xf32>
        %swap3A_273 = arith.index_cast %scan3A_195 : i32 to index
        %swap3A_274 = arith.constant 80 : index
        %swap3A_275 = tpu.vector_load %arg7[%swap3A_273, %swap3A_274] {strides = array<i32>} : memref<32x768xf32, #tpu.memory_space<vmem>>, vector<1x16xf32>,
        %swap3A_276 = vector.shape_cast %swap3A_275 : vector<1x16xf32> to vector<16xf32>
        %swap3A_277 = vector.shape_cast %add3A_272 : vector<16xf32> to vector<1x16xf32>
        tpu.vector_store %arg7[%swap3A_273, %swap3A_274], %swap3A_277 {strides = array<i32>} : memref<32x768xf32, #tpu.memory_space<vmem>>, vector<1x16xf32>,
        %get3A_278 = arith.index_cast %scan3A_195 : i32 to index
        %get3A_279 = arith.constant 96 : index
        %get3A_280 = tpu.vector_load %arg5[%get3A_278, %get3A_279] {strides = array<i32>} : memref<32x768xf32, #tpu.memory_space<vmem>>, vector<1x16xf32>,
        %get3A_281 = vector.shape_cast %get3A_280 : vector<1x16xf32> to vector<16xf32>
        %get3A_282 = arith.index_cast %scan3A_195 : i32 to index
        %get3A_283 = arith.constant 96 : index
        %get3A_284 = tpu.vector_load %arg9[%get3A_282, %get3A_283] {strides = array<i32>} : memref<32x768xf32, #tpu.memory_space<vmem>>, vector<1x16xf32>,
        %get3A_285 = vector.shape_cast %get3A_284 : vector<1x16xf32> to vector<16xf32>
        %add3A_286 = arith.addf %get3A_281, %get3A_285 : vector<16xf32>
        %swap3A_287 = arith.index_cast %scan3A_195 : i32 to index
        %swap3A_288 = arith.constant 96 : index
        %swap3A_289 = tpu.vector_load %arg7[%swap3A_287, %swap3A_288] {strides = array<i32>} : memref<32x768xf32, #tpu.memory_space<vmem>>, vector<1x16xf32>,
        %swap3A_290 = vector.shape_cast %swap3A_289 : vector<1x16xf32> to vector<16xf32>
        %swap3A_291 = vector.shape_cast %add3A_286 : vector<16xf32> to vector<1x16xf32>
        tpu.vector_store %arg7[%swap3A_287, %swap3A_288], %swap3A_291 {strides = array<i32>} : memref<32x768xf32, #tpu.memory_space<vmem>>, vector<1x16xf32>,
        %get3A_292 = arith.index_cast %scan3A_195 : i32 to index
        %get3A_293 = arith.constant 112 : index
        %get3A_294 = tpu.vector_load %arg5[%get3A_292, %get3A_293] {strides = array<i32>} : memref<32x768xf32, #tpu.memory_space<vmem>>, vector<1x16xf32>,
        %get3A_295 = vector.shape_cast %get3A_294 : vector<1x16xf32> to vector<16xf32>
        %get3A_296 = arith.index_cast %scan3A_195 : i32 to index
        %get3A_297 = arith.constant 112 : index
        %get3A_298 = tpu.vector_load %arg9[%get3A_296, %get3A_297] {strides = array<i32>} : memref<32x768xf32, #tpu.memory_space<vmem>>, vector<1x16xf32>,
        %get3A_299 = vector.shape_cast %get3A_298 : vector<1x16xf32> to vector<16xf32>
        %add3A_300 = arith.addf %get3A_295, %get3A_299 : vector<16xf32>
        %swap3A_301 = arith.index_cast %scan3A_195 : i32 to index
        %swap3A_302 = arith.constant 112 : index
        %swap3A_303 = tpu.vector_load %arg7[%swap3A_301, %swap3A_302] {strides = array<i32>} : memref<32x768xf32, #tpu.memory_space<vmem>>, vector<1x16xf32>,
        %swap3A_304 = vector.shape_cast %swap3A_303 : vector<1x16xf32> to vector<16xf32>
        %swap3A_305 = vector.shape_cast %add3A_300 : vector<16xf32> to vector<1x16xf32>
        tpu.vector_store %arg7[%swap3A_301, %swap3A_302], %swap3A_305 {strides = array<i32>} : memref<32x768xf32, #tpu.memory_space<vmem>>, vector<1x16xf32>,
        %get3A_306 = arith.index_cast %scan3A_195 : i32 to index
        %get3A_307 = arith.constant 128 : index
        %get3A_308 = tpu.vector_load %arg5[%get3A_306, %get3A_307] {strides = array<i32>} : memref<32x768xf32, #tpu.memory_space<vmem>>, vector<1x16xf32>,
        %get3A_309 = vector.shape_cast %get3A_308 : vector<1x16xf32> to vector<16xf32>
        %get3A_310 = arith.index_cast %scan3A_195 : i32 to index
        %get3A_311 = arith.constant 128 : index
        %get3A_312 = tpu.vector_load %arg9[%get3A_310, %get3A_311] {strides = array<i32>} : memref<32x768xf32, #tpu.memory_space<vmem>>, vector<1x16xf32>,
        %get3A_313 = vector.shape_cast %get3A_312 : vector<1x16xf32> to vector<16xf32>
        %add3A_314 = arith.addf %get3A_309, %get3A_313 : vector<16xf32>
        %swap3A_315 = arith.index_cast %scan3A_195 : i32 to index
        %swap3A_316 = arith.constant 128 : index
        %swap3A_317 = tpu.vector_load %arg7[%swap3A_315, %swap3A_316] {strides = array<i32>} : memref<32x768xf32, #tpu.memory_space<vmem>>, vector<1x16xf32>,
        %swap3A_318 = vector.shape_cast %swap3A_317 : vector<1x16xf32> to vector<16xf32>
        %swap3A_319 = vector.shape_cast %add3A_314 : vector<16xf32> to vector<1x16xf32>
        tpu.vector_store %arg7[%swap3A_315, %swap3A_316], %swap3A_319 {strides = array<i32>} : memref<32x768xf32, #tpu.memory_space<vmem>>, vector<1x16xf32>,
        %get3A_320 = arith.index_cast %scan3A_195 : i32 to index
        %get3A_321 = arith.constant 144 : index
        %get3A_322 = tpu.vector_load %arg5[%get3A_320, %get3A_321] {strides = array<i32>} : memref<32x768xf32, #tpu.memory_space<vmem>>, vector<1x16xf32>,
        %get3A_323 = vector.shape_cast %get3A_322 : vector<1x16xf32> to vector<16xf32>
        %get3A_324 = arith.index_cast %scan3A_195 : i32 to index
        %get3A_325 = arith.constant 144 : index
        %get3A_326 = tpu.vector_load %arg9[%get3A_324, %get3A_325] {strides = array<i32>} : memref<32x768xf32, #tpu.memory_space<vmem>>, vector<1x16xf32>,
        %get3A_327 = vector.shape_cast %get3A_326 : vector<1x16xf32> to vector<16xf32>
        %add3A_328 = arith.addf %get3A_323, %get3A_327 : vector<16xf32>
        %swap3A_329 = arith.index_cast %scan3A_195 : i32 to index
        %swap3A_330 = arith.constant 144 : index
        %swap3A_331 = tpu.vector_load %arg7[%swap3A_329, %swap3A_330] {strides = array<i32>} : memref<32x768xf32, #tpu.memory_space<vmem>>, vector<1x16xf32>,
        %swap3A_332 = vector.shape_cast %swap3A_331 : vector<1x16xf32> to vector<16xf32>
        %swap3A_333 = vector.shape_cast %add3A_328 : vector<16xf32> to vector<1x16xf32>
        tpu.vector_store %arg7[%swap3A_329, %swap3A_330], %swap3A_333 {strides = array<i32>} : memref<32x768xf32, #tpu.memory_space<vmem>>, vector<1x16xf32>,
        %get3A_334 = arith.index_cast %scan3A_195 : i32 to index
        %get3A_335 = arith.constant 160 : index
        %get3A_336 = tpu.vector_load %arg5[%get3A_334, %get3A_335] {strides = array<i32>} : memref<32x768xf32, #tpu.memory_space<vmem>>, vector<1x16xf32>,
        %get3A_337 = vector.shape_cast %get3A_336 : vector<1x16xf32> to vector<16xf32>
        %get3A_338 = arith.index_cast %scan3A_195 : i32 to index
        %get3A_339 = arith.constant 160 : index
        %get3A_340 = tpu.vector_load %arg9[%get3A_338, %get3A_339] {strides = array<i32>} : memref<32x768xf32, #tpu.memory_space<vmem>>, vector<1x16xf32>,
        %get3A_341 = vector.shape_cast %get3A_340 : vector<1x16xf32> to vector<16xf32>
        %add3A_342 = arith.addf %get3A_337, %get3A_341 : vector<16xf32>
        %swap3A_343 = arith.index_cast %scan3A_195 : i32 to index
        %swap3A_344 = arith.constant 160 : index
        %swap3A_345 = tpu.vector_load %arg7[%swap3A_343, %swap3A_344] {strides = array<i32>} : memref<32x768xf32, #tpu.memory_space<vmem>>, vector<1x16xf32>,
        %swap3A_346 = vector.shape_cast %swap3A_345 : vector<1x16xf32> to vector<16xf32>
        %swap3A_347 = vector.shape_cast %add3A_342 : vector<16xf32> to vector<1x16xf32>
        tpu.vector_store %arg7[%swap3A_343, %swap3A_344], %swap3A_347 {strides = array<i32>} : memref<32x768xf32, #tpu.memory_space<vmem>>, vector<1x16xf32>,
        %get3A_348 = arith.index_cast %scan3A_195 : i32 to index
        %get3A_349 = arith.constant 176 : index
        %get3A_350 = tpu.vector_load %arg5[%get3A_348, %get3A_349] {strides = array<i32>} : memref<32x768xf32, #tpu.memory_space<vmem>>, vector<1x16xf32>,
        %get3A_351 = vector.shape_cast %get3A_350 : vector<1x16xf32> to vector<16xf32>
        %get3A_352 = arith.index_cast %scan3A_195 : i32 to index
        %get3A_353 = arith.constant 176 : index
        %get3A_354 = tpu.vector_load %arg9[%get3A_352, %get3A_353] {strides = array<i32>} : memref<32x768xf32, #tpu.memory_space<vmem>>, vector<1x16xf32>,
        %get3A_355 = vector.shape_cast %get3A_354 : vector<1x16xf32> to vector<16xf32>
        %add3A_356 = arith.addf %get3A_351, %get3A_355 : vector<16xf32>
        %swap3A_357 = arith.index_cast %scan3A_195 : i32 to index
        %swap3A_358 = arith.constant 176 : index
        %swap3A_359 = tpu.vector_load %arg7[%swap3A_357, %swap3A_358] {strides = array<i32>} : memref<32x768xf32, #tpu.memory_space<vmem>>, vector<1x16xf32>,
        %swap3A_360 = vector.shape_cast %swap3A_359 : vector<1x16xf32> to vector<16xf32>
        %swap3A_361 = vector.shape_cast %add3A_356 : vector<16xf32> to vector<1x16xf32>
        tpu.vector_store %arg7[%swap3A_357, %swap3A_358], %swap3A_361 {strides = array<i32>} : memref<32x768xf32, #tpu.memory_space<vmem>>, vector<1x16xf32>,
        %get3A_362 = arith.index_cast %scan3A_195 : i32 to index
        %get3A_363 = arith.constant 192 : index
        %get3A_364 = tpu.vector_load %arg5[%get3A_362, %get3A_363] {strides = array<i32>} : memref<32x768xf32, #tpu.memory_space<vmem>>, vector<1x16xf32>,
        %get3A_365 = vector.shape_cast %get3A_364 : vector<1x16xf32> to vector<16xf32>
        %get3A_366 = arith.index_cast %scan3A_195 : i32 to index
        %get3A_367 = arith.constant 192 : index
        %get3A_368 = tpu.vector_load %arg9[%get3A_366, %get3A_367] {strides = array<i32>} : memref<32x768xf32, #tpu.memory_space<vmem>>, vector<1x16xf32>,
        %get3A_369 = vector.shape_cast %get3A_368 : vector<1x16xf32> to vector<16xf32>
        %add3A_370 = arith.addf %get3A_365, %get3A_369 : vector<16xf32>
        %swap3A_371 = arith.index_cast %scan3A_195 : i32 to index
        %swap3A_372 = arith.constant 192 : index
        %swap3A_373 = tpu.vector_load %arg7[%swap3A_371, %swap3A_372] {strides = array<i32>} : memref<32x768xf32, #tpu.memory_space<vmem>>, vector<1x16xf32>,
        %swap3A_374 = vector.shape_cast %swap3A_373 : vector<1x16xf32> to vector<16xf32>
        %swap3A_375 = vector.shape_cast %add3A_370 : vector<16xf32> to vector<1x16xf32>
        tpu.vector_store %arg7[%swap3A_371, %swap3A_372], %swap3A_375 {strides = array<i32>} : memref<32x768xf32, #tpu.memory_space<vmem>>, vector<1x16xf32>,
        %get3A_376 = arith.index_cast %scan3A_195 : i32 to index
        %get3A_377 = arith.constant 208 : index
        %get3A_378 = tpu.vector_load %arg5[%get3A_376, %get3A_377] {strides = array<i32>} : memref<32x768xf32, #tpu.memory_space<vmem>>, vector<1x16xf32>,
        %get3A_379 = vector.shape_cast %get3A_378 : vector<1x16xf32> to vector<16xf32>
        %get3A_380 = arith.index_cast %scan3A_195 : i32 to index
        %get3A_381 = arith.constant 208 : index
        %get3A_382 = tpu.vector_load %arg9[%get3A_380, %get3A_381] {strides = array<i32>} : memref<32x768xf32, #tpu.memory_space<vmem>>, vector<1x16xf32>,
        %get3A_383 = vector.shape_cast %get3A_382 : vector<1x16xf32> to vector<16xf32>
        %add3A_384 = arith.addf %get3A_379, %get3A_383 : vector<16xf32>
        %swap3A_385 = arith.index_cast %scan3A_195 : i32 to index
        %swap3A_386 = arith.constant 208 : index
        %swap3A_387 = tpu.vector_load %arg7[%swap3A_385, %swap3A_386] {strides = array<i32>} : memref<32x768xf32, #tpu.memory_space<vmem>>, vector<1x16xf32>,
        %swap3A_388 = vector.shape_cast %swap3A_387 : vector<1x16xf32> to vector<16xf32>
        %swap3A_389 = vector.shape_cast %add3A_384 : vector<16xf32> to vector<1x16xf32>
        tpu.vector_store %arg7[%swap3A_385, %swap3A_386], %swap3A_389 {strides = array<i32>} : memref<32x768xf32, #tpu.memory_space<vmem>>, vector<1x16xf32>,
        %get3A_390 = arith.index_cast %scan3A_195 : i32 to index
        %get3A_391 = arith.constant 224 : index
        %get3A_392 = tpu.vector_load %arg5[%get3A_390, %get3A_391] {strides = array<i32>} : memref<32x768xf32, #tpu.memory_space<vmem>>, vector<1x16xf32>,
        %get3A_393 = vector.shape_cast %get3A_392 : vector<1x16xf32> to vector<16xf32>
        %get3A_394 = arith.index_cast %scan3A_195 : i32 to index
        %get3A_395 = arith.constant 224 : index
        %get3A_396 = tpu.vector_load %arg9[%get3A_394, %get3A_395] {strides = array<i32>} : memref<32x768xf32, #tpu.memory_space<vmem>>, vector<1x16xf32>,
        %get3A_397 = vector.shape_cast %get3A_396 : vector<1x16xf32> to vector<16xf32>
        %add3A_398 = arith.addf %get3A_393, %get3A_397 : vector<16xf32>
        %swap3A_399 = arith.index_cast %scan3A_195 : i32 to index
        %swap3A_400 = arith.constant 224 : index
        %swap3A_401 = tpu.vector_load %arg7[%swap3A_399, %swap3A_400] {strides = array<i32>} : memref<32x768xf32, #tpu.memory_space<vmem>>, vector<1x16xf32>,
        %swap3A_402 = vector.shape_cast %swap3A_401 : vector<1x16xf32> to vector<16xf32>
        %swap3A_403 = vector.shape_cast %add3A_398 : vector<16xf32> to vector<1x16xf32>
        tpu.vector_store %arg7[%swap3A_399, %swap3A_400], %swap3A_403 {strides = array<i32>} : memref<32x768xf32, #tpu.memory_space<vmem>>, vector<1x16xf32>,
        %get3A_404 = arith.index_cast %scan3A_195 : i32 to index
        %get3A_405 = arith.constant 240 : index
        %get3A_406 = tpu.vector_load %arg5[%get3A_404, %get3A_405] {strides = array<i32>} : memref<32x768xf32, #tpu.memory_space<vmem>>, vector<1x16xf32>,
        %get3A_407 = vector.shape_cast %get3A_406 : vector<1x16xf32> to vector<16xf32>
        %get3A_408 = arith.index_cast %scan3A_195 : i32 to index
        %get3A_409 = arith.constant 240 : index
        %get3A_410 = tpu.vector_load %arg9[%get3A_408, %get3A_409] {strides = array<i32>} : memref<32x768xf32, #tpu.memory_space<vmem>>, vector<1x16xf32>,
        %get3A_411 = vector.shape_cast %get3A_410 : vector<1x16xf32> to vector<16xf32>
        %add3A_412 = arith.addf %get3A_407, %get3A_411 : vector<16xf32>
        %swap3A_413 = arith.index_cast %scan3A_195 : i32 to index
        %swap3A_414 = arith.constant 240 : index
        %swap3A_415 = tpu.vector_load %arg7[%swap3A_413, %swap3A_414] {strides = array<i32>} : memref<32x768xf32, #tpu.memory_space<vmem>>, vector<1x16xf32>,
        %swap3A_416 = vector.shape_cast %swap3A_415 : vector<1x16xf32> to vector<16xf32>
        %swap3A_417 = vector.shape_cast %add3A_412 : vector<16xf32> to vector<1x16xf32>
        tpu.vector_store %arg7[%swap3A_413, %swap3A_414], %swap3A_417 {strides = array<i32>} : memref<32x768xf32, #tpu.memory_space<vmem>>, vector<1x16xf32>,
        %get3A_418 = arith.index_cast %scan3A_195 : i32 to index
        %get3A_419 = arith.constant 256 : index
        %get3A_420 = tpu.vector_load %arg5[%get3A_418, %get3A_419] {strides = array<i32>} : memref<32x768xf32, #tpu.memory_space<vmem>>, vector<1x16xf32>,
        %get3A_421 = vector.shape_cast %get3A_420 : vector<1x16xf32> to vector<16xf32>
        %get3A_422 = arith.index_cast %scan3A_195 : i32 to index
        %get3A_423 = arith.constant 256 : index
        %get3A_424 = tpu.vector_load %arg9[%get3A_422, %get3A_423] {strides = array<i32>} : memref<32x768xf32, #tpu.memory_space<vmem>>, vector<1x16xf32>,
        %get3A_425 = vector.shape_cast %get3A_424 : vector<1x16xf32> to vector<16xf32>
        %add3A_426 = arith.addf %get3A_421, %get3A_425 : vector<16xf32>
        %swap3A_427 = arith.index_cast %scan3A_195 : i32 to index
        %swap3A_428 = arith.constant 256 : index
        %swap3A_429 = tpu.vector_load %arg7[%swap3A_427, %swap3A_428] {strides = array<i32>} : memref<32x768xf32, #tpu.memory_space<vmem>>, vector<1x16xf32>,
        %swap3A_430 = vector.shape_cast %swap3A_429 : vector<1x16xf32> to vector<16xf32>
        %swap3A_431 = vector.shape_cast %add3A_426 : vector<16xf32> to vector<1x16xf32>
        tpu.vector_store %arg7[%swap3A_427, %swap3A_428], %swap3A_431 {strides = array<i32>} : memref<32x768xf32, #tpu.memory_space<vmem>>, vector<1x16xf32>,
        %get3A_432 = arith.index_cast %scan3A_195 : i32 to index
        %get3A_433 = arith.constant 272 : index
        %get3A_434 = tpu.vector_load %arg5[%get3A_432, %get3A_433] {strides = array<i32>} : memref<32x768xf32, #tpu.memory_space<vmem>>, vector<1x16xf32>,
        %get3A_435 = vector.shape_cast %get3A_434 : vector<1x16xf32> to vector<16xf32>
        %get3A_436 = arith.index_cast %scan3A_195 : i32 to index
        %get3A_437 = arith.constant 272 : index
        %get3A_438 = tpu.vector_load %arg9[%get3A_436, %get3A_437] {strides = array<i32>} : memref<32x768xf32, #tpu.memory_space<vmem>>, vector<1x16xf32>,
        %get3A_439 = vector.shape_cast %get3A_438 : vector<1x16xf32> to vector<16xf32>
        %add3A_440 = arith.addf %get3A_435, %get3A_439 : vector<16xf32>
        %swap3A_441 = arith.index_cast %scan3A_195 : i32 to index
        %swap3A_442 = arith.constant 272 : index
        %swap3A_443 = tpu.vector_load %arg7[%swap3A_441, %swap3A_442] {strides = array<i32>} : memref<32x768xf32, #tpu.memory_space<vmem>>, vector<1x16xf32>,
        %swap3A_444 = vector.shape_cast %swap3A_443 : vector<1x16xf32> to vector<16xf32>
        %swap3A_445 = vector.shape_cast %add3A_440 : vector<16xf32> to vector<1x16xf32>
        tpu.vector_store %arg7[%swap3A_441, %swap3A_442], %swap3A_445 {strides = array<i32>} : memref<32x768xf32, #tpu.memory_space<vmem>>, vector<1x16xf32>,
        %get3A_446 = arith.index_cast %scan3A_195 : i32 to index
        %get3A_447 = arith.constant 288 : index
        %get3A_448 = tpu.vector_load %arg5[%get3A_446, %get3A_447] {strides = array<i32>} : memref<32x768xf32, #tpu.memory_space<vmem>>, vector<1x16xf32>,
        %get3A_449 = vector.shape_cast %get3A_448 : vector<1x16xf32> to vector<16xf32>
        %get3A_450 = arith.index_cast %scan3A_195 : i32 to index
        %get3A_451 = arith.constant 288 : index
        %get3A_452 = tpu.vector_load %arg9[%get3A_450, %get3A_451] {strides = array<i32>} : memref<32x768xf32, #tpu.memory_space<vmem>>, vector<1x16xf32>,
        %get3A_453 = vector.shape_cast %get3A_452 : vector<1x16xf32> to vector<16xf32>
        %add3A_454 = arith.addf %get3A_449, %get3A_453 : vector<16xf32>
        %swap3A_455 = arith.index_cast %scan3A_195 : i32 to index
        %swap3A_456 = arith.constant 288 : index
        %swap3A_457 = tpu.vector_load %arg7[%swap3A_455, %swap3A_456] {strides = array<i32>} : memref<32x768xf32, #tpu.memory_space<vmem>>, vector<1x16xf32>,
        %swap3A_458 = vector.shape_cast %swap3A_457 : vector<1x16xf32> to vector<16xf32>
        %swap3A_459 = vector.shape_cast %add3A_454 : vector<16xf32> to vector<1x16xf32>
        tpu.vector_store %arg7[%swap3A_455, %swap3A_456], %swap3A_459 {strides = array<i32>} : memref<32x768xf32, #tpu.memory_space<vmem>>, vector<1x16xf32>,
        %get3A_460 = arith.index_cast %scan3A_195 : i32 to index
        %get3A_461 = arith.constant 304 : index
        %get3A_462 = tpu.vector_load %arg5[%get3A_460, %get3A_461] {strides = array<i32>} : memref<32x768xf32, #tpu.memory_space<vmem>>, vector<1x16xf32>,
        %get3A_463 = vector.shape_cast %get3A_462 : vector<1x16xf32> to vector<16xf32>
        %get3A_464 = arith.index_cast %scan3A_195 : i32 to index
        %get3A_465 = arith.constant 304 : index
        %get3A_466 = tpu.vector_load %arg9[%get3A_464, %get3A_465] {strides = array<i32>} : memref<32x768xf32, #tpu.memory_space<vmem>>, vector<1x16xf32>,
        %get3A_467 = vector.shape_cast %get3A_466 : vector<1x16xf32> to vector<16xf32>
        %add3A_468 = arith.addf %get3A_463, %get3A_467 : vector<16xf32>
        %swap3A_469 = arith.index_cast %scan3A_195 : i32 to index
        %swap3A_470 = arith.constant 304 : index
        %swap3A_471 = tpu.vector_load %arg7[%swap3A_469, %swap3A_470] {strides = array<i32>} : memref<32x768xf32, #tpu.memory_space<vmem>>, vector<1x16xf32>,
        %swap3A_472 = vector.shape_cast %swap3A_471 : vector<1x16xf32> to vector<16xf32>
        %swap3A_473 = vector.shape_cast %add3A_468 : vector<16xf32> to vector<1x16xf32>
        tpu.vector_store %arg7[%swap3A_469, %swap3A_470], %swap3A_473 {strides = array<i32>} : memref<32x768xf32, #tpu.memory_space<vmem>>, vector<1x16xf32>,
        %get3A_474 = arith.index_cast %scan3A_195 : i32 to index
        %get3A_475 = arith.constant 320 : index
        %get3A_476 = tpu.vector_load %arg5[%get3A_474, %get3A_475] {strides = array<i32>} : memref<32x768xf32, #tpu.memory_space<vmem>>, vector<1x16xf32>,
        %get3A_477 = vector.shape_cast %get3A_476 : vector<1x16xf32> to vector<16xf32>
        %get3A_478 = arith.index_cast %scan3A_195 : i32 to index
        %get3A_479 = arith.constant 320 : index
        %get3A_480 = tpu.vector_load %arg9[%get3A_478, %get3A_479] {strides = array<i32>} : memref<32x768xf32, #tpu.memory_space<vmem>>, vector<1x16xf32>,
        %get3A_481 = vector.shape_cast %get3A_480 : vector<1x16xf32> to vector<16xf32>
        %add3A_482 = arith.addf %get3A_477, %get3A_481 : vector<16xf32>
        %swap3A_483 = arith.index_cast %scan3A_195 : i32 to index
        %swap3A_484 = arith.constant 320 : index
        %swap3A_485 = tpu.vector_load %arg7[%swap3A_483, %swap3A_484] {strides = array<i32>} : memref<32x768xf32, #tpu.memory_space<vmem>>, vector<1x16xf32>,
        %swap3A_486 = vector.shape_cast %swap3A_485 : vector<1x16xf32> to vector<16xf32>
        %swap3A_487 = vector.shape_cast %add3A_482 : vector<16xf32> to vector<1x16xf32>
        tpu.vector_store %arg7[%swap3A_483, %swap3A_484], %swap3A_487 {strides = array<i32>} : memref<32x768xf32, #tpu.memory_space<vmem>>, vector<1x16xf32>,
        %get3A_488 = arith.index_cast %scan3A_195 : i32 to index
        %get3A_489 = arith.constant 336 : index
        %get3A_490 = tpu.vector_load %arg5[%get3A_488, %get3A_489] {strides = array<i32>} : memref<32x768xf32, #tpu.memory_space<vmem>>, vector<1x16xf32>,
        %get3A_491 = vector.shape_cast %get3A_490 : vector<1x16xf32> to vector<16xf32>
        %get3A_492 = arith.index_cast %scan3A_195 : i32 to index
        %get3A_493 = arith.constant 336 : index
        %get3A_494 = tpu.vector_load %arg9[%get3A_492, %get3A_493] {strides = array<i32>} : memref<32x768xf32, #tpu.memory_space<vmem>>, vector<1x16xf32>,
        %get3A_495 = vector.shape_cast %get3A_494 : vector<1x16xf32> to vector<16xf32>
        %add3A_496 = arith.addf %get3A_491, %get3A_495 : vector<16xf32>
        %swap3A_497 = arith.index_cast %scan3A_195 : i32 to index
        %swap3A_498 = arith.constant 336 : index
        %swap3A_499 = tpu.vector_load %arg7[%swap3A_497, %swap3A_498] {strides = array<i32>} : memref<32x768xf32, #tpu.memory_space<vmem>>, vector<1x16xf32>,
        %swap3A_500 = vector.shape_cast %swap3A_499 : vector<1x16xf32> to vector<16xf32>
        %swap3A_501 = vector.shape_cast %add3A_496 : vector<16xf32> to vector<1x16xf32>
        tpu.vector_store %arg7[%swap3A_497, %swap3A_498], %swap3A_501 {strides = array<i32>} : memref<32x768xf32, #tpu.memory_space<vmem>>, vector<1x16xf32>,
        %get3A_502 = arith.index_cast %scan3A_195 : i32 to index
        %get3A_503 = arith.constant 352 : index
        %get3A_504 = tpu.vector_load %arg5[%get3A_502, %get3A_503] {strides = array<i32>} : memref<32x768xf32, #tpu.memory_space<vmem>>, vector<1x16xf32>,
        %get3A_505 = vector.shape_cast %get3A_504 : vector<1x16xf32> to vector<16xf32>
        %get3A_506 = arith.index_cast %scan3A_195 : i32 to index
        %get3A_507 = arith.constant 352 : index
        %get3A_508 = tpu.vector_load %arg9[%get3A_506, %get3A_507] {strides = array<i32>} : memref<32x768xf32, #tpu.memory_space<vmem>>, vector<1x16xf32>,
        %get3A_509 = vector.shape_cast %get3A_508 : vector<1x16xf32> to vector<16xf32>
        %add3A_510 = arith.addf %get3A_505, %get3A_509 : vector<16xf32>
        %swap3A_511 = arith.index_cast %scan3A_195 : i32 to index
        %swap3A_512 = arith.constant 352 : index
        %swap3A_513 = tpu.vector_load %arg7[%swap3A_511, %swap3A_512] {strides = array<i32>} : memref<32x768xf32, #tpu.memory_space<vmem>>, vector<1x16xf32>,
        %swap3A_514 = vector.shape_cast %swap3A_513 : vector<1x16xf32> to vector<16xf32>
        %swap3A_515 = vector.shape_cast %add3A_510 : vector<16xf32> to vector<1x16xf32>
        tpu.vector_store %arg7[%swap3A_511, %swap3A_512], %swap3A_515 {strides = array<i32>} : memref<32x768xf32, #tpu.memory_space<vmem>>, vector<1x16xf32>,
        %get3A_516 = arith.index_cast %scan3A_195 : i32 to index
        %get3A_517 = arith.constant 368 : index
        %get3A_518 = tpu.vector_load %arg5[%get3A_516, %get3A_517] {strides = array<i32>} : memref<32x768xf32, #tpu.memory_space<vmem>>, vector<1x16xf32>,
        %get3A_519 = vector.shape_cast %get3A_518 : vector<1x16xf32> to vector<16xf32>
        %get3A_520 = arith.index_cast %scan3A_195 : i32 to index
        %get3A_521 = arith.constant 368 : index
        %get3A_522 = tpu.vector_load %arg9[%get3A_520, %get3A_521] {strides = array<i32>} : memref<32x768xf32, #tpu.memory_space<vmem>>, vector<1x16xf32>,
        %get3A_523 = vector.shape_cast %get3A_522 : vector<1x16xf32> to vector<16xf32>
        %add3A_524 = arith.addf %get3A_519, %get3A_523 : vector<16xf32>
        %swap3A_525 = arith.index_cast %scan3A_195 : i32 to index
        %swap3A_526 = arith.constant 368 : index
        %swap3A_527 = tpu.vector_load %arg7[%swap3A_525, %swap3A_526] {strides = array<i32>} : memref<32x768xf32, #tpu.memory_space<vmem>>, vector<1x16xf32>,
        %swap3A_528 = vector.shape_cast %swap3A_527 : vector<1x16xf32> to vector<16xf32>
        %swap3A_529 = vector.shape_cast %add3A_524 : vector<16xf32> to vector<1x16xf32>
        tpu.vector_store %arg7[%swap3A_525, %swap3A_526], %swap3A_529 {strides = array<i32>} : memref<32x768xf32, #tpu.memory_space<vmem>>, vector<1x16xf32>,
        %get3A_530 = arith.index_cast %scan3A_195 : i32 to index
        %get3A_531 = arith.constant 384 : index
        %get3A_532 = tpu.vector_load %arg5[%get3A_530, %get3A_531] {strides = array<i32>} : memref<32x768xf32, #tpu.memory_space<vmem>>, vector<1x16xf32>,
        %get3A_533 = vector.shape_cast %get3A_532 : vector<1x16xf32> to vector<16xf32>
        %get3A_534 = arith.index_cast %scan3A_195 : i32 to index
        %get3A_535 = arith.constant 384 : index
        %get3A_536 = tpu.vector_load %arg9[%get3A_534, %get3A_535] {strides = array<i32>} : memref<32x768xf32, #tpu.memory_space<vmem>>, vector<1x16xf32>,
        %get3A_537 = vector.shape_cast %get3A_536 : vector<1x16xf32> to vector<16xf32>
        %add3A_538 = arith.addf %get3A_533, %get3A_537 : vector<16xf32>
        %swap3A_539 = arith.index_cast %scan3A_195 : i32 to index
        %swap3A_540 = arith.constant 384 : index
        %swap3A_541 = tpu.vector_load %arg7[%swap3A_539, %swap3A_540] {strides = array<i32>} : memref<32x768xf32, #tpu.memory_space<vmem>>, vector<1x16xf32>,
        %swap3A_542 = vector.shape_cast %swap3A_541 : vector<1x16xf32> to vector<16xf32>
        %swap3A_543 = vector.shape_cast %add3A_538 : vector<16xf32> to vector<1x16xf32>
        tpu.vector_store %arg7[%swap3A_539, %swap3A_540], %swap3A_543 {strides = array<i32>} : memref<32x768xf32, #tpu.memory_space<vmem>>, vector<1x16xf32>,
        %get3A_544 = arith.index_cast %scan3A_195 : i32 to index
        %get3A_545 = arith.constant 400 : index
        %get3A_546 = tpu.vector_load %arg5[%get3A_544, %get3A_545] {strides = array<i32>} : memref<32x768xf32, #tpu.memory_space<vmem>>, vector<1x16xf32>,
        %get3A_547 = vector.shape_cast %get3A_546 : vector<1x16xf32> to vector<16xf32>
        %get3A_548 = arith.index_cast %scan3A_195 : i32 to index
        %get3A_549 = arith.constant 400 : index
        %get3A_550 = tpu.vector_load %arg9[%get3A_548, %get3A_549] {strides = array<i32>} : memref<32x768xf32, #tpu.memory_space<vmem>>, vector<1x16xf32>,
        %get3A_551 = vector.shape_cast %get3A_550 : vector<1x16xf32> to vector<16xf32>
        %add3A_552 = arith.addf %get3A_547, %get3A_551 : vector<16xf32>
        %swap3A_553 = arith.index_cast %scan3A_195 : i32 to index
        %swap3A_554 = arith.constant 400 : index
        %swap3A_555 = tpu.vector_load %arg7[%swap3A_553, %swap3A_554] {strides = array<i32>} : memref<32x768xf32, #tpu.memory_space<vmem>>, vector<1x16xf32>,
        %swap3A_556 = vector.shape_cast %swap3A_555 : vector<1x16xf32> to vector<16xf32>
        %swap3A_557 = vector.shape_cast %add3A_552 : vector<16xf32> to vector<1x16xf32>
        tpu.vector_store %arg7[%swap3A_553, %swap3A_554], %swap3A_557 {strides = array<i32>} : memref<32x768xf32, #tpu.memory_space<vmem>>, vector<1x16xf32>,
        %get3A_558 = arith.index_cast %scan3A_195 : i32 to index
        %get3A_559 = arith.constant 416 : index
        %get3A_560 = tpu.vector_load %arg5[%get3A_558, %get3A_559] {strides = array<i32>} : memref<32x768xf32, #tpu.memory_space<vmem>>, vector<1x16xf32>,
        %get3A_561 = vector.shape_cast %get3A_560 : vector<1x16xf32> to vector<16xf32>
        %get3A_562 = arith.index_cast %scan3A_195 : i32 to index
        %get3A_563 = arith.constant 416 : index
        %get3A_564 = tpu.vector_load %arg9[%get3A_562, %get3A_563] {strides = array<i32>} : memref<32x768xf32, #tpu.memory_space<vmem>>, vector<1x16xf32>,
        %get3A_565 = vector.shape_cast %get3A_564 : vector<1x16xf32> to vector<16xf32>
        %add3A_566 = arith.addf %get3A_561, %get3A_565 : vector<16xf32>
        %swap3A_567 = arith.index_cast %scan3A_195 : i32 to index
        %swap3A_568 = arith.constant 416 : index
        %swap3A_569 = tpu.vector_load %arg7[%swap3A_567, %swap3A_568] {strides = array<i32>} : memref<32x768xf32, #tpu.memory_space<vmem>>, vector<1x16xf32>,
        %swap3A_570 = vector.shape_cast %swap3A_569 : vector<1x16xf32> to vector<16xf32>
        %swap3A_571 = vector.shape_cast %add3A_566 : vector<16xf32> to vector<1x16xf32>
        tpu.vector_store %arg7[%swap3A_567, %swap3A_568], %swap3A_571 {strides = array<i32>} : memref<32x768xf32, #tpu.memory_space<vmem>>, vector<1x16xf32>,
        %get3A_572 = arith.index_cast %scan3A_195 : i32 to index
        %get3A_573 = arith.constant 432 : index
        %get3A_574 = tpu.vector_load %arg5[%get3A_572, %get3A_573] {strides = array<i32>} : memref<32x768xf32, #tpu.memory_space<vmem>>, vector<1x16xf32>,
        %get3A_575 = vector.shape_cast %get3A_574 : vector<1x16xf32> to vector<16xf32>
        %get3A_576 = arith.index_cast %scan3A_195 : i32 to index
        %get3A_577 = arith.constant 432 : index
        %get3A_578 = tpu.vector_load %arg9[%get3A_576, %get3A_577] {strides = array<i32>} : memref<32x768xf32, #tpu.memory_space<vmem>>, vector<1x16xf32>,
        %get3A_579 = vector.shape_cast %get3A_578 : vector<1x16xf32> to vector<16xf32>
        %add3A_580 = arith.addf %get3A_575, %get3A_579 : vector<16xf32>
        %swap3A_581 = arith.index_cast %scan3A_195 : i32 to index
        %swap3A_582 = arith.constant 432 : index
        %swap3A_583 = tpu.vector_load %arg7[%swap3A_581, %swap3A_582] {strides = array<i32>} : memref<32x768xf32, #tpu.memory_space<vmem>>, vector<1x16xf32>,
        %swap3A_584 = vector.shape_cast %swap3A_583 : vector<1x16xf32> to vector<16xf32>
        %swap3A_585 = vector.shape_cast %add3A_580 : vector<16xf32> to vector<1x16xf32>
        tpu.vector_store %arg7[%swap3A_581, %swap3A_582], %swap3A_585 {strides = array<i32>} : memref<32x768xf32, #tpu.memory_space<vmem>>, vector<1x16xf32>,
        %get3A_586 = arith.index_cast %scan3A_195 : i32 to index
        %get3A_587 = arith.constant 448 : index
        %get3A_588 = tpu.vector_load %arg5[%get3A_586, %get3A_587] {strides = array<i32>} : memref<32x768xf32, #tpu.memory_space<vmem>>, vector<1x16xf32>,
        %get3A_589 = vector.shape_cast %get3A_588 : vector<1x16xf32> to vector<16xf32>
        %get3A_590 = arith.index_cast %scan3A_195 : i32 to index
        %get3A_591 = arith.constant 448 : index
        %get3A_592 = tpu.vector_load %arg9[%get3A_590, %get3A_591] {strides = array<i32>} : memref<32x768xf32, #tpu.memory_space<vmem>>, vector<1x16xf32>,
        %get3A_593 = vector.shape_cast %get3A_592 : vector<1x16xf32> to vector<16xf32>
        %add3A_594 = arith.addf %get3A_589, %get3A_593 : vector<16xf32>
        %swap3A_595 = arith.index_cast %scan3A_195 : i32 to index
        %swap3A_596 = arith.constant 448 : index
        %swap3A_597 = tpu.vector_load %arg7[%swap3A_595, %swap3A_596] {strides = array<i32>} : memref<32x768xf32, #tpu.memory_space<vmem>>, vector<1x16xf32>,
        %swap3A_598 = vector.shape_cast %swap3A_597 : vector<1x16xf32> to vector<16xf32>
        %swap3A_599 = vector.shape_cast %add3A_594 : vector<16xf32> to vector<1x16xf32>
        tpu.vector_store %arg7[%swap3A_595, %swap3A_596], %swap3A_599 {strides = array<i32>} : memref<32x768xf32, #tpu.memory_space<vmem>>, vector<1x16xf32>,
        %get3A_600 = arith.index_cast %scan3A_195 : i32 to index
        %get3A_601 = arith.constant 464 : index
        %get3A_602 = tpu.vector_load %arg5[%get3A_600, %get3A_601] {strides = array<i32>} : memref<32x768xf32, #tpu.memory_space<vmem>>, vector<1x16xf32>,
        %get3A_603 = vector.shape_cast %get3A_602 : vector<1x16xf32> to vector<16xf32>
        %get3A_604 = arith.index_cast %scan3A_195 : i32 to index
        %get3A_605 = arith.constant 464 : index
        %get3A_606 = tpu.vector_load %arg9[%get3A_604, %get3A_605] {strides = array<i32>} : memref<32x768xf32, #tpu.memory_space<vmem>>, vector<1x16xf32>,
        %get3A_607 = vector.shape_cast %get3A_606 : vector<1x16xf32> to vector<16xf32>
        %add3A_608 = arith.addf %get3A_603, %get3A_607 : vector<16xf32>
        %swap3A_609 = arith.index_cast %scan3A_195 : i32 to index
        %swap3A_610 = arith.constant 464 : index
        %swap3A_611 = tpu.vector_load %arg7[%swap3A_609, %swap3A_610] {strides = array<i32>} : memref<32x768xf32, #tpu.memory_space<vmem>>, vector<1x16xf32>,
        %swap3A_612 = vector.shape_cast %swap3A_611 : vector<1x16xf32> to vector<16xf32>
        %swap3A_613 = vector.shape_cast %add3A_608 : vector<16xf32> to vector<1x16xf32>
        tpu.vector_store %arg7[%swap3A_609, %swap3A_610], %swap3A_613 {strides = array<i32>} : memref<32x768xf32, #tpu.memory_space<vmem>>, vector<1x16xf32>,
        %get3A_614 = arith.index_cast %scan3A_195 : i32 to index
        %get3A_615 = arith.constant 480 : index
        %get3A_616 = tpu.vector_load %arg5[%get3A_614, %get3A_615] {strides = array<i32>} : memref<32x768xf32, #tpu.memory_space<vmem>>, vector<1x16xf32>,
        %get3A_617 = vector.shape_cast %get3A_616 : vector<1x16xf32> to vector<16xf32>
        %get3A_618 = arith.index_cast %scan3A_195 : i32 to index
        %get3A_619 = arith.constant 480 : index
        %get3A_620 = tpu.vector_load %arg9[%get3A_618, %get3A_619] {strides = array<i32>} : memref<32x768xf32, #tpu.memory_space<vmem>>, vector<1x16xf32>,
        %get3A_621 = vector.shape_cast %get3A_620 : vector<1x16xf32> to vector<16xf32>
        %add3A_622 = arith.addf %get3A_617, %get3A_621 : vector<16xf32>
        %swap3A_623 = arith.index_cast %scan3A_195 : i32 to index
        %swap3A_624 = arith.constant 480 : index
        %swap3A_625 = tpu.vector_load %arg7[%swap3A_623, %swap3A_624] {strides = array<i32>} : memref<32x768xf32, #tpu.memory_space<vmem>>, vector<1x16xf32>,
        %swap3A_626 = vector.shape_cast %swap3A_625 : vector<1x16xf32> to vector<16xf32>
        %swap3A_627 = vector.shape_cast %add3A_622 : vector<16xf32> to vector<1x16xf32>
        tpu.vector_store %arg7[%swap3A_623, %swap3A_624], %swap3A_627 {strides = array<i32>} : memref<32x768xf32, #tpu.memory_space<vmem>>, vector<1x16xf32>,
        %get3A_628 = arith.index_cast %scan3A_195 : i32 to index
        %get3A_629 = arith.constant 496 : index
        %get3A_630 = tpu.vector_load %arg5[%get3A_628, %get3A_629] {strides = array<i32>} : memref<32x768xf32, #tpu.memory_space<vmem>>, vector<1x16xf32>,
        %get3A_631 = vector.shape_cast %get3A_630 : vector<1x16xf32> to vector<16xf32>
        %get3A_632 = arith.index_cast %scan3A_195 : i32 to index
        %get3A_633 = arith.constant 496 : index
        %get3A_634 = tpu.vector_load %arg9[%get3A_632, %get3A_633] {strides = array<i32>} : memref<32x768xf32, #tpu.memory_space<vmem>>, vector<1x16xf32>,
        %get3A_635 = vector.shape_cast %get3A_634 : vector<1x16xf32> to vector<16xf32>
        %add3A_636 = arith.addf %get3A_631, %get3A_635 : vector<16xf32>
        %swap3A_637 = arith.index_cast %scan3A_195 : i32 to index
        %swap3A_638 = arith.constant 496 : index
        %swap3A_639 = tpu.vector_load %arg7[%swap3A_637, %swap3A_638] {strides = array<i32>} : memref<32x768xf32, #tpu.memory_space<vmem>>, vector<1x16xf32>,
        %swap3A_640 = vector.shape_cast %swap3A_639 : vector<1x16xf32> to vector<16xf32>
        %swap3A_641 = vector.shape_cast %add3A_636 : vector<16xf32> to vector<1x16xf32>
        tpu.vector_store %arg7[%swap3A_637, %swap3A_638], %swap3A_641 {strides = array<i32>} : memref<32x768xf32, #tpu.memory_space<vmem>>, vector<1x16xf32>,
        %get3A_642 = arith.index_cast %scan3A_195 : i32 to index
        %get3A_643 = arith.constant 512 : index
        %get3A_644 = tpu.vector_load %arg5[%get3A_642, %get3A_643] {strides = array<i32>} : memref<32x768xf32, #tpu.memory_space<vmem>>, vector<1x16xf32>,
        %get3A_645 = vector.shape_cast %get3A_644 : vector<1x16xf32> to vector<16xf32>
        %get3A_646 = arith.index_cast %scan3A_195 : i32 to index
        %get3A_647 = arith.constant 512 : index
        %get3A_648 = tpu.vector_load %arg9[%get3A_646, %get3A_647] {strides = array<i32>} : memref<32x768xf32, #tpu.memory_space<vmem>>, vector<1x16xf32>,
        %get3A_649 = vector.shape_cast %get3A_648 : vector<1x16xf32> to vector<16xf32>
        %add3A_650 = arith.addf %get3A_645, %get3A_649 : vector<16xf32>
        %swap3A_651 = arith.index_cast %scan3A_195 : i32 to index
        %swap3A_652 = arith.constant 512 : index
        %swap3A_653 = tpu.vector_load %arg7[%swap3A_651, %swap3A_652] {strides = array<i32>} : memref<32x768xf32, #tpu.memory_space<vmem>>, vector<1x16xf32>,
        %swap3A_654 = vector.shape_cast %swap3A_653 : vector<1x16xf32> to vector<16xf32>
        %swap3A_655 = vector.shape_cast %add3A_650 : vector<16xf32> to vector<1x16xf32>
        tpu.vector_store %arg7[%swap3A_651, %swap3A_652], %swap3A_655 {strides = array<i32>} : memref<32x768xf32, #tpu.memory_space<vmem>>, vector<1x16xf32>,
        %get3A_656 = arith.index_cast %scan3A_195 : i32 to index
        %get3A_657 = arith.constant 528 : index
        %get3A_658 = tpu.vector_load %arg5[%get3A_656, %get3A_657] {strides = array<i32>} : memref<32x768xf32, #tpu.memory_space<vmem>>, vector<1x16xf32>,
        %get3A_659 = vector.shape_cast %get3A_658 : vector<1x16xf32> to vector<16xf32>
        %get3A_660 = arith.index_cast %scan3A_195 : i32 to index
        %get3A_661 = arith.constant 528 : index
        %get3A_662 = tpu.vector_load %arg9[%get3A_660, %get3A_661] {strides = array<i32>} : memref<32x768xf32, #tpu.memory_space<vmem>>, vector<1x16xf32>,
        %get3A_663 = vector.shape_cast %get3A_662 : vector<1x16xf32> to vector<16xf32>
        %add3A_664 = arith.addf %get3A_659, %get3A_663 : vector<16xf32>
        %swap3A_665 = arith.index_cast %scan3A_195 : i32 to index
        %swap3A_666 = arith.constant 528 : index
        %swap3A_667 = tpu.vector_load %arg7[%swap3A_665, %swap3A_666] {strides = array<i32>} : memref<32x768xf32, #tpu.memory_space<vmem>>, vector<1x16xf32>,
        %swap3A_668 = vector.shape_cast %swap3A_667 : vector<1x16xf32> to vector<16xf32>
        %swap3A_669 = vector.shape_cast %add3A_664 : vector<16xf32> to vector<1x16xf32>
        tpu.vector_store %arg7[%swap3A_665, %swap3A_666], %swap3A_669 {strides = array<i32>} : memref<32x768xf32, #tpu.memory_space<vmem>>, vector<1x16xf32>,
        %get3A_670 = arith.index_cast %scan3A_195 : i32 to index
        %get3A_671 = arith.constant 544 : index
        %get3A_672 = tpu.vector_load %arg5[%get3A_670, %get3A_671] {strides = array<i32>} : memref<32x768xf32, #tpu.memory_space<vmem>>, vector<1x16xf32>,
        %get3A_673 = vector.shape_cast %get3A_672 : vector<1x16xf32> to vector<16xf32>
        %get3A_674 = arith.index_cast %scan3A_195 : i32 to index
        %get3A_675 = arith.constant 544 : index
        %get3A_676 = tpu.vector_load %arg9[%get3A_674, %get3A_675] {strides = array<i32>} : memref<32x768xf32, #tpu.memory_space<vmem>>, vector<1x16xf32>,
        %get3A_677 = vector.shape_cast %get3A_676 : vector<1x16xf32> to vector<16xf32>
        %add3A_678 = arith.addf %get3A_673, %get3A_677 : vector<16xf32>
        %swap3A_679 = arith.index_cast %scan3A_195 : i32 to index
        %swap3A_680 = arith.constant 544 : index
        %swap3A_681 = tpu.vector_load %arg7[%swap3A_679, %swap3A_680] {strides = array<i32>} : memref<32x768xf32, #tpu.memory_space<vmem>>, vector<1x16xf32>,
        %swap3A_682 = vector.shape_cast %swap3A_681 : vector<1x16xf32> to vector<16xf32>
        %swap3A_683 = vector.shape_cast %add3A_678 : vector<16xf32> to vector<1x16xf32>
        tpu.vector_store %arg7[%swap3A_679, %swap3A_680], %swap3A_683 {strides = array<i32>} : memref<32x768xf32, #tpu.memory_space<vmem>>, vector<1x16xf32>,
        %get3A_684 = arith.index_cast %scan3A_195 : i32 to index
        %get3A_685 = arith.constant 560 : index
        %get3A_686 = tpu.vector_load %arg5[%get3A_684, %get3A_685] {strides = array<i32>} : memref<32x768xf32, #tpu.memory_space<vmem>>, vector<1x16xf32>,
        %get3A_687 = vector.shape_cast %get3A_686 : vector<1x16xf32> to vector<16xf32>
        %get3A_688 = arith.index_cast %scan3A_195 : i32 to index
        %get3A_689 = arith.constant 560 : index
        %get3A_690 = tpu.vector_load %arg9[%get3A_688, %get3A_689] {strides = array<i32>} : memref<32x768xf32, #tpu.memory_space<vmem>>, vector<1x16xf32>,
        %get3A_691 = vector.shape_cast %get3A_690 : vector<1x16xf32> to vector<16xf32>
        %add3A_692 = arith.addf %get3A_687, %get3A_691 : vector<16xf32>
        %swap3A_693 = arith.index_cast %scan3A_195 : i32 to index
        %swap3A_694 = arith.constant 560 : index
        %swap3A_695 = tpu.vector_load %arg7[%swap3A_693, %swap3A_694] {strides = array<i32>} : memref<32x768xf32, #tpu.memory_space<vmem>>, vector<1x16xf32>,
        %swap3A_696 = vector.shape_cast %swap3A_695 : vector<1x16xf32> to vector<16xf32>
        %swap3A_697 = vector.shape_cast %add3A_692 : vector<16xf32> to vector<1x16xf32>
        tpu.vector_store %arg7[%swap3A_693, %swap3A_694], %swap3A_697 {strides = array<i32>} : memref<32x768xf32, #tpu.memory_space<vmem>>, vector<1x16xf32>,
        %get3A_698 = arith.index_cast %scan3A_195 : i32 to index
        %get3A_699 = arith.constant 576 : index
        %get3A_700 = tpu.vector_load %arg5[%get3A_698, %get3A_699] {strides = array<i32>} : memref<32x768xf32, #tpu.memory_space<vmem>>, vector<1x16xf32>,
        %get3A_701 = vector.shape_cast %get3A_700 : vector<1x16xf32> to vector<16xf32>
        %get3A_702 = arith.index_cast %scan3A_195 : i32 to index
        %get3A_703 = arith.constant 576 : index
        %get3A_704 = tpu.vector_load %arg9[%get3A_702, %get3A_703] {strides = array<i32>} : memref<32x768xf32, #tpu.memory_space<vmem>>, vector<1x16xf32>,
        %get3A_705 = vector.shape_cast %get3A_704 : vector<1x16xf32> to vector<16xf32>
        %add3A_706 = arith.addf %get3A_701, %get3A_705 : vector<16xf32>
        %swap3A_707 = arith.index_cast %scan3A_195 : i32 to index
        %swap3A_708 = arith.constant 576 : index
        %swap3A_709 = tpu.vector_load %arg7[%swap3A_707, %swap3A_708] {strides = array<i32>} : memref<32x768xf32, #tpu.memory_space<vmem>>, vector<1x16xf32>,
        %swap3A_710 = vector.shape_cast %swap3A_709 : vector<1x16xf32> to vector<16xf32>
        %swap3A_711 = vector.shape_cast %add3A_706 : vector<16xf32> to vector<1x16xf32>
        tpu.vector_store %arg7[%swap3A_707, %swap3A_708], %swap3A_711 {strides = array<i32>} : memref<32x768xf32, #tpu.memory_space<vmem>>, vector<1x16xf32>,
        %get3A_712 = arith.index_cast %scan3A_195 : i32 to index
        %get3A_713 = arith.constant 592 : index
        %get3A_714 = tpu.vector_load %arg5[%get3A_712, %get3A_713] {strides = array<i32>} : memref<32x768xf32, #tpu.memory_space<vmem>>, vector<1x16xf32>,
        %get3A_715 = vector.shape_cast %get3A_714 : vector<1x16xf32> to vector<16xf32>
        %get3A_716 = arith.index_cast %scan3A_195 : i32 to index
        %get3A_717 = arith.constant 592 : index
        %get3A_718 = tpu.vector_load %arg9[%get3A_716, %get3A_717] {strides = array<i32>} : memref<32x768xf32, #tpu.memory_space<vmem>>, vector<1x16xf32>,
        %get3A_719 = vector.shape_cast %get3A_718 : vector<1x16xf32> to vector<16xf32>
        %add3A_720 = arith.addf %get3A_715, %get3A_719 : vector<16xf32>
        %swap3A_721 = arith.index_cast %scan3A_195 : i32 to index
        %swap3A_722 = arith.constant 592 : index
        %swap3A_723 = tpu.vector_load %arg7[%swap3A_721, %swap3A_722] {strides = array<i32>} : memref<32x768xf32, #tpu.memory_space<vmem>>, vector<1x16xf32>,
        %swap3A_724 = vector.shape_cast %swap3A_723 : vector<1x16xf32> to vector<16xf32>
        %swap3A_725 = vector.shape_cast %add3A_720 : vector<16xf32> to vector<1x16xf32>
        tpu.vector_store %arg7[%swap3A_721, %swap3A_722], %swap3A_725 {strides = array<i32>} : memref<32x768xf32, #tpu.memory_space<vmem>>, vector<1x16xf32>,
        %get3A_726 = arith.index_cast %scan3A_195 : i32 to index
        %get3A_727 = arith.constant 608 : index
        %get3A_728 = tpu.vector_load %arg5[%get3A_726, %get3A_727] {strides = array<i32>} : memref<32x768xf32, #tpu.memory_space<vmem>>, vector<1x16xf32>,
        %get3A_729 = vector.shape_cast %get3A_728 : vector<1x16xf32> to vector<16xf32>
        %get3A_730 = arith.index_cast %scan3A_195 : i32 to index
        %get3A_731 = arith.constant 608 : index
        %get3A_732 = tpu.vector_load %arg9[%get3A_730, %get3A_731] {strides = array<i32>} : memref<32x768xf32, #tpu.memory_space<vmem>>, vector<1x16xf32>,
        %get3A_733 = vector.shape_cast %get3A_732 : vector<1x16xf32> to vector<16xf32>
        %add3A_734 = arith.addf %get3A_729, %get3A_733 : vector<16xf32>
        %swap3A_735 = arith.index_cast %scan3A_195 : i32 to index
        %swap3A_736 = arith.constant 608 : index
        %swap3A_737 = tpu.vector_load %arg7[%swap3A_735, %swap3A_736] {strides = array<i32>} : memref<32x768xf32, #tpu.memory_space<vmem>>, vector<1x16xf32>,
        %swap3A_738 = vector.shape_cast %swap3A_737 : vector<1x16xf32> to vector<16xf32>
        %swap3A_739 = vector.shape_cast %add3A_734 : vector<16xf32> to vector<1x16xf32>
        tpu.vector_store %arg7[%swap3A_735, %swap3A_736], %swap3A_739 {strides = array<i32>} : memref<32x768xf32, #tpu.memory_space<vmem>>, vector<1x16xf32>,
        %get3A_740 = arith.index_cast %scan3A_195 : i32 to index
        %get3A_741 = arith.constant 624 : index
        %get3A_742 = tpu.vector_load %arg5[%get3A_740, %get3A_741] {strides = array<i32>} : memref<32x768xf32, #tpu.memory_space<vmem>>, vector<1x16xf32>,
        %get3A_743 = vector.shape_cast %get3A_742 : vector<1x16xf32> to vector<16xf32>
        %get3A_744 = arith.index_cast %scan3A_195 : i32 to index
        %get3A_745 = arith.constant 624 : index
        %get3A_746 = tpu.vector_load %arg9[%get3A_744, %get3A_745] {strides = array<i32>} : memref<32x768xf32, #tpu.memory_space<vmem>>, vector<1x16xf32>,
        %get3A_747 = vector.shape_cast %get3A_746 : vector<1x16xf32> to vector<16xf32>
        %add3A_748 = arith.addf %get3A_743, %get3A_747 : vector<16xf32>
        %swap3A_749 = arith.index_cast %scan3A_195 : i32 to index
        %swap3A_750 = arith.constant 624 : index
        %swap3A_751 = tpu.vector_load %arg7[%swap3A_749, %swap3A_750] {strides = array<i32>} : memref<32x768xf32, #tpu.memory_space<vmem>>, vector<1x16xf32>,
        %swap3A_752 = vector.shape_cast %swap3A_751 : vector<1x16xf32> to vector<16xf32>
        %swap3A_753 = vector.shape_cast %add3A_748 : vector<16xf32> to vector<1x16xf32>
        tpu.vector_store %arg7[%swap3A_749, %swap3A_750], %swap3A_753 {strides = array<i32>} : memref<32x768xf32, #tpu.memory_space<vmem>>, vector<1x16xf32>,
        %get3A_754 = arith.index_cast %scan3A_195 : i32 to index
        %get3A_755 = arith.constant 640 : index
        %get3A_756 = tpu.vector_load %arg5[%get3A_754, %get3A_755] {strides = array<i32>} : memref<32x768xf32, #tpu.memory_space<vmem>>, vector<1x16xf32>,
        %get3A_757 = vector.shape_cast %get3A_756 : vector<1x16xf32> to vector<16xf32>
        %get3A_758 = arith.index_cast %scan3A_195 : i32 to index
        %get3A_759 = arith.constant 640 : index
        %get3A_760 = tpu.vector_load %arg9[%get3A_758, %get3A_759] {strides = array<i32>} : memref<32x768xf32, #tpu.memory_space<vmem>>, vector<1x16xf32>,
        %get3A_761 = vector.shape_cast %get3A_760 : vector<1x16xf32> to vector<16xf32>
        %add3A_762 = arith.addf %get3A_757, %get3A_761 : vector<16xf32>
        %swap3A_763 = arith.index_cast %scan3A_195 : i32 to index
        %swap3A_764 = arith.constant 640 : index
        %swap3A_765 = tpu.vector_load %arg7[%swap3A_763, %swap3A_764] {strides = array<i32>} : memref<32x768xf32, #tpu.memory_space<vmem>>, vector<1x16xf32>,
        %swap3A_766 = vector.shape_cast %swap3A_765 : vector<1x16xf32> to vector<16xf32>
        %swap3A_767 = vector.shape_cast %add3A_762 : vector<16xf32> to vector<1x16xf32>
        tpu.vector_store %arg7[%swap3A_763, %swap3A_764], %swap3A_767 {strides = array<i32>} : memref<32x768xf32, #tpu.memory_space<vmem>>, vector<1x16xf32>,
        %get3A_768 = arith.index_cast %scan3A_195 : i32 to index
        %get3A_769 = arith.constant 656 : index
        %get3A_770 = tpu.vector_load %arg5[%get3A_768, %get3A_769] {strides = array<i32>} : memref<32x768xf32, #tpu.memory_space<vmem>>, vector<1x16xf32>,
        %get3A_771 = vector.shape_cast %get3A_770 : vector<1x16xf32> to vector<16xf32>
        %get3A_772 = arith.index_cast %scan3A_195 : i32 to index
        %get3A_773 = arith.constant 656 : index
        %get3A_774 = tpu.vector_load %arg9[%get3A_772, %get3A_773] {strides = array<i32>} : memref<32x768xf32, #tpu.memory_space<vmem>>, vector<1x16xf32>,
        %get3A_775 = vector.shape_cast %get3A_774 : vector<1x16xf32> to vector<16xf32>
        %add3A_776 = arith.addf %get3A_771, %get3A_775 : vector<16xf32>
        %swap3A_777 = arith.index_cast %scan3A_195 : i32 to index
        %swap3A_778 = arith.constant 656 : index
        %swap3A_779 = tpu.vector_load %arg7[%swap3A_777, %swap3A_778] {strides = array<i32>} : memref<32x768xf32, #tpu.memory_space<vmem>>, vector<1x16xf32>,
        %swap3A_780 = vector.shape_cast %swap3A_779 : vector<1x16xf32> to vector<16xf32>
        %swap3A_781 = vector.shape_cast %add3A_776 : vector<16xf32> to vector<1x16xf32>
        tpu.vector_store %arg7[%swap3A_777, %swap3A_778], %swap3A_781 {strides = array<i32>} : memref<32x768xf32, #tpu.memory_space<vmem>>, vector<1x16xf32>,
        %get3A_782 = arith.index_cast %scan3A_195 : i32 to index
        %get3A_783 = arith.constant 672 : index
        %get3A_784 = tpu.vector_load %arg5[%get3A_782, %get3A_783] {strides = array<i32>} : memref<32x768xf32, #tpu.memory_space<vmem>>, vector<1x16xf32>,
        %get3A_785 = vector.shape_cast %get3A_784 : vector<1x16xf32> to vector<16xf32>
        %get3A_786 = arith.index_cast %scan3A_195 : i32 to index
        %get3A_787 = arith.constant 672 : index
        %get3A_788 = tpu.vector_load %arg9[%get3A_786, %get3A_787] {strides = array<i32>} : memref<32x768xf32, #tpu.memory_space<vmem>>, vector<1x16xf32>,
        %get3A_789 = vector.shape_cast %get3A_788 : vector<1x16xf32> to vector<16xf32>
        %add3A_790 = arith.addf %get3A_785, %get3A_789 : vector<16xf32>
        %swap3A_791 = arith.index_cast %scan3A_195 : i32 to index
        %swap3A_792 = arith.constant 672 : index
        %swap3A_793 = tpu.vector_load %arg7[%swap3A_791, %swap3A_792] {strides = array<i32>} : memref<32x768xf32, #tpu.memory_space<vmem>>, vector<1x16xf32>,
        %swap3A_794 = vector.shape_cast %swap3A_793 : vector<1x16xf32> to vector<16xf32>
        %swap3A_795 = vector.shape_cast %add3A_790 : vector<16xf32> to vector<1x16xf32>
        tpu.vector_store %arg7[%swap3A_791, %swap3A_792], %swap3A_795 {strides = array<i32>} : memref<32x768xf32, #tpu.memory_space<vmem>>, vector<1x16xf32>,
        %get3A_796 = arith.index_cast %scan3A_195 : i32 to index
        %get3A_797 = arith.constant 688 : index
        %get3A_798 = tpu.vector_load %arg5[%get3A_796, %get3A_797] {strides = array<i32>} : memref<32x768xf32, #tpu.memory_space<vmem>>, vector<1x16xf32>,
        %get3A_799 = vector.shape_cast %get3A_798 : vector<1x16xf32> to vector<16xf32>
        %get3A_800 = arith.index_cast %scan3A_195 : i32 to index
        %get3A_801 = arith.constant 688 : index
        %get3A_802 = tpu.vector_load %arg9[%get3A_800, %get3A_801] {strides = array<i32>} : memref<32x768xf32, #tpu.memory_space<vmem>>, vector<1x16xf32>,
        %get3A_803 = vector.shape_cast %get3A_802 : vector<1x16xf32> to vector<16xf32>
        %add3A_804 = arith.addf %get3A_799, %get3A_803 : vector<16xf32>
        %swap3A_805 = arith.index_cast %scan3A_195 : i32 to index
        %swap3A_806 = arith.constant 688 : index
        %swap3A_807 = tpu.vector_load %arg7[%swap3A_805, %swap3A_806] {strides = array<i32>} : memref<32x768xf32, #tpu.memory_space<vmem>>, vector<1x16xf32>,
        %swap3A_808 = vector.shape_cast %swap3A_807 : vector<1x16xf32> to vector<16xf32>
        %swap3A_809 = vector.shape_cast %add3A_804 : vector<16xf32> to vector<1x16xf32>
        tpu.vector_store %arg7[%swap3A_805, %swap3A_806], %swap3A_809 {strides = array<i32>} : memref<32x768xf32, #tpu.memory_space<vmem>>, vector<1x16xf32>,
        %get3A_810 = arith.index_cast %scan3A_195 : i32 to index
        %get3A_811 = arith.constant 704 : index
        %get3A_812 = tpu.vector_load %arg5[%get3A_810, %get3A_811] {strides = array<i32>} : memref<32x768xf32, #tpu.memory_space<vmem>>, vector<1x16xf32>,
        %get3A_813 = vector.shape_cast %get3A_812 : vector<1x16xf32> to vector<16xf32>
        %get3A_814 = arith.index_cast %scan3A_195 : i32 to index
        %get3A_815 = arith.constant 704 : index
        %get3A_816 = tpu.vector_load %arg9[%get3A_814, %get3A_815] {strides = array<i32>} : memref<32x768xf32, #tpu.memory_space<vmem>>, vector<1x16xf32>,
        %get3A_817 = vector.shape_cast %get3A_816 : vector<1x16xf32> to vector<16xf32>
        %add3A_818 = arith.addf %get3A_813, %get3A_817 : vector<16xf32>
        %swap3A_819 = arith.index_cast %scan3A_195 : i32 to index
        %swap3A_820 = arith.constant 704 : index
        %swap3A_821 = tpu.vector_load %arg7[%swap3A_819, %swap3A_820] {strides = array<i32>} : memref<32x768xf32, #tpu.memory_space<vmem>>, vector<1x16xf32>,
        %swap3A_822 = vector.shape_cast %swap3A_821 : vector<1x16xf32> to vector<16xf32>
        %swap3A_823 = vector.shape_cast %add3A_818 : vector<16xf32> to vector<1x16xf32>
        tpu.vector_store %arg7[%swap3A_819, %swap3A_820], %swap3A_823 {strides = array<i32>} : memref<32x768xf32, #tpu.memory_space<vmem>>, vector<1x16xf32>,
        %get3A_824 = arith.index_cast %scan3A_195 : i32 to index
        %get3A_825 = arith.constant 720 : index
        %get3A_826 = tpu.vector_load %arg5[%get3A_824, %get3A_825] {strides = array<i32>} : memref<32x768xf32, #tpu.memory_space<vmem>>, vector<1x16xf32>,
        %get3A_827 = vector.shape_cast %get3A_826 : vector<1x16xf32> to vector<16xf32>
        %get3A_828 = arith.index_cast %scan3A_195 : i32 to index
        %get3A_829 = arith.constant 720 : index
        %get3A_830 = tpu.vector_load %arg9[%get3A_828, %get3A_829] {strides = array<i32>} : memref<32x768xf32, #tpu.memory_space<vmem>>, vector<1x16xf32>,
        %get3A_831 = vector.shape_cast %get3A_830 : vector<1x16xf32> to vector<16xf32>
        %add3A_832 = arith.addf %get3A_827, %get3A_831 : vector<16xf32>
        %swap3A_833 = arith.index_cast %scan3A_195 : i32 to index
        %swap3A_834 = arith.constant 720 : index
        %swap3A_835 = tpu.vector_load %arg7[%swap3A_833, %swap3A_834] {strides = array<i32>} : memref<32x768xf32, #tpu.memory_space<vmem>>, vector<1x16xf32>,
        %swap3A_836 = vector.shape_cast %swap3A_835 : vector<1x16xf32> to vector<16xf32>
        %swap3A_837 = vector.shape_cast %add3A_832 : vector<16xf32> to vector<1x16xf32>
        tpu.vector_store %arg7[%swap3A_833, %swap3A_834], %swap3A_837 {strides = array<i32>} : memref<32x768xf32, #tpu.memory_space<vmem>>, vector<1x16xf32>,
        %get3A_838 = arith.index_cast %scan3A_195 : i32 to index
        %get3A_839 = arith.constant 736 : index
        %get3A_840 = tpu.vector_load %arg5[%get3A_838, %get3A_839] {strides = array<i32>} : memref<32x768xf32, #tpu.memory_space<vmem>>, vector<1x16xf32>,
        %get3A_841 = vector.shape_cast %get3A_840 : vector<1x16xf32> to vector<16xf32>
        %get3A_842 = arith.index_cast %scan3A_195 : i32 to index
        %get3A_843 = arith.constant 736 : index
        %get3A_844 = tpu.vector_load %arg9[%get3A_842, %get3A_843] {strides = array<i32>} : memref<32x768xf32, #tpu.memory_space<vmem>>, vector<1x16xf32>,
        %get3A_845 = vector.shape_cast %get3A_844 : vector<1x16xf32> to vector<16xf32>
        %add3A_846 = arith.addf %get3A_841, %get3A_845 : vector<16xf32>
        %swap3A_847 = arith.index_cast %scan3A_195 : i32 to index
        %swap3A_848 = arith.constant 736 : index
        %swap3A_849 = tpu.vector_load %arg7[%swap3A_847, %swap3A_848] {strides = array<i32>} : memref<32x768xf32, #tpu.memory_space<vmem>>, vector<1x16xf32>,
        %swap3A_850 = vector.shape_cast %swap3A_849 : vector<1x16xf32> to vector<16xf32>
        %swap3A_851 = vector.shape_cast %add3A_846 : vector<16xf32> to vector<1x16xf32>
        tpu.vector_store %arg7[%swap3A_847, %swap3A_848], %swap3A_851 {strides = array<i32>} : memref<32x768xf32, #tpu.memory_space<vmem>>, vector<1x16xf32>,
        %get3A_852 = arith.index_cast %scan3A_195 : i32 to index
        %get3A_853 = arith.constant 752 : index
        %get3A_854 = tpu.vector_load %arg5[%get3A_852, %get3A_853] {strides = array<i32>} : memref<32x768xf32, #tpu.memory_space<vmem>>, vector<1x16xf32>,
        %get3A_855 = vector.shape_cast %get3A_854 : vector<1x16xf32> to vector<16xf32>
        %get3A_856 = arith.index_cast %scan3A_195 : i32 to index
        %get3A_857 = arith.constant 752 : index
        %get3A_858 = tpu.vector_load %arg9[%get3A_856, %get3A_857] {strides = array<i32>} : memref<32x768xf32, #tpu.memory_space<vmem>>, vector<1x16xf32>,
        %get3A_859 = vector.shape_cast %get3A_858 : vector<1x16xf32> to vector<16xf32>
        %add3A_860 = arith.addf %get3A_855, %get3A_859 : vector<16xf32>
        %swap3A_861 = arith.index_cast %scan3A_195 : i32 to index
        %swap3A_862 = arith.constant 752 : index
        %swap3A_863 = tpu.vector_load %arg7[%swap3A_861, %swap3A_862] {strides = array<i32>} : memref<32x768xf32, #tpu.memory_space<vmem>>, vector<1x16xf32>,
        %swap3A_864 = vector.shape_cast %swap3A_863 : vector<1x16xf32> to vector<16xf32>
        %swap3A_865 = vector.shape_cast %add3A_860 : vector<16xf32> to vector<1x16xf32>
        tpu.vector_store %arg7[%swap3A_861, %swap3A_862], %swap3A_865 {strides = array<i32>} : memref<32x768xf32, #tpu.memory_space<vmem>>, vector<1x16xf32>,
      }
      %scan3A_124 = arith.constant 32 : i32
      %dma_start3A_125 = arith.constant 0 : i32
      %dma_start3A_126 = tpu.memref_slice %arg4[%add3A_90, %mul3A_2, %dma_start3A_125] : memref<64x1025x768xf32, #tpu.memory_space<hbm>> -> memref<1x32x768xf32, #tpu.memory_space<hbm>>
      %dma_start3A_127 = tpu.memref_squeeze %dma_start3A_126 : memref<1x32x768xf32, #tpu.memory_space<hbm>> -> memref<32x768xf32, #tpu.memory_space<hbm>>
      %dma_start3A_128 = arith.constant 0 : i32
      %dma_start3A_129 = tpu.memref_slice %arg4[%add3A_90, %mul3A_2, %dma_start3A_128] : memref<64x1025x768xf32, #tpu.memory_space<hbm>> -> memref<1x32x768xf32, #tpu.memory_space<hbm>>
      %dma_start3A_130 = tpu.memref_squeeze %dma_start3A_129 : memref<1x32x768xf32, #tpu.memory_space<hbm>> -> memref<32x768xf32, #tpu.memory_space<hbm>>
      tpu.enqueue_dma source(%arg7 : memref<32x768xf32, #tpu.memory_space<vmem>>) target(%dma_start3A_130 : memref<32x768xf32, #tpu.memory_space<hbm>>) target_semaphore(%arg17 : memref<!tpu.dma_semaphore, #tpu.memory_space<semaphore_mem>>)
      %add3A_131 = arith.constant 2 : i32
      %add3A_132 = arith.addi %add3A_90, %add3A_131 : i32
      %lt3A = arith.constant 64 : i32
      %lt3A_133 = arith.cmpi slt, %add3A_132, %lt3A : i32
      %convert_element_type3A_134 = arith.extui %lt3A_133 : i1 to i32
      %cond3A_135 = arith.constant 0 : i32
      %cond3A_136 = arith.cmpi ne, %convert_element_type3A_134, %cond3A_135 : i32
      scf.if %cond3A_136 {
        %add3A_195 = arith.constant 2 : i32
        %add3A_196 = arith.addi %add3A_90, %add3A_195 : i32
        %dma_start3A_197 = arith.constant 0 : i32
        %dma_start3A_198 = arith.constant 0 : i32
        %dma_start3A_199 = tpu.memref_slice %arg5[%dma_start3A_197, %dma_start3A_198] : memref<32x768xf32, #tpu.memory_space<vmem>> -> memref<16x768xf32, #tpu.memory_space<vmem>>
        %dma_start3A_200 = arith.constant 0 : i32
        %dma_start3A_201 = tpu.memref_slice %arg2[%add3A_196, %mul3A_6, %dma_start3A_200] : memref<64x1025x768xf32, #tpu.memory_space<hbm>> -> memref<1x16x768xf32, #tpu.memory_space<hbm>>
        %dma_start3A_202 = tpu.memref_squeeze %dma_start3A_201 : memref<1x16x768xf32, #tpu.memory_space<hbm>> -> memref<16x768xf32, #tpu.memory_space<hbm>>
        %dma_start3A_203 = arith.constant 0 : i32
        %dma_start3A_204 = arith.constant 0 : i32
        %dma_start3A_205 = tpu.memref_slice %arg5[%dma_start3A_203, %dma_start3A_204] : memref<32x768xf32, #tpu.memory_space<vmem>> -> memref<16x768xf32, #tpu.memory_space<vmem>>
        %dma_start3A_206 = arith.constant 0 : i32
        %dma_start3A_207 = tpu.memref_slice %arg2[%add3A_196, %mul3A_6, %dma_start3A_206] : memref<64x1025x768xf32, #tpu.memory_space<hbm>> -> memref<1x16x768xf32, #tpu.memory_space<hbm>>
        %dma_start3A_208 = tpu.memref_squeeze %dma_start3A_207 : memref<1x16x768xf32, #tpu.memory_space<hbm>> -> memref<16x768xf32, #tpu.memory_space<hbm>>
        tpu.enqueue_dma source(%dma_start3A_208 : memref<16x768xf32, #tpu.memory_space<hbm>>) target(%dma_start3A_205 : memref<16x768xf32, #tpu.memory_space<vmem>>) target_semaphore(%arg15 : memref<!tpu.dma_semaphore, #tpu.memory_space<semaphore_mem>>)
        %dma_start3A_209 = arith.constant 16 : i32
        %dma_start3A_210 = arith.constant 0 : i32
        %dma_start3A_211 = tpu.memref_slice %arg5[%dma_start3A_209, %dma_start3A_210] : memref<32x768xf32, #tpu.memory_space<vmem>> -> memref<16x768xf32, #tpu.memory_space<vmem>>
        %dma_start3A_212 = arith.constant 0 : i32
        %dma_start3A_213 = tpu.memref_slice %arg2[%add3A_196, %add3A_10, %dma_start3A_212] : memref<64x1025x768xf32, #tpu.memory_space<hbm>> -> memref<1x16x768xf32, #tpu.memory_space<hbm>>
        %dma_start3A_214 = tpu.memref_squeeze %dma_start3A_213 : memref<1x16x768xf32, #tpu.memory_space<hbm>> -> memref<16x768xf32, #tpu.memory_space<hbm>>
        %dma_start3A_215 = arith.constant 16 : i32
        %dma_start3A_216 = arith.constant 0 : i32
        %dma_start3A_217 = tpu.memref_slice %arg5[%dma_start3A_215, %dma_start3A_216] : memref<32x768xf32, #tpu.memory_space<vmem>> -> memref<16x768xf32, #tpu.memory_space<vmem>>
        %dma_start3A_218 = arith.constant 0 : i32
        %dma_start3A_219 = tpu.memref_slice %arg2[%add3A_196, %add3A_10, %dma_start3A_218] : memref<64x1025x768xf32, #tpu.memory_space<hbm>> -> memref<1x16x768xf32, #tpu.memory_space<hbm>>
        %dma_start3A_220 = tpu.memref_squeeze %dma_start3A_219 : memref<1x16x768xf32, #tpu.memory_space<hbm>> -> memref<16x768xf32, #tpu.memory_space<hbm>>
        tpu.enqueue_dma source(%dma_start3A_220 : memref<16x768xf32, #tpu.memory_space<hbm>>) target(%dma_start3A_217 : memref<16x768xf32, #tpu.memory_space<vmem>>) target_semaphore(%arg15 : memref<!tpu.dma_semaphore, #tpu.memory_space<semaphore_mem>>)
      } else {
      }
      %convert_element_type3A_137 = arith.extui %eq3A_3 : i1 to i32
      %cond3A_138 = arith.constant 0 : i32
      %cond3A_139 = arith.cmpi ne, %convert_element_type3A_137, %cond3A_138 : i32
      scf.if %cond3A_139 {
        %dma_wait3A_195 = arith.constant 1024 : i32
        %dma_wait3A_196 = arith.constant 0 : i32
        %dma_wait3A_197 = tpu.memref_slice %arg2[%add3A_90, %dma_wait3A_195, %dma_wait3A_196] : memref<64x1025x768xf32, #tpu.memory_space<hbm>> -> memref<1x1x768xf32, #tpu.memory_space<hbm>>
        %dma_wait3A_198 = tpu.memref_squeeze %dma_wait3A_197 : memref<1x1x768xf32, #tpu.memory_space<hbm>> -> memref<1x768xf32, #tpu.memory_space<hbm>>
        %dma_wait3A_199 = arith.constant 1024 : i32
        %dma_wait3A_200 = arith.constant 0 : i32
        %dma_wait3A_201 = tpu.memref_slice %arg2[%add3A_90, %dma_wait3A_199, %dma_wait3A_200] : memref<64x1025x768xf32, #tpu.memory_space<hbm>> -> memref<1x1x768xf32, #tpu.memory_space<hbm>>
        %dma_wait3A_202 = tpu.memref_squeeze %dma_wait3A_201 : memref<1x1x768xf32, #tpu.memory_space<hbm>> -> memref<1x768xf32, #tpu.memory_space<hbm>>
        tpu.wait_dma2 semaphore(%arg19 : memref<!tpu.dma_semaphore, #tpu.memory_space<semaphore_mem>>) src(%dma_wait3A_202 : memref<1x768xf32, #tpu.memory_space<hbm>>) dst(%arg10 : memref<1x768xf32, #tpu.memory_space<vmem>>)
        %ge3A_203 = arith.constant 2 : i32
        %ge3A_204 = arith.cmpi sge, %add3A_90, %ge3A_203 : i32
        %convert_element_type3A_205 = arith.extui %ge3A_204 : i1 to i32
        %cond3A_206 = arith.constant 0 : i32
        %cond3A_207 = arith.cmpi ne, %convert_element_type3A_205, %cond3A_206 : i32
        scf.if %cond3A_207 {
          %sub3A = arith.constant 2 : i32
          %sub3A_1037 = arith.subi %add3A_90, %sub3A : i32
          %dma_wait3A_1038 = arith.constant 1024 : i32
          %dma_wait3A_1039 = arith.constant 0 : i32
          %dma_wait3A_1040 = tpu.memref_slice %arg4[%sub3A_1037, %dma_wait3A_1038, %dma_wait3A_1039] : memref<64x1025x768xf32, #tpu.memory_space<hbm>> -> memref<1x1x768xf32, #tpu.memory_space<hbm>>
          %dma_wait3A_1041 = tpu.memref_squeeze %dma_wait3A_1040 : memref<1x1x768xf32, #tpu.memory_space<hbm>> -> memref<1x768xf32, #tpu.memory_space<hbm>>
          %dma_wait3A_1042 = arith.constant 1024 : i32
          %dma_wait3A_1043 = arith.constant 0 : i32
          %dma_wait3A_1044 = tpu.memref_slice %arg4[%sub3A_1037, %dma_wait3A_1042, %dma_wait3A_1043] : memref<64x1025x768xf32, #tpu.memory_space<hbm>> -> memref<1x1x768xf32, #tpu.memory_space<hbm>>
          %dma_wait3A_1045 = tpu.memref_squeeze %dma_wait3A_1044 : memref<1x1x768xf32, #tpu.memory_space<hbm>> -> memref<1x768xf32, #tpu.memory_space<hbm>>
          tpu.wait_dma2 semaphore(%arg21 : memref<!tpu.dma_semaphore, #tpu.memory_space<semaphore_mem>>) src(%arg12 : memref<1x768xf32, #tpu.memory_space<vmem>>) dst(%dma_wait3A_1045 : memref<1x768xf32, #tpu.memory_space<hbm>>)
        } else {
        }
        %get3A = arith.constant 0 : i32
        %get3A_208 = arith.index_cast %get3A : i32 to index
        %get3A_209 = arith.constant 0 : index
        %get3A_210 = tpu.vector_load %arg10[%get3A_208, %get3A_209] {strides = array<i32>} : memref<1x768xf32, #tpu.memory_space<vmem>>, vector<1x16xf32>,
        %get3A_211 = vector.shape_cast %get3A_210 : vector<1x16xf32> to vector<16xf32>
        %get3A_212 = arith.constant 0 : i32
        %get3A_213 = arith.index_cast %get3A_212 : i32 to index
        %get3A_214 = arith.constant 0 : index
        %get3A_215 = tpu.vector_load %arg14[%get3A_213, %get3A_214] {strides = array<i32>} : memref<1x768xf32, #tpu.memory_space<vmem>>, vector<1x16xf32>,
        %get3A_216 = vector.shape_cast %get3A_215 : vector<1x16xf32> to vector<16xf32>
        %add3A_217 = arith.addf %get3A_211, %get3A_216 : vector<16xf32>
        %swap3A = arith.constant 0 : i32
        %swap3A_218 = arith.index_cast %swap3A : i32 to index
        %swap3A_219 = arith.constant 0 : index
        %swap3A_220 = tpu.vector_load %arg12[%swap3A_218, %swap3A_219] {strides = array<i32>} : memref<1x768xf32, #tpu.memory_space<vmem>>, vector<1x16xf32>,
        %swap3A_221 = vector.shape_cast %swap3A_220 : vector<1x16xf32> to vector<16xf32>
        %swap3A_222 = vector.shape_cast %add3A_217 : vector<16xf32> to vector<1x16xf32>
        tpu.vector_store %arg12[%swap3A_218, %swap3A_219], %swap3A_222 {strides = array<i32>} : memref<1x768xf32, #tpu.memory_space<vmem>>, vector<1x16xf32>,
        %get3A_223 = arith.constant 0 : i32
        %get3A_224 = arith.index_cast %get3A_223 : i32 to index
        %get3A_225 = arith.constant 16 : index
        %get3A_226 = tpu.vector_load %arg10[%get3A_224, %get3A_225] {strides = array<i32>} : memref<1x768xf32, #tpu.memory_space<vmem>>, vector<1x16xf32>,
        %get3A_227 = vector.shape_cast %get3A_226 : vector<1x16xf32> to vector<16xf32>
        %get3A_228 = arith.constant 0 : i32
        %get3A_229 = arith.index_cast %get3A_228 : i32 to index
        %get3A_230 = arith.constant 16 : index
        %get3A_231 = tpu.vector_load %arg14[%get3A_229, %get3A_230] {strides = array<i32>} : memref<1x768xf32, #tpu.memory_space<vmem>>, vector<1x16xf32>,
        %get3A_232 = vector.shape_cast %get3A_231 : vector<1x16xf32> to vector<16xf32>
        %add3A_233 = arith.addf %get3A_227, %get3A_232 : vector<16xf32>
        %swap3A_234 = arith.constant 0 : i32
        %swap3A_235 = arith.index_cast %swap3A_234 : i32 to index
        %swap3A_236 = arith.constant 16 : index
        %swap3A_237 = tpu.vector_load %arg12[%swap3A_235, %swap3A_236] {strides = array<i32>} : memref<1x768xf32, #tpu.memory_space<vmem>>, vector<1x16xf32>,
        %swap3A_238 = vector.shape_cast %swap3A_237 : vector<1x16xf32> to vector<16xf32>
        %swap3A_239 = vector.shape_cast %add3A_233 : vector<16xf32> to vector<1x16xf32>
        tpu.vector_store %arg12[%swap3A_235, %swap3A_236], %swap3A_239 {strides = array<i32>} : memref<1x768xf32, #tpu.memory_space<vmem>>, vector<1x16xf32>,
        %get3A_240 = arith.constant 0 : i32
        %get3A_241 = arith.index_cast %get3A_240 : i32 to index
        %get3A_242 = arith.constant 32 : index
        %get3A_243 = tpu.vector_load %arg10[%get3A_241, %get3A_242] {strides = array<i32>} : memref<1x768xf32, #tpu.memory_space<vmem>>, vector<1x16xf32>,
        %get3A_244 = vector.shape_cast %get3A_243 : vector<1x16xf32> to vector<16xf32>
        %get3A_245 = arith.constant 0 : i32
        %get3A_246 = arith.index_cast %get3A_245 : i32 to index
        %get3A_247 = arith.constant 32 : index
        %get3A_248 = tpu.vector_load %arg14[%get3A_246, %get3A_247] {strides = array<i32>} : memref<1x768xf32, #tpu.memory_space<vmem>>, vector<1x16xf32>,
        %get3A_249 = vector.shape_cast %get3A_248 : vector<1x16xf32> to vector<16xf32>
        %add3A_250 = arith.addf %get3A_244, %get3A_249 : vector<16xf32>
        %swap3A_251 = arith.constant 0 : i32
        %swap3A_252 = arith.index_cast %swap3A_251 : i32 to index
        %swap3A_253 = arith.constant 32 : index
        %swap3A_254 = tpu.vector_load %arg12[%swap3A_252, %swap3A_253] {strides = array<i32>} : memref<1x768xf32, #tpu.memory_space<vmem>>, vector<1x16xf32>,
        %swap3A_255 = vector.shape_cast %swap3A_254 : vector<1x16xf32> to vector<16xf32>
        %swap3A_256 = vector.shape_cast %add3A_250 : vector<16xf32> to vector<1x16xf32>
        tpu.vector_store %arg12[%swap3A_252, %swap3A_253], %swap3A_256 {strides = array<i32>} : memref<1x768xf32, #tpu.memory_space<vmem>>, vector<1x16xf32>,
        %get3A_257 = arith.constant 0 : i32
        %get3A_258 = arith.index_cast %get3A_257 : i32 to index
        %get3A_259 = arith.constant 48 : index
        %get3A_260 = tpu.vector_load %arg10[%get3A_258, %get3A_259] {strides = array<i32>} : memref<1x768xf32, #tpu.memory_space<vmem>>, vector<1x16xf32>,
        %get3A_261 = vector.shape_cast %get3A_260 : vector<1x16xf32> to vector<16xf32>
        %get3A_262 = arith.constant 0 : i32
        %get3A_263 = arith.index_cast %get3A_262 : i32 to index
        %get3A_264 = arith.constant 48 : index
        %get3A_265 = tpu.vector_load %arg14[%get3A_263, %get3A_264] {strides = array<i32>} : memref<1x768xf32, #tpu.memory_space<vmem>>, vector<1x16xf32>,
        %get3A_266 = vector.shape_cast %get3A_265 : vector<1x16xf32> to vector<16xf32>
        %add3A_267 = arith.addf %get3A_261, %get3A_266 : vector<16xf32>
        %swap3A_268 = arith.constant 0 : i32
        %swap3A_269 = arith.index_cast %swap3A_268 : i32 to index
        %swap3A_270 = arith.constant 48 : index
        %swap3A_271 = tpu.vector_load %arg12[%swap3A_269, %swap3A_270] {strides = array<i32>} : memref<1x768xf32, #tpu.memory_space<vmem>>, vector<1x16xf32>,
        %swap3A_272 = vector.shape_cast %swap3A_271 : vector<1x16xf32> to vector<16xf32>
        %swap3A_273 = vector.shape_cast %add3A_267 : vector<16xf32> to vector<1x16xf32>
        tpu.vector_store %arg12[%swap3A_269, %swap3A_270], %swap3A_273 {strides = array<i32>} : memref<1x768xf32, #tpu.memory_space<vmem>>, vector<1x16xf32>,
        %get3A_274 = arith.constant 0 : i32
        %get3A_275 = arith.index_cast %get3A_274 : i32 to index
        %get3A_276 = arith.constant 64 : index
        %get3A_277 = tpu.vector_load %arg10[%get3A_275, %get3A_276] {strides = array<i32>} : memref<1x768xf32, #tpu.memory_space<vmem>>, vector<1x16xf32>,
        %get3A_278 = vector.shape_cast %get3A_277 : vector<1x16xf32> to vector<16xf32>
        %get3A_279 = arith.constant 0 : i32
        %get3A_280 = arith.index_cast %get3A_279 : i32 to index
        %get3A_281 = arith.constant 64 : index
        %get3A_282 = tpu.vector_load %arg14[%get3A_280, %get3A_281] {strides = array<i32>} : memref<1x768xf32, #tpu.memory_space<vmem>>, vector<1x16xf32>,
        %get3A_283 = vector.shape_cast %get3A_282 : vector<1x16xf32> to vector<16xf32>
        %add3A_284 = arith.addf %get3A_278, %get3A_283 : vector<16xf32>
        %swap3A_285 = arith.constant 0 : i32
        %swap3A_286 = arith.index_cast %swap3A_285 : i32 to index
        %swap3A_287 = arith.constant 64 : index
        %swap3A_288 = tpu.vector_load %arg12[%swap3A_286, %swap3A_287] {strides = array<i32>} : memref<1x768xf32, #tpu.memory_space<vmem>>, vector<1x16xf32>,
        %swap3A_289 = vector.shape_cast %swap3A_288 : vector<1x16xf32> to vector<16xf32>
        %swap3A_290 = vector.shape_cast %add3A_284 : vector<16xf32> to vector<1x16xf32>
        tpu.vector_store %arg12[%swap3A_286, %swap3A_287], %swap3A_290 {strides = array<i32>} : memref<1x768xf32, #tpu.memory_space<vmem>>, vector<1x16xf32>,
        %get3A_291 = arith.constant 0 : i32
        %get3A_292 = arith.index_cast %get3A_291 : i32 to index
        %get3A_293 = arith.constant 80 : index
        %get3A_294 = tpu.vector_load %arg10[%get3A_292, %get3A_293] {strides = array<i32>} : memref<1x768xf32, #tpu.memory_space<vmem>>, vector<1x16xf32>,
        %get3A_295 = vector.shape_cast %get3A_294 : vector<1x16xf32> to vector<16xf32>
        %get3A_296 = arith.constant 0 : i32
        %get3A_297 = arith.index_cast %get3A_296 : i32 to index
        %get3A_298 = arith.constant 80 : index
        %get3A_299 = tpu.vector_load %arg14[%get3A_297, %get3A_298] {strides = array<i32>} : memref<1x768xf32, #tpu.memory_space<vmem>>, vector<1x16xf32>,
        %get3A_300 = vector.shape_cast %get3A_299 : vector<1x16xf32> to vector<16xf32>
        %add3A_301 = arith.addf %get3A_295, %get3A_300 : vector<16xf32>
        %swap3A_302 = arith.constant 0 : i32
        %swap3A_303 = arith.index_cast %swap3A_302 : i32 to index
        %swap3A_304 = arith.constant 80 : index
        %swap3A_305 = tpu.vector_load %arg12[%swap3A_303, %swap3A_304] {strides = array<i32>} : memref<1x768xf32, #tpu.memory_space<vmem>>, vector<1x16xf32>,
        %swap3A_306 = vector.shape_cast %swap3A_305 : vector<1x16xf32> to vector<16xf32>
        %swap3A_307 = vector.shape_cast %add3A_301 : vector<16xf32> to vector<1x16xf32>
        tpu.vector_store %arg12[%swap3A_303, %swap3A_304], %swap3A_307 {strides = array<i32>} : memref<1x768xf32, #tpu.memory_space<vmem>>, vector<1x16xf32>,
        %get3A_308 = arith.constant 0 : i32
        %get3A_309 = arith.index_cast %get3A_308 : i32 to index
        %get3A_310 = arith.constant 96 : index
        %get3A_311 = tpu.vector_load %arg10[%get3A_309, %get3A_310] {strides = array<i32>} : memref<1x768xf32, #tpu.memory_space<vmem>>, vector<1x16xf32>,
        %get3A_312 = vector.shape_cast %get3A_311 : vector<1x16xf32> to vector<16xf32>
        %get3A_313 = arith.constant 0 : i32
        %get3A_314 = arith.index_cast %get3A_313 : i32 to index
        %get3A_315 = arith.constant 96 : index
        %get3A_316 = tpu.vector_load %arg14[%get3A_314, %get3A_315] {strides = array<i32>} : memref<1x768xf32, #tpu.memory_space<vmem>>, vector<1x16xf32>,
        %get3A_317 = vector.shape_cast %get3A_316 : vector<1x16xf32> to vector<16xf32>
        %add3A_318 = arith.addf %get3A_312, %get3A_317 : vector<16xf32>
        %swap3A_319 = arith.constant 0 : i32
        %swap3A_320 = arith.index_cast %swap3A_319 : i32 to index
        %swap3A_321 = arith.constant 96 : index
        %swap3A_322 = tpu.vector_load %arg12[%swap3A_320, %swap3A_321] {strides = array<i32>} : memref<1x768xf32, #tpu.memory_space<vmem>>, vector<1x16xf32>,
        %swap3A_323 = vector.shape_cast %swap3A_322 : vector<1x16xf32> to vector<16xf32>
        %swap3A_324 = vector.shape_cast %add3A_318 : vector<16xf32> to vector<1x16xf32>
        tpu.vector_store %arg12[%swap3A_320, %swap3A_321], %swap3A_324 {strides = array<i32>} : memref<1x768xf32, #tpu.memory_space<vmem>>, vector<1x16xf32>,
        %get3A_325 = arith.constant 0 : i32
        %get3A_326 = arith.index_cast %get3A_325 : i32 to index
        %get3A_327 = arith.constant 112 : index
        %get3A_328 = tpu.vector_load %arg10[%get3A_326, %get3A_327] {strides = array<i32>} : memref<1x768xf32, #tpu.memory_space<vmem>>, vector<1x16xf32>,
        %get3A_329 = vector.shape_cast %get3A_328 : vector<1x16xf32> to vector<16xf32>
        %get3A_330 = arith.constant 0 : i32
        %get3A_331 = arith.index_cast %get3A_330 : i32 to index
        %get3A_332 = arith.constant 112 : index
        %get3A_333 = tpu.vector_load %arg14[%get3A_331, %get3A_332] {strides = array<i32>} : memref<1x768xf32, #tpu.memory_space<vmem>>, vector<1x16xf32>,
        %get3A_334 = vector.shape_cast %get3A_333 : vector<1x16xf32> to vector<16xf32>
        %add3A_335 = arith.addf %get3A_329, %get3A_334 : vector<16xf32>
        %swap3A_336 = arith.constant 0 : i32
        %swap3A_337 = arith.index_cast %swap3A_336 : i32 to index
        %swap3A_338 = arith.constant 112 : index
        %swap3A_339 = tpu.vector_load %arg12[%swap3A_337, %swap3A_338] {strides = array<i32>} : memref<1x768xf32, #tpu.memory_space<vmem>>, vector<1x16xf32>,
        %swap3A_340 = vector.shape_cast %swap3A_339 : vector<1x16xf32> to vector<16xf32>
        %swap3A_341 = vector.shape_cast %add3A_335 : vector<16xf32> to vector<1x16xf32>
        tpu.vector_store %arg12[%swap3A_337, %swap3A_338], %swap3A_341 {strides = array<i32>} : memref<1x768xf32, #tpu.memory_space<vmem>>, vector<1x16xf32>,
        %get3A_342 = arith.constant 0 : i32
        %get3A_343 = arith.index_cast %get3A_342 : i32 to index
        %get3A_344 = arith.constant 128 : index
        %get3A_345 = tpu.vector_load %arg10[%get3A_343, %get3A_344] {strides = array<i32>} : memref<1x768xf32, #tpu.memory_space<vmem>>, vector<1x16xf32>,
        %get3A_346 = vector.shape_cast %get3A_345 : vector<1x16xf32> to vector<16xf32>
        %get3A_347 = arith.constant 0 : i32
        %get3A_348 = arith.index_cast %get3A_347 : i32 to index
        %get3A_349 = arith.constant 128 : index
        %get3A_350 = tpu.vector_load %arg14[%get3A_348, %get3A_349] {strides = array<i32>} : memref<1x768xf32, #tpu.memory_space<vmem>>, vector<1x16xf32>,
        %get3A_351 = vector.shape_cast %get3A_350 : vector<1x16xf32> to vector<16xf32>
        %add3A_352 = arith.addf %get3A_346, %get3A_351 : vector<16xf32>
        %swap3A_353 = arith.constant 0 : i32
        %swap3A_354 = arith.index_cast %swap3A_353 : i32 to index
        %swap3A_355 = arith.constant 128 : index
        %swap3A_356 = tpu.vector_load %arg12[%swap3A_354, %swap3A_355] {strides = array<i32>} : memref<1x768xf32, #tpu.memory_space<vmem>>, vector<1x16xf32>,
        %swap3A_357 = vector.shape_cast %swap3A_356 : vector<1x16xf32> to vector<16xf32>
        %swap3A_358 = vector.shape_cast %add3A_352 : vector<16xf32> to vector<1x16xf32>
        tpu.vector_store %arg12[%swap3A_354, %swap3A_355], %swap3A_358 {strides = array<i32>} : memref<1x768xf32, #tpu.memory_space<vmem>>, vector<1x16xf32>,
        %get3A_359 = arith.constant 0 : i32
        %get3A_360 = arith.index_cast %get3A_359 : i32 to index
        %get3A_361 = arith.constant 144 : index
        %get3A_362 = tpu.vector_load %arg10[%get3A_360, %get3A_361] {strides = array<i32>} : memref<1x768xf32, #tpu.memory_space<vmem>>, vector<1x16xf32>,
        %get3A_363 = vector.shape_cast %get3A_362 : vector<1x16xf32> to vector<16xf32>
        %get3A_364 = arith.constant 0 : i32
        %get3A_365 = arith.index_cast %get3A_364 : i32 to index
        %get3A_366 = arith.constant 144 : index
        %get3A_367 = tpu.vector_load %arg14[%get3A_365, %get3A_366] {strides = array<i32>} : memref<1x768xf32, #tpu.memory_space<vmem>>, vector<1x16xf32>,
        %get3A_368 = vector.shape_cast %get3A_367 : vector<1x16xf32> to vector<16xf32>
        %add3A_369 = arith.addf %get3A_363, %get3A_368 : vector<16xf32>
        %swap3A_370 = arith.constant 0 : i32
        %swap3A_371 = arith.index_cast %swap3A_370 : i32 to index
        %swap3A_372 = arith.constant 144 : index
        %swap3A_373 = tpu.vector_load %arg12[%swap3A_371, %swap3A_372] {strides = array<i32>} : memref<1x768xf32, #tpu.memory_space<vmem>>, vector<1x16xf32>,
        %swap3A_374 = vector.shape_cast %swap3A_373 : vector<1x16xf32> to vector<16xf32>
        %swap3A_375 = vector.shape_cast %add3A_369 : vector<16xf32> to vector<1x16xf32>
        tpu.vector_store %arg12[%swap3A_371, %swap3A_372], %swap3A_375 {strides = array<i32>} : memref<1x768xf32, #tpu.memory_space<vmem>>, vector<1x16xf32>,
        %get3A_376 = arith.constant 0 : i32
        %get3A_377 = arith.index_cast %get3A_376 : i32 to index
        %get3A_378 = arith.constant 160 : index
        %get3A_379 = tpu.vector_load %arg10[%get3A_377, %get3A_378] {strides = array<i32>} : memref<1x768xf32, #tpu.memory_space<vmem>>, vector<1x16xf32>,
        %get3A_380 = vector.shape_cast %get3A_379 : vector<1x16xf32> to vector<16xf32>
        %get3A_381 = arith.constant 0 : i32
        %get3A_382 = arith.index_cast %get3A_381 : i32 to index
        %get3A_383 = arith.constant 160 : index
        %get3A_384 = tpu.vector_load %arg14[%get3A_382, %get3A_383] {strides = array<i32>} : memref<1x768xf32, #tpu.memory_space<vmem>>, vector<1x16xf32>,
        %get3A_385 = vector.shape_cast %get3A_384 : vector<1x16xf32> to vector<16xf32>
        %add3A_386 = arith.addf %get3A_380, %get3A_385 : vector<16xf32>
        %swap3A_387 = arith.constant 0 : i32
        %swap3A_388 = arith.index_cast %swap3A_387 : i32 to index
        %swap3A_389 = arith.constant 160 : index
        %swap3A_390 = tpu.vector_load %arg12[%swap3A_388, %swap3A_389] {strides = array<i32>} : memref<1x768xf32, #tpu.memory_space<vmem>>, vector<1x16xf32>,
        %swap3A_391 = vector.shape_cast %swap3A_390 : vector<1x16xf32> to vector<16xf32>
        %swap3A_392 = vector.shape_cast %add3A_386 : vector<16xf32> to vector<1x16xf32>
        tpu.vector_store %arg12[%swap3A_388, %swap3A_389], %swap3A_392 {strides = array<i32>} : memref<1x768xf32, #tpu.memory_space<vmem>>, vector<1x16xf32>,
        %get3A_393 = arith.constant 0 : i32
        %get3A_394 = arith.index_cast %get3A_393 : i32 to index
        %get3A_395 = arith.constant 176 : index
        %get3A_396 = tpu.vector_load %arg10[%get3A_394, %get3A_395] {strides = array<i32>} : memref<1x768xf32, #tpu.memory_space<vmem>>, vector<1x16xf32>,
        %get3A_397 = vector.shape_cast %get3A_396 : vector<1x16xf32> to vector<16xf32>
        %get3A_398 = arith.constant 0 : i32
        %get3A_399 = arith.index_cast %get3A_398 : i32 to index
        %get3A_400 = arith.constant 176 : index
        %get3A_401 = tpu.vector_load %arg14[%get3A_399, %get3A_400] {strides = array<i32>} : memref<1x768xf32, #tpu.memory_space<vmem>>, vector<1x16xf32>,
        %get3A_402 = vector.shape_cast %get3A_401 : vector<1x16xf32> to vector<16xf32>
        %add3A_403 = arith.addf %get3A_397, %get3A_402 : vector<16xf32>
        %swap3A_404 = arith.constant 0 : i32
        %swap3A_405 = arith.index_cast %swap3A_404 : i32 to index
        %swap3A_406 = arith.constant 176 : index
        %swap3A_407 = tpu.vector_load %arg12[%swap3A_405, %swap3A_406] {strides = array<i32>} : memref<1x768xf32, #tpu.memory_space<vmem>>, vector<1x16xf32>,
        %swap3A_408 = vector.shape_cast %swap3A_407 : vector<1x16xf32> to vector<16xf32>
        %swap3A_409 = vector.shape_cast %add3A_403 : vector<16xf32> to vector<1x16xf32>
        tpu.vector_store %arg12[%swap3A_405, %swap3A_406], %swap3A_409 {strides = array<i32>} : memref<1x768xf32, #tpu.memory_space<vmem>>, vector<1x16xf32>,
        %get3A_410 = arith.constant 0 : i32
        %get3A_411 = arith.index_cast %get3A_410 : i32 to index
        %get3A_412 = arith.constant 192 : index
        %get3A_413 = tpu.vector_load %arg10[%get3A_411, %get3A_412] {strides = array<i32>} : memref<1x768xf32, #tpu.memory_space<vmem>>, vector<1x16xf32>,
        %get3A_414 = vector.shape_cast %get3A_413 : vector<1x16xf32> to vector<16xf32>
        %get3A_415 = arith.constant 0 : i32
        %get3A_416 = arith.index_cast %get3A_415 : i32 to index
        %get3A_417 = arith.constant 192 : index
        %get3A_418 = tpu.vector_load %arg14[%get3A_416, %get3A_417] {strides = array<i32>} : memref<1x768xf32, #tpu.memory_space<vmem>>, vector<1x16xf32>,
        %get3A_419 = vector.shape_cast %get3A_418 : vector<1x16xf32> to vector<16xf32>
        %add3A_420 = arith.addf %get3A_414, %get3A_419 : vector<16xf32>
        %swap3A_421 = arith.constant 0 : i32
        %swap3A_422 = arith.index_cast %swap3A_421 : i32 to index
        %swap3A_423 = arith.constant 192 : index
        %swap3A_424 = tpu.vector_load %arg12[%swap3A_422, %swap3A_423] {strides = array<i32>} : memref<1x768xf32, #tpu.memory_space<vmem>>, vector<1x16xf32>,
        %swap3A_425 = vector.shape_cast %swap3A_424 : vector<1x16xf32> to vector<16xf32>
        %swap3A_426 = vector.shape_cast %add3A_420 : vector<16xf32> to vector<1x16xf32>
        tpu.vector_store %arg12[%swap3A_422, %swap3A_423], %swap3A_426 {strides = array<i32>} : memref<1x768xf32, #tpu.memory_space<vmem>>, vector<1x16xf32>,
        %get3A_427 = arith.constant 0 : i32
        %get3A_428 = arith.index_cast %get3A_427 : i32 to index
        %get3A_429 = arith.constant 208 : index
        %get3A_430 = tpu.vector_load %arg10[%get3A_428, %get3A_429] {strides = array<i32>} : memref<1x768xf32, #tpu.memory_space<vmem>>, vector<1x16xf32>,
        %get3A_431 = vector.shape_cast %get3A_430 : vector<1x16xf32> to vector<16xf32>
        %get3A_432 = arith.constant 0 : i32
        %get3A_433 = arith.index_cast %get3A_432 : i32 to index
        %get3A_434 = arith.constant 208 : index
        %get3A_435 = tpu.vector_load %arg14[%get3A_433, %get3A_434] {strides = array<i32>} : memref<1x768xf32, #tpu.memory_space<vmem>>, vector<1x16xf32>,
        %get3A_436 = vector.shape_cast %get3A_435 : vector<1x16xf32> to vector<16xf32>
        %add3A_437 = arith.addf %get3A_431, %get3A_436 : vector<16xf32>
        %swap3A_438 = arith.constant 0 : i32
        %swap3A_439 = arith.index_cast %swap3A_438 : i32 to index
        %swap3A_440 = arith.constant 208 : index
        %swap3A_441 = tpu.vector_load %arg12[%swap3A_439, %swap3A_440] {strides = array<i32>} : memref<1x768xf32, #tpu.memory_space<vmem>>, vector<1x16xf32>,
        %swap3A_442 = vector.shape_cast %swap3A_441 : vector<1x16xf32> to vector<16xf32>
        %swap3A_443 = vector.shape_cast %add3A_437 : vector<16xf32> to vector<1x16xf32>
        tpu.vector_store %arg12[%swap3A_439, %swap3A_440], %swap3A_443 {strides = array<i32>} : memref<1x768xf32, #tpu.memory_space<vmem>>, vector<1x16xf32>,
        %get3A_444 = arith.constant 0 : i32
        %get3A_445 = arith.index_cast %get3A_444 : i32 to index
        %get3A_446 = arith.constant 224 : index
        %get3A_447 = tpu.vector_load %arg10[%get3A_445, %get3A_446] {strides = array<i32>} : memref<1x768xf32, #tpu.memory_space<vmem>>, vector<1x16xf32>,
        %get3A_448 = vector.shape_cast %get3A_447 : vector<1x16xf32> to vector<16xf32>
        %get3A_449 = arith.constant 0 : i32
        %get3A_450 = arith.index_cast %get3A_449 : i32 to index
        %get3A_451 = arith.constant 224 : index
        %get3A_452 = tpu.vector_load %arg14[%get3A_450, %get3A_451] {strides = array<i32>} : memref<1x768xf32, #tpu.memory_space<vmem>>, vector<1x16xf32>,
        %get3A_453 = vector.shape_cast %get3A_452 : vector<1x16xf32> to vector<16xf32>
        %add3A_454 = arith.addf %get3A_448, %get3A_453 : vector<16xf32>
        %swap3A_455 = arith.constant 0 : i32
        %swap3A_456 = arith.index_cast %swap3A_455 : i32 to index
        %swap3A_457 = arith.constant 224 : index
        %swap3A_458 = tpu.vector_load %arg12[%swap3A_456, %swap3A_457] {strides = array<i32>} : memref<1x768xf32, #tpu.memory_space<vmem>>, vector<1x16xf32>,
        %swap3A_459 = vector.shape_cast %swap3A_458 : vector<1x16xf32> to vector<16xf32>
        %swap3A_460 = vector.shape_cast %add3A_454 : vector<16xf32> to vector<1x16xf32>
        tpu.vector_store %arg12[%swap3A_456, %swap3A_457], %swap3A_460 {strides = array<i32>} : memref<1x768xf32, #tpu.memory_space<vmem>>, vector<1x16xf32>,
        %get3A_461 = arith.constant 0 : i32
        %get3A_462 = arith.index_cast %get3A_461 : i32 to index
        %get3A_463 = arith.constant 240 : index
        %get3A_464 = tpu.vector_load %arg10[%get3A_462, %get3A_463] {strides = array<i32>} : memref<1x768xf32, #tpu.memory_space<vmem>>, vector<1x16xf32>,
        %get3A_465 = vector.shape_cast %get3A_464 : vector<1x16xf32> to vector<16xf32>
        %get3A_466 = arith.constant 0 : i32
        %get3A_467 = arith.index_cast %get3A_466 : i32 to index
        %get3A_468 = arith.constant 240 : index
        %get3A_469 = tpu.vector_load %arg14[%get3A_467, %get3A_468] {strides = array<i32>} : memref<1x768xf32, #tpu.memory_space<vmem>>, vector<1x16xf32>,
        %get3A_470 = vector.shape_cast %get3A_469 : vector<1x16xf32> to vector<16xf32>
        %add3A_471 = arith.addf %get3A_465, %get3A_470 : vector<16xf32>
        %swap3A_472 = arith.constant 0 : i32
        %swap3A_473 = arith.index_cast %swap3A_472 : i32 to index
        %swap3A_474 = arith.constant 240 : index
        %swap3A_475 = tpu.vector_load %arg12[%swap3A_473, %swap3A_474] {strides = array<i32>} : memref<1x768xf32, #tpu.memory_space<vmem>>, vector<1x16xf32>,
        %swap3A_476 = vector.shape_cast %swap3A_475 : vector<1x16xf32> to vector<16xf32>
        %swap3A_477 = vector.shape_cast %add3A_471 : vector<16xf32> to vector<1x16xf32>
        tpu.vector_store %arg12[%swap3A_473, %swap3A_474], %swap3A_477 {strides = array<i32>} : memref<1x768xf32, #tpu.memory_space<vmem>>, vector<1x16xf32>,
        %get3A_478 = arith.constant 0 : i32
        %get3A_479 = arith.index_cast %get3A_478 : i32 to index
        %get3A_480 = arith.constant 256 : index
        %get3A_481 = tpu.vector_load %arg10[%get3A_479, %get3A_480] {strides = array<i32>} : memref<1x768xf32, #tpu.memory_space<vmem>>, vector<1x16xf32>,
        %get3A_482 = vector.shape_cast %get3A_481 : vector<1x16xf32> to vector<16xf32>
        %get3A_483 = arith.constant 0 : i32
        %get3A_484 = arith.index_cast %get3A_483 : i32 to index
        %get3A_485 = arith.constant 256 : index
        %get3A_486 = tpu.vector_load %arg14[%get3A_484, %get3A_485] {strides = array<i32>} : memref<1x768xf32, #tpu.memory_space<vmem>>, vector<1x16xf32>,
        %get3A_487 = vector.shape_cast %get3A_486 : vector<1x16xf32> to vector<16xf32>
        %add3A_488 = arith.addf %get3A_482, %get3A_487 : vector<16xf32>
        %swap3A_489 = arith.constant 0 : i32
        %swap3A_490 = arith.index_cast %swap3A_489 : i32 to index
        %swap3A_491 = arith.constant 256 : index
        %swap3A_492 = tpu.vector_load %arg12[%swap3A_490, %swap3A_491] {strides = array<i32>} : memref<1x768xf32, #tpu.memory_space<vmem>>, vector<1x16xf32>,
        %swap3A_493 = vector.shape_cast %swap3A_492 : vector<1x16xf32> to vector<16xf32>
        %swap3A_494 = vector.shape_cast %add3A_488 : vector<16xf32> to vector<1x16xf32>
        tpu.vector_store %arg12[%swap3A_490, %swap3A_491], %swap3A_494 {strides = array<i32>} : memref<1x768xf32, #tpu.memory_space<vmem>>, vector<1x16xf32>,
        %get3A_495 = arith.constant 0 : i32
        %get3A_496 = arith.index_cast %get3A_495 : i32 to index
        %get3A_497 = arith.constant 272 : index
        %get3A_498 = tpu.vector_load %arg10[%get3A_496, %get3A_497] {strides = array<i32>} : memref<1x768xf32, #tpu.memory_space<vmem>>, vector<1x16xf32>,
        %get3A_499 = vector.shape_cast %get3A_498 : vector<1x16xf32> to vector<16xf32>
        %get3A_500 = arith.constant 0 : i32
        %get3A_501 = arith.index_cast %get3A_500 : i32 to index
        %get3A_502 = arith.constant 272 : index
        %get3A_503 = tpu.vector_load %arg14[%get3A_501, %get3A_502] {strides = array<i32>} : memref<1x768xf32, #tpu.memory_space<vmem>>, vector<1x16xf32>,
        %get3A_504 = vector.shape_cast %get3A_503 : vector<1x16xf32> to vector<16xf32>
        %add3A_505 = arith.addf %get3A_499, %get3A_504 : vector<16xf32>
        %swap3A_506 = arith.constant 0 : i32
        %swap3A_507 = arith.index_cast %swap3A_506 : i32 to index
        %swap3A_508 = arith.constant 272 : index
        %swap3A_509 = tpu.vector_load %arg12[%swap3A_507, %swap3A_508] {strides = array<i32>} : memref<1x768xf32, #tpu.memory_space<vmem>>, vector<1x16xf32>,
        %swap3A_510 = vector.shape_cast %swap3A_509 : vector<1x16xf32> to vector<16xf32>
        %swap3A_511 = vector.shape_cast %add3A_505 : vector<16xf32> to vector<1x16xf32>
        tpu.vector_store %arg12[%swap3A_507, %swap3A_508], %swap3A_511 {strides = array<i32>} : memref<1x768xf32, #tpu.memory_space<vmem>>, vector<1x16xf32>,
        %get3A_512 = arith.constant 0 : i32
        %get3A_513 = arith.index_cast %get3A_512 : i32 to index
        %get3A_514 = arith.constant 288 : index
        %get3A_515 = tpu.vector_load %arg10[%get3A_513, %get3A_514] {strides = array<i32>} : memref<1x768xf32, #tpu.memory_space<vmem>>, vector<1x16xf32>,
        %get3A_516 = vector.shape_cast %get3A_515 : vector<1x16xf32> to vector<16xf32>
        %get3A_517 = arith.constant 0 : i32
        %get3A_518 = arith.index_cast %get3A_517 : i32 to index
        %get3A_519 = arith.constant 288 : index
        %get3A_520 = tpu.vector_load %arg14[%get3A_518, %get3A_519] {strides = array<i32>} : memref<1x768xf32, #tpu.memory_space<vmem>>, vector<1x16xf32>,
        %get3A_521 = vector.shape_cast %get3A_520 : vector<1x16xf32> to vector<16xf32>
        %add3A_522 = arith.addf %get3A_516, %get3A_521 : vector<16xf32>
        %swap3A_523 = arith.constant 0 : i32
        %swap3A_524 = arith.index_cast %swap3A_523 : i32 to index
        %swap3A_525 = arith.constant 288 : index
        %swap3A_526 = tpu.vector_load %arg12[%swap3A_524, %swap3A_525] {strides = array<i32>} : memref<1x768xf32, #tpu.memory_space<vmem>>, vector<1x16xf32>,
        %swap3A_527 = vector.shape_cast %swap3A_526 : vector<1x16xf32> to vector<16xf32>
        %swap3A_528 = vector.shape_cast %add3A_522 : vector<16xf32> to vector<1x16xf32>
        tpu.vector_store %arg12[%swap3A_524, %swap3A_525], %swap3A_528 {strides = array<i32>} : memref<1x768xf32, #tpu.memory_space<vmem>>, vector<1x16xf32>,
        %get3A_529 = arith.constant 0 : i32
        %get3A_530 = arith.index_cast %get3A_529 : i32 to index
        %get3A_531 = arith.constant 304 : index
        %get3A_532 = tpu.vector_load %arg10[%get3A_530, %get3A_531] {strides = array<i32>} : memref<1x768xf32, #tpu.memory_space<vmem>>, vector<1x16xf32>,
        %get3A_533 = vector.shape_cast %get3A_532 : vector<1x16xf32> to vector<16xf32>
        %get3A_534 = arith.constant 0 : i32
        %get3A_535 = arith.index_cast %get3A_534 : i32 to index
        %get3A_536 = arith.constant 304 : index
        %get3A_537 = tpu.vector_load %arg14[%get3A_535, %get3A_536] {strides = array<i32>} : memref<1x768xf32, #tpu.memory_space<vmem>>, vector<1x16xf32>,
        %get3A_538 = vector.shape_cast %get3A_537 : vector<1x16xf32> to vector<16xf32>
        %add3A_539 = arith.addf %get3A_533, %get3A_538 : vector<16xf32>
        %swap3A_540 = arith.constant 0 : i32
        %swap3A_541 = arith.index_cast %swap3A_540 : i32 to index
        %swap3A_542 = arith.constant 304 : index
        %swap3A_543 = tpu.vector_load %arg12[%swap3A_541, %swap3A_542] {strides = array<i32>} : memref<1x768xf32, #tpu.memory_space<vmem>>, vector<1x16xf32>,
        %swap3A_544 = vector.shape_cast %swap3A_543 : vector<1x16xf32> to vector<16xf32>
        %swap3A_545 = vector.shape_cast %add3A_539 : vector<16xf32> to vector<1x16xf32>
        tpu.vector_store %arg12[%swap3A_541, %swap3A_542], %swap3A_545 {strides = array<i32>} : memref<1x768xf32, #tpu.memory_space<vmem>>, vector<1x16xf32>,
        %get3A_546 = arith.constant 0 : i32
        %get3A_547 = arith.index_cast %get3A_546 : i32 to index
        %get3A_548 = arith.constant 320 : index
        %get3A_549 = tpu.vector_load %arg10[%get3A_547, %get3A_548] {strides = array<i32>} : memref<1x768xf32, #tpu.memory_space<vmem>>, vector<1x16xf32>,
        %get3A_550 = vector.shape_cast %get3A_549 : vector<1x16xf32> to vector<16xf32>
        %get3A_551 = arith.constant 0 : i32
        %get3A_552 = arith.index_cast %get3A_551 : i32 to index
        %get3A_553 = arith.constant 320 : index
        %get3A_554 = tpu.vector_load %arg14[%get3A_552, %get3A_553] {strides = array<i32>} : memref<1x768xf32, #tpu.memory_space<vmem>>, vector<1x16xf32>,
        %get3A_555 = vector.shape_cast %get3A_554 : vector<1x16xf32> to vector<16xf32>
        %add3A_556 = arith.addf %get3A_550, %get3A_555 : vector<16xf32>
        %swap3A_557 = arith.constant 0 : i32
        %swap3A_558 = arith.index_cast %swap3A_557 : i32 to index
        %swap3A_559 = arith.constant 320 : index
        %swap3A_560 = tpu.vector_load %arg12[%swap3A_558, %swap3A_559] {strides = array<i32>} : memref<1x768xf32, #tpu.memory_space<vmem>>, vector<1x16xf32>,
        %swap3A_561 = vector.shape_cast %swap3A_560 : vector<1x16xf32> to vector<16xf32>
        %swap3A_562 = vector.shape_cast %add3A_556 : vector<16xf32> to vector<1x16xf32>
        tpu.vector_store %arg12[%swap3A_558, %swap3A_559], %swap3A_562 {strides = array<i32>} : memref<1x768xf32, #tpu.memory_space<vmem>>, vector<1x16xf32>,
        %get3A_563 = arith.constant 0 : i32
        %get3A_564 = arith.index_cast %get3A_563 : i32 to index
        %get3A_565 = arith.constant 336 : index
        %get3A_566 = tpu.vector_load %arg10[%get3A_564, %get3A_565] {strides = array<i32>} : memref<1x768xf32, #tpu.memory_space<vmem>>, vector<1x16xf32>,
        %get3A_567 = vector.shape_cast %get3A_566 : vector<1x16xf32> to vector<16xf32>
        %get3A_568 = arith.constant 0 : i32
        %get3A_569 = arith.index_cast %get3A_568 : i32 to index
        %get3A_570 = arith.constant 336 : index
        %get3A_571 = tpu.vector_load %arg14[%get3A_569, %get3A_570] {strides = array<i32>} : memref<1x768xf32, #tpu.memory_space<vmem>>, vector<1x16xf32>,
        %get3A_572 = vector.shape_cast %get3A_571 : vector<1x16xf32> to vector<16xf32>
        %add3A_573 = arith.addf %get3A_567, %get3A_572 : vector<16xf32>
        %swap3A_574 = arith.constant 0 : i32
        %swap3A_575 = arith.index_cast %swap3A_574 : i32 to index
        %swap3A_576 = arith.constant 336 : index
        %swap3A_577 = tpu.vector_load %arg12[%swap3A_575, %swap3A_576] {strides = array<i32>} : memref<1x768xf32, #tpu.memory_space<vmem>>, vector<1x16xf32>,
        %swap3A_578 = vector.shape_cast %swap3A_577 : vector<1x16xf32> to vector<16xf32>
        %swap3A_579 = vector.shape_cast %add3A_573 : vector<16xf32> to vector<1x16xf32>
        tpu.vector_store %arg12[%swap3A_575, %swap3A_576], %swap3A_579 {strides = array<i32>} : memref<1x768xf32, #tpu.memory_space<vmem>>, vector<1x16xf32>,
        %get3A_580 = arith.constant 0 : i32
        %get3A_581 = arith.index_cast %get3A_580 : i32 to index
        %get3A_582 = arith.constant 352 : index
        %get3A_583 = tpu.vector_load %arg10[%get3A_581, %get3A_582] {strides = array<i32>} : memref<1x768xf32, #tpu.memory_space<vmem>>, vector<1x16xf32>,
        %get3A_584 = vector.shape_cast %get3A_583 : vector<1x16xf32> to vector<16xf32>
        %get3A_585 = arith.constant 0 : i32
        %get3A_586 = arith.index_cast %get3A_585 : i32 to index
        %get3A_587 = arith.constant 352 : index
        %get3A_588 = tpu.vector_load %arg14[%get3A_586, %get3A_587] {strides = array<i32>} : memref<1x768xf32, #tpu.memory_space<vmem>>, vector<1x16xf32>,
        %get3A_589 = vector.shape_cast %get3A_588 : vector<1x16xf32> to vector<16xf32>
        %add3A_590 = arith.addf %get3A_584, %get3A_589 : vector<16xf32>
        %swap3A_591 = arith.constant 0 : i32
        %swap3A_592 = arith.index_cast %swap3A_591 : i32 to index
        %swap3A_593 = arith.constant 352 : index
        %swap3A_594 = tpu.vector_load %arg12[%swap3A_592, %swap3A_593] {strides = array<i32>} : memref<1x768xf32, #tpu.memory_space<vmem>>, vector<1x16xf32>,
        %swap3A_595 = vector.shape_cast %swap3A_594 : vector<1x16xf32> to vector<16xf32>
        %swap3A_596 = vector.shape_cast %add3A_590 : vector<16xf32> to vector<1x16xf32>
        tpu.vector_store %arg12[%swap3A_592, %swap3A_593], %swap3A_596 {strides = array<i32>} : memref<1x768xf32, #tpu.memory_space<vmem>>, vector<1x16xf32>,
        %get3A_597 = arith.constant 0 : i32
        %get3A_598 = arith.index_cast %get3A_597 : i32 to index
        %get3A_599 = arith.constant 368 : index
        %get3A_600 = tpu.vector_load %arg10[%get3A_598, %get3A_599] {strides = array<i32>} : memref<1x768xf32, #tpu.memory_space<vmem>>, vector<1x16xf32>,
        %get3A_601 = vector.shape_cast %get3A_600 : vector<1x16xf32> to vector<16xf32>
        %get3A_602 = arith.constant 0 : i32
        %get3A_603 = arith.index_cast %get3A_602 : i32 to index
        %get3A_604 = arith.constant 368 : index
        %get3A_605 = tpu.vector_load %arg14[%get3A_603, %get3A_604] {strides = array<i32>} : memref<1x768xf32, #tpu.memory_space<vmem>>, vector<1x16xf32>,
        %get3A_606 = vector.shape_cast %get3A_605 : vector<1x16xf32> to vector<16xf32>
        %add3A_607 = arith.addf %get3A_601, %get3A_606 : vector<16xf32>
        %swap3A_608 = arith.constant 0 : i32
        %swap3A_609 = arith.index_cast %swap3A_608 : i32 to index
        %swap3A_610 = arith.constant 368 : index
        %swap3A_611 = tpu.vector_load %arg12[%swap3A_609, %swap3A_610] {strides = array<i32>} : memref<1x768xf32, #tpu.memory_space<vmem>>, vector<1x16xf32>,
        %swap3A_612 = vector.shape_cast %swap3A_611 : vector<1x16xf32> to vector<16xf32>
        %swap3A_613 = vector.shape_cast %add3A_607 : vector<16xf32> to vector<1x16xf32>
        tpu.vector_store %arg12[%swap3A_609, %swap3A_610], %swap3A_613 {strides = array<i32>} : memref<1x768xf32, #tpu.memory_space<vmem>>, vector<1x16xf32>,
        %get3A_614 = arith.constant 0 : i32
        %get3A_615 = arith.index_cast %get3A_614 : i32 to index
        %get3A_616 = arith.constant 384 : index
        %get3A_617 = tpu.vector_load %arg10[%get3A_615, %get3A_616] {strides = array<i32>} : memref<1x768xf32, #tpu.memory_space<vmem>>, vector<1x16xf32>,
        %get3A_618 = vector.shape_cast %get3A_617 : vector<1x16xf32> to vector<16xf32>
        %get3A_619 = arith.constant 0 : i32
        %get3A_620 = arith.index_cast %get3A_619 : i32 to index
        %get3A_621 = arith.constant 384 : index
        %get3A_622 = tpu.vector_load %arg14[%get3A_620, %get3A_621] {strides = array<i32>} : memref<1x768xf32, #tpu.memory_space<vmem>>, vector<1x16xf32>,
        %get3A_623 = vector.shape_cast %get3A_622 : vector<1x16xf32> to vector<16xf32>
        %add3A_624 = arith.addf %get3A_618, %get3A_623 : vector<16xf32>
        %swap3A_625 = arith.constant 0 : i32
        %swap3A_626 = arith.index_cast %swap3A_625 : i32 to index
        %swap3A_627 = arith.constant 384 : index
        %swap3A_628 = tpu.vector_load %arg12[%swap3A_626, %swap3A_627] {strides = array<i32>} : memref<1x768xf32, #tpu.memory_space<vmem>>, vector<1x16xf32>,
        %swap3A_629 = vector.shape_cast %swap3A_628 : vector<1x16xf32> to vector<16xf32>
        %swap3A_630 = vector.shape_cast %add3A_624 : vector<16xf32> to vector<1x16xf32>
        tpu.vector_store %arg12[%swap3A_626, %swap3A_627], %swap3A_630 {strides = array<i32>} : memref<1x768xf32, #tpu.memory_space<vmem>>, vector<1x16xf32>,
        %get3A_631 = arith.constant 0 : i32
        %get3A_632 = arith.index_cast %get3A_631 : i32 to index
        %get3A_633 = arith.constant 400 : index
        %get3A_634 = tpu.vector_load %arg10[%get3A_632, %get3A_633] {strides = array<i32>} : memref<1x768xf32, #tpu.memory_space<vmem>>, vector<1x16xf32>,
        %get3A_635 = vector.shape_cast %get3A_634 : vector<1x16xf32> to vector<16xf32>
        %get3A_636 = arith.constant 0 : i32
        %get3A_637 = arith.index_cast %get3A_636 : i32 to index
        %get3A_638 = arith.constant 400 : index
        %get3A_639 = tpu.vector_load %arg14[%get3A_637, %get3A_638] {strides = array<i32>} : memref<1x768xf32, #tpu.memory_space<vmem>>, vector<1x16xf32>,
        %get3A_640 = vector.shape_cast %get3A_639 : vector<1x16xf32> to vector<16xf32>
        %add3A_641 = arith.addf %get3A_635, %get3A_640 : vector<16xf32>
        %swap3A_642 = arith.constant 0 : i32
        %swap3A_643 = arith.index_cast %swap3A_642 : i32 to index
        %swap3A_644 = arith.constant 400 : index
        %swap3A_645 = tpu.vector_load %arg12[%swap3A_643, %swap3A_644] {strides = array<i32>} : memref<1x768xf32, #tpu.memory_space<vmem>>, vector<1x16xf32>,
        %swap3A_646 = vector.shape_cast %swap3A_645 : vector<1x16xf32> to vector<16xf32>
        %swap3A_647 = vector.shape_cast %add3A_641 : vector<16xf32> to vector<1x16xf32>
        tpu.vector_store %arg12[%swap3A_643, %swap3A_644], %swap3A_647 {strides = array<i32>} : memref<1x768xf32, #tpu.memory_space<vmem>>, vector<1x16xf32>,
        %get3A_648 = arith.constant 0 : i32
        %get3A_649 = arith.index_cast %get3A_648 : i32 to index
        %get3A_650 = arith.constant 416 : index
        %get3A_651 = tpu.vector_load %arg10[%get3A_649, %get3A_650] {strides = array<i32>} : memref<1x768xf32, #tpu.memory_space<vmem>>, vector<1x16xf32>,
        %get3A_652 = vector.shape_cast %get3A_651 : vector<1x16xf32> to vector<16xf32>
        %get3A_653 = arith.constant 0 : i32
        %get3A_654 = arith.index_cast %get3A_653 : i32 to index
        %get3A_655 = arith.constant 416 : index
        %get3A_656 = tpu.vector_load %arg14[%get3A_654, %get3A_655] {strides = array<i32>} : memref<1x768xf32, #tpu.memory_space<vmem>>, vector<1x16xf32>,
        %get3A_657 = vector.shape_cast %get3A_656 : vector<1x16xf32> to vector<16xf32>
        %add3A_658 = arith.addf %get3A_652, %get3A_657 : vector<16xf32>
        %swap3A_659 = arith.constant 0 : i32
        %swap3A_660 = arith.index_cast %swap3A_659 : i32 to index
        %swap3A_661 = arith.constant 416 : index
        %swap3A_662 = tpu.vector_load %arg12[%swap3A_660, %swap3A_661] {strides = array<i32>} : memref<1x768xf32, #tpu.memory_space<vmem>>, vector<1x16xf32>,
        %swap3A_663 = vector.shape_cast %swap3A_662 : vector<1x16xf32> to vector<16xf32>
        %swap3A_664 = vector.shape_cast %add3A_658 : vector<16xf32> to vector<1x16xf32>
        tpu.vector_store %arg12[%swap3A_660, %swap3A_661], %swap3A_664 {strides = array<i32>} : memref<1x768xf32, #tpu.memory_space<vmem>>, vector<1x16xf32>,
        %get3A_665 = arith.constant 0 : i32
        %get3A_666 = arith.index_cast %get3A_665 : i32 to index
        %get3A_667 = arith.constant 432 : index
        %get3A_668 = tpu.vector_load %arg10[%get3A_666, %get3A_667] {strides = array<i32>} : memref<1x768xf32, #tpu.memory_space<vmem>>, vector<1x16xf32>,
        %get3A_669 = vector.shape_cast %get3A_668 : vector<1x16xf32> to vector<16xf32>
        %get3A_670 = arith.constant 0 : i32
        %get3A_671 = arith.index_cast %get3A_670 : i32 to index
        %get3A_672 = arith.constant 432 : index
        %get3A_673 = tpu.vector_load %arg14[%get3A_671, %get3A_672] {strides = array<i32>} : memref<1x768xf32, #tpu.memory_space<vmem>>, vector<1x16xf32>,
        %get3A_674 = vector.shape_cast %get3A_673 : vector<1x16xf32> to vector<16xf32>
        %add3A_675 = arith.addf %get3A_669, %get3A_674 : vector<16xf32>
        %swap3A_676 = arith.constant 0 : i32
        %swap3A_677 = arith.index_cast %swap3A_676 : i32 to index
        %swap3A_678 = arith.constant 432 : index
        %swap3A_679 = tpu.vector_load %arg12[%swap3A_677, %swap3A_678] {strides = array<i32>} : memref<1x768xf32, #tpu.memory_space<vmem>>, vector<1x16xf32>,
        %swap3A_680 = vector.shape_cast %swap3A_679 : vector<1x16xf32> to vector<16xf32>
        %swap3A_681 = vector.shape_cast %add3A_675 : vector<16xf32> to vector<1x16xf32>
        tpu.vector_store %arg12[%swap3A_677, %swap3A_678], %swap3A_681 {strides = array<i32>} : memref<1x768xf32, #tpu.memory_space<vmem>>, vector<1x16xf32>,
        %get3A_682 = arith.constant 0 : i32
        %get3A_683 = arith.index_cast %get3A_682 : i32 to index
        %get3A_684 = arith.constant 448 : index
        %get3A_685 = tpu.vector_load %arg10[%get3A_683, %get3A_684] {strides = array<i32>} : memref<1x768xf32, #tpu.memory_space<vmem>>, vector<1x16xf32>,
        %get3A_686 = vector.shape_cast %get3A_685 : vector<1x16xf32> to vector<16xf32>
        %get3A_687 = arith.constant 0 : i32
        %get3A_688 = arith.index_cast %get3A_687 : i32 to index
        %get3A_689 = arith.constant 448 : index
        %get3A_690 = tpu.vector_load %arg14[%get3A_688, %get3A_689] {strides = array<i32>} : memref<1x768xf32, #tpu.memory_space<vmem>>, vector<1x16xf32>,
        %get3A_691 = vector.shape_cast %get3A_690 : vector<1x16xf32> to vector<16xf32>
        %add3A_692 = arith.addf %get3A_686, %get3A_691 : vector<16xf32>
        %swap3A_693 = arith.constant 0 : i32
        %swap3A_694 = arith.index_cast %swap3A_693 : i32 to index
        %swap3A_695 = arith.constant 448 : index
        %swap3A_696 = tpu.vector_load %arg12[%swap3A_694, %swap3A_695] {strides = array<i32>} : memref<1x768xf32, #tpu.memory_space<vmem>>, vector<1x16xf32>,
        %swap3A_697 = vector.shape_cast %swap3A_696 : vector<1x16xf32> to vector<16xf32>
        %swap3A_698 = vector.shape_cast %add3A_692 : vector<16xf32> to vector<1x16xf32>
        tpu.vector_store %arg12[%swap3A_694, %swap3A_695], %swap3A_698 {strides = array<i32>} : memref<1x768xf32, #tpu.memory_space<vmem>>, vector<1x16xf32>,
        %get3A_699 = arith.constant 0 : i32
        %get3A_700 = arith.index_cast %get3A_699 : i32 to index
        %get3A_701 = arith.constant 464 : index
        %get3A_702 = tpu.vector_load %arg10[%get3A_700, %get3A_701] {strides = array<i32>} : memref<1x768xf32, #tpu.memory_space<vmem>>, vector<1x16xf32>,
        %get3A_703 = vector.shape_cast %get3A_702 : vector<1x16xf32> to vector<16xf32>
        %get3A_704 = arith.constant 0 : i32
        %get3A_705 = arith.index_cast %get3A_704 : i32 to index
        %get3A_706 = arith.constant 464 : index
        %get3A_707 = tpu.vector_load %arg14[%get3A_705, %get3A_706] {strides = array<i32>} : memref<1x768xf32, #tpu.memory_space<vmem>>, vector<1x16xf32>,
        %get3A_708 = vector.shape_cast %get3A_707 : vector<1x16xf32> to vector<16xf32>
        %add3A_709 = arith.addf %get3A_703, %get3A_708 : vector<16xf32>
        %swap3A_710 = arith.constant 0 : i32
        %swap3A_711 = arith.index_cast %swap3A_710 : i32 to index
        %swap3A_712 = arith.constant 464 : index
        %swap3A_713 = tpu.vector_load %arg12[%swap3A_711, %swap3A_712] {strides = array<i32>} : memref<1x768xf32, #tpu.memory_space<vmem>>, vector<1x16xf32>,
        %swap3A_714 = vector.shape_cast %swap3A_713 : vector<1x16xf32> to vector<16xf32>
        %swap3A_715 = vector.shape_cast %add3A_709 : vector<16xf32> to vector<1x16xf32>
        tpu.vector_store %arg12[%swap3A_711, %swap3A_712], %swap3A_715 {strides = array<i32>} : memref<1x768xf32, #tpu.memory_space<vmem>>, vector<1x16xf32>,
        %get3A_716 = arith.constant 0 : i32
        %get3A_717 = arith.index_cast %get3A_716 : i32 to index
        %get3A_718 = arith.constant 480 : index
        %get3A_719 = tpu.vector_load %arg10[%get3A_717, %get3A_718] {strides = array<i32>} : memref<1x768xf32, #tpu.memory_space<vmem>>, vector<1x16xf32>,
        %get3A_720 = vector.shape_cast %get3A_719 : vector<1x16xf32> to vector<16xf32>
        %get3A_721 = arith.constant 0 : i32
        %get3A_722 = arith.index_cast %get3A_721 : i32 to index
        %get3A_723 = arith.constant 480 : index
        %get3A_724 = tpu.vector_load %arg14[%get3A_722, %get3A_723] {strides = array<i32>} : memref<1x768xf32, #tpu.memory_space<vmem>>, vector<1x16xf32>,
        %get3A_725 = vector.shape_cast %get3A_724 : vector<1x16xf32> to vector<16xf32>
        %add3A_726 = arith.addf %get3A_720, %get3A_725 : vector<16xf32>
        %swap3A_727 = arith.constant 0 : i32
        %swap3A_728 = arith.index_cast %swap3A_727 : i32 to index
        %swap3A_729 = arith.constant 480 : index
        %swap3A_730 = tpu.vector_load %arg12[%swap3A_728, %swap3A_729] {strides = array<i32>} : memref<1x768xf32, #tpu.memory_space<vmem>>, vector<1x16xf32>,
        %swap3A_731 = vector.shape_cast %swap3A_730 : vector<1x16xf32> to vector<16xf32>
        %swap3A_732 = vector.shape_cast %add3A_726 : vector<16xf32> to vector<1x16xf32>
        tpu.vector_store %arg12[%swap3A_728, %swap3A_729], %swap3A_732 {strides = array<i32>} : memref<1x768xf32, #tpu.memory_space<vmem>>, vector<1x16xf32>,
        %get3A_733 = arith.constant 0 : i32
        %get3A_734 = arith.index_cast %get3A_733 : i32 to index
        %get3A_735 = arith.constant 496 : index
        %get3A_736 = tpu.vector_load %arg10[%get3A_734, %get3A_735] {strides = array<i32>} : memref<1x768xf32, #tpu.memory_space<vmem>>, vector<1x16xf32>,
        %get3A_737 = vector.shape_cast %get3A_736 : vector<1x16xf32> to vector<16xf32>
        %get3A_738 = arith.constant 0 : i32
        %get3A_739 = arith.index_cast %get3A_738 : i32 to index
        %get3A_740 = arith.constant 496 : index
        %get3A_741 = tpu.vector_load %arg14[%get3A_739, %get3A_740] {strides = array<i32>} : memref<1x768xf32, #tpu.memory_space<vmem>>, vector<1x16xf32>,
        %get3A_742 = vector.shape_cast %get3A_741 : vector<1x16xf32> to vector<16xf32>
        %add3A_743 = arith.addf %get3A_737, %get3A_742 : vector<16xf32>
        %swap3A_744 = arith.constant 0 : i32
        %swap3A_745 = arith.index_cast %swap3A_744 : i32 to index
        %swap3A_746 = arith.constant 496 : index
        %swap3A_747 = tpu.vector_load %arg12[%swap3A_745, %swap3A_746] {strides = array<i32>} : memref<1x768xf32, #tpu.memory_space<vmem>>, vector<1x16xf32>,
        %swap3A_748 = vector.shape_cast %swap3A_747 : vector<1x16xf32> to vector<16xf32>
        %swap3A_749 = vector.shape_cast %add3A_743 : vector<16xf32> to vector<1x16xf32>
        tpu.vector_store %arg12[%swap3A_745, %swap3A_746], %swap3A_749 {strides = array<i32>} : memref<1x768xf32, #tpu.memory_space<vmem>>, vector<1x16xf32>,
        %get3A_750 = arith.constant 0 : i32
        %get3A_751 = arith.index_cast %get3A_750 : i32 to index
        %get3A_752 = arith.constant 512 : index
        %get3A_753 = tpu.vector_load %arg10[%get3A_751, %get3A_752] {strides = array<i32>} : memref<1x768xf32, #tpu.memory_space<vmem>>, vector<1x16xf32>,
        %get3A_754 = vector.shape_cast %get3A_753 : vector<1x16xf32> to vector<16xf32>
        %get3A_755 = arith.constant 0 : i32
        %get3A_756 = arith.index_cast %get3A_755 : i32 to index
        %get3A_757 = arith.constant 512 : index
        %get3A_758 = tpu.vector_load %arg14[%get3A_756, %get3A_757] {strides = array<i32>} : memref<1x768xf32, #tpu.memory_space<vmem>>, vector<1x16xf32>,
        %get3A_759 = vector.shape_cast %get3A_758 : vector<1x16xf32> to vector<16xf32>
        %add3A_760 = arith.addf %get3A_754, %get3A_759 : vector<16xf32>
        %swap3A_761 = arith.constant 0 : i32
        %swap3A_762 = arith.index_cast %swap3A_761 : i32 to index
        %swap3A_763 = arith.constant 512 : index
        %swap3A_764 = tpu.vector_load %arg12[%swap3A_762, %swap3A_763] {strides = array<i32>} : memref<1x768xf32, #tpu.memory_space<vmem>>, vector<1x16xf32>,
        %swap3A_765 = vector.shape_cast %swap3A_764 : vector<1x16xf32> to vector<16xf32>
        %swap3A_766 = vector.shape_cast %add3A_760 : vector<16xf32> to vector<1x16xf32>
        tpu.vector_store %arg12[%swap3A_762, %swap3A_763], %swap3A_766 {strides = array<i32>} : memref<1x768xf32, #tpu.memory_space<vmem>>, vector<1x16xf32>,
        %get3A_767 = arith.constant 0 : i32
        %get3A_768 = arith.index_cast %get3A_767 : i32 to index
        %get3A_769 = arith.constant 528 : index
        %get3A_770 = tpu.vector_load %arg10[%get3A_768, %get3A_769] {strides = array<i32>} : memref<1x768xf32, #tpu.memory_space<vmem>>, vector<1x16xf32>,
        %get3A_771 = vector.shape_cast %get3A_770 : vector<1x16xf32> to vector<16xf32>
        %get3A_772 = arith.constant 0 : i32
        %get3A_773 = arith.index_cast %get3A_772 : i32 to index
        %get3A_774 = arith.constant 528 : index
        %get3A_775 = tpu.vector_load %arg14[%get3A_773, %get3A_774] {strides = array<i32>} : memref<1x768xf32, #tpu.memory_space<vmem>>, vector<1x16xf32>,
        %get3A_776 = vector.shape_cast %get3A_775 : vector<1x16xf32> to vector<16xf32>
        %add3A_777 = arith.addf %get3A_771, %get3A_776 : vector<16xf32>
        %swap3A_778 = arith.constant 0 : i32
        %swap3A_779 = arith.index_cast %swap3A_778 : i32 to index
        %swap3A_780 = arith.constant 528 : index
        %swap3A_781 = tpu.vector_load %arg12[%swap3A_779, %swap3A_780] {strides = array<i32>} : memref<1x768xf32, #tpu.memory_space<vmem>>, vector<1x16xf32>,
        %swap3A_782 = vector.shape_cast %swap3A_781 : vector<1x16xf32> to vector<16xf32>
        %swap3A_783 = vector.shape_cast %add3A_777 : vector<16xf32> to vector<1x16xf32>
        tpu.vector_store %arg12[%swap3A_779, %swap3A_780], %swap3A_783 {strides = array<i32>} : memref<1x768xf32, #tpu.memory_space<vmem>>, vector<1x16xf32>,
        %get3A_784 = arith.constant 0 : i32
        %get3A_785 = arith.index_cast %get3A_784 : i32 to index
        %get3A_786 = arith.constant 544 : index
        %get3A_787 = tpu.vector_load %arg10[%get3A_785, %get3A_786] {strides = array<i32>} : memref<1x768xf32, #tpu.memory_space<vmem>>, vector<1x16xf32>,
        %get3A_788 = vector.shape_cast %get3A_787 : vector<1x16xf32> to vector<16xf32>
        %get3A_789 = arith.constant 0 : i32
        %get3A_790 = arith.index_cast %get3A_789 : i32 to index
        %get3A_791 = arith.constant 544 : index
        %get3A_792 = tpu.vector_load %arg14[%get3A_790, %get3A_791] {strides = array<i32>} : memref<1x768xf32, #tpu.memory_space<vmem>>, vector<1x16xf32>,
        %get3A_793 = vector.shape_cast %get3A_792 : vector<1x16xf32> to vector<16xf32>
        %add3A_794 = arith.addf %get3A_788, %get3A_793 : vector<16xf32>
        %swap3A_795 = arith.constant 0 : i32
        %swap3A_796 = arith.index_cast %swap3A_795 : i32 to index
        %swap3A_797 = arith.constant 544 : index
        %swap3A_798 = tpu.vector_load %arg12[%swap3A_796, %swap3A_797] {strides = array<i32>} : memref<1x768xf32, #tpu.memory_space<vmem>>, vector<1x16xf32>,
        %swap3A_799 = vector.shape_cast %swap3A_798 : vector<1x16xf32> to vector<16xf32>
        %swap3A_800 = vector.shape_cast %add3A_794 : vector<16xf32> to vector<1x16xf32>
        tpu.vector_store %arg12[%swap3A_796, %swap3A_797], %swap3A_800 {strides = array<i32>} : memref<1x768xf32, #tpu.memory_space<vmem>>, vector<1x16xf32>,
        %get3A_801 = arith.constant 0 : i32
        %get3A_802 = arith.index_cast %get3A_801 : i32 to index
        %get3A_803 = arith.constant 560 : index
        %get3A_804 = tpu.vector_load %arg10[%get3A_802, %get3A_803] {strides = array<i32>} : memref<1x768xf32, #tpu.memory_space<vmem>>, vector<1x16xf32>,
        %get3A_805 = vector.shape_cast %get3A_804 : vector<1x16xf32> to vector<16xf32>
        %get3A_806 = arith.constant 0 : i32
        %get3A_807 = arith.index_cast %get3A_806 : i32 to index
        %get3A_808 = arith.constant 560 : index
        %get3A_809 = tpu.vector_load %arg14[%get3A_807, %get3A_808] {strides = array<i32>} : memref<1x768xf32, #tpu.memory_space<vmem>>, vector<1x16xf32>,
        %get3A_810 = vector.shape_cast %get3A_809 : vector<1x16xf32> to vector<16xf32>
        %add3A_811 = arith.addf %get3A_805, %get3A_810 : vector<16xf32>
        %swap3A_812 = arith.constant 0 : i32
        %swap3A_813 = arith.index_cast %swap3A_812 : i32 to index
        %swap3A_814 = arith.constant 560 : index
        %swap3A_815 = tpu.vector_load %arg12[%swap3A_813, %swap3A_814] {strides = array<i32>} : memref<1x768xf32, #tpu.memory_space<vmem>>, vector<1x16xf32>,
        %swap3A_816 = vector.shape_cast %swap3A_815 : vector<1x16xf32> to vector<16xf32>
        %swap3A_817 = vector.shape_cast %add3A_811 : vector<16xf32> to vector<1x16xf32>
        tpu.vector_store %arg12[%swap3A_813, %swap3A_814], %swap3A_817 {strides = array<i32>} : memref<1x768xf32, #tpu.memory_space<vmem>>, vector<1x16xf32>,
        %get3A_818 = arith.constant 0 : i32
        %get3A_819 = arith.index_cast %get3A_818 : i32 to index
        %get3A_820 = arith.constant 576 : index
        %get3A_821 = tpu.vector_load %arg10[%get3A_819, %get3A_820] {strides = array<i32>} : memref<1x768xf32, #tpu.memory_space<vmem>>, vector<1x16xf32>,
        %get3A_822 = vector.shape_cast %get3A_821 : vector<1x16xf32> to vector<16xf32>
        %get3A_823 = arith.constant 0 : i32
        %get3A_824 = arith.index_cast %get3A_823 : i32 to index
        %get3A_825 = arith.constant 576 : index
        %get3A_826 = tpu.vector_load %arg14[%get3A_824, %get3A_825] {strides = array<i32>} : memref<1x768xf32, #tpu.memory_space<vmem>>, vector<1x16xf32>,
        %get3A_827 = vector.shape_cast %get3A_826 : vector<1x16xf32> to vector<16xf32>
        %add3A_828 = arith.addf %get3A_822, %get3A_827 : vector<16xf32>
        %swap3A_829 = arith.constant 0 : i32
        %swap3A_830 = arith.index_cast %swap3A_829 : i32 to index
        %swap3A_831 = arith.constant 576 : index
        %swap3A_832 = tpu.vector_load %arg12[%swap3A_830, %swap3A_831] {strides = array<i32>} : memref<1x768xf32, #tpu.memory_space<vmem>>, vector<1x16xf32>,
        %swap3A_833 = vector.shape_cast %swap3A_832 : vector<1x16xf32> to vector<16xf32>
        %swap3A_834 = vector.shape_cast %add3A_828 : vector<16xf32> to vector<1x16xf32>
        tpu.vector_store %arg12[%swap3A_830, %swap3A_831], %swap3A_834 {strides = array<i32>} : memref<1x768xf32, #tpu.memory_space<vmem>>, vector<1x16xf32>,
        %get3A_835 = arith.constant 0 : i32
        %get3A_836 = arith.index_cast %get3A_835 : i32 to index
        %get3A_837 = arith.constant 592 : index
        %get3A_838 = tpu.vector_load %arg10[%get3A_836, %get3A_837] {strides = array<i32>} : memref<1x768xf32, #tpu.memory_space<vmem>>, vector<1x16xf32>,
        %get3A_839 = vector.shape_cast %get3A_838 : vector<1x16xf32> to vector<16xf32>
        %get3A_840 = arith.constant 0 : i32
        %get3A_841 = arith.index_cast %get3A_840 : i32 to index
        %get3A_842 = arith.constant 592 : index
        %get3A_843 = tpu.vector_load %arg14[%get3A_841, %get3A_842] {strides = array<i32>} : memref<1x768xf32, #tpu.memory_space<vmem>>, vector<1x16xf32>,
        %get3A_844 = vector.shape_cast %get3A_843 : vector<1x16xf32> to vector<16xf32>
        %add3A_845 = arith.addf %get3A_839, %get3A_844 : vector<16xf32>
        %swap3A_846 = arith.constant 0 : i32
        %swap3A_847 = arith.index_cast %swap3A_846 : i32 to index
        %swap3A_848 = arith.constant 592 : index
        %swap3A_849 = tpu.vector_load %arg12[%swap3A_847, %swap3A_848] {strides = array<i32>} : memref<1x768xf32, #tpu.memory_space<vmem>>, vector<1x16xf32>,
        %swap3A_850 = vector.shape_cast %swap3A_849 : vector<1x16xf32> to vector<16xf32>
        %swap3A_851 = vector.shape_cast %add3A_845 : vector<16xf32> to vector<1x16xf32>
        tpu.vector_store %arg12[%swap3A_847, %swap3A_848], %swap3A_851 {strides = array<i32>} : memref<1x768xf32, #tpu.memory_space<vmem>>, vector<1x16xf32>,
        %get3A_852 = arith.constant 0 : i32
        %get3A_853 = arith.index_cast %get3A_852 : i32 to index
        %get3A_854 = arith.constant 608 : index
        %get3A_855 = tpu.vector_load %arg10[%get3A_853, %get3A_854] {strides = array<i32>} : memref<1x768xf32, #tpu.memory_space<vmem>>, vector<1x16xf32>,
        %get3A_856 = vector.shape_cast %get3A_855 : vector<1x16xf32> to vector<16xf32>
        %get3A_857 = arith.constant 0 : i32
        %get3A_858 = arith.index_cast %get3A_857 : i32 to index
        %get3A_859 = arith.constant 608 : index
        %get3A_860 = tpu.vector_load %arg14[%get3A_858, %get3A_859] {strides = array<i32>} : memref<1x768xf32, #tpu.memory_space<vmem>>, vector<1x16xf32>,
        %get3A_861 = vector.shape_cast %get3A_860 : vector<1x16xf32> to vector<16xf32>
        %add3A_862 = arith.addf %get3A_856, %get3A_861 : vector<16xf32>
        %swap3A_863 = arith.constant 0 : i32
        %swap3A_864 = arith.index_cast %swap3A_863 : i32 to index
        %swap3A_865 = arith.constant 608 : index
        %swap3A_866 = tpu.vector_load %arg12[%swap3A_864, %swap3A_865] {strides = array<i32>} : memref<1x768xf32, #tpu.memory_space<vmem>>, vector<1x16xf32>,
        %swap3A_867 = vector.shape_cast %swap3A_866 : vector<1x16xf32> to vector<16xf32>
        %swap3A_868 = vector.shape_cast %add3A_862 : vector<16xf32> to vector<1x16xf32>
        tpu.vector_store %arg12[%swap3A_864, %swap3A_865], %swap3A_868 {strides = array<i32>} : memref<1x768xf32, #tpu.memory_space<vmem>>, vector<1x16xf32>,
        %get3A_869 = arith.constant 0 : i32
        %get3A_870 = arith.index_cast %get3A_869 : i32 to index
        %get3A_871 = arith.constant 624 : index
        %get3A_872 = tpu.vector_load %arg10[%get3A_870, %get3A_871] {strides = array<i32>} : memref<1x768xf32, #tpu.memory_space<vmem>>, vector<1x16xf32>,
        %get3A_873 = vector.shape_cast %get3A_872 : vector<1x16xf32> to vector<16xf32>
        %get3A_874 = arith.constant 0 : i32
        %get3A_875 = arith.index_cast %get3A_874 : i32 to index
        %get3A_876 = arith.constant 624 : index
        %get3A_877 = tpu.vector_load %arg14[%get3A_875, %get3A_876] {strides = array<i32>} : memref<1x768xf32, #tpu.memory_space<vmem>>, vector<1x16xf32>,
        %get3A_878 = vector.shape_cast %get3A_877 : vector<1x16xf32> to vector<16xf32>
        %add3A_879 = arith.addf %get3A_873, %get3A_878 : vector<16xf32>
        %swap3A_880 = arith.constant 0 : i32
        %swap3A_881 = arith.index_cast %swap3A_880 : i32 to index
        %swap3A_882 = arith.constant 624 : index
        %swap3A_883 = tpu.vector_load %arg12[%swap3A_881, %swap3A_882] {strides = array<i32>} : memref<1x768xf32, #tpu.memory_space<vmem>>, vector<1x16xf32>,
        %swap3A_884 = vector.shape_cast %swap3A_883 : vector<1x16xf32> to vector<16xf32>
        %swap3A_885 = vector.shape_cast %add3A_879 : vector<16xf32> to vector<1x16xf32>
        tpu.vector_store %arg12[%swap3A_881, %swap3A_882], %swap3A_885 {strides = array<i32>} : memref<1x768xf32, #tpu.memory_space<vmem>>, vector<1x16xf32>,
        %get3A_886 = arith.constant 0 : i32
        %get3A_887 = arith.index_cast %get3A_886 : i32 to index
        %get3A_888 = arith.constant 640 : index
        %get3A_889 = tpu.vector_load %arg10[%get3A_887, %get3A_888] {strides = array<i32>} : memref<1x768xf32, #tpu.memory_space<vmem>>, vector<1x16xf32>,
        %get3A_890 = vector.shape_cast %get3A_889 : vector<1x16xf32> to vector<16xf32>
        %get3A_891 = arith.constant 0 : i32
        %get3A_892 = arith.index_cast %get3A_891 : i32 to index
        %get3A_893 = arith.constant 640 : index
        %get3A_894 = tpu.vector_load %arg14[%get3A_892, %get3A_893] {strides = array<i32>} : memref<1x768xf32, #tpu.memory_space<vmem>>, vector<1x16xf32>,
        %get3A_895 = vector.shape_cast %get3A_894 : vector<1x16xf32> to vector<16xf32>
        %add3A_896 = arith.addf %get3A_890, %get3A_895 : vector<16xf32>
        %swap3A_897 = arith.constant 0 : i32
        %swap3A_898 = arith.index_cast %swap3A_897 : i32 to index
        %swap3A_899 = arith.constant 640 : index
        %swap3A_900 = tpu.vector_load %arg12[%swap3A_898, %swap3A_899] {strides = array<i32>} : memref<1x768xf32, #tpu.memory_space<vmem>>, vector<1x16xf32>,
        %swap3A_901 = vector.shape_cast %swap3A_900 : vector<1x16xf32> to vector<16xf32>
        %swap3A_902 = vector.shape_cast %add3A_896 : vector<16xf32> to vector<1x16xf32>
        tpu.vector_store %arg12[%swap3A_898, %swap3A_899], %swap3A_902 {strides = array<i32>} : memref<1x768xf32, #tpu.memory_space<vmem>>, vector<1x16xf32>,
        %get3A_903 = arith.constant 0 : i32
        %get3A_904 = arith.index_cast %get3A_903 : i32 to index
        %get3A_905 = arith.constant 656 : index
        %get3A_906 = tpu.vector_load %arg10[%get3A_904, %get3A_905] {strides = array<i32>} : memref<1x768xf32, #tpu.memory_space<vmem>>, vector<1x16xf32>,
        %get3A_907 = vector.shape_cast %get3A_906 : vector<1x16xf32> to vector<16xf32>
        %get3A_908 = arith.constant 0 : i32
        %get3A_909 = arith.index_cast %get3A_908 : i32 to index
        %get3A_910 = arith.constant 656 : index
        %get3A_911 = tpu.vector_load %arg14[%get3A_909, %get3A_910] {strides = array<i32>} : memref<1x768xf32, #tpu.memory_space<vmem>>, vector<1x16xf32>,
        %get3A_912 = vector.shape_cast %get3A_911 : vector<1x16xf32> to vector<16xf32>
        %add3A_913 = arith.addf %get3A_907, %get3A_912 : vector<16xf32>
        %swap3A_914 = arith.constant 0 : i32
        %swap3A_915 = arith.index_cast %swap3A_914 : i32 to index
        %swap3A_916 = arith.constant 656 : index
        %swap3A_917 = tpu.vector_load %arg12[%swap3A_915, %swap3A_916] {strides = array<i32>} : memref<1x768xf32, #tpu.memory_space<vmem>>, vector<1x16xf32>,
        %swap3A_918 = vector.shape_cast %swap3A_917 : vector<1x16xf32> to vector<16xf32>
        %swap3A_919 = vector.shape_cast %add3A_913 : vector<16xf32> to vector<1x16xf32>
        tpu.vector_store %arg12[%swap3A_915, %swap3A_916], %swap3A_919 {strides = array<i32>} : memref<1x768xf32, #tpu.memory_space<vmem>>, vector<1x16xf32>,
        %get3A_920 = arith.constant 0 : i32
        %get3A_921 = arith.index_cast %get3A_920 : i32 to index
        %get3A_922 = arith.constant 672 : index
        %get3A_923 = tpu.vector_load %arg10[%get3A_921, %get3A_922] {strides = array<i32>} : memref<1x768xf32, #tpu.memory_space<vmem>>, vector<1x16xf32>,
        %get3A_924 = vector.shape_cast %get3A_923 : vector<1x16xf32> to vector<16xf32>
        %get3A_925 = arith.constant 0 : i32
        %get3A_926 = arith.index_cast %get3A_925 : i32 to index
        %get3A_927 = arith.constant 672 : index
        %get3A_928 = tpu.vector_load %arg14[%get3A_926, %get3A_927] {strides = array<i32>} : memref<1x768xf32, #tpu.memory_space<vmem>>, vector<1x16xf32>,
        %get3A_929 = vector.shape_cast %get3A_928 : vector<1x16xf32> to vector<16xf32>
        %add3A_930 = arith.addf %get3A_924, %get3A_929 : vector<16xf32>
        %swap3A_931 = arith.constant 0 : i32
        %swap3A_932 = arith.index_cast %swap3A_931 : i32 to index
        %swap3A_933 = arith.constant 672 : index
        %swap3A_934 = tpu.vector_load %arg12[%swap3A_932, %swap3A_933] {strides = array<i32>} : memref<1x768xf32, #tpu.memory_space<vmem>>, vector<1x16xf32>,
        %swap3A_935 = vector.shape_cast %swap3A_934 : vector<1x16xf32> to vector<16xf32>
        %swap3A_936 = vector.shape_cast %add3A_930 : vector<16xf32> to vector<1x16xf32>
        tpu.vector_store %arg12[%swap3A_932, %swap3A_933], %swap3A_936 {strides = array<i32>} : memref<1x768xf32, #tpu.memory_space<vmem>>, vector<1x16xf32>,
        %get3A_937 = arith.constant 0 : i32
        %get3A_938 = arith.index_cast %get3A_937 : i32 to index
        %get3A_939 = arith.constant 688 : index
        %get3A_940 = tpu.vector_load %arg10[%get3A_938, %get3A_939] {strides = array<i32>} : memref<1x768xf32, #tpu.memory_space<vmem>>, vector<1x16xf32>,
        %get3A_941 = vector.shape_cast %get3A_940 : vector<1x16xf32> to vector<16xf32>
        %get3A_942 = arith.constant 0 : i32
        %get3A_943 = arith.index_cast %get3A_942 : i32 to index
        %get3A_944 = arith.constant 688 : index
        %get3A_945 = tpu.vector_load %arg14[%get3A_943, %get3A_944] {strides = array<i32>} : memref<1x768xf32, #tpu.memory_space<vmem>>, vector<1x16xf32>,
        %get3A_946 = vector.shape_cast %get3A_945 : vector<1x16xf32> to vector<16xf32>
        %add3A_947 = arith.addf %get3A_941, %get3A_946 : vector<16xf32>
        %swap3A_948 = arith.constant 0 : i32
        %swap3A_949 = arith.index_cast %swap3A_948 : i32 to index
        %swap3A_950 = arith.constant 688 : index
        %swap3A_951 = tpu.vector_load %arg12[%swap3A_949, %swap3A_950] {strides = array<i32>} : memref<1x768xf32, #tpu.memory_space<vmem>>, vector<1x16xf32>,
        %swap3A_952 = vector.shape_cast %swap3A_951 : vector<1x16xf32> to vector<16xf32>
        %swap3A_953 = vector.shape_cast %add3A_947 : vector<16xf32> to vector<1x16xf32>
        tpu.vector_store %arg12[%swap3A_949, %swap3A_950], %swap3A_953 {strides = array<i32>} : memref<1x768xf32, #tpu.memory_space<vmem>>, vector<1x16xf32>,
        %get3A_954 = arith.constant 0 : i32
        %get3A_955 = arith.index_cast %get3A_954 : i32 to index
        %get3A_956 = arith.constant 704 : index
        %get3A_957 = tpu.vector_load %arg10[%get3A_955, %get3A_956] {strides = array<i32>} : memref<1x768xf32, #tpu.memory_space<vmem>>, vector<1x16xf32>,
        %get3A_958 = vector.shape_cast %get3A_957 : vector<1x16xf32> to vector<16xf32>
        %get3A_959 = arith.constant 0 : i32
        %get3A_960 = arith.index_cast %get3A_959 : i32 to index
        %get3A_961 = arith.constant 704 : index
        %get3A_962 = tpu.vector_load %arg14[%get3A_960, %get3A_961] {strides = array<i32>} : memref<1x768xf32, #tpu.memory_space<vmem>>, vector<1x16xf32>,
        %get3A_963 = vector.shape_cast %get3A_962 : vector<1x16xf32> to vector<16xf32>
        %add3A_964 = arith.addf %get3A_958, %get3A_963 : vector<16xf32>
        %swap3A_965 = arith.constant 0 : i32
        %swap3A_966 = arith.index_cast %swap3A_965 : i32 to index
        %swap3A_967 = arith.constant 704 : index
        %swap3A_968 = tpu.vector_load %arg12[%swap3A_966, %swap3A_967] {strides = array<i32>} : memref<1x768xf32, #tpu.memory_space<vmem>>, vector<1x16xf32>,
        %swap3A_969 = vector.shape_cast %swap3A_968 : vector<1x16xf32> to vector<16xf32>
        %swap3A_970 = vector.shape_cast %add3A_964 : vector<16xf32> to vector<1x16xf32>
        tpu.vector_store %arg12[%swap3A_966, %swap3A_967], %swap3A_970 {strides = array<i32>} : memref<1x768xf32, #tpu.memory_space<vmem>>, vector<1x16xf32>,
        %get3A_971 = arith.constant 0 : i32
        %get3A_972 = arith.index_cast %get3A_971 : i32 to index
        %get3A_973 = arith.constant 720 : index
        %get3A_974 = tpu.vector_load %arg10[%get3A_972, %get3A_973] {strides = array<i32>} : memref<1x768xf32, #tpu.memory_space<vmem>>, vector<1x16xf32>,
        %get3A_975 = vector.shape_cast %get3A_974 : vector<1x16xf32> to vector<16xf32>
        %get3A_976 = arith.constant 0 : i32
        %get3A_977 = arith.index_cast %get3A_976 : i32 to index
        %get3A_978 = arith.constant 720 : index
        %get3A_979 = tpu.vector_load %arg14[%get3A_977, %get3A_978] {strides = array<i32>} : memref<1x768xf32, #tpu.memory_space<vmem>>, vector<1x16xf32>,
        %get3A_980 = vector.shape_cast %get3A_979 : vector<1x16xf32> to vector<16xf32>
        %add3A_981 = arith.addf %get3A_975, %get3A_980 : vector<16xf32>
        %swap3A_982 = arith.constant 0 : i32
        %swap3A_983 = arith.index_cast %swap3A_982 : i32 to index
        %swap3A_984 = arith.constant 720 : index
        %swap3A_985 = tpu.vector_load %arg12[%swap3A_983, %swap3A_984] {strides = array<i32>} : memref<1x768xf32, #tpu.memory_space<vmem>>, vector<1x16xf32>,
        %swap3A_986 = vector.shape_cast %swap3A_985 : vector<1x16xf32> to vector<16xf32>
        %swap3A_987 = vector.shape_cast %add3A_981 : vector<16xf32> to vector<1x16xf32>
        tpu.vector_store %arg12[%swap3A_983, %swap3A_984], %swap3A_987 {strides = array<i32>} : memref<1x768xf32, #tpu.memory_space<vmem>>, vector<1x16xf32>,
        %get3A_988 = arith.constant 0 : i32
        %get3A_989 = arith.index_cast %get3A_988 : i32 to index
        %get3A_990 = arith.constant 736 : index
        %get3A_991 = tpu.vector_load %arg10[%get3A_989, %get3A_990] {strides = array<i32>} : memref<1x768xf32, #tpu.memory_space<vmem>>, vector<1x16xf32>,
        %get3A_992 = vector.shape_cast %get3A_991 : vector<1x16xf32> to vector<16xf32>
        %get3A_993 = arith.constant 0 : i32
        %get3A_994 = arith.index_cast %get3A_993 : i32 to index
        %get3A_995 = arith.constant 736 : index
        %get3A_996 = tpu.vector_load %arg14[%get3A_994, %get3A_995] {strides = array<i32>} : memref<1x768xf32, #tpu.memory_space<vmem>>, vector<1x16xf32>,
        %get3A_997 = vector.shape_cast %get3A_996 : vector<1x16xf32> to vector<16xf32>
        %add3A_998 = arith.addf %get3A_992, %get3A_997 : vector<16xf32>
        %swap3A_999 = arith.constant 0 : i32
        %swap3A_1000 = arith.index_cast %swap3A_999 : i32 to index
        %swap3A_1001 = arith.constant 736 : index
        %swap3A_1002 = tpu.vector_load %arg12[%swap3A_1000, %swap3A_1001] {strides = array<i32>} : memref<1x768xf32, #tpu.memory_space<vmem>>, vector<1x16xf32>,
        %swap3A_1003 = vector.shape_cast %swap3A_1002 : vector<1x16xf32> to vector<16xf32>
        %swap3A_1004 = vector.shape_cast %add3A_998 : vector<16xf32> to vector<1x16xf32>
        tpu.vector_store %arg12[%swap3A_1000, %swap3A_1001], %swap3A_1004 {strides = array<i32>} : memref<1x768xf32, #tpu.memory_space<vmem>>, vector<1x16xf32>,
        %get3A_1005 = arith.constant 0 : i32
        %get3A_1006 = arith.index_cast %get3A_1005 : i32 to index
        %get3A_1007 = arith.constant 752 : index
        %get3A_1008 = tpu.vector_load %arg10[%get3A_1006, %get3A_1007] {strides = array<i32>} : memref<1x768xf32, #tpu.memory_space<vmem>>, vector<1x16xf32>,
        %get3A_1009 = vector.shape_cast %get3A_1008 : vector<1x16xf32> to vector<16xf32>
        %get3A_1010 = arith.constant 0 : i32
        %get3A_1011 = arith.index_cast %get3A_1010 : i32 to index
        %get3A_1012 = arith.constant 752 : index
        %get3A_1013 = tpu.vector_load %arg14[%get3A_1011, %get3A_1012] {strides = array<i32>} : memref<1x768xf32, #tpu.memory_space<vmem>>, vector<1x16xf32>,
        %get3A_1014 = vector.shape_cast %get3A_1013 : vector<1x16xf32> to vector<16xf32>
        %add3A_1015 = arith.addf %get3A_1009, %get3A_1014 : vector<16xf32>
        %swap3A_1016 = arith.constant 0 : i32
        %swap3A_1017 = arith.index_cast %swap3A_1016 : i32 to index
        %swap3A_1018 = arith.constant 752 : index
        %swap3A_1019 = tpu.vector_load %arg12[%swap3A_1017, %swap3A_1018] {strides = array<i32>} : memref<1x768xf32, #tpu.memory_space<vmem>>, vector<1x16xf32>,
        %swap3A_1020 = vector.shape_cast %swap3A_1019 : vector<1x16xf32> to vector<16xf32>
        %swap3A_1021 = vector.shape_cast %add3A_1015 : vector<16xf32> to vector<1x16xf32>
        tpu.vector_store %arg12[%swap3A_1017, %swap3A_1018], %swap3A_1021 {strides = array<i32>} : memref<1x768xf32, #tpu.memory_space<vmem>>, vector<1x16xf32>,
        %dma_start3A_1022 = arith.constant 1024 : i32
        %dma_start3A_1023 = arith.constant 0 : i32
        %dma_start3A_1024 = tpu.memref_slice %arg4[%add3A_90, %dma_start3A_1022, %dma_start3A_1023] : memref<64x1025x768xf32, #tpu.memory_space<hbm>> -> memref<1x1x768xf32, #tpu.memory_space<hbm>>
        %dma_start3A_1025 = tpu.memref_squeeze %dma_start3A_1024 : memref<1x1x768xf32, #tpu.memory_space<hbm>> -> memref<1x768xf32, #tpu.memory_space<hbm>>
        %dma_start3A_1026 = arith.constant 1024 : i32
        %dma_start3A_1027 = arith.constant 0 : i32
        %dma_start3A_1028 = tpu.memref_slice %arg4[%add3A_90, %dma_start3A_1026, %dma_start3A_1027] : memref<64x1025x768xf32, #tpu.memory_space<hbm>> -> memref<1x1x768xf32, #tpu.memory_space<hbm>>
        %dma_start3A_1029 = tpu.memref_squeeze %dma_start3A_1028 : memref<1x1x768xf32, #tpu.memory_space<hbm>> -> memref<1x768xf32, #tpu.memory_space<hbm>>
        tpu.enqueue_dma source(%arg12 : memref<1x768xf32, #tpu.memory_space<vmem>>) target(%dma_start3A_1029 : memref<1x768xf32, #tpu.memory_space<hbm>>) target_semaphore(%arg21 : memref<!tpu.dma_semaphore, #tpu.memory_space<semaphore_mem>>)
        %add3A_1030 = arith.constant 2 : i32
        %add3A_1031 = arith.addi %add3A_90, %add3A_1030 : i32
        %lt3A_1032 = arith.constant 64 : i32
        %lt3A_1033 = arith.cmpi slt, %add3A_1031, %lt3A_1032 : i32
        %convert_element_type3A_1034 = arith.extui %lt3A_1033 : i1 to i32
        %cond3A_1035 = arith.constant 0 : i32
        %cond3A_1036 = arith.cmpi ne, %convert_element_type3A_1034, %cond3A_1035 : i32
        scf.if %cond3A_1036 {
          %add3A_1037 = arith.constant 2 : i32
          %add3A_1038 = arith.addi %add3A_90, %add3A_1037 : i32
          %dma_start3A_1039 = arith.constant 1024 : i32
          %dma_start3A_1040 = arith.constant 0 : i32
          %dma_start3A_1041 = tpu.memref_slice %arg2[%add3A_1038, %dma_start3A_1039, %dma_start3A_1040] : memref<64x1025x768xf32, #tpu.memory_space<hbm>> -> memref<1x1x768xf32, #tpu.memory_space<hbm>>
          %dma_start3A_1042 = tpu.memref_squeeze %dma_start3A_1041 : memref<1x1x768xf32, #tpu.memory_space<hbm>> -> memref<1x768xf32, #tpu.memory_space<hbm>>
          %dma_start3A_1043 = arith.constant 1024 : i32
          %dma_start3A_1044 = arith.constant 0 : i32
          %dma_start3A_1045 = tpu.memref_slice %arg2[%add3A_1038, %dma_start3A_1043, %dma_start3A_1044] : memref<64x1025x768xf32, #tpu.memory_space<hbm>> -> memref<1x1x768xf32, #tpu.memory_space<hbm>>
          %dma_start3A_1046 = tpu.memref_squeeze %dma_start3A_1045 : memref<1x1x768xf32, #tpu.memory_space<hbm>> -> memref<1x768xf32, #tpu.memory_space<hbm>>
          tpu.enqueue_dma source(%dma_start3A_1046 : memref<1x768xf32, #tpu.memory_space<hbm>>) target(%arg10 : memref<1x768xf32, #tpu.memory_space<vmem>>) target_semaphore(%arg19 : memref<!tpu.dma_semaphore, #tpu.memory_space<semaphore_mem>>)
        } else {
        }
      } else {
      }
      %mul3A_140 = arith.constant 2 : i32
      %mul3A_141 = arith.muli %scan3A_86, %mul3A_140 : i32
      %add3A_142 = arith.constant 1 : i32
      %add3A_143 = arith.addi %mul3A_141, %add3A_142 : i32
      %dma_wait3A_144 = arith.constant 0 : i32
      %dma_wait3A_145 = arith.constant 0 : i32
      %dma_wait3A_146 = tpu.memref_slice %arg6[%dma_wait3A_144, %dma_wait3A_145] : memref<32x768xf32, #tpu.memory_space<vmem>> -> memref<16x768xf32, #tpu.memory_space<vmem>>
      %dma_wait3A_147 = arith.constant 0 : i32
      %dma_wait3A_148 = tpu.memref_slice %arg2[%add3A_143, %mul3A_6, %dma_wait3A_147] : memref<64x1025x768xf32, #tpu.memory_space<hbm>> -> memref<1x16x768xf32, #tpu.memory_space<hbm>>
      %dma_wait3A_149 = tpu.memref_squeeze %dma_wait3A_148 : memref<1x16x768xf32, #tpu.memory_space<hbm>> -> memref<16x768xf32, #tpu.memory_space<hbm>>
      %dma_wait3A_150 = arith.constant 0 : i32
      %dma_wait3A_151 = arith.constant 0 : i32
      %dma_wait3A_152 = tpu.memref_slice %arg6[%dma_wait3A_150, %dma_wait3A_151] : memref<32x768xf32, #tpu.memory_space<vmem>> -> memref<16x768xf32, #tpu.memory_space<vmem>>
      %dma_wait3A_153 = arith.constant 0 : i32
      %dma_wait3A_154 = tpu.memref_slice %arg2[%add3A_143, %mul3A_6, %dma_wait3A_153] : memref<64x1025x768xf32, #tpu.memory_space<hbm>> -> memref<1x16x768xf32, #tpu.memory_space<hbm>>
      %dma_wait3A_155 = tpu.memref_squeeze %dma_wait3A_154 : memref<1x16x768xf32, #tpu.memory_space<hbm>> -> memref<16x768xf32, #tpu.memory_space<hbm>>
      tpu.wait_dma2 semaphore(%arg16 : memref<!tpu.dma_semaphore, #tpu.memory_space<semaphore_mem>>) src(%dma_wait3A_155 : memref<16x768xf32, #tpu.memory_space<hbm>>) dst(%dma_wait3A_152 : memref<16x768xf32, #tpu.memory_space<vmem>>)
      %dma_wait3A_156 = arith.constant 16 : i32
      %dma_wait3A_157 = arith.constant 0 : i32
      %dma_wait3A_158 = tpu.memref_slice %arg6[%dma_wait3A_156, %dma_wait3A_157] : memref<32x768xf32, #tpu.memory_space<vmem>> -> memref<16x768xf32, #tpu.memory_space<vmem>>
      %dma_wait3A_159 = arith.constant 0 : i32
      %dma_wait3A_160 = tpu.memref_slice %arg2[%add3A_143, %add3A_10, %dma_wait3A_159] : memref<64x1025x768xf32, #tpu.memory_space<hbm>> -> memref<1x16x768xf32, #tpu.memory_space<hbm>>
      %dma_wait3A_161 = tpu.memref_squeeze %dma_wait3A_160 : memref<1x16x768xf32, #tpu.memory_space<hbm>> -> memref<16x768xf32, #tpu.memory_space<hbm>>
      %dma_wait3A_162 = arith.constant 16 : i32
      %dma_wait3A_163 = arith.constant 0 : i32
      %dma_wait3A_164 = tpu.memref_slice %arg6[%dma_wait3A_162, %dma_wait3A_163] : memref<32x768xf32, #tpu.memory_space<vmem>> -> memref<16x768xf32, #tpu.memory_space<vmem>>
      %dma_wait3A_165 = arith.constant 0 : i32
      %dma_wait3A_166 = tpu.memref_slice %arg2[%add3A_143, %add3A_10, %dma_wait3A_165] : memref<64x1025x768xf32, #tpu.memory_space<hbm>> -> memref<1x16x768xf32, #tpu.memory_space<hbm>>
      %dma_wait3A_167 = tpu.memref_squeeze %dma_wait3A_166 : memref<1x16x768xf32, #tpu.memory_space<hbm>> -> memref<16x768xf32, #tpu.memory_space<hbm>>
      tpu.wait_dma2 semaphore(%arg16 : memref<!tpu.dma_semaphore, #tpu.memory_space<semaphore_mem>>) src(%dma_wait3A_167 : memref<16x768xf32, #tpu.memory_space<hbm>>) dst(%dma_wait3A_164 : memref<16x768xf32, #tpu.memory_space<vmem>>)
      %ge3A_168 = arith.constant 2 : i32
      %ge3A_169 = arith.cmpi sge, %add3A_143, %ge3A_168 : i32
      %convert_element_type3A_170 = arith.extui %ge3A_169 : i1 to i32
      %cond3A_171 = arith.constant 0 : i32
      %cond3A_172 = arith.cmpi ne, %convert_element_type3A_170, %cond3A_171 : i32
      scf.if %cond3A_172 {
        %sub3A = arith.constant 2 : i32
        %sub3A_195 = arith.subi %add3A_143, %sub3A : i32
        %dma_wait3A_196 = arith.constant 0 : i32
        %dma_wait3A_197 = tpu.memref_slice %arg4[%sub3A_195, %mul3A_2, %dma_wait3A_196] : memref<64x1025x768xf32, #tpu.memory_space<hbm>> -> memref<1x32x768xf32, #tpu.memory_space<hbm>>
        %dma_wait3A_198 = tpu.memref_squeeze %dma_wait3A_197 : memref<1x32x768xf32, #tpu.memory_space<hbm>> -> memref<32x768xf32, #tpu.memory_space<hbm>>
        %dma_wait3A_199 = arith.constant 0 : i32
        %dma_wait3A_200 = tpu.memref_slice %arg4[%sub3A_195, %mul3A_2, %dma_wait3A_199] : memref<64x1025x768xf32, #tpu.memory_space<hbm>> -> memref<1x32x768xf32, #tpu.memory_space<hbm>>
        %dma_wait3A_201 = tpu.memref_squeeze %dma_wait3A_200 : memref<1x32x768xf32, #tpu.memory_space<hbm>> -> memref<32x768xf32, #tpu.memory_space<hbm>>
        tpu.wait_dma2 semaphore(%arg18 : memref<!tpu.dma_semaphore, #tpu.memory_space<semaphore_mem>>) src(%arg8 : memref<32x768xf32, #tpu.memory_space<vmem>>) dst(%dma_wait3A_201 : memref<32x768xf32, #tpu.memory_space<hbm>>)
      } else {
      }
      %scan3A_173 = arith.constant 0 : i32
      %scan3A_174 = arith.constant 0 : i32
      %scan3A_175 = arith.constant 32 : i32
      %scan3A_176 = arith.addi %scan3A_174, %scan3A_175 : i32
      %scan3A_177 = arith.constant 1 : i32
      scf.for %scan3A_195 = %scan3A_174 to %scan3A_176 step %scan3A_177  : i32 {
        %get3A = arith.index_cast %scan3A_195 : i32 to index
        %get3A_196 = arith.constant 0 : index
        %get3A_197 = tpu.vector_load %arg6[%get3A, %get3A_196] {strides = array<i32>} : memref<32x768xf32, #tpu.memory_space<vmem>>, vector<1x16xf32>,
        %get3A_198 = vector.shape_cast %get3A_197 : vector<1x16xf32> to vector<16xf32>
        %get3A_199 = arith.index_cast %scan3A_195 : i32 to index
        %get3A_200 = arith.constant 0 : index
        %get3A_201 = tpu.vector_load %arg9[%get3A_199, %get3A_200] {strides = array<i32>} : memref<32x768xf32, #tpu.memory_space<vmem>>, vector<1x16xf32>,
        %get3A_202 = vector.shape_cast %get3A_201 : vector<1x16xf32> to vector<16xf32>
        %add3A_203 = arith.addf %get3A_198, %get3A_202 : vector<16xf32>
        %swap3A = arith.index_cast %scan3A_195 : i32 to index
        %swap3A_204 = arith.constant 0 : index
        %swap3A_205 = tpu.vector_load %arg8[%swap3A, %swap3A_204] {strides = array<i32>} : memref<32x768xf32, #tpu.memory_space<vmem>>, vector<1x16xf32>,
        %swap3A_206 = vector.shape_cast %swap3A_205 : vector<1x16xf32> to vector<16xf32>
        %swap3A_207 = vector.shape_cast %add3A_203 : vector<16xf32> to vector<1x16xf32>
        tpu.vector_store %arg8[%swap3A, %swap3A_204], %swap3A_207 {strides = array<i32>} : memref<32x768xf32, #tpu.memory_space<vmem>>, vector<1x16xf32>,
        %get3A_208 = arith.index_cast %scan3A_195 : i32 to index
        %get3A_209 = arith.constant 16 : index
        %get3A_210 = tpu.vector_load %arg6[%get3A_208, %get3A_209] {strides = array<i32>} : memref<32x768xf32, #tpu.memory_space<vmem>>, vector<1x16xf32>,
        %get3A_211 = vector.shape_cast %get3A_210 : vector<1x16xf32> to vector<16xf32>
        %get3A_212 = arith.index_cast %scan3A_195 : i32 to index
        %get3A_213 = arith.constant 16 : index
        %get3A_214 = tpu.vector_load %arg9[%get3A_212, %get3A_213] {strides = array<i32>} : memref<32x768xf32, #tpu.memory_space<vmem>>, vector<1x16xf32>,
        %get3A_215 = vector.shape_cast %get3A_214 : vector<1x16xf32> to vector<16xf32>
        %add3A_216 = arith.addf %get3A_211, %get3A_215 : vector<16xf32>
        %swap3A_217 = arith.index_cast %scan3A_195 : i32 to index
        %swap3A_218 = arith.constant 16 : index
        %swap3A_219 = tpu.vector_load %arg8[%swap3A_217, %swap3A_218] {strides = array<i32>} : memref<32x768xf32, #tpu.memory_space<vmem>>, vector<1x16xf32>,
        %swap3A_220 = vector.shape_cast %swap3A_219 : vector<1x16xf32> to vector<16xf32>
        %swap3A_221 = vector.shape_cast %add3A_216 : vector<16xf32> to vector<1x16xf32>
        tpu.vector_store %arg8[%swap3A_217, %swap3A_218], %swap3A_221 {strides = array<i32>} : memref<32x768xf32, #tpu.memory_space<vmem>>, vector<1x16xf32>,
        %get3A_222 = arith.index_cast %scan3A_195 : i32 to index
        %get3A_223 = arith.constant 32 : index
        %get3A_224 = tpu.vector_load %arg6[%get3A_222, %get3A_223] {strides = array<i32>} : memref<32x768xf32, #tpu.memory_space<vmem>>, vector<1x16xf32>,
        %get3A_225 = vector.shape_cast %get3A_224 : vector<1x16xf32> to vector<16xf32>
        %get3A_226 = arith.index_cast %scan3A_195 : i32 to index
        %get3A_227 = arith.constant 32 : index
        %get3A_228 = tpu.vector_load %arg9[%get3A_226, %get3A_227] {strides = array<i32>} : memref<32x768xf32, #tpu.memory_space<vmem>>, vector<1x16xf32>,
        %get3A_229 = vector.shape_cast %get3A_228 : vector<1x16xf32> to vector<16xf32>
        %add3A_230 = arith.addf %get3A_225, %get3A_229 : vector<16xf32>
        %swap3A_231 = arith.index_cast %scan3A_195 : i32 to index
        %swap3A_232 = arith.constant 32 : index
        %swap3A_233 = tpu.vector_load %arg8[%swap3A_231, %swap3A_232] {strides = array<i32>} : memref<32x768xf32, #tpu.memory_space<vmem>>, vector<1x16xf32>,
        %swap3A_234 = vector.shape_cast %swap3A_233 : vector<1x16xf32> to vector<16xf32>
        %swap3A_235 = vector.shape_cast %add3A_230 : vector<16xf32> to vector<1x16xf32>
        tpu.vector_store %arg8[%swap3A_231, %swap3A_232], %swap3A_235 {strides = array<i32>} : memref<32x768xf32, #tpu.memory_space<vmem>>, vector<1x16xf32>,
        %get3A_236 = arith.index_cast %scan3A_195 : i32 to index
        %get3A_237 = arith.constant 48 : index
        %get3A_238 = tpu.vector_load %arg6[%get3A_236, %get3A_237] {strides = array<i32>} : memref<32x768xf32, #tpu.memory_space<vmem>>, vector<1x16xf32>,
        %get3A_239 = vector.shape_cast %get3A_238 : vector<1x16xf32> to vector<16xf32>
        %get3A_240 = arith.index_cast %scan3A_195 : i32 to index
        %get3A_241 = arith.constant 48 : index
        %get3A_242 = tpu.vector_load %arg9[%get3A_240, %get3A_241] {strides = array<i32>} : memref<32x768xf32, #tpu.memory_space<vmem>>, vector<1x16xf32>,
        %get3A_243 = vector.shape_cast %get3A_242 : vector<1x16xf32> to vector<16xf32>
        %add3A_244 = arith.addf %get3A_239, %get3A_243 : vector<16xf32>
        %swap3A_245 = arith.index_cast %scan3A_195 : i32 to index
        %swap3A_246 = arith.constant 48 : index
        %swap3A_247 = tpu.vector_load %arg8[%swap3A_245, %swap3A_246] {strides = array<i32>} : memref<32x768xf32, #tpu.memory_space<vmem>>, vector<1x16xf32>,
        %swap3A_248 = vector.shape_cast %swap3A_247 : vector<1x16xf32> to vector<16xf32>
        %swap3A_249 = vector.shape_cast %add3A_244 : vector<16xf32> to vector<1x16xf32>
        tpu.vector_store %arg8[%swap3A_245, %swap3A_246], %swap3A_249 {strides = array<i32>} : memref<32x768xf32, #tpu.memory_space<vmem>>, vector<1x16xf32>,
        %get3A_250 = arith.index_cast %scan3A_195 : i32 to index
        %get3A_251 = arith.constant 64 : index
        %get3A_252 = tpu.vector_load %arg6[%get3A_250, %get3A_251] {strides = array<i32>} : memref<32x768xf32, #tpu.memory_space<vmem>>, vector<1x16xf32>,
        %get3A_253 = vector.shape_cast %get3A_252 : vector<1x16xf32> to vector<16xf32>
        %get3A_254 = arith.index_cast %scan3A_195 : i32 to index
        %get3A_255 = arith.constant 64 : index
        %get3A_256 = tpu.vector_load %arg9[%get3A_254, %get3A_255] {strides = array<i32>} : memref<32x768xf32, #tpu.memory_space<vmem>>, vector<1x16xf32>,
        %get3A_257 = vector.shape_cast %get3A_256 : vector<1x16xf32> to vector<16xf32>
        %add3A_258 = arith.addf %get3A_253, %get3A_257 : vector<16xf32>
        %swap3A_259 = arith.index_cast %scan3A_195 : i32 to index
        %swap3A_260 = arith.constant 64 : index
        %swap3A_261 = tpu.vector_load %arg8[%swap3A_259, %swap3A_260] {strides = array<i32>} : memref<32x768xf32, #tpu.memory_space<vmem>>, vector<1x16xf32>,
        %swap3A_262 = vector.shape_cast %swap3A_261 : vector<1x16xf32> to vector<16xf32>
        %swap3A_263 = vector.shape_cast %add3A_258 : vector<16xf32> to vector<1x16xf32>
        tpu.vector_store %arg8[%swap3A_259, %swap3A_260], %swap3A_263 {strides = array<i32>} : memref<32x768xf32, #tpu.memory_space<vmem>>, vector<1x16xf32>,
        %get3A_264 = arith.index_cast %scan3A_195 : i32 to index
        %get3A_265 = arith.constant 80 : index
        %get3A_266 = tpu.vector_load %arg6[%get3A_264, %get3A_265] {strides = array<i32>} : memref<32x768xf32, #tpu.memory_space<vmem>>, vector<1x16xf32>,
        %get3A_267 = vector.shape_cast %get3A_266 : vector<1x16xf32> to vector<16xf32>
        %get3A_268 = arith.index_cast %scan3A_195 : i32 to index
        %get3A_269 = arith.constant 80 : index
        %get3A_270 = tpu.vector_load %arg9[%get3A_268, %get3A_269] {strides = array<i32>} : memref<32x768xf32, #tpu.memory_space<vmem>>, vector<1x16xf32>,
        %get3A_271 = vector.shape_cast %get3A_270 : vector<1x16xf32> to vector<16xf32>
        %add3A_272 = arith.addf %get3A_267, %get3A_271 : vector<16xf32>
        %swap3A_273 = arith.index_cast %scan3A_195 : i32 to index
        %swap3A_274 = arith.constant 80 : index
        %swap3A_275 = tpu.vector_load %arg8[%swap3A_273, %swap3A_274] {strides = array<i32>} : memref<32x768xf32, #tpu.memory_space<vmem>>, vector<1x16xf32>,
        %swap3A_276 = vector.shape_cast %swap3A_275 : vector<1x16xf32> to vector<16xf32>
        %swap3A_277 = vector.shape_cast %add3A_272 : vector<16xf32> to vector<1x16xf32>
        tpu.vector_store %arg8[%swap3A_273, %swap3A_274], %swap3A_277 {strides = array<i32>} : memref<32x768xf32, #tpu.memory_space<vmem>>, vector<1x16xf32>,
        %get3A_278 = arith.index_cast %scan3A_195 : i32 to index
        %get3A_279 = arith.constant 96 : index
        %get3A_280 = tpu.vector_load %arg6[%get3A_278, %get3A_279] {strides = array<i32>} : memref<32x768xf32, #tpu.memory_space<vmem>>, vector<1x16xf32>,
        %get3A_281 = vector.shape_cast %get3A_280 : vector<1x16xf32> to vector<16xf32>
        %get3A_282 = arith.index_cast %scan3A_195 : i32 to index
        %get3A_283 = arith.constant 96 : index
        %get3A_284 = tpu.vector_load %arg9[%get3A_282, %get3A_283] {strides = array<i32>} : memref<32x768xf32, #tpu.memory_space<vmem>>, vector<1x16xf32>,
        %get3A_285 = vector.shape_cast %get3A_284 : vector<1x16xf32> to vector<16xf32>
        %add3A_286 = arith.addf %get3A_281, %get3A_285 : vector<16xf32>
        %swap3A_287 = arith.index_cast %scan3A_195 : i32 to index
        %swap3A_288 = arith.constant 96 : index
        %swap3A_289 = tpu.vector_load %arg8[%swap3A_287, %swap3A_288] {strides = array<i32>} : memref<32x768xf32, #tpu.memory_space<vmem>>, vector<1x16xf32>,
        %swap3A_290 = vector.shape_cast %swap3A_289 : vector<1x16xf32> to vector<16xf32>
        %swap3A_291 = vector.shape_cast %add3A_286 : vector<16xf32> to vector<1x16xf32>
        tpu.vector_store %arg8[%swap3A_287, %swap3A_288], %swap3A_291 {strides = array<i32>} : memref<32x768xf32, #tpu.memory_space<vmem>>, vector<1x16xf32>,
        %get3A_292 = arith.index_cast %scan3A_195 : i32 to index
        %get3A_293 = arith.constant 112 : index
        %get3A_294 = tpu.vector_load %arg6[%get3A_292, %get3A_293] {strides = array<i32>} : memref<32x768xf32, #tpu.memory_space<vmem>>, vector<1x16xf32>,
        %get3A_295 = vector.shape_cast %get3A_294 : vector<1x16xf32> to vector<16xf32>
        %get3A_296 = arith.index_cast %scan3A_195 : i32 to index
        %get3A_297 = arith.constant 112 : index
        %get3A_298 = tpu.vector_load %arg9[%get3A_296, %get3A_297] {strides = array<i32>} : memref<32x768xf32, #tpu.memory_space<vmem>>, vector<1x16xf32>,
        %get3A_299 = vector.shape_cast %get3A_298 : vector<1x16xf32> to vector<16xf32>
        %add3A_300 = arith.addf %get3A_295, %get3A_299 : vector<16xf32>
        %swap3A_301 = arith.index_cast %scan3A_195 : i32 to index
        %swap3A_302 = arith.constant 112 : index
        %swap3A_303 = tpu.vector_load %arg8[%swap3A_301, %swap3A_302] {strides = array<i32>} : memref<32x768xf32, #tpu.memory_space<vmem>>, vector<1x16xf32>,
        %swap3A_304 = vector.shape_cast %swap3A_303 : vector<1x16xf32> to vector<16xf32>
        %swap3A_305 = vector.shape_cast %add3A_300 : vector<16xf32> to vector<1x16xf32>
        tpu.vector_store %arg8[%swap3A_301, %swap3A_302], %swap3A_305 {strides = array<i32>} : memref<32x768xf32, #tpu.memory_space<vmem>>, vector<1x16xf32>,
        %get3A_306 = arith.index_cast %scan3A_195 : i32 to index
        %get3A_307 = arith.constant 128 : index
        %get3A_308 = tpu.vector_load %arg6[%get3A_306, %get3A_307] {strides = array<i32>} : memref<32x768xf32, #tpu.memory_space<vmem>>, vector<1x16xf32>,
        %get3A_309 = vector.shape_cast %get3A_308 : vector<1x16xf32> to vector<16xf32>
        %get3A_310 = arith.index_cast %scan3A_195 : i32 to index
        %get3A_311 = arith.constant 128 : index
        %get3A_312 = tpu.vector_load %arg9[%get3A_310, %get3A_311] {strides = array<i32>} : memref<32x768xf32, #tpu.memory_space<vmem>>, vector<1x16xf32>,
        %get3A_313 = vector.shape_cast %get3A_312 : vector<1x16xf32> to vector<16xf32>
        %add3A_314 = arith.addf %get3A_309, %get3A_313 : vector<16xf32>
        %swap3A_315 = arith.index_cast %scan3A_195 : i32 to index
        %swap3A_316 = arith.constant 128 : index
        %swap3A_317 = tpu.vector_load %arg8[%swap3A_315, %swap3A_316] {strides = array<i32>} : memref<32x768xf32, #tpu.memory_space<vmem>>, vector<1x16xf32>,
        %swap3A_318 = vector.shape_cast %swap3A_317 : vector<1x16xf32> to vector<16xf32>
        %swap3A_319 = vector.shape_cast %add3A_314 : vector<16xf32> to vector<1x16xf32>
        tpu.vector_store %arg8[%swap3A_315, %swap3A_316], %swap3A_319 {strides = array<i32>} : memref<32x768xf32, #tpu.memory_space<vmem>>, vector<1x16xf32>,
        %get3A_320 = arith.index_cast %scan3A_195 : i32 to index
        %get3A_321 = arith.constant 144 : index
        %get3A_322 = tpu.vector_load %arg6[%get3A_320, %get3A_321] {strides = array<i32>} : memref<32x768xf32, #tpu.memory_space<vmem>>, vector<1x16xf32>,
        %get3A_323 = vector.shape_cast %get3A_322 : vector<1x16xf32> to vector<16xf32>
        %get3A_324 = arith.index_cast %scan3A_195 : i32 to index
        %get3A_325 = arith.constant 144 : index
        %get3A_326 = tpu.vector_load %arg9[%get3A_324, %get3A_325] {strides = array<i32>} : memref<32x768xf32, #tpu.memory_space<vmem>>, vector<1x16xf32>,
        %get3A_327 = vector.shape_cast %get3A_326 : vector<1x16xf32> to vector<16xf32>
        %add3A_328 = arith.addf %get3A_323, %get3A_327 : vector<16xf32>
        %swap3A_329 = arith.index_cast %scan3A_195 : i32 to index
        %swap3A_330 = arith.constant 144 : index
        %swap3A_331 = tpu.vector_load %arg8[%swap3A_329, %swap3A_330] {strides = array<i32>} : memref<32x768xf32, #tpu.memory_space<vmem>>, vector<1x16xf32>,
        %swap3A_332 = vector.shape_cast %swap3A_331 : vector<1x16xf32> to vector<16xf32>
        %swap3A_333 = vector.shape_cast %add3A_328 : vector<16xf32> to vector<1x16xf32>
        tpu.vector_store %arg8[%swap3A_329, %swap3A_330], %swap3A_333 {strides = array<i32>} : memref<32x768xf32, #tpu.memory_space<vmem>>, vector<1x16xf32>,
        %get3A_334 = arith.index_cast %scan3A_195 : i32 to index
        %get3A_335 = arith.constant 160 : index
        %get3A_336 = tpu.vector_load %arg6[%get3A_334, %get3A_335] {strides = array<i32>} : memref<32x768xf32, #tpu.memory_space<vmem>>, vector<1x16xf32>,
        %get3A_337 = vector.shape_cast %get3A_336 : vector<1x16xf32> to vector<16xf32>
        %get3A_338 = arith.index_cast %scan3A_195 : i32 to index
        %get3A_339 = arith.constant 160 : index
        %get3A_340 = tpu.vector_load %arg9[%get3A_338, %get3A_339] {strides = array<i32>} : memref<32x768xf32, #tpu.memory_space<vmem>>, vector<1x16xf32>,
        %get3A_341 = vector.shape_cast %get3A_340 : vector<1x16xf32> to vector<16xf32>
        %add3A_342 = arith.addf %get3A_337, %get3A_341 : vector<16xf32>
        %swap3A_343 = arith.index_cast %scan3A_195 : i32 to index
        %swap3A_344 = arith.constant 160 : index
        %swap3A_345 = tpu.vector_load %arg8[%swap3A_343, %swap3A_344] {strides = array<i32>} : memref<32x768xf32, #tpu.memory_space<vmem>>, vector<1x16xf32>,
        %swap3A_346 = vector.shape_cast %swap3A_345 : vector<1x16xf32> to vector<16xf32>
        %swap3A_347 = vector.shape_cast %add3A_342 : vector<16xf32> to vector<1x16xf32>
        tpu.vector_store %arg8[%swap3A_343, %swap3A_344], %swap3A_347 {strides = array<i32>} : memref<32x768xf32, #tpu.memory_space<vmem>>, vector<1x16xf32>,
        %get3A_348 = arith.index_cast %scan3A_195 : i32 to index
        %get3A_349 = arith.constant 176 : index
        %get3A_350 = tpu.vector_load %arg6[%get3A_348, %get3A_349] {strides = array<i32>} : memref<32x768xf32, #tpu.memory_space<vmem>>, vector<1x16xf32>,
        %get3A_351 = vector.shape_cast %get3A_350 : vector<1x16xf32> to vector<16xf32>
        %get3A_352 = arith.index_cast %scan3A_195 : i32 to index
        %get3A_353 = arith.constant 176 : index
        %get3A_354 = tpu.vector_load %arg9[%get3A_352, %get3A_353] {strides = array<i32>} : memref<32x768xf32, #tpu.memory_space<vmem>>, vector<1x16xf32>,
        %get3A_355 = vector.shape_cast %get3A_354 : vector<1x16xf32> to vector<16xf32>
        %add3A_356 = arith.addf %get3A_351, %get3A_355 : vector<16xf32>
        %swap3A_357 = arith.index_cast %scan3A_195 : i32 to index
        %swap3A_358 = arith.constant 176 : index
        %swap3A_359 = tpu.vector_load %arg8[%swap3A_357, %swap3A_358] {strides = array<i32>} : memref<32x768xf32, #tpu.memory_space<vmem>>, vector<1x16xf32>,
        %swap3A_360 = vector.shape_cast %swap3A_359 : vector<1x16xf32> to vector<16xf32>
        %swap3A_361 = vector.shape_cast %add3A_356 : vector<16xf32> to vector<1x16xf32>
        tpu.vector_store %arg8[%swap3A_357, %swap3A_358], %swap3A_361 {strides = array<i32>} : memref<32x768xf32, #tpu.memory_space<vmem>>, vector<1x16xf32>,
        %get3A_362 = arith.index_cast %scan3A_195 : i32 to index
        %get3A_363 = arith.constant 192 : index
        %get3A_364 = tpu.vector_load %arg6[%get3A_362, %get3A_363] {strides = array<i32>} : memref<32x768xf32, #tpu.memory_space<vmem>>, vector<1x16xf32>,
        %get3A_365 = vector.shape_cast %get3A_364 : vector<1x16xf32> to vector<16xf32>
        %get3A_366 = arith.index_cast %scan3A_195 : i32 to index
        %get3A_367 = arith.constant 192 : index
        %get3A_368 = tpu.vector_load %arg9[%get3A_366, %get3A_367] {strides = array<i32>} : memref<32x768xf32, #tpu.memory_space<vmem>>, vector<1x16xf32>,
        %get3A_369 = vector.shape_cast %get3A_368 : vector<1x16xf32> to vector<16xf32>
        %add3A_370 = arith.addf %get3A_365, %get3A_369 : vector<16xf32>
        %swap3A_371 = arith.index_cast %scan3A_195 : i32 to index
        %swap3A_372 = arith.constant 192 : index
        %swap3A_373 = tpu.vector_load %arg8[%swap3A_371, %swap3A_372] {strides = array<i32>} : memref<32x768xf32, #tpu.memory_space<vmem>>, vector<1x16xf32>,
        %swap3A_374 = vector.shape_cast %swap3A_373 : vector<1x16xf32> to vector<16xf32>
        %swap3A_375 = vector.shape_cast %add3A_370 : vector<16xf32> to vector<1x16xf32>
        tpu.vector_store %arg8[%swap3A_371, %swap3A_372], %swap3A_375 {strides = array<i32>} : memref<32x768xf32, #tpu.memory_space<vmem>>, vector<1x16xf32>,
        %get3A_376 = arith.index_cast %scan3A_195 : i32 to index
        %get3A_377 = arith.constant 208 : index
        %get3A_378 = tpu.vector_load %arg6[%get3A_376, %get3A_377] {strides = array<i32>} : memref<32x768xf32, #tpu.memory_space<vmem>>, vector<1x16xf32>,
        %get3A_379 = vector.shape_cast %get3A_378 : vector<1x16xf32> to vector<16xf32>
        %get3A_380 = arith.index_cast %scan3A_195 : i32 to index
        %get3A_381 = arith.constant 208 : index
        %get3A_382 = tpu.vector_load %arg9[%get3A_380, %get3A_381] {strides = array<i32>} : memref<32x768xf32, #tpu.memory_space<vmem>>, vector<1x16xf32>,
        %get3A_383 = vector.shape_cast %get3A_382 : vector<1x16xf32> to vector<16xf32>
        %add3A_384 = arith.addf %get3A_379, %get3A_383 : vector<16xf32>
        %swap3A_385 = arith.index_cast %scan3A_195 : i32 to index
        %swap3A_386 = arith.constant 208 : index
        %swap3A_387 = tpu.vector_load %arg8[%swap3A_385, %swap3A_386] {strides = array<i32>} : memref<32x768xf32, #tpu.memory_space<vmem>>, vector<1x16xf32>,
        %swap3A_388 = vector.shape_cast %swap3A_387 : vector<1x16xf32> to vector<16xf32>
        %swap3A_389 = vector.shape_cast %add3A_384 : vector<16xf32> to vector<1x16xf32>
        tpu.vector_store %arg8[%swap3A_385, %swap3A_386], %swap3A_389 {strides = array<i32>} : memref<32x768xf32, #tpu.memory_space<vmem>>, vector<1x16xf32>,
        %get3A_390 = arith.index_cast %scan3A_195 : i32 to index
        %get3A_391 = arith.constant 224 : index
        %get3A_392 = tpu.vector_load %arg6[%get3A_390, %get3A_391] {strides = array<i32>} : memref<32x768xf32, #tpu.memory_space<vmem>>, vector<1x16xf32>,
        %get3A_393 = vector.shape_cast %get3A_392 : vector<1x16xf32> to vector<16xf32>
        %get3A_394 = arith.index_cast %scan3A_195 : i32 to index
        %get3A_395 = arith.constant 224 : index
        %get3A_396 = tpu.vector_load %arg9[%get3A_394, %get3A_395] {strides = array<i32>} : memref<32x768xf32, #tpu.memory_space<vmem>>, vector<1x16xf32>,
        %get3A_397 = vector.shape_cast %get3A_396 : vector<1x16xf32> to vector<16xf32>
        %add3A_398 = arith.addf %get3A_393, %get3A_397 : vector<16xf32>
        %swap3A_399 = arith.index_cast %scan3A_195 : i32 to index
        %swap3A_400 = arith.constant 224 : index
        %swap3A_401 = tpu.vector_load %arg8[%swap3A_399, %swap3A_400] {strides = array<i32>} : memref<32x768xf32, #tpu.memory_space<vmem>>, vector<1x16xf32>,
        %swap3A_402 = vector.shape_cast %swap3A_401 : vector<1x16xf32> to vector<16xf32>
        %swap3A_403 = vector.shape_cast %add3A_398 : vector<16xf32> to vector<1x16xf32>
        tpu.vector_store %arg8[%swap3A_399, %swap3A_400], %swap3A_403 {strides = array<i32>} : memref<32x768xf32, #tpu.memory_space<vmem>>, vector<1x16xf32>,
        %get3A_404 = arith.index_cast %scan3A_195 : i32 to index
        %get3A_405 = arith.constant 240 : index
        %get3A_406 = tpu.vector_load %arg6[%get3A_404, %get3A_405] {strides = array<i32>} : memref<32x768xf32, #tpu.memory_space<vmem>>, vector<1x16xf32>,
        %get3A_407 = vector.shape_cast %get3A_406 : vector<1x16xf32> to vector<16xf32>
        %get3A_408 = arith.index_cast %scan3A_195 : i32 to index
        %get3A_409 = arith.constant 240 : index
        %get3A_410 = tpu.vector_load %arg9[%get3A_408, %get3A_409] {strides = array<i32>} : memref<32x768xf32, #tpu.memory_space<vmem>>, vector<1x16xf32>,
        %get3A_411 = vector.shape_cast %get3A_410 : vector<1x16xf32> to vector<16xf32>
        %add3A_412 = arith.addf %get3A_407, %get3A_411 : vector<16xf32>
        %swap3A_413 = arith.index_cast %scan3A_195 : i32 to index
        %swap3A_414 = arith.constant 240 : index
        %swap3A_415 = tpu.vector_load %arg8[%swap3A_413, %swap3A_414] {strides = array<i32>} : memref<32x768xf32, #tpu.memory_space<vmem>>, vector<1x16xf32>,
        %swap3A_416 = vector.shape_cast %swap3A_415 : vector<1x16xf32> to vector<16xf32>
        %swap3A_417 = vector.shape_cast %add3A_412 : vector<16xf32> to vector<1x16xf32>
        tpu.vector_store %arg8[%swap3A_413, %swap3A_414], %swap3A_417 {strides = array<i32>} : memref<32x768xf32, #tpu.memory_space<vmem>>, vector<1x16xf32>,
        %get3A_418 = arith.index_cast %scan3A_195 : i32 to index
        %get3A_419 = arith.constant 256 : index
        %get3A_420 = tpu.vector_load %arg6[%get3A_418, %get3A_419] {strides = array<i32>} : memref<32x768xf32, #tpu.memory_space<vmem>>, vector<1x16xf32>,
        %get3A_421 = vector.shape_cast %get3A_420 : vector<1x16xf32> to vector<16xf32>
        %get3A_422 = arith.index_cast %scan3A_195 : i32 to index
        %get3A_423 = arith.constant 256 : index
        %get3A_424 = tpu.vector_load %arg9[%get3A_422, %get3A_423] {strides = array<i32>} : memref<32x768xf32, #tpu.memory_space<vmem>>, vector<1x16xf32>,
        %get3A_425 = vector.shape_cast %get3A_424 : vector<1x16xf32> to vector<16xf32>
        %add3A_426 = arith.addf %get3A_421, %get3A_425 : vector<16xf32>
        %swap3A_427 = arith.index_cast %scan3A_195 : i32 to index
        %swap3A_428 = arith.constant 256 : index
        %swap3A_429 = tpu.vector_load %arg8[%swap3A_427, %swap3A_428] {strides = array<i32>} : memref<32x768xf32, #tpu.memory_space<vmem>>, vector<1x16xf32>,
        %swap3A_430 = vector.shape_cast %swap3A_429 : vector<1x16xf32> to vector<16xf32>
        %swap3A_431 = vector.shape_cast %add3A_426 : vector<16xf32> to vector<1x16xf32>
        tpu.vector_store %arg8[%swap3A_427, %swap3A_428], %swap3A_431 {strides = array<i32>} : memref<32x768xf32, #tpu.memory_space<vmem>>, vector<1x16xf32>,
        %get3A_432 = arith.index_cast %scan3A_195 : i32 to index
        %get3A_433 = arith.constant 272 : index
        %get3A_434 = tpu.vector_load %arg6[%get3A_432, %get3A_433] {strides = array<i32>} : memref<32x768xf32, #tpu.memory_space<vmem>>, vector<1x16xf32>,
        %get3A_435 = vector.shape_cast %get3A_434 : vector<1x16xf32> to vector<16xf32>
        %get3A_436 = arith.index_cast %scan3A_195 : i32 to index
        %get3A_437 = arith.constant 272 : index
        %get3A_438 = tpu.vector_load %arg9[%get3A_436, %get3A_437] {strides = array<i32>} : memref<32x768xf32, #tpu.memory_space<vmem>>, vector<1x16xf32>,
        %get3A_439 = vector.shape_cast %get3A_438 : vector<1x16xf32> to vector<16xf32>
        %add3A_440 = arith.addf %get3A_435, %get3A_439 : vector<16xf32>
        %swap3A_441 = arith.index_cast %scan3A_195 : i32 to index
        %swap3A_442 = arith.constant 272 : index
        %swap3A_443 = tpu.vector_load %arg8[%swap3A_441, %swap3A_442] {strides = array<i32>} : memref<32x768xf32, #tpu.memory_space<vmem>>, vector<1x16xf32>,
        %swap3A_444 = vector.shape_cast %swap3A_443 : vector<1x16xf32> to vector<16xf32>
        %swap3A_445 = vector.shape_cast %add3A_440 : vector<16xf32> to vector<1x16xf32>
        tpu.vector_store %arg8[%swap3A_441, %swap3A_442], %swap3A_445 {strides = array<i32>} : memref<32x768xf32, #tpu.memory_space<vmem>>, vector<1x16xf32>,
        %get3A_446 = arith.index_cast %scan3A_195 : i32 to index
        %get3A_447 = arith.constant 288 : index
        %get3A_448 = tpu.vector_load %arg6[%get3A_446, %get3A_447] {strides = array<i32>} : memref<32x768xf32, #tpu.memory_space<vmem>>, vector<1x16xf32>,
        %get3A_449 = vector.shape_cast %get3A_448 : vector<1x16xf32> to vector<16xf32>
        %get3A_450 = arith.index_cast %scan3A_195 : i32 to index
        %get3A_451 = arith.constant 288 : index
        %get3A_452 = tpu.vector_load %arg9[%get3A_450, %get3A_451] {strides = array<i32>} : memref<32x768xf32, #tpu.memory_space<vmem>>, vector<1x16xf32>,
        %get3A_453 = vector.shape_cast %get3A_452 : vector<1x16xf32> to vector<16xf32>
        %add3A_454 = arith.addf %get3A_449, %get3A_453 : vector<16xf32>
        %swap3A_455 = arith.index_cast %scan3A_195 : i32 to index
        %swap3A_456 = arith.constant 288 : index
        %swap3A_457 = tpu.vector_load %arg8[%swap3A_455, %swap3A_456] {strides = array<i32>} : memref<32x768xf32, #tpu.memory_space<vmem>>, vector<1x16xf32>,
        %swap3A_458 = vector.shape_cast %swap3A_457 : vector<1x16xf32> to vector<16xf32>
        %swap3A_459 = vector.shape_cast %add3A_454 : vector<16xf32> to vector<1x16xf32>
        tpu.vector_store %arg8[%swap3A_455, %swap3A_456], %swap3A_459 {strides = array<i32>} : memref<32x768xf32, #tpu.memory_space<vmem>>, vector<1x16xf32>,
        %get3A_460 = arith.index_cast %scan3A_195 : i32 to index
        %get3A_461 = arith.constant 304 : index
        %get3A_462 = tpu.vector_load %arg6[%get3A_460, %get3A_461] {strides = array<i32>} : memref<32x768xf32, #tpu.memory_space<vmem>>, vector<1x16xf32>,
        %get3A_463 = vector.shape_cast %get3A_462 : vector<1x16xf32> to vector<16xf32>
        %get3A_464 = arith.index_cast %scan3A_195 : i32 to index
        %get3A_465 = arith.constant 304 : index
        %get3A_466 = tpu.vector_load %arg9[%get3A_464, %get3A_465] {strides = array<i32>} : memref<32x768xf32, #tpu.memory_space<vmem>>, vector<1x16xf32>,
        %get3A_467 = vector.shape_cast %get3A_466 : vector<1x16xf32> to vector<16xf32>
        %add3A_468 = arith.addf %get3A_463, %get3A_467 : vector<16xf32>
        %swap3A_469 = arith.index_cast %scan3A_195 : i32 to index
        %swap3A_470 = arith.constant 304 : index
        %swap3A_471 = tpu.vector_load %arg8[%swap3A_469, %swap3A_470] {strides = array<i32>} : memref<32x768xf32, #tpu.memory_space<vmem>>, vector<1x16xf32>,
        %swap3A_472 = vector.shape_cast %swap3A_471 : vector<1x16xf32> to vector<16xf32>
        %swap3A_473 = vector.shape_cast %add3A_468 : vector<16xf32> to vector<1x16xf32>
        tpu.vector_store %arg8[%swap3A_469, %swap3A_470], %swap3A_473 {strides = array<i32>} : memref<32x768xf32, #tpu.memory_space<vmem>>, vector<1x16xf32>,
        %get3A_474 = arith.index_cast %scan3A_195 : i32 to index
        %get3A_475 = arith.constant 320 : index
        %get3A_476 = tpu.vector_load %arg6[%get3A_474, %get3A_475] {strides = array<i32>} : memref<32x768xf32, #tpu.memory_space<vmem>>, vector<1x16xf32>,
        %get3A_477 = vector.shape_cast %get3A_476 : vector<1x16xf32> to vector<16xf32>
        %get3A_478 = arith.index_cast %scan3A_195 : i32 to index
        %get3A_479 = arith.constant 320 : index
        %get3A_480 = tpu.vector_load %arg9[%get3A_478, %get3A_479] {strides = array<i32>} : memref<32x768xf32, #tpu.memory_space<vmem>>, vector<1x16xf32>,
        %get3A_481 = vector.shape_cast %get3A_480 : vector<1x16xf32> to vector<16xf32>
        %add3A_482 = arith.addf %get3A_477, %get3A_481 : vector<16xf32>
        %swap3A_483 = arith.index_cast %scan3A_195 : i32 to index
        %swap3A_484 = arith.constant 320 : index
        %swap3A_485 = tpu.vector_load %arg8[%swap3A_483, %swap3A_484] {strides = array<i32>} : memref<32x768xf32, #tpu.memory_space<vmem>>, vector<1x16xf32>,
        %swap3A_486 = vector.shape_cast %swap3A_485 : vector<1x16xf32> to vector<16xf32>
        %swap3A_487 = vector.shape_cast %add3A_482 : vector<16xf32> to vector<1x16xf32>
        tpu.vector_store %arg8[%swap3A_483, %swap3A_484], %swap3A_487 {strides = array<i32>} : memref<32x768xf32, #tpu.memory_space<vmem>>, vector<1x16xf32>,
        %get3A_488 = arith.index_cast %scan3A_195 : i32 to index
        %get3A_489 = arith.constant 336 : index
        %get3A_490 = tpu.vector_load %arg6[%get3A_488, %get3A_489] {strides = array<i32>} : memref<32x768xf32, #tpu.memory_space<vmem>>, vector<1x16xf32>,
        %get3A_491 = vector.shape_cast %get3A_490 : vector<1x16xf32> to vector<16xf32>
        %get3A_492 = arith.index_cast %scan3A_195 : i32 to index
        %get3A_493 = arith.constant 336 : index
        %get3A_494 = tpu.vector_load %arg9[%get3A_492, %get3A_493] {strides = array<i32>} : memref<32x768xf32, #tpu.memory_space<vmem>>, vector<1x16xf32>,
        %get3A_495 = vector.shape_cast %get3A_494 : vector<1x16xf32> to vector<16xf32>
        %add3A_496 = arith.addf %get3A_491, %get3A_495 : vector<16xf32>
        %swap3A_497 = arith.index_cast %scan3A_195 : i32 to index
        %swap3A_498 = arith.constant 336 : index
        %swap3A_499 = tpu.vector_load %arg8[%swap3A_497, %swap3A_498] {strides = array<i32>} : memref<32x768xf32, #tpu.memory_space<vmem>>, vector<1x16xf32>,
        %swap3A_500 = vector.shape_cast %swap3A_499 : vector<1x16xf32> to vector<16xf32>
        %swap3A_501 = vector.shape_cast %add3A_496 : vector<16xf32> to vector<1x16xf32>
        tpu.vector_store %arg8[%swap3A_497, %swap3A_498], %swap3A_501 {strides = array<i32>} : memref<32x768xf32, #tpu.memory_space<vmem>>, vector<1x16xf32>,
        %get3A_502 = arith.index_cast %scan3A_195 : i32 to index
        %get3A_503 = arith.constant 352 : index
        %get3A_504 = tpu.vector_load %arg6[%get3A_502, %get3A_503] {strides = array<i32>} : memref<32x768xf32, #tpu.memory_space<vmem>>, vector<1x16xf32>,
        %get3A_505 = vector.shape_cast %get3A_504 : vector<1x16xf32> to vector<16xf32>
        %get3A_506 = arith.index_cast %scan3A_195 : i32 to index
        %get3A_507 = arith.constant 352 : index
        %get3A_508 = tpu.vector_load %arg9[%get3A_506, %get3A_507] {strides = array<i32>} : memref<32x768xf32, #tpu.memory_space<vmem>>, vector<1x16xf32>,
        %get3A_509 = vector.shape_cast %get3A_508 : vector<1x16xf32> to vector<16xf32>
        %add3A_510 = arith.addf %get3A_505, %get3A_509 : vector<16xf32>
        %swap3A_511 = arith.index_cast %scan3A_195 : i32 to index
        %swap3A_512 = arith.constant 352 : index
        %swap3A_513 = tpu.vector_load %arg8[%swap3A_511, %swap3A_512] {strides = array<i32>} : memref<32x768xf32, #tpu.memory_space<vmem>>, vector<1x16xf32>,
        %swap3A_514 = vector.shape_cast %swap3A_513 : vector<1x16xf32> to vector<16xf32>
        %swap3A_515 = vector.shape_cast %add3A_510 : vector<16xf32> to vector<1x16xf32>
        tpu.vector_store %arg8[%swap3A_511, %swap3A_512], %swap3A_515 {strides = array<i32>} : memref<32x768xf32, #tpu.memory_space<vmem>>, vector<1x16xf32>,
        %get3A_516 = arith.index_cast %scan3A_195 : i32 to index
        %get3A_517 = arith.constant 368 : index
        %get3A_518 = tpu.vector_load %arg6[%get3A_516, %get3A_517] {strides = array<i32>} : memref<32x768xf32, #tpu.memory_space<vmem>>, vector<1x16xf32>,
        %get3A_519 = vector.shape_cast %get3A_518 : vector<1x16xf32> to vector<16xf32>
        %get3A_520 = arith.index_cast %scan3A_195 : i32 to index
        %get3A_521 = arith.constant 368 : index
        %get3A_522 = tpu.vector_load %arg9[%get3A_520, %get3A_521] {strides = array<i32>} : memref<32x768xf32, #tpu.memory_space<vmem>>, vector<1x16xf32>,
        %get3A_523 = vector.shape_cast %get3A_522 : vector<1x16xf32> to vector<16xf32>
        %add3A_524 = arith.addf %get3A_519, %get3A_523 : vector<16xf32>
        %swap3A_525 = arith.index_cast %scan3A_195 : i32 to index
        %swap3A_526 = arith.constant 368 : index
        %swap3A_527 = tpu.vector_load %arg8[%swap3A_525, %swap3A_526] {strides = array<i32>} : memref<32x768xf32, #tpu.memory_space<vmem>>, vector<1x16xf32>,
        %swap3A_528 = vector.shape_cast %swap3A_527 : vector<1x16xf32> to vector<16xf32>
        %swap3A_529 = vector.shape_cast %add3A_524 : vector<16xf32> to vector<1x16xf32>
        tpu.vector_store %arg8[%swap3A_525, %swap3A_526], %swap3A_529 {strides = array<i32>} : memref<32x768xf32, #tpu.memory_space<vmem>>, vector<1x16xf32>,
        %get3A_530 = arith.index_cast %scan3A_195 : i32 to index
        %get3A_531 = arith.constant 384 : index
        %get3A_532 = tpu.vector_load %arg6[%get3A_530, %get3A_531] {strides = array<i32>} : memref<32x768xf32, #tpu.memory_space<vmem>>, vector<1x16xf32>,
        %get3A_533 = vector.shape_cast %get3A_532 : vector<1x16xf32> to vector<16xf32>
        %get3A_534 = arith.index_cast %scan3A_195 : i32 to index
        %get3A_535 = arith.constant 384 : index
        %get3A_536 = tpu.vector_load %arg9[%get3A_534, %get3A_535] {strides = array<i32>} : memref<32x768xf32, #tpu.memory_space<vmem>>, vector<1x16xf32>,
        %get3A_537 = vector.shape_cast %get3A_536 : vector<1x16xf32> to vector<16xf32>
        %add3A_538 = arith.addf %get3A_533, %get3A_537 : vector<16xf32>
        %swap3A_539 = arith.index_cast %scan3A_195 : i32 to index
        %swap3A_540 = arith.constant 384 : index
        %swap3A_541 = tpu.vector_load %arg8[%swap3A_539, %swap3A_540] {strides = array<i32>} : memref<32x768xf32, #tpu.memory_space<vmem>>, vector<1x16xf32>,
        %swap3A_542 = vector.shape_cast %swap3A_541 : vector<1x16xf32> to vector<16xf32>
        %swap3A_543 = vector.shape_cast %add3A_538 : vector<16xf32> to vector<1x16xf32>
        tpu.vector_store %arg8[%swap3A_539, %swap3A_540], %swap3A_543 {strides = array<i32>} : memref<32x768xf32, #tpu.memory_space<vmem>>, vector<1x16xf32>,
        %get3A_544 = arith.index_cast %scan3A_195 : i32 to index
        %get3A_545 = arith.constant 400 : index
        %get3A_546 = tpu.vector_load %arg6[%get3A_544, %get3A_545] {strides = array<i32>} : memref<32x768xf32, #tpu.memory_space<vmem>>, vector<1x16xf32>,
        %get3A_547 = vector.shape_cast %get3A_546 : vector<1x16xf32> to vector<16xf32>
        %get3A_548 = arith.index_cast %scan3A_195 : i32 to index
        %get3A_549 = arith.constant 400 : index
        %get3A_550 = tpu.vector_load %arg9[%get3A_548, %get3A_549] {strides = array<i32>} : memref<32x768xf32, #tpu.memory_space<vmem>>, vector<1x16xf32>,
        %get3A_551 = vector.shape_cast %get3A_550 : vector<1x16xf32> to vector<16xf32>
        %add3A_552 = arith.addf %get3A_547, %get3A_551 : vector<16xf32>
        %swap3A_553 = arith.index_cast %scan3A_195 : i32 to index
        %swap3A_554 = arith.constant 400 : index
        %swap3A_555 = tpu.vector_load %arg8[%swap3A_553, %swap3A_554] {strides = array<i32>} : memref<32x768xf32, #tpu.memory_space<vmem>>, vector<1x16xf32>,
        %swap3A_556 = vector.shape_cast %swap3A_555 : vector<1x16xf32> to vector<16xf32>
        %swap3A_557 = vector.shape_cast %add3A_552 : vector<16xf32> to vector<1x16xf32>
        tpu.vector_store %arg8[%swap3A_553, %swap3A_554], %swap3A_557 {strides = array<i32>} : memref<32x768xf32, #tpu.memory_space<vmem>>, vector<1x16xf32>,
        %get3A_558 = arith.index_cast %scan3A_195 : i32 to index
        %get3A_559 = arith.constant 416 : index
        %get3A_560 = tpu.vector_load %arg6[%get3A_558, %get3A_559] {strides = array<i32>} : memref<32x768xf32, #tpu.memory_space<vmem>>, vector<1x16xf32>,
        %get3A_561 = vector.shape_cast %get3A_560 : vector<1x16xf32> to vector<16xf32>
        %get3A_562 = arith.index_cast %scan3A_195 : i32 to index
        %get3A_563 = arith.constant 416 : index
        %get3A_564 = tpu.vector_load %arg9[%get3A_562, %get3A_563] {strides = array<i32>} : memref<32x768xf32, #tpu.memory_space<vmem>>, vector<1x16xf32>,
        %get3A_565 = vector.shape_cast %get3A_564 : vector<1x16xf32> to vector<16xf32>
        %add3A_566 = arith.addf %get3A_561, %get3A_565 : vector<16xf32>
        %swap3A_567 = arith.index_cast %scan3A_195 : i32 to index
        %swap3A_568 = arith.constant 416 : index
        %swap3A_569 = tpu.vector_load %arg8[%swap3A_567, %swap3A_568] {strides = array<i32>} : memref<32x768xf32, #tpu.memory_space<vmem>>, vector<1x16xf32>,
        %swap3A_570 = vector.shape_cast %swap3A_569 : vector<1x16xf32> to vector<16xf32>
        %swap3A_571 = vector.shape_cast %add3A_566 : vector<16xf32> to vector<1x16xf32>
        tpu.vector_store %arg8[%swap3A_567, %swap3A_568], %swap3A_571 {strides = array<i32>} : memref<32x768xf32, #tpu.memory_space<vmem>>, vector<1x16xf32>,
        %get3A_572 = arith.index_cast %scan3A_195 : i32 to index
        %get3A_573 = arith.constant 432 : index
        %get3A_574 = tpu.vector_load %arg6[%get3A_572, %get3A_573] {strides = array<i32>} : memref<32x768xf32, #tpu.memory_space<vmem>>, vector<1x16xf32>,
        %get3A_575 = vector.shape_cast %get3A_574 : vector<1x16xf32> to vector<16xf32>
        %get3A_576 = arith.index_cast %scan3A_195 : i32 to index
        %get3A_577 = arith.constant 432 : index
        %get3A_578 = tpu.vector_load %arg9[%get3A_576, %get3A_577] {strides = array<i32>} : memref<32x768xf32, #tpu.memory_space<vmem>>, vector<1x16xf32>,
        %get3A_579 = vector.shape_cast %get3A_578 : vector<1x16xf32> to vector<16xf32>
        %add3A_580 = arith.addf %get3A_575, %get3A_579 : vector<16xf32>
        %swap3A_581 = arith.index_cast %scan3A_195 : i32 to index
        %swap3A_582 = arith.constant 432 : index
        %swap3A_583 = tpu.vector_load %arg8[%swap3A_581, %swap3A_582] {strides = array<i32>} : memref<32x768xf32, #tpu.memory_space<vmem>>, vector<1x16xf32>,
        %swap3A_584 = vector.shape_cast %swap3A_583 : vector<1x16xf32> to vector<16xf32>
        %swap3A_585 = vector.shape_cast %add3A_580 : vector<16xf32> to vector<1x16xf32>
        tpu.vector_store %arg8[%swap3A_581, %swap3A_582], %swap3A_585 {strides = array<i32>} : memref<32x768xf32, #tpu.memory_space<vmem>>, vector<1x16xf32>,
        %get3A_586 = arith.index_cast %scan3A_195 : i32 to index
        %get3A_587 = arith.constant 448 : index
        %get3A_588 = tpu.vector_load %arg6[%get3A_586, %get3A_587] {strides = array<i32>} : memref<32x768xf32, #tpu.memory_space<vmem>>, vector<1x16xf32>,
        %get3A_589 = vector.shape_cast %get3A_588 : vector<1x16xf32> to vector<16xf32>
        %get3A_590 = arith.index_cast %scan3A_195 : i32 to index
        %get3A_591 = arith.constant 448 : index
        %get3A_592 = tpu.vector_load %arg9[%get3A_590, %get3A_591] {strides = array<i32>} : memref<32x768xf32, #tpu.memory_space<vmem>>, vector<1x16xf32>,
        %get3A_593 = vector.shape_cast %get3A_592 : vector<1x16xf32> to vector<16xf32>
        %add3A_594 = arith.addf %get3A_589, %get3A_593 : vector<16xf32>
        %swap3A_595 = arith.index_cast %scan3A_195 : i32 to index
        %swap3A_596 = arith.constant 448 : index
        %swap3A_597 = tpu.vector_load %arg8[%swap3A_595, %swap3A_596] {strides = array<i32>} : memref<32x768xf32, #tpu.memory_space<vmem>>, vector<1x16xf32>,
        %swap3A_598 = vector.shape_cast %swap3A_597 : vector<1x16xf32> to vector<16xf32>
        %swap3A_599 = vector.shape_cast %add3A_594 : vector<16xf32> to vector<1x16xf32>
        tpu.vector_store %arg8[%swap3A_595, %swap3A_596], %swap3A_599 {strides = array<i32>} : memref<32x768xf32, #tpu.memory_space<vmem>>, vector<1x16xf32>,
        %get3A_600 = arith.index_cast %scan3A_195 : i32 to index
        %get3A_601 = arith.constant 464 : index
        %get3A_602 = tpu.vector_load %arg6[%get3A_600, %get3A_601] {strides = array<i32>} : memref<32x768xf32, #tpu.memory_space<vmem>>, vector<1x16xf32>,
        %get3A_603 = vector.shape_cast %get3A_602 : vector<1x16xf32> to vector<16xf32>
        %get3A_604 = arith.index_cast %scan3A_195 : i32 to index
        %get3A_605 = arith.constant 464 : index
        %get3A_606 = tpu.vector_load %arg9[%get3A_604, %get3A_605] {strides = array<i32>} : memref<32x768xf32, #tpu.memory_space<vmem>>, vector<1x16xf32>,
        %get3A_607 = vector.shape_cast %get3A_606 : vector<1x16xf32> to vector<16xf32>
        %add3A_608 = arith.addf %get3A_603, %get3A_607 : vector<16xf32>
        %swap3A_609 = arith.index_cast %scan3A_195 : i32 to index
        %swap3A_610 = arith.constant 464 : index
        %swap3A_611 = tpu.vector_load %arg8[%swap3A_609, %swap3A_610] {strides = array<i32>} : memref<32x768xf32, #tpu.memory_space<vmem>>, vector<1x16xf32>,
        %swap3A_612 = vector.shape_cast %swap3A_611 : vector<1x16xf32> to vector<16xf32>
        %swap3A_613 = vector.shape_cast %add3A_608 : vector<16xf32> to vector<1x16xf32>
        tpu.vector_store %arg8[%swap3A_609, %swap3A_610], %swap3A_613 {strides = array<i32>} : memref<32x768xf32, #tpu.memory_space<vmem>>, vector<1x16xf32>,
        %get3A_614 = arith.index_cast %scan3A_195 : i32 to index
        %get3A_615 = arith.constant 480 : index
        %get3A_616 = tpu.vector_load %arg6[%get3A_614, %get3A_615] {strides = array<i32>} : memref<32x768xf32, #tpu.memory_space<vmem>>, vector<1x16xf32>,
        %get3A_617 = vector.shape_cast %get3A_616 : vector<1x16xf32> to vector<16xf32>
        %get3A_618 = arith.index_cast %scan3A_195 : i32 to index
        %get3A_619 = arith.constant 480 : index
        %get3A_620 = tpu.vector_load %arg9[%get3A_618, %get3A_619] {strides = array<i32>} : memref<32x768xf32, #tpu.memory_space<vmem>>, vector<1x16xf32>,
        %get3A_621 = vector.shape_cast %get3A_620 : vector<1x16xf32> to vector<16xf32>
        %add3A_622 = arith.addf %get3A_617, %get3A_621 : vector<16xf32>
        %swap3A_623 = arith.index_cast %scan3A_195 : i32 to index
        %swap3A_624 = arith.constant 480 : index
        %swap3A_625 = tpu.vector_load %arg8[%swap3A_623, %swap3A_624] {strides = array<i32>} : memref<32x768xf32, #tpu.memory_space<vmem>>, vector<1x16xf32>,
        %swap3A_626 = vector.shape_cast %swap3A_625 : vector<1x16xf32> to vector<16xf32>
        %swap3A_627 = vector.shape_cast %add3A_622 : vector<16xf32> to vector<1x16xf32>
        tpu.vector_store %arg8[%swap3A_623, %swap3A_624], %swap3A_627 {strides = array<i32>} : memref<32x768xf32, #tpu.memory_space<vmem>>, vector<1x16xf32>,
        %get3A_628 = arith.index_cast %scan3A_195 : i32 to index
        %get3A_629 = arith.constant 496 : index
        %get3A_630 = tpu.vector_load %arg6[%get3A_628, %get3A_629] {strides = array<i32>} : memref<32x768xf32, #tpu.memory_space<vmem>>, vector<1x16xf32>,
        %get3A_631 = vector.shape_cast %get3A_630 : vector<1x16xf32> to vector<16xf32>
        %get3A_632 = arith.index_cast %scan3A_195 : i32 to index
        %get3A_633 = arith.constant 496 : index
        %get3A_634 = tpu.vector_load %arg9[%get3A_632, %get3A_633] {strides = array<i32>} : memref<32x768xf32, #tpu.memory_space<vmem>>, vector<1x16xf32>,
        %get3A_635 = vector.shape_cast %get3A_634 : vector<1x16xf32> to vector<16xf32>
        %add3A_636 = arith.addf %get3A_631, %get3A_635 : vector<16xf32>
        %swap3A_637 = arith.index_cast %scan3A_195 : i32 to index
        %swap3A_638 = arith.constant 496 : index
        %swap3A_639 = tpu.vector_load %arg8[%swap3A_637, %swap3A_638] {strides = array<i32>} : memref<32x768xf32, #tpu.memory_space<vmem>>, vector<1x16xf32>,
        %swap3A_640 = vector.shape_cast %swap3A_639 : vector<1x16xf32> to vector<16xf32>
        %swap3A_641 = vector.shape_cast %add3A_636 : vector<16xf32> to vector<1x16xf32>
        tpu.vector_store %arg8[%swap3A_637, %swap3A_638], %swap3A_641 {strides = array<i32>} : memref<32x768xf32, #tpu.memory_space<vmem>>, vector<1x16xf32>,
        %get3A_642 = arith.index_cast %scan3A_195 : i32 to index
        %get3A_643 = arith.constant 512 : index
        %get3A_644 = tpu.vector_load %arg6[%get3A_642, %get3A_643] {strides = array<i32>} : memref<32x768xf32, #tpu.memory_space<vmem>>, vector<1x16xf32>,
        %get3A_645 = vector.shape_cast %get3A_644 : vector<1x16xf32> to vector<16xf32>
        %get3A_646 = arith.index_cast %scan3A_195 : i32 to index
        %get3A_647 = arith.constant 512 : index
        %get3A_648 = tpu.vector_load %arg9[%get3A_646, %get3A_647] {strides = array<i32>} : memref<32x768xf32, #tpu.memory_space<vmem>>, vector<1x16xf32>,
        %get3A_649 = vector.shape_cast %get3A_648 : vector<1x16xf32> to vector<16xf32>
        %add3A_650 = arith.addf %get3A_645, %get3A_649 : vector<16xf32>
        %swap3A_651 = arith.index_cast %scan3A_195 : i32 to index
        %swap3A_652 = arith.constant 512 : index
        %swap3A_653 = tpu.vector_load %arg8[%swap3A_651, %swap3A_652] {strides = array<i32>} : memref<32x768xf32, #tpu.memory_space<vmem>>, vector<1x16xf32>,
        %swap3A_654 = vector.shape_cast %swap3A_653 : vector<1x16xf32> to vector<16xf32>
        %swap3A_655 = vector.shape_cast %add3A_650 : vector<16xf32> to vector<1x16xf32>
        tpu.vector_store %arg8[%swap3A_651, %swap3A_652], %swap3A_655 {strides = array<i32>} : memref<32x768xf32, #tpu.memory_space<vmem>>, vector<1x16xf32>,
        %get3A_656 = arith.index_cast %scan3A_195 : i32 to index
        %get3A_657 = arith.constant 528 : index
        %get3A_658 = tpu.vector_load %arg6[%get3A_656, %get3A_657] {strides = array<i32>} : memref<32x768xf32, #tpu.memory_space<vmem>>, vector<1x16xf32>,
        %get3A_659 = vector.shape_cast %get3A_658 : vector<1x16xf32> to vector<16xf32>
        %get3A_660 = arith.index_cast %scan3A_195 : i32 to index
        %get3A_661 = arith.constant 528 : index
        %get3A_662 = tpu.vector_load %arg9[%get3A_660, %get3A_661] {strides = array<i32>} : memref<32x768xf32, #tpu.memory_space<vmem>>, vector<1x16xf32>,
        %get3A_663 = vector.shape_cast %get3A_662 : vector<1x16xf32> to vector<16xf32>
        %add3A_664 = arith.addf %get3A_659, %get3A_663 : vector<16xf32>
        %swap3A_665 = arith.index_cast %scan3A_195 : i32 to index
        %swap3A_666 = arith.constant 528 : index
        %swap3A_667 = tpu.vector_load %arg8[%swap3A_665, %swap3A_666] {strides = array<i32>} : memref<32x768xf32, #tpu.memory_space<vmem>>, vector<1x16xf32>,
        %swap3A_668 = vector.shape_cast %swap3A_667 : vector<1x16xf32> to vector<16xf32>
        %swap3A_669 = vector.shape_cast %add3A_664 : vector<16xf32> to vector<1x16xf32>
        tpu.vector_store %arg8[%swap3A_665, %swap3A_666], %swap3A_669 {strides = array<i32>} : memref<32x768xf32, #tpu.memory_space<vmem>>, vector<1x16xf32>,
        %get3A_670 = arith.index_cast %scan3A_195 : i32 to index
        %get3A_671 = arith.constant 544 : index
        %get3A_672 = tpu.vector_load %arg6[%get3A_670, %get3A_671] {strides = array<i32>} : memref<32x768xf32, #tpu.memory_space<vmem>>, vector<1x16xf32>,
        %get3A_673 = vector.shape_cast %get3A_672 : vector<1x16xf32> to vector<16xf32>
        %get3A_674 = arith.index_cast %scan3A_195 : i32 to index
        %get3A_675 = arith.constant 544 : index
        %get3A_676 = tpu.vector_load %arg9[%get3A_674, %get3A_675] {strides = array<i32>} : memref<32x768xf32, #tpu.memory_space<vmem>>, vector<1x16xf32>,
        %get3A_677 = vector.shape_cast %get3A_676 : vector<1x16xf32> to vector<16xf32>
        %add3A_678 = arith.addf %get3A_673, %get3A_677 : vector<16xf32>
        %swap3A_679 = arith.index_cast %scan3A_195 : i32 to index
        %swap3A_680 = arith.constant 544 : index
        %swap3A_681 = tpu.vector_load %arg8[%swap3A_679, %swap3A_680] {strides = array<i32>} : memref<32x768xf32, #tpu.memory_space<vmem>>, vector<1x16xf32>,
        %swap3A_682 = vector.shape_cast %swap3A_681 : vector<1x16xf32> to vector<16xf32>
        %swap3A_683 = vector.shape_cast %add3A_678 : vector<16xf32> to vector<1x16xf32>
        tpu.vector_store %arg8[%swap3A_679, %swap3A_680], %swap3A_683 {strides = array<i32>} : memref<32x768xf32, #tpu.memory_space<vmem>>, vector<1x16xf32>,
        %get3A_684 = arith.index_cast %scan3A_195 : i32 to index
        %get3A_685 = arith.constant 560 : index
        %get3A_686 = tpu.vector_load %arg6[%get3A_684, %get3A_685] {strides = array<i32>} : memref<32x768xf32, #tpu.memory_space<vmem>>, vector<1x16xf32>,
        %get3A_687 = vector.shape_cast %get3A_686 : vector<1x16xf32> to vector<16xf32>
        %get3A_688 = arith.index_cast %scan3A_195 : i32 to index
        %get3A_689 = arith.constant 560 : index
        %get3A_690 = tpu.vector_load %arg9[%get3A_688, %get3A_689] {strides = array<i32>} : memref<32x768xf32, #tpu.memory_space<vmem>>, vector<1x16xf32>,
        %get3A_691 = vector.shape_cast %get3A_690 : vector<1x16xf32> to vector<16xf32>
        %add3A_692 = arith.addf %get3A_687, %get3A_691 : vector<16xf32>
        %swap3A_693 = arith.index_cast %scan3A_195 : i32 to index
        %swap3A_694 = arith.constant 560 : index
        %swap3A_695 = tpu.vector_load %arg8[%swap3A_693, %swap3A_694] {strides = array<i32>} : memref<32x768xf32, #tpu.memory_space<vmem>>, vector<1x16xf32>,
        %swap3A_696 = vector.shape_cast %swap3A_695 : vector<1x16xf32> to vector<16xf32>
        %swap3A_697 = vector.shape_cast %add3A_692 : vector<16xf32> to vector<1x16xf32>
        tpu.vector_store %arg8[%swap3A_693, %swap3A_694], %swap3A_697 {strides = array<i32>} : memref<32x768xf32, #tpu.memory_space<vmem>>, vector<1x16xf32>,
        %get3A_698 = arith.index_cast %scan3A_195 : i32 to index
        %get3A_699 = arith.constant 576 : index
        %get3A_700 = tpu.vector_load %arg6[%get3A_698, %get3A_699] {strides = array<i32>} : memref<32x768xf32, #tpu.memory_space<vmem>>, vector<1x16xf32>,
        %get3A_701 = vector.shape_cast %get3A_700 : vector<1x16xf32> to vector<16xf32>
        %get3A_702 = arith.index_cast %scan3A_195 : i32 to index
        %get3A_703 = arith.constant 576 : index
        %get3A_704 = tpu.vector_load %arg9[%get3A_702, %get3A_703] {strides = array<i32>} : memref<32x768xf32, #tpu.memory_space<vmem>>, vector<1x16xf32>,
        %get3A_705 = vector.shape_cast %get3A_704 : vector<1x16xf32> to vector<16xf32>
        %add3A_706 = arith.addf %get3A_701, %get3A_705 : vector<16xf32>
        %swap3A_707 = arith.index_cast %scan3A_195 : i32 to index
        %swap3A_708 = arith.constant 576 : index
        %swap3A_709 = tpu.vector_load %arg8[%swap3A_707, %swap3A_708] {strides = array<i32>} : memref<32x768xf32, #tpu.memory_space<vmem>>, vector<1x16xf32>,
        %swap3A_710 = vector.shape_cast %swap3A_709 : vector<1x16xf32> to vector<16xf32>
        %swap3A_711 = vector.shape_cast %add3A_706 : vector<16xf32> to vector<1x16xf32>
        tpu.vector_store %arg8[%swap3A_707, %swap3A_708], %swap3A_711 {strides = array<i32>} : memref<32x768xf32, #tpu.memory_space<vmem>>, vector<1x16xf32>,
        %get3A_712 = arith.index_cast %scan3A_195 : i32 to index
        %get3A_713 = arith.constant 592 : index
        %get3A_714 = tpu.vector_load %arg6[%get3A_712, %get3A_713] {strides = array<i32>} : memref<32x768xf32, #tpu.memory_space<vmem>>, vector<1x16xf32>,
        %get3A_715 = vector.shape_cast %get3A_714 : vector<1x16xf32> to vector<16xf32>
        %get3A_716 = arith.index_cast %scan3A_195 : i32 to index
        %get3A_717 = arith.constant 592 : index
        %get3A_718 = tpu.vector_load %arg9[%get3A_716, %get3A_717] {strides = array<i32>} : memref<32x768xf32, #tpu.memory_space<vmem>>, vector<1x16xf32>,
        %get3A_719 = vector.shape_cast %get3A_718 : vector<1x16xf32> to vector<16xf32>
        %add3A_720 = arith.addf %get3A_715, %get3A_719 : vector<16xf32>
        %swap3A_721 = arith.index_cast %scan3A_195 : i32 to index
        %swap3A_722 = arith.constant 592 : index
        %swap3A_723 = tpu.vector_load %arg8[%swap3A_721, %swap3A_722] {strides = array<i32>} : memref<32x768xf32, #tpu.memory_space<vmem>>, vector<1x16xf32>,
        %swap3A_724 = vector.shape_cast %swap3A_723 : vector<1x16xf32> to vector<16xf32>
        %swap3A_725 = vector.shape_cast %add3A_720 : vector<16xf32> to vector<1x16xf32>
        tpu.vector_store %arg8[%swap3A_721, %swap3A_722], %swap3A_725 {strides = array<i32>} : memref<32x768xf32, #tpu.memory_space<vmem>>, vector<1x16xf32>,
        %get3A_726 = arith.index_cast %scan3A_195 : i32 to index
        %get3A_727 = arith.constant 608 : index
        %get3A_728 = tpu.vector_load %arg6[%get3A_726, %get3A_727] {strides = array<i32>} : memref<32x768xf32, #tpu.memory_space<vmem>>, vector<1x16xf32>,
        %get3A_729 = vector.shape_cast %get3A_728 : vector<1x16xf32> to vector<16xf32>
        %get3A_730 = arith.index_cast %scan3A_195 : i32 to index
        %get3A_731 = arith.constant 608 : index
        %get3A_732 = tpu.vector_load %arg9[%get3A_730, %get3A_731] {strides = array<i32>} : memref<32x768xf32, #tpu.memory_space<vmem>>, vector<1x16xf32>,
        %get3A_733 = vector.shape_cast %get3A_732 : vector<1x16xf32> to vector<16xf32>
        %add3A_734 = arith.addf %get3A_729, %get3A_733 : vector<16xf32>
        %swap3A_735 = arith.index_cast %scan3A_195 : i32 to index
        %swap3A_736 = arith.constant 608 : index
        %swap3A_737 = tpu.vector_load %arg8[%swap3A_735, %swap3A_736] {strides = array<i32>} : memref<32x768xf32, #tpu.memory_space<vmem>>, vector<1x16xf32>,
        %swap3A_738 = vector.shape_cast %swap3A_737 : vector<1x16xf32> to vector<16xf32>
        %swap3A_739 = vector.shape_cast %add3A_734 : vector<16xf32> to vector<1x16xf32>
        tpu.vector_store %arg8[%swap3A_735, %swap3A_736], %swap3A_739 {strides = array<i32>} : memref<32x768xf32, #tpu.memory_space<vmem>>, vector<1x16xf32>,
        %get3A_740 = arith.index_cast %scan3A_195 : i32 to index
        %get3A_741 = arith.constant 624 : index
        %get3A_742 = tpu.vector_load %arg6[%get3A_740, %get3A_741] {strides = array<i32>} : memref<32x768xf32, #tpu.memory_space<vmem>>, vector<1x16xf32>,
        %get3A_743 = vector.shape_cast %get3A_742 : vector<1x16xf32> to vector<16xf32>
        %get3A_744 = arith.index_cast %scan3A_195 : i32 to index
        %get3A_745 = arith.constant 624 : index
        %get3A_746 = tpu.vector_load %arg9[%get3A_744, %get3A_745] {strides = array<i32>} : memref<32x768xf32, #tpu.memory_space<vmem>>, vector<1x16xf32>,
        %get3A_747 = vector.shape_cast %get3A_746 : vector<1x16xf32> to vector<16xf32>
        %add3A_748 = arith.addf %get3A_743, %get3A_747 : vector<16xf32>
        %swap3A_749 = arith.index_cast %scan3A_195 : i32 to index
        %swap3A_750 = arith.constant 624 : index
        %swap3A_751 = tpu.vector_load %arg8[%swap3A_749, %swap3A_750] {strides = array<i32>} : memref<32x768xf32, #tpu.memory_space<vmem>>, vector<1x16xf32>,
        %swap3A_752 = vector.shape_cast %swap3A_751 : vector<1x16xf32> to vector<16xf32>
        %swap3A_753 = vector.shape_cast %add3A_748 : vector<16xf32> to vector<1x16xf32>
        tpu.vector_store %arg8[%swap3A_749, %swap3A_750], %swap3A_753 {strides = array<i32>} : memref<32x768xf32, #tpu.memory_space<vmem>>, vector<1x16xf32>,
        %get3A_754 = arith.index_cast %scan3A_195 : i32 to index
        %get3A_755 = arith.constant 640 : index
        %get3A_756 = tpu.vector_load %arg6[%get3A_754, %get3A_755] {strides = array<i32>} : memref<32x768xf32, #tpu.memory_space<vmem>>, vector<1x16xf32>,
        %get3A_757 = vector.shape_cast %get3A_756 : vector<1x16xf32> to vector<16xf32>
        %get3A_758 = arith.index_cast %scan3A_195 : i32 to index
        %get3A_759 = arith.constant 640 : index
        %get3A_760 = tpu.vector_load %arg9[%get3A_758, %get3A_759] {strides = array<i32>} : memref<32x768xf32, #tpu.memory_space<vmem>>, vector<1x16xf32>,
        %get3A_761 = vector.shape_cast %get3A_760 : vector<1x16xf32> to vector<16xf32>
        %add3A_762 = arith.addf %get3A_757, %get3A_761 : vector<16xf32>
        %swap3A_763 = arith.index_cast %scan3A_195 : i32 to index
        %swap3A_764 = arith.constant 640 : index
        %swap3A_765 = tpu.vector_load %arg8[%swap3A_763, %swap3A_764] {strides = array<i32>} : memref<32x768xf32, #tpu.memory_space<vmem>>, vector<1x16xf32>,
        %swap3A_766 = vector.shape_cast %swap3A_765 : vector<1x16xf32> to vector<16xf32>
        %swap3A_767 = vector.shape_cast %add3A_762 : vector<16xf32> to vector<1x16xf32>
        tpu.vector_store %arg8[%swap3A_763, %swap3A_764], %swap3A_767 {strides = array<i32>} : memref<32x768xf32, #tpu.memory_space<vmem>>, vector<1x16xf32>,
        %get3A_768 = arith.index_cast %scan3A_195 : i32 to index
        %get3A_769 = arith.constant 656 : index
        %get3A_770 = tpu.vector_load %arg6[%get3A_768, %get3A_769] {strides = array<i32>} : memref<32x768xf32, #tpu.memory_space<vmem>>, vector<1x16xf32>,
        %get3A_771 = vector.shape_cast %get3A_770 : vector<1x16xf32> to vector<16xf32>
        %get3A_772 = arith.index_cast %scan3A_195 : i32 to index
        %get3A_773 = arith.constant 656 : index
        %get3A_774 = tpu.vector_load %arg9[%get3A_772, %get3A_773] {strides = array<i32>} : memref<32x768xf32, #tpu.memory_space<vmem>>, vector<1x16xf32>,
        %get3A_775 = vector.shape_cast %get3A_774 : vector<1x16xf32> to vector<16xf32>
        %add3A_776 = arith.addf %get3A_771, %get3A_775 : vector<16xf32>
        %swap3A_777 = arith.index_cast %scan3A_195 : i32 to index
        %swap3A_778 = arith.constant 656 : index
        %swap3A_779 = tpu.vector_load %arg8[%swap3A_777, %swap3A_778] {strides = array<i32>} : memref<32x768xf32, #tpu.memory_space<vmem>>, vector<1x16xf32>,
        %swap3A_780 = vector.shape_cast %swap3A_779 : vector<1x16xf32> to vector<16xf32>
        %swap3A_781 = vector.shape_cast %add3A_776 : vector<16xf32> to vector<1x16xf32>
        tpu.vector_store %arg8[%swap3A_777, %swap3A_778], %swap3A_781 {strides = array<i32>} : memref<32x768xf32, #tpu.memory_space<vmem>>, vector<1x16xf32>,
        %get3A_782 = arith.index_cast %scan3A_195 : i32 to index
        %get3A_783 = arith.constant 672 : index
        %get3A_784 = tpu.vector_load %arg6[%get3A_782, %get3A_783] {strides = array<i32>} : memref<32x768xf32, #tpu.memory_space<vmem>>, vector<1x16xf32>,
        %get3A_785 = vector.shape_cast %get3A_784 : vector<1x16xf32> to vector<16xf32>
        %get3A_786 = arith.index_cast %scan3A_195 : i32 to index
        %get3A_787 = arith.constant 672 : index
        %get3A_788 = tpu.vector_load %arg9[%get3A_786, %get3A_787] {strides = array<i32>} : memref<32x768xf32, #tpu.memory_space<vmem>>, vector<1x16xf32>,
        %get3A_789 = vector.shape_cast %get3A_788 : vector<1x16xf32> to vector<16xf32>
        %add3A_790 = arith.addf %get3A_785, %get3A_789 : vector<16xf32>
        %swap3A_791 = arith.index_cast %scan3A_195 : i32 to index
        %swap3A_792 = arith.constant 672 : index
        %swap3A_793 = tpu.vector_load %arg8[%swap3A_791, %swap3A_792] {strides = array<i32>} : memref<32x768xf32, #tpu.memory_space<vmem>>, vector<1x16xf32>,
        %swap3A_794 = vector.shape_cast %swap3A_793 : vector<1x16xf32> to vector<16xf32>
        %swap3A_795 = vector.shape_cast %add3A_790 : vector<16xf32> to vector<1x16xf32>
        tpu.vector_store %arg8[%swap3A_791, %swap3A_792], %swap3A_795 {strides = array<i32>} : memref<32x768xf32, #tpu.memory_space<vmem>>, vector<1x16xf32>,
        %get3A_796 = arith.index_cast %scan3A_195 : i32 to index
        %get3A_797 = arith.constant 688 : index
        %get3A_798 = tpu.vector_load %arg6[%get3A_796, %get3A_797] {strides = array<i32>} : memref<32x768xf32, #tpu.memory_space<vmem>>, vector<1x16xf32>,
        %get3A_799 = vector.shape_cast %get3A_798 : vector<1x16xf32> to vector<16xf32>
        %get3A_800 = arith.index_cast %scan3A_195 : i32 to index
        %get3A_801 = arith.constant 688 : index
        %get3A_802 = tpu.vector_load %arg9[%get3A_800, %get3A_801] {strides = array<i32>} : memref<32x768xf32, #tpu.memory_space<vmem>>, vector<1x16xf32>,
        %get3A_803 = vector.shape_cast %get3A_802 : vector<1x16xf32> to vector<16xf32>
        %add3A_804 = arith.addf %get3A_799, %get3A_803 : vector<16xf32>
        %swap3A_805 = arith.index_cast %scan3A_195 : i32 to index
        %swap3A_806 = arith.constant 688 : index
        %swap3A_807 = tpu.vector_load %arg8[%swap3A_805, %swap3A_806] {strides = array<i32>} : memref<32x768xf32, #tpu.memory_space<vmem>>, vector<1x16xf32>,
        %swap3A_808 = vector.shape_cast %swap3A_807 : vector<1x16xf32> to vector<16xf32>
        %swap3A_809 = vector.shape_cast %add3A_804 : vector<16xf32> to vector<1x16xf32>
        tpu.vector_store %arg8[%swap3A_805, %swap3A_806], %swap3A_809 {strides = array<i32>} : memref<32x768xf32, #tpu.memory_space<vmem>>, vector<1x16xf32>,
        %get3A_810 = arith.index_cast %scan3A_195 : i32 to index
        %get3A_811 = arith.constant 704 : index
        %get3A_812 = tpu.vector_load %arg6[%get3A_810, %get3A_811] {strides = array<i32>} : memref<32x768xf32, #tpu.memory_space<vmem>>, vector<1x16xf32>,
        %get3A_813 = vector.shape_cast %get3A_812 : vector<1x16xf32> to vector<16xf32>
        %get3A_814 = arith.index_cast %scan3A_195 : i32 to index
        %get3A_815 = arith.constant 704 : index
        %get3A_816 = tpu.vector_load %arg9[%get3A_814, %get3A_815] {strides = array<i32>} : memref<32x768xf32, #tpu.memory_space<vmem>>, vector<1x16xf32>,
        %get3A_817 = vector.shape_cast %get3A_816 : vector<1x16xf32> to vector<16xf32>
        %add3A_818 = arith.addf %get3A_813, %get3A_817 : vector<16xf32>
        %swap3A_819 = arith.index_cast %scan3A_195 : i32 to index
        %swap3A_820 = arith.constant 704 : index
        %swap3A_821 = tpu.vector_load %arg8[%swap3A_819, %swap3A_820] {strides = array<i32>} : memref<32x768xf32, #tpu.memory_space<vmem>>, vector<1x16xf32>,
        %swap3A_822 = vector.shape_cast %swap3A_821 : vector<1x16xf32> to vector<16xf32>
        %swap3A_823 = vector.shape_cast %add3A_818 : vector<16xf32> to vector<1x16xf32>
        tpu.vector_store %arg8[%swap3A_819, %swap3A_820], %swap3A_823 {strides = array<i32>} : memref<32x768xf32, #tpu.memory_space<vmem>>, vector<1x16xf32>,
        %get3A_824 = arith.index_cast %scan3A_195 : i32 to index
        %get3A_825 = arith.constant 720 : index
        %get3A_826 = tpu.vector_load %arg6[%get3A_824, %get3A_825] {strides = array<i32>} : memref<32x768xf32, #tpu.memory_space<vmem>>, vector<1x16xf32>,
        %get3A_827 = vector.shape_cast %get3A_826 : vector<1x16xf32> to vector<16xf32>
        %get3A_828 = arith.index_cast %scan3A_195 : i32 to index
        %get3A_829 = arith.constant 720 : index
        %get3A_830 = tpu.vector_load %arg9[%get3A_828, %get3A_829] {strides = array<i32>} : memref<32x768xf32, #tpu.memory_space<vmem>>, vector<1x16xf32>,
        %get3A_831 = vector.shape_cast %get3A_830 : vector<1x16xf32> to vector<16xf32>
        %add3A_832 = arith.addf %get3A_827, %get3A_831 : vector<16xf32>
        %swap3A_833 = arith.index_cast %scan3A_195 : i32 to index
        %swap3A_834 = arith.constant 720 : index
        %swap3A_835 = tpu.vector_load %arg8[%swap3A_833, %swap3A_834] {strides = array<i32>} : memref<32x768xf32, #tpu.memory_space<vmem>>, vector<1x16xf32>,
        %swap3A_836 = vector.shape_cast %swap3A_835 : vector<1x16xf32> to vector<16xf32>
        %swap3A_837 = vector.shape_cast %add3A_832 : vector<16xf32> to vector<1x16xf32>
        tpu.vector_store %arg8[%swap3A_833, %swap3A_834], %swap3A_837 {strides = array<i32>} : memref<32x768xf32, #tpu.memory_space<vmem>>, vector<1x16xf32>,
        %get3A_838 = arith.index_cast %scan3A_195 : i32 to index
        %get3A_839 = arith.constant 736 : index
        %get3A_840 = tpu.vector_load %arg6[%get3A_838, %get3A_839] {strides = array<i32>} : memref<32x768xf32, #tpu.memory_space<vmem>>, vector<1x16xf32>,
        %get3A_841 = vector.shape_cast %get3A_840 : vector<1x16xf32> to vector<16xf32>
        %get3A_842 = arith.index_cast %scan3A_195 : i32 to index
        %get3A_843 = arith.constant 736 : index
        %get3A_844 = tpu.vector_load %arg9[%get3A_842, %get3A_843] {strides = array<i32>} : memref<32x768xf32, #tpu.memory_space<vmem>>, vector<1x16xf32>,
        %get3A_845 = vector.shape_cast %get3A_844 : vector<1x16xf32> to vector<16xf32>
        %add3A_846 = arith.addf %get3A_841, %get3A_845 : vector<16xf32>
        %swap3A_847 = arith.index_cast %scan3A_195 : i32 to index
        %swap3A_848 = arith.constant 736 : index
        %swap3A_849 = tpu.vector_load %arg8[%swap3A_847, %swap3A_848] {strides = array<i32>} : memref<32x768xf32, #tpu.memory_space<vmem>>, vector<1x16xf32>,
        %swap3A_850 = vector.shape_cast %swap3A_849 : vector<1x16xf32> to vector<16xf32>
        %swap3A_851 = vector.shape_cast %add3A_846 : vector<16xf32> to vector<1x16xf32>
        tpu.vector_store %arg8[%swap3A_847, %swap3A_848], %swap3A_851 {strides = array<i32>} : memref<32x768xf32, #tpu.memory_space<vmem>>, vector<1x16xf32>,
        %get3A_852 = arith.index_cast %scan3A_195 : i32 to index
        %get3A_853 = arith.constant 752 : index
        %get3A_854 = tpu.vector_load %arg6[%get3A_852, %get3A_853] {strides = array<i32>} : memref<32x768xf32, #tpu.memory_space<vmem>>, vector<1x16xf32>,
        %get3A_855 = vector.shape_cast %get3A_854 : vector<1x16xf32> to vector<16xf32>
        %get3A_856 = arith.index_cast %scan3A_195 : i32 to index
        %get3A_857 = arith.constant 752 : index
        %get3A_858 = tpu.vector_load %arg9[%get3A_856, %get3A_857] {strides = array<i32>} : memref<32x768xf32, #tpu.memory_space<vmem>>, vector<1x16xf32>,
        %get3A_859 = vector.shape_cast %get3A_858 : vector<1x16xf32> to vector<16xf32>
        %add3A_860 = arith.addf %get3A_855, %get3A_859 : vector<16xf32>
        %swap3A_861 = arith.index_cast %scan3A_195 : i32 to index
        %swap3A_862 = arith.constant 752 : index
        %swap3A_863 = tpu.vector_load %arg8[%swap3A_861, %swap3A_862] {strides = array<i32>} : memref<32x768xf32, #tpu.memory_space<vmem>>, vector<1x16xf32>,
        %swap3A_864 = vector.shape_cast %swap3A_863 : vector<1x16xf32> to vector<16xf32>
        %swap3A_865 = vector.shape_cast %add3A_860 : vector<16xf32> to vector<1x16xf32>
        tpu.vector_store %arg8[%swap3A_861, %swap3A_862], %swap3A_865 {strides = array<i32>} : memref<32x768xf32, #tpu.memory_space<vmem>>, vector<1x16xf32>,
      }
      %scan3A_178 = arith.constant 32 : i32
      %dma_start3A_179 = arith.constant 0 : i32
      %dma_start3A_180 = tpu.memref_slice %arg4[%add3A_143, %mul3A_2, %dma_start3A_179] : memref<64x1025x768xf32, #tpu.memory_space<hbm>> -> memref<1x32x768xf32, #tpu.memory_space<hbm>>
      %dma_start3A_181 = tpu.memref_squeeze %dma_start3A_180 : memref<1x32x768xf32, #tpu.memory_space<hbm>> -> memref<32x768xf32, #tpu.memory_space<hbm>>
      %dma_start3A_182 = arith.constant 0 : i32
      %dma_start3A_183 = tpu.memref_slice %arg4[%add3A_143, %mul3A_2, %dma_start3A_182] : memref<64x1025x768xf32, #tpu.memory_space<hbm>> -> memref<1x32x768xf32, #tpu.memory_space<hbm>>
      %dma_start3A_184 = tpu.memref_squeeze %dma_start3A_183 : memref<1x32x768xf32, #tpu.memory_space<hbm>> -> memref<32x768xf32, #tpu.memory_space<hbm>>
      tpu.enqueue_dma source(%arg8 : memref<32x768xf32, #tpu.memory_space<vmem>>) target(%dma_start3A_184 : memref<32x768xf32, #tpu.memory_space<hbm>>) target_semaphore(%arg18 : memref<!tpu.dma_semaphore, #tpu.memory_space<semaphore_mem>>)
      %add3A_185 = arith.constant 2 : i32
      %add3A_186 = arith.addi %add3A_143, %add3A_185 : i32
      %lt3A_187 = arith.constant 64 : i32
      %lt3A_188 = arith.cmpi slt, %add3A_186, %lt3A_187 : i32
      %convert_element_type3A_189 = arith.extui %lt3A_188 : i1 to i32
      %cond3A_190 = arith.constant 0 : i32
      %cond3A_191 = arith.cmpi ne, %convert_element_type3A_189, %cond3A_190 : i32
      scf.if %cond3A_191 {
        %add3A_195 = arith.constant 2 : i32
        %add3A_196 = arith.addi %add3A_143, %add3A_195 : i32
        %dma_start3A_197 = arith.constant 0 : i32
        %dma_start3A_198 = arith.constant 0 : i32
        %dma_start3A_199 = tpu.memref_slice %arg6[%dma_start3A_197, %dma_start3A_198] : memref<32x768xf32, #tpu.memory_space<vmem>> -> memref<16x768xf32, #tpu.memory_space<vmem>>
        %dma_start3A_200 = arith.constant 0 : i32
        %dma_start3A_201 = tpu.memref_slice %arg2[%add3A_196, %mul3A_6, %dma_start3A_200] : memref<64x1025x768xf32, #tpu.memory_space<hbm>> -> memref<1x16x768xf32, #tpu.memory_space<hbm>>
        %dma_start3A_202 = tpu.memref_squeeze %dma_start3A_201 : memref<1x16x768xf32, #tpu.memory_space<hbm>> -> memref<16x768xf32, #tpu.memory_space<hbm>>
        %dma_start3A_203 = arith.constant 0 : i32
        %dma_start3A_204 = arith.constant 0 : i32
        %dma_start3A_205 = tpu.memref_slice %arg6[%dma_start3A_203, %dma_start3A_204] : memref<32x768xf32, #tpu.memory_space<vmem>> -> memref<16x768xf32, #tpu.memory_space<vmem>>
        %dma_start3A_206 = arith.constant 0 : i32
        %dma_start3A_207 = tpu.memref_slice %arg2[%add3A_196, %mul3A_6, %dma_start3A_206] : memref<64x1025x768xf32, #tpu.memory_space<hbm>> -> memref<1x16x768xf32, #tpu.memory_space<hbm>>
        %dma_start3A_208 = tpu.memref_squeeze %dma_start3A_207 : memref<1x16x768xf32, #tpu.memory_space<hbm>> -> memref<16x768xf32, #tpu.memory_space<hbm>>
        tpu.enqueue_dma source(%dma_start3A_208 : memref<16x768xf32, #tpu.memory_space<hbm>>) target(%dma_start3A_205 : memref<16x768xf32, #tpu.memory_space<vmem>>) target_semaphore(%arg16 : memref<!tpu.dma_semaphore, #tpu.memory_space<semaphore_mem>>)
        %dma_start3A_209 = arith.constant 16 : i32
        %dma_start3A_210 = arith.constant 0 : i32
        %dma_start3A_211 = tpu.memref_slice %arg6[%dma_start3A_209, %dma_start3A_210] : memref<32x768xf32, #tpu.memory_space<vmem>> -> memref<16x768xf32, #tpu.memory_space<vmem>>
        %dma_start3A_212 = arith.constant 0 : i32
        %dma_start3A_213 = tpu.memref_slice %arg2[%add3A_196, %add3A_10, %dma_start3A_212] : memref<64x1025x768xf32, #tpu.memory_space<hbm>> -> memref<1x16x768xf32, #tpu.memory_space<hbm>>
        %dma_start3A_214 = tpu.memref_squeeze %dma_start3A_213 : memref<1x16x768xf32, #tpu.memory_space<hbm>> -> memref<16x768xf32, #tpu.memory_space<hbm>>
        %dma_start3A_215 = arith.constant 16 : i32
        %dma_start3A_216 = arith.constant 0 : i32
        %dma_start3A_217 = tpu.memref_slice %arg6[%dma_start3A_215, %dma_start3A_216] : memref<32x768xf32, #tpu.memory_space<vmem>> -> memref<16x768xf32, #tpu.memory_space<vmem>>
        %dma_start3A_218 = arith.constant 0 : i32
        %dma_start3A_219 = tpu.memref_slice %arg2[%add3A_196, %add3A_10, %dma_start3A_218] : memref<64x1025x768xf32, #tpu.memory_space<hbm>> -> memref<1x16x768xf32, #tpu.memory_space<hbm>>
        %dma_start3A_220 = tpu.memref_squeeze %dma_start3A_219 : memref<1x16x768xf32, #tpu.memory_space<hbm>> -> memref<16x768xf32, #tpu.memory_space<hbm>>
        tpu.enqueue_dma source(%dma_start3A_220 : memref<16x768xf32, #tpu.memory_space<hbm>>) target(%dma_start3A_217 : memref<16x768xf32, #tpu.memory_space<vmem>>) target_semaphore(%arg16 : memref<!tpu.dma_semaphore, #tpu.memory_space<semaphore_mem>>)
      } else {
      }
      %convert_element_type3A_192 = arith.extui %eq3A_3 : i1 to i32
      %cond3A_193 = arith.constant 0 : i32
      %cond3A_194 = arith.cmpi ne, %convert_element_type3A_192, %cond3A_193 : i32
      scf.if %cond3A_194 {
        %dma_wait3A_195 = arith.constant 1024 : i32
        %dma_wait3A_196 = arith.constant 0 : i32
        %dma_wait3A_197 = tpu.memref_slice %arg2[%add3A_143, %dma_wait3A_195, %dma_wait3A_196] : memref<64x1025x768xf32, #tpu.memory_space<hbm>> -> memref<1x1x768xf32, #tpu.memory_space<hbm>>
        %dma_wait3A_198 = tpu.memref_squeeze %dma_wait3A_197 : memref<1x1x768xf32, #tpu.memory_space<hbm>> -> memref<1x768xf32, #tpu.memory_space<hbm>>
        %dma_wait3A_199 = arith.constant 1024 : i32
        %dma_wait3A_200 = arith.constant 0 : i32
        %dma_wait3A_201 = tpu.memref_slice %arg2[%add3A_143, %dma_wait3A_199, %dma_wait3A_200] : memref<64x1025x768xf32, #tpu.memory_space<hbm>> -> memref<1x1x768xf32, #tpu.memory_space<hbm>>
        %dma_wait3A_202 = tpu.memref_squeeze %dma_wait3A_201 : memref<1x1x768xf32, #tpu.memory_space<hbm>> -> memref<1x768xf32, #tpu.memory_space<hbm>>
        tpu.wait_dma2 semaphore(%arg20 : memref<!tpu.dma_semaphore, #tpu.memory_space<semaphore_mem>>) src(%dma_wait3A_202 : memref<1x768xf32, #tpu.memory_space<hbm>>) dst(%arg11 : memref<1x768xf32, #tpu.memory_space<vmem>>)
        %ge3A_203 = arith.constant 2 : i32
        %ge3A_204 = arith.cmpi sge, %add3A_143, %ge3A_203 : i32
        %convert_element_type3A_205 = arith.extui %ge3A_204 : i1 to i32
        %cond3A_206 = arith.constant 0 : i32
        %cond3A_207 = arith.cmpi ne, %convert_element_type3A_205, %cond3A_206 : i32
        scf.if %cond3A_207 {
          %sub3A = arith.constant 2 : i32
          %sub3A_1037 = arith.subi %add3A_143, %sub3A : i32
          %dma_wait3A_1038 = arith.constant 1024 : i32
          %dma_wait3A_1039 = arith.constant 0 : i32
          %dma_wait3A_1040 = tpu.memref_slice %arg4[%sub3A_1037, %dma_wait3A_1038, %dma_wait3A_1039] : memref<64x1025x768xf32, #tpu.memory_space<hbm>> -> memref<1x1x768xf32, #tpu.memory_space<hbm>>
          %dma_wait3A_1041 = tpu.memref_squeeze %dma_wait3A_1040 : memref<1x1x768xf32, #tpu.memory_space<hbm>> -> memref<1x768xf32, #tpu.memory_space<hbm>>
          %dma_wait3A_1042 = arith.constant 1024 : i32
          %dma_wait3A_1043 = arith.constant 0 : i32
          %dma_wait3A_1044 = tpu.memref_slice %arg4[%sub3A_1037, %dma_wait3A_1042, %dma_wait3A_1043] : memref<64x1025x768xf32, #tpu.memory_space<hbm>> -> memref<1x1x768xf32, #tpu.memory_space<hbm>>
          %dma_wait3A_1045 = tpu.memref_squeeze %dma_wait3A_1044 : memref<1x1x768xf32, #tpu.memory_space<hbm>> -> memref<1x768xf32, #tpu.memory_space<hbm>>
          tpu.wait_dma2 semaphore(%arg22 : memref<!tpu.dma_semaphore, #tpu.memory_space<semaphore_mem>>) src(%arg13 : memref<1x768xf32, #tpu.memory_space<vmem>>) dst(%dma_wait3A_1045 : memref<1x768xf32, #tpu.memory_space<hbm>>)
        } else {
        }
        %get3A = arith.constant 0 : i32
        %get3A_208 = arith.index_cast %get3A : i32 to index
        %get3A_209 = arith.constant 0 : index
        %get3A_210 = tpu.vector_load %arg11[%get3A_208, %get3A_209] {strides = array<i32>} : memref<1x768xf32, #tpu.memory_space<vmem>>, vector<1x16xf32>,
        %get3A_211 = vector.shape_cast %get3A_210 : vector<1x16xf32> to vector<16xf32>
        %get3A_212 = arith.constant 0 : i32
        %get3A_213 = arith.index_cast %get3A_212 : i32 to index
        %get3A_214 = arith.constant 0 : index
        %get3A_215 = tpu.vector_load %arg14[%get3A_213, %get3A_214] {strides = array<i32>} : memref<1x768xf32, #tpu.memory_space<vmem>>, vector<1x16xf32>,
        %get3A_216 = vector.shape_cast %get3A_215 : vector<1x16xf32> to vector<16xf32>
        %add3A_217 = arith.addf %get3A_211, %get3A_216 : vector<16xf32>
        %swap3A = arith.constant 0 : i32
        %swap3A_218 = arith.index_cast %swap3A : i32 to index
        %swap3A_219 = arith.constant 0 : index
        %swap3A_220 = tpu.vector_load %arg13[%swap3A_218, %swap3A_219] {strides = array<i32>} : memref<1x768xf32, #tpu.memory_space<vmem>>, vector<1x16xf32>,
        %swap3A_221 = vector.shape_cast %swap3A_220 : vector<1x16xf32> to vector<16xf32>
        %swap3A_222 = vector.shape_cast %add3A_217 : vector<16xf32> to vector<1x16xf32>
        tpu.vector_store %arg13[%swap3A_218, %swap3A_219], %swap3A_222 {strides = array<i32>} : memref<1x768xf32, #tpu.memory_space<vmem>>, vector<1x16xf32>,
        %get3A_223 = arith.constant 0 : i32
        %get3A_224 = arith.index_cast %get3A_223 : i32 to index
        %get3A_225 = arith.constant 16 : index
        %get3A_226 = tpu.vector_load %arg11[%get3A_224, %get3A_225] {strides = array<i32>} : memref<1x768xf32, #tpu.memory_space<vmem>>, vector<1x16xf32>,
        %get3A_227 = vector.shape_cast %get3A_226 : vector<1x16xf32> to vector<16xf32>
        %get3A_228 = arith.constant 0 : i32
        %get3A_229 = arith.index_cast %get3A_228 : i32 to index
        %get3A_230 = arith.constant 16 : index
        %get3A_231 = tpu.vector_load %arg14[%get3A_229, %get3A_230] {strides = array<i32>} : memref<1x768xf32, #tpu.memory_space<vmem>>, vector<1x16xf32>,
        %get3A_232 = vector.shape_cast %get3A_231 : vector<1x16xf32> to vector<16xf32>
        %add3A_233 = arith.addf %get3A_227, %get3A_232 : vector<16xf32>
        %swap3A_234 = arith.constant 0 : i32
        %swap3A_235 = arith.index_cast %swap3A_234 : i32 to index
        %swap3A_236 = arith.constant 16 : index
        %swap3A_237 = tpu.vector_load %arg13[%swap3A_235, %swap3A_236] {strides = array<i32>} : memref<1x768xf32, #tpu.memory_space<vmem>>, vector<1x16xf32>,
        %swap3A_238 = vector.shape_cast %swap3A_237 : vector<1x16xf32> to vector<16xf32>
        %swap3A_239 = vector.shape_cast %add3A_233 : vector<16xf32> to vector<1x16xf32>
        tpu.vector_store %arg13[%swap3A_235, %swap3A_236], %swap3A_239 {strides = array<i32>} : memref<1x768xf32, #tpu.memory_space<vmem>>, vector<1x16xf32>,
        %get3A_240 = arith.constant 0 : i32
        %get3A_241 = arith.index_cast %get3A_240 : i32 to index
        %get3A_242 = arith.constant 32 : index
        %get3A_243 = tpu.vector_load %arg11[%get3A_241, %get3A_242] {strides = array<i32>} : memref<1x768xf32, #tpu.memory_space<vmem>>, vector<1x16xf32>,
        %get3A_244 = vector.shape_cast %get3A_243 : vector<1x16xf32> to vector<16xf32>
        %get3A_245 = arith.constant 0 : i32
        %get3A_246 = arith.index_cast %get3A_245 : i32 to index
        %get3A_247 = arith.constant 32 : index
        %get3A_248 = tpu.vector_load %arg14[%get3A_246, %get3A_247] {strides = array<i32>} : memref<1x768xf32, #tpu.memory_space<vmem>>, vector<1x16xf32>,
        %get3A_249 = vector.shape_cast %get3A_248 : vector<1x16xf32> to vector<16xf32>
        %add3A_250 = arith.addf %get3A_244, %get3A_249 : vector<16xf32>
        %swap3A_251 = arith.constant 0 : i32
        %swap3A_252 = arith.index_cast %swap3A_251 : i32 to index
        %swap3A_253 = arith.constant 32 : index
        %swap3A_254 = tpu.vector_load %arg13[%swap3A_252, %swap3A_253] {strides = array<i32>} : memref<1x768xf32, #tpu.memory_space<vmem>>, vector<1x16xf32>,
        %swap3A_255 = vector.shape_cast %swap3A_254 : vector<1x16xf32> to vector<16xf32>
        %swap3A_256 = vector.shape_cast %add3A_250 : vector<16xf32> to vector<1x16xf32>
        tpu.vector_store %arg13[%swap3A_252, %swap3A_253], %swap3A_256 {strides = array<i32>} : memref<1x768xf32, #tpu.memory_space<vmem>>, vector<1x16xf32>,
        %get3A_257 = arith.constant 0 : i32
        %get3A_258 = arith.index_cast %get3A_257 : i32 to index
        %get3A_259 = arith.constant 48 : index
        %get3A_260 = tpu.vector_load %arg11[%get3A_258, %get3A_259] {strides = array<i32>} : memref<1x768xf32, #tpu.memory_space<vmem>>, vector<1x16xf32>,
        %get3A_261 = vector.shape_cast %get3A_260 : vector<1x16xf32> to vector<16xf32>
        %get3A_262 = arith.constant 0 : i32
        %get3A_263 = arith.index_cast %get3A_262 : i32 to index
        %get3A_264 = arith.constant 48 : index
        %get3A_265 = tpu.vector_load %arg14[%get3A_263, %get3A_264] {strides = array<i32>} : memref<1x768xf32, #tpu.memory_space<vmem>>, vector<1x16xf32>,
        %get3A_266 = vector.shape_cast %get3A_265 : vector<1x16xf32> to vector<16xf32>
        %add3A_267 = arith.addf %get3A_261, %get3A_266 : vector<16xf32>
        %swap3A_268 = arith.constant 0 : i32
        %swap3A_269 = arith.index_cast %swap3A_268 : i32 to index
        %swap3A_270 = arith.constant 48 : index
        %swap3A_271 = tpu.vector_load %arg13[%swap3A_269, %swap3A_270] {strides = array<i32>} : memref<1x768xf32, #tpu.memory_space<vmem>>, vector<1x16xf32>,
        %swap3A_272 = vector.shape_cast %swap3A_271 : vector<1x16xf32> to vector<16xf32>
        %swap3A_273 = vector.shape_cast %add3A_267 : vector<16xf32> to vector<1x16xf32>
        tpu.vector_store %arg13[%swap3A_269, %swap3A_270], %swap3A_273 {strides = array<i32>} : memref<1x768xf32, #tpu.memory_space<vmem>>, vector<1x16xf32>,
        %get3A_274 = arith.constant 0 : i32
        %get3A_275 = arith.index_cast %get3A_274 : i32 to index
        %get3A_276 = arith.constant 64 : index
        %get3A_277 = tpu.vector_load %arg11[%get3A_275, %get3A_276] {strides = array<i32>} : memref<1x768xf32, #tpu.memory_space<vmem>>, vector<1x16xf32>,
        %get3A_278 = vector.shape_cast %get3A_277 : vector<1x16xf32> to vector<16xf32>
        %get3A_279 = arith.constant 0 : i32
        %get3A_280 = arith.index_cast %get3A_279 : i32 to index
        %get3A_281 = arith.constant 64 : index
        %get3A_282 = tpu.vector_load %arg14[%get3A_280, %get3A_281] {strides = array<i32>} : memref<1x768xf32, #tpu.memory_space<vmem>>, vector<1x16xf32>,
        %get3A_283 = vector.shape_cast %get3A_282 : vector<1x16xf32> to vector<16xf32>
        %add3A_284 = arith.addf %get3A_278, %get3A_283 : vector<16xf32>
        %swap3A_285 = arith.constant 0 : i32
        %swap3A_286 = arith.index_cast %swap3A_285 : i32 to index
        %swap3A_287 = arith.constant 64 : index
        %swap3A_288 = tpu.vector_load %arg13[%swap3A_286, %swap3A_287] {strides = array<i32>} : memref<1x768xf32, #tpu.memory_space<vmem>>, vector<1x16xf32>,
        %swap3A_289 = vector.shape_cast %swap3A_288 : vector<1x16xf32> to vector<16xf32>
        %swap3A_290 = vector.shape_cast %add3A_284 : vector<16xf32> to vector<1x16xf32>
        tpu.vector_store %arg13[%swap3A_286, %swap3A_287], %swap3A_290 {strides = array<i32>} : memref<1x768xf32, #tpu.memory_space<vmem>>, vector<1x16xf32>,
        %get3A_291 = arith.constant 0 : i32
        %get3A_292 = arith.index_cast %get3A_291 : i32 to index
        %get3A_293 = arith.constant 80 : index
        %get3A_294 = tpu.vector_load %arg11[%get3A_292, %get3A_293] {strides = array<i32>} : memref<1x768xf32, #tpu.memory_space<vmem>>, vector<1x16xf32>,
        %get3A_295 = vector.shape_cast %get3A_294 : vector<1x16xf32> to vector<16xf32>
        %get3A_296 = arith.constant 0 : i32
        %get3A_297 = arith.index_cast %get3A_296 : i32 to index
        %get3A_298 = arith.constant 80 : index
        %get3A_299 = tpu.vector_load %arg14[%get3A_297, %get3A_298] {strides = array<i32>} : memref<1x768xf32, #tpu.memory_space<vmem>>, vector<1x16xf32>,
        %get3A_300 = vector.shape_cast %get3A_299 : vector<1x16xf32> to vector<16xf32>
        %add3A_301 = arith.addf %get3A_295, %get3A_300 : vector<16xf32>
        %swap3A_302 = arith.constant 0 : i32
        %swap3A_303 = arith.index_cast %swap3A_302 : i32 to index
        %swap3A_304 = arith.constant 80 : index
        %swap3A_305 = tpu.vector_load %arg13[%swap3A_303, %swap3A_304] {strides = array<i32>} : memref<1x768xf32, #tpu.memory_space<vmem>>, vector<1x16xf32>,
        %swap3A_306 = vector.shape_cast %swap3A_305 : vector<1x16xf32> to vector<16xf32>
        %swap3A_307 = vector.shape_cast %add3A_301 : vector<16xf32> to vector<1x16xf32>
        tpu.vector_store %arg13[%swap3A_303, %swap3A_304], %swap3A_307 {strides = array<i32>} : memref<1x768xf32, #tpu.memory_space<vmem>>, vector<1x16xf32>,
        %get3A_308 = arith.constant 0 : i32
        %get3A_309 = arith.index_cast %get3A_308 : i32 to index
        %get3A_310 = arith.constant 96 : index
        %get3A_311 = tpu.vector_load %arg11[%get3A_309, %get3A_310] {strides = array<i32>} : memref<1x768xf32, #tpu.memory_space<vmem>>, vector<1x16xf32>,
        %get3A_312 = vector.shape_cast %get3A_311 : vector<1x16xf32> to vector<16xf32>
        %get3A_313 = arith.constant 0 : i32
        %get3A_314 = arith.index_cast %get3A_313 : i32 to index
        %get3A_315 = arith.constant 96 : index
        %get3A_316 = tpu.vector_load %arg14[%get3A_314, %get3A_315] {strides = array<i32>} : memref<1x768xf32, #tpu.memory_space<vmem>>, vector<1x16xf32>,
        %get3A_317 = vector.shape_cast %get3A_316 : vector<1x16xf32> to vector<16xf32>
        %add3A_318 = arith.addf %get3A_312, %get3A_317 : vector<16xf32>
        %swap3A_319 = arith.constant 0 : i32
        %swap3A_320 = arith.index_cast %swap3A_319 : i32 to index
        %swap3A_321 = arith.constant 96 : index
        %swap3A_322 = tpu.vector_load %arg13[%swap3A_320, %swap3A_321] {strides = array<i32>} : memref<1x768xf32, #tpu.memory_space<vmem>>, vector<1x16xf32>,
        %swap3A_323 = vector.shape_cast %swap3A_322 : vector<1x16xf32> to vector<16xf32>
        %swap3A_324 = vector.shape_cast %add3A_318 : vector<16xf32> to vector<1x16xf32>
        tpu.vector_store %arg13[%swap3A_320, %swap3A_321], %swap3A_324 {strides = array<i32>} : memref<1x768xf32, #tpu.memory_space<vmem>>, vector<1x16xf32>,
        %get3A_325 = arith.constant 0 : i32
        %get3A_326 = arith.index_cast %get3A_325 : i32 to index
        %get3A_327 = arith.constant 112 : index
        %get3A_328 = tpu.vector_load %arg11[%get3A_326, %get3A_327] {strides = array<i32>} : memref<1x768xf32, #tpu.memory_space<vmem>>, vector<1x16xf32>,
        %get3A_329 = vector.shape_cast %get3A_328 : vector<1x16xf32> to vector<16xf32>
        %get3A_330 = arith.constant 0 : i32
        %get3A_331 = arith.index_cast %get3A_330 : i32 to index
        %get3A_332 = arith.constant 112 : index
        %get3A_333 = tpu.vector_load %arg14[%get3A_331, %get3A_332] {strides = array<i32>} : memref<1x768xf32, #tpu.memory_space<vmem>>, vector<1x16xf32>,
        %get3A_334 = vector.shape_cast %get3A_333 : vector<1x16xf32> to vector<16xf32>
        %add3A_335 = arith.addf %get3A_329, %get3A_334 : vector<16xf32>
        %swap3A_336 = arith.constant 0 : i32
        %swap3A_337 = arith.index_cast %swap3A_336 : i32 to index
        %swap3A_338 = arith.constant 112 : index
        %swap3A_339 = tpu.vector_load %arg13[%swap3A_337, %swap3A_338] {strides = array<i32>} : memref<1x768xf32, #tpu.memory_space<vmem>>, vector<1x16xf32>,
        %swap3A_340 = vector.shape_cast %swap3A_339 : vector<1x16xf32> to vector<16xf32>
        %swap3A_341 = vector.shape_cast %add3A_335 : vector<16xf32> to vector<1x16xf32>
        tpu.vector_store %arg13[%swap3A_337, %swap3A_338], %swap3A_341 {strides = array<i32>} : memref<1x768xf32, #tpu.memory_space<vmem>>, vector<1x16xf32>,
        %get3A_342 = arith.constant 0 : i32
        %get3A_343 = arith.index_cast %get3A_342 : i32 to index
        %get3A_344 = arith.constant 128 : index
        %get3A_345 = tpu.vector_load %arg11[%get3A_343, %get3A_344] {strides = array<i32>} : memref<1x768xf32, #tpu.memory_space<vmem>>, vector<1x16xf32>,
        %get3A_346 = vector.shape_cast %get3A_345 : vector<1x16xf32> to vector<16xf32>
        %get3A_347 = arith.constant 0 : i32
        %get3A_348 = arith.index_cast %get3A_347 : i32 to index
        %get3A_349 = arith.constant 128 : index
        %get3A_350 = tpu.vector_load %arg14[%get3A_348, %get3A_349] {strides = array<i32>} : memref<1x768xf32, #tpu.memory_space<vmem>>, vector<1x16xf32>,
        %get3A_351 = vector.shape_cast %get3A_350 : vector<1x16xf32> to vector<16xf32>
        %add3A_352 = arith.addf %get3A_346, %get3A_351 : vector<16xf32>
        %swap3A_353 = arith.constant 0 : i32
        %swap3A_354 = arith.index_cast %swap3A_353 : i32 to index
        %swap3A_355 = arith.constant 128 : index
        %swap3A_356 = tpu.vector_load %arg13[%swap3A_354, %swap3A_355] {strides = array<i32>} : memref<1x768xf32, #tpu.memory_space<vmem>>, vector<1x16xf32>,
        %swap3A_357 = vector.shape_cast %swap3A_356 : vector<1x16xf32> to vector<16xf32>
        %swap3A_358 = vector.shape_cast %add3A_352 : vector<16xf32> to vector<1x16xf32>
        tpu.vector_store %arg13[%swap3A_354, %swap3A_355], %swap3A_358 {strides = array<i32>} : memref<1x768xf32, #tpu.memory_space<vmem>>, vector<1x16xf32>,
        %get3A_359 = arith.constant 0 : i32
        %get3A_360 = arith.index_cast %get3A_359 : i32 to index
        %get3A_361 = arith.constant 144 : index
        %get3A_362 = tpu.vector_load %arg11[%get3A_360, %get3A_361] {strides = array<i32>} : memref<1x768xf32, #tpu.memory_space<vmem>>, vector<1x16xf32>,
        %get3A_363 = vector.shape_cast %get3A_362 : vector<1x16xf32> to vector<16xf32>
        %get3A_364 = arith.constant 0 : i32
        %get3A_365 = arith.index_cast %get3A_364 : i32 to index
        %get3A_366 = arith.constant 144 : index
        %get3A_367 = tpu.vector_load %arg14[%get3A_365, %get3A_366] {strides = array<i32>} : memref<1x768xf32, #tpu.memory_space<vmem>>, vector<1x16xf32>,
        %get3A_368 = vector.shape_cast %get3A_367 : vector<1x16xf32> to vector<16xf32>
        %add3A_369 = arith.addf %get3A_363, %get3A_368 : vector<16xf32>
        %swap3A_370 = arith.constant 0 : i32
        %swap3A_371 = arith.index_cast %swap3A_370 : i32 to index
        %swap3A_372 = arith.constant 144 : index
        %swap3A_373 = tpu.vector_load %arg13[%swap3A_371, %swap3A_372] {strides = array<i32>} : memref<1x768xf32, #tpu.memory_space<vmem>>, vector<1x16xf32>,
        %swap3A_374 = vector.shape_cast %swap3A_373 : vector<1x16xf32> to vector<16xf32>
        %swap3A_375 = vector.shape_cast %add3A_369 : vector<16xf32> to vector<1x16xf32>
        tpu.vector_store %arg13[%swap3A_371, %swap3A_372], %swap3A_375 {strides = array<i32>} : memref<1x768xf32, #tpu.memory_space<vmem>>, vector<1x16xf32>,
        %get3A_376 = arith.constant 0 : i32
        %get3A_377 = arith.index_cast %get3A_376 : i32 to index
        %get3A_378 = arith.constant 160 : index
        %get3A_379 = tpu.vector_load %arg11[%get3A_377, %get3A_378] {strides = array<i32>} : memref<1x768xf32, #tpu.memory_space<vmem>>, vector<1x16xf32>,
        %get3A_380 = vector.shape_cast %get3A_379 : vector<1x16xf32> to vector<16xf32>
        %get3A_381 = arith.constant 0 : i32
        %get3A_382 = arith.index_cast %get3A_381 : i32 to index
        %get3A_383 = arith.constant 160 : index
        %get3A_384 = tpu.vector_load %arg14[%get3A_382, %get3A_383] {strides = array<i32>} : memref<1x768xf32, #tpu.memory_space<vmem>>, vector<1x16xf32>,
        %get3A_385 = vector.shape_cast %get3A_384 : vector<1x16xf32> to vector<16xf32>
        %add3A_386 = arith.addf %get3A_380, %get3A_385 : vector<16xf32>
        %swap3A_387 = arith.constant 0 : i32
        %swap3A_388 = arith.index_cast %swap3A_387 : i32 to index
        %swap3A_389 = arith.constant 160 : index
        %swap3A_390 = tpu.vector_load %arg13[%swap3A_388, %swap3A_389] {strides = array<i32>} : memref<1x768xf32, #tpu.memory_space<vmem>>, vector<1x16xf32>,
        %swap3A_391 = vector.shape_cast %swap3A_390 : vector<1x16xf32> to vector<16xf32>
        %swap3A_392 = vector.shape_cast %add3A_386 : vector<16xf32> to vector<1x16xf32>
        tpu.vector_store %arg13[%swap3A_388, %swap3A_389], %swap3A_392 {strides = array<i32>} : memref<1x768xf32, #tpu.memory_space<vmem>>, vector<1x16xf32>,
        %get3A_393 = arith.constant 0 : i32
        %get3A_394 = arith.index_cast %get3A_393 : i32 to index
        %get3A_395 = arith.constant 176 : index
        %get3A_396 = tpu.vector_load %arg11[%get3A_394, %get3A_395] {strides = array<i32>} : memref<1x768xf32, #tpu.memory_space<vmem>>, vector<1x16xf32>,
        %get3A_397 = vector.shape_cast %get3A_396 : vector<1x16xf32> to vector<16xf32>
        %get3A_398 = arith.constant 0 : i32
        %get3A_399 = arith.index_cast %get3A_398 : i32 to index
        %get3A_400 = arith.constant 176 : index
        %get3A_401 = tpu.vector_load %arg14[%get3A_399, %get3A_400] {strides = array<i32>} : memref<1x768xf32, #tpu.memory_space<vmem>>, vector<1x16xf32>,
        %get3A_402 = vector.shape_cast %get3A_401 : vector<1x16xf32> to vector<16xf32>
        %add3A_403 = arith.addf %get3A_397, %get3A_402 : vector<16xf32>
        %swap3A_404 = arith.constant 0 : i32
        %swap3A_405 = arith.index_cast %swap3A_404 : i32 to index
        %swap3A_406 = arith.constant 176 : index
        %swap3A_407 = tpu.vector_load %arg13[%swap3A_405, %swap3A_406] {strides = array<i32>} : memref<1x768xf32, #tpu.memory_space<vmem>>, vector<1x16xf32>,
        %swap3A_408 = vector.shape_cast %swap3A_407 : vector<1x16xf32> to vector<16xf32>
        %swap3A_409 = vector.shape_cast %add3A_403 : vector<16xf32> to vector<1x16xf32>
        tpu.vector_store %arg13[%swap3A_405, %swap3A_406], %swap3A_409 {strides = array<i32>} : memref<1x768xf32, #tpu.memory_space<vmem>>, vector<1x16xf32>,
        %get3A_410 = arith.constant 0 : i32
        %get3A_411 = arith.index_cast %get3A_410 : i32 to index
        %get3A_412 = arith.constant 192 : index
        %get3A_413 = tpu.vector_load %arg11[%get3A_411, %get3A_412] {strides = array<i32>} : memref<1x768xf32, #tpu.memory_space<vmem>>, vector<1x16xf32>,
        %get3A_414 = vector.shape_cast %get3A_413 : vector<1x16xf32> to vector<16xf32>
        %get3A_415 = arith.constant 0 : i32
        %get3A_416 = arith.index_cast %get3A_415 : i32 to index
        %get3A_417 = arith.constant 192 : index
        %get3A_418 = tpu.vector_load %arg14[%get3A_416, %get3A_417] {strides = array<i32>} : memref<1x768xf32, #tpu.memory_space<vmem>>, vector<1x16xf32>,
        %get3A_419 = vector.shape_cast %get3A_418 : vector<1x16xf32> to vector<16xf32>
        %add3A_420 = arith.addf %get3A_414, %get3A_419 : vector<16xf32>
        %swap3A_421 = arith.constant 0 : i32
        %swap3A_422 = arith.index_cast %swap3A_421 : i32 to index
        %swap3A_423 = arith.constant 192 : index
        %swap3A_424 = tpu.vector_load %arg13[%swap3A_422, %swap3A_423] {strides = array<i32>} : memref<1x768xf32, #tpu.memory_space<vmem>>, vector<1x16xf32>,
        %swap3A_425 = vector.shape_cast %swap3A_424 : vector<1x16xf32> to vector<16xf32>
        %swap3A_426 = vector.shape_cast %add3A_420 : vector<16xf32> to vector<1x16xf32>
        tpu.vector_store %arg13[%swap3A_422, %swap3A_423], %swap3A_426 {strides = array<i32>} : memref<1x768xf32, #tpu.memory_space<vmem>>, vector<1x16xf32>,
        %get3A_427 = arith.constant 0 : i32
        %get3A_428 = arith.index_cast %get3A_427 : i32 to index
        %get3A_429 = arith.constant 208 : index
        %get3A_430 = tpu.vector_load %arg11[%get3A_428, %get3A_429] {strides = array<i32>} : memref<1x768xf32, #tpu.memory_space<vmem>>, vector<1x16xf32>,
        %get3A_431 = vector.shape_cast %get3A_430 : vector<1x16xf32> to vector<16xf32>
        %get3A_432 = arith.constant 0 : i32
        %get3A_433 = arith.index_cast %get3A_432 : i32 to index
        %get3A_434 = arith.constant 208 : index
        %get3A_435 = tpu.vector_load %arg14[%get3A_433, %get3A_434] {strides = array<i32>} : memref<1x768xf32, #tpu.memory_space<vmem>>, vector<1x16xf32>,
        %get3A_436 = vector.shape_cast %get3A_435 : vector<1x16xf32> to vector<16xf32>
        %add3A_437 = arith.addf %get3A_431, %get3A_436 : vector<16xf32>
        %swap3A_438 = arith.constant 0 : i32
        %swap3A_439 = arith.index_cast %swap3A_438 : i32 to index
        %swap3A_440 = arith.constant 208 : index
        %swap3A_441 = tpu.vector_load %arg13[%swap3A_439, %swap3A_440] {strides = array<i32>} : memref<1x768xf32, #tpu.memory_space<vmem>>, vector<1x16xf32>,
        %swap3A_442 = vector.shape_cast %swap3A_441 : vector<1x16xf32> to vector<16xf32>
        %swap3A_443 = vector.shape_cast %add3A_437 : vector<16xf32> to vector<1x16xf32>
        tpu.vector_store %arg13[%swap3A_439, %swap3A_440], %swap3A_443 {strides = array<i32>} : memref<1x768xf32, #tpu.memory_space<vmem>>, vector<1x16xf32>,
        %get3A_444 = arith.constant 0 : i32
        %get3A_445 = arith.index_cast %get3A_444 : i32 to index
        %get3A_446 = arith.constant 224 : index
        %get3A_447 = tpu.vector_load %arg11[%get3A_445, %get3A_446] {strides = array<i32>} : memref<1x768xf32, #tpu.memory_space<vmem>>, vector<1x16xf32>,
        %get3A_448 = vector.shape_cast %get3A_447 : vector<1x16xf32> to vector<16xf32>
        %get3A_449 = arith.constant 0 : i32
        %get3A_450 = arith.index_cast %get3A_449 : i32 to index
        %get3A_451 = arith.constant 224 : index
        %get3A_452 = tpu.vector_load %arg14[%get3A_450, %get3A_451] {strides = array<i32>} : memref<1x768xf32, #tpu.memory_space<vmem>>, vector<1x16xf32>,
        %get3A_453 = vector.shape_cast %get3A_452 : vector<1x16xf32> to vector<16xf32>
        %add3A_454 = arith.addf %get3A_448, %get3A_453 : vector<16xf32>
        %swap3A_455 = arith.constant 0 : i32
        %swap3A_456 = arith.index_cast %swap3A_455 : i32 to index
        %swap3A_457 = arith.constant 224 : index
        %swap3A_458 = tpu.vector_load %arg13[%swap3A_456, %swap3A_457] {strides = array<i32>} : memref<1x768xf32, #tpu.memory_space<vmem>>, vector<1x16xf32>,
        %swap3A_459 = vector.shape_cast %swap3A_458 : vector<1x16xf32> to vector<16xf32>
        %swap3A_460 = vector.shape_cast %add3A_454 : vector<16xf32> to vector<1x16xf32>
        tpu.vector_store %arg13[%swap3A_456, %swap3A_457], %swap3A_460 {strides = array<i32>} : memref<1x768xf32, #tpu.memory_space<vmem>>, vector<1x16xf32>,
        %get3A_461 = arith.constant 0 : i32
        %get3A_462 = arith.index_cast %get3A_461 : i32 to index
        %get3A_463 = arith.constant 240 : index
        %get3A_464 = tpu.vector_load %arg11[%get3A_462, %get3A_463] {strides = array<i32>} : memref<1x768xf32, #tpu.memory_space<vmem>>, vector<1x16xf32>,
        %get3A_465 = vector.shape_cast %get3A_464 : vector<1x16xf32> to vector<16xf32>
        %get3A_466 = arith.constant 0 : i32
        %get3A_467 = arith.index_cast %get3A_466 : i32 to index
        %get3A_468 = arith.constant 240 : index
        %get3A_469 = tpu.vector_load %arg14[%get3A_467, %get3A_468] {strides = array<i32>} : memref<1x768xf32, #tpu.memory_space<vmem>>, vector<1x16xf32>,
        %get3A_470 = vector.shape_cast %get3A_469 : vector<1x16xf32> to vector<16xf32>
        %add3A_471 = arith.addf %get3A_465, %get3A_470 : vector<16xf32>
        %swap3A_472 = arith.constant 0 : i32
        %swap3A_473 = arith.index_cast %swap3A_472 : i32 to index
        %swap3A_474 = arith.constant 240 : index
        %swap3A_475 = tpu.vector_load %arg13[%swap3A_473, %swap3A_474] {strides = array<i32>} : memref<1x768xf32, #tpu.memory_space<vmem>>, vector<1x16xf32>,
        %swap3A_476 = vector.shape_cast %swap3A_475 : vector<1x16xf32> to vector<16xf32>
        %swap3A_477 = vector.shape_cast %add3A_471 : vector<16xf32> to vector<1x16xf32>
        tpu.vector_store %arg13[%swap3A_473, %swap3A_474], %swap3A_477 {strides = array<i32>} : memref<1x768xf32, #tpu.memory_space<vmem>>, vector<1x16xf32>,
        %get3A_478 = arith.constant 0 : i32
        %get3A_479 = arith.index_cast %get3A_478 : i32 to index
        %get3A_480 = arith.constant 256 : index
        %get3A_481 = tpu.vector_load %arg11[%get3A_479, %get3A_480] {strides = array<i32>} : memref<1x768xf32, #tpu.memory_space<vmem>>, vector<1x16xf32>,
        %get3A_482 = vector.shape_cast %get3A_481 : vector<1x16xf32> to vector<16xf32>
        %get3A_483 = arith.constant 0 : i32
        %get3A_484 = arith.index_cast %get3A_483 : i32 to index
        %get3A_485 = arith.constant 256 : index
        %get3A_486 = tpu.vector_load %arg14[%get3A_484, %get3A_485] {strides = array<i32>} : memref<1x768xf32, #tpu.memory_space<vmem>>, vector<1x16xf32>,
        %get3A_487 = vector.shape_cast %get3A_486 : vector<1x16xf32> to vector<16xf32>
        %add3A_488 = arith.addf %get3A_482, %get3A_487 : vector<16xf32>
        %swap3A_489 = arith.constant 0 : i32
        %swap3A_490 = arith.index_cast %swap3A_489 : i32 to index
        %swap3A_491 = arith.constant 256 : index
        %swap3A_492 = tpu.vector_load %arg13[%swap3A_490, %swap3A_491] {strides = array<i32>} : memref<1x768xf32, #tpu.memory_space<vmem>>, vector<1x16xf32>,
        %swap3A_493 = vector.shape_cast %swap3A_492 : vector<1x16xf32> to vector<16xf32>
        %swap3A_494 = vector.shape_cast %add3A_488 : vector<16xf32> to vector<1x16xf32>
        tpu.vector_store %arg13[%swap3A_490, %swap3A_491], %swap3A_494 {strides = array<i32>} : memref<1x768xf32, #tpu.memory_space<vmem>>, vector<1x16xf32>,
        %get3A_495 = arith.constant 0 : i32
        %get3A_496 = arith.index_cast %get3A_495 : i32 to index
        %get3A_497 = arith.constant 272 : index
        %get3A_498 = tpu.vector_load %arg11[%get3A_496, %get3A_497] {strides = array<i32>} : memref<1x768xf32, #tpu.memory_space<vmem>>, vector<1x16xf32>,
        %get3A_499 = vector.shape_cast %get3A_498 : vector<1x16xf32> to vector<16xf32>
        %get3A_500 = arith.constant 0 : i32
        %get3A_501 = arith.index_cast %get3A_500 : i32 to index
        %get3A_502 = arith.constant 272 : index
        %get3A_503 = tpu.vector_load %arg14[%get3A_501, %get3A_502] {strides = array<i32>} : memref<1x768xf32, #tpu.memory_space<vmem>>, vector<1x16xf32>,
        %get3A_504 = vector.shape_cast %get3A_503 : vector<1x16xf32> to vector<16xf32>
        %add3A_505 = arith.addf %get3A_499, %get3A_504 : vector<16xf32>
        %swap3A_506 = arith.constant 0 : i32
        %swap3A_507 = arith.index_cast %swap3A_506 : i32 to index
        %swap3A_508 = arith.constant 272 : index
        %swap3A_509 = tpu.vector_load %arg13[%swap3A_507, %swap3A_508] {strides = array<i32>} : memref<1x768xf32, #tpu.memory_space<vmem>>, vector<1x16xf32>,
        %swap3A_510 = vector.shape_cast %swap3A_509 : vector<1x16xf32> to vector<16xf32>
        %swap3A_511 = vector.shape_cast %add3A_505 : vector<16xf32> to vector<1x16xf32>
        tpu.vector_store %arg13[%swap3A_507, %swap3A_508], %swap3A_511 {strides = array<i32>} : memref<1x768xf32, #tpu.memory_space<vmem>>, vector<1x16xf32>,
        %get3A_512 = arith.constant 0 : i32
        %get3A_513 = arith.index_cast %get3A_512 : i32 to index
        %get3A_514 = arith.constant 288 : index
        %get3A_515 = tpu.vector_load %arg11[%get3A_513, %get3A_514] {strides = array<i32>} : memref<1x768xf32, #tpu.memory_space<vmem>>, vector<1x16xf32>,
        %get3A_516 = vector.shape_cast %get3A_515 : vector<1x16xf32> to vector<16xf32>
        %get3A_517 = arith.constant 0 : i32
        %get3A_518 = arith.index_cast %get3A_517 : i32 to index
        %get3A_519 = arith.constant 288 : index
        %get3A_520 = tpu.vector_load %arg14[%get3A_518, %get3A_519] {strides = array<i32>} : memref<1x768xf32, #tpu.memory_space<vmem>>, vector<1x16xf32>,
        %get3A_521 = vector.shape_cast %get3A_520 : vector<1x16xf32> to vector<16xf32>
        %add3A_522 = arith.addf %get3A_516, %get3A_521 : vector<16xf32>
        %swap3A_523 = arith.constant 0 : i32
        %swap3A_524 = arith.index_cast %swap3A_523 : i32 to index
        %swap3A_525 = arith.constant 288 : index
        %swap3A_526 = tpu.vector_load %arg13[%swap3A_524, %swap3A_525] {strides = array<i32>} : memref<1x768xf32, #tpu.memory_space<vmem>>, vector<1x16xf32>,
        %swap3A_527 = vector.shape_cast %swap3A_526 : vector<1x16xf32> to vector<16xf32>
        %swap3A_528 = vector.shape_cast %add3A_522 : vector<16xf32> to vector<1x16xf32>
        tpu.vector_store %arg13[%swap3A_524, %swap3A_525], %swap3A_528 {strides = array<i32>} : memref<1x768xf32, #tpu.memory_space<vmem>>, vector<1x16xf32>,
        %get3A_529 = arith.constant 0 : i32
        %get3A_530 = arith.index_cast %get3A_529 : i32 to index
        %get3A_531 = arith.constant 304 : index
        %get3A_532 = tpu.vector_load %arg11[%get3A_530, %get3A_531] {strides = array<i32>} : memref<1x768xf32, #tpu.memory_space<vmem>>, vector<1x16xf32>,
        %get3A_533 = vector.shape_cast %get3A_532 : vector<1x16xf32> to vector<16xf32>
        %get3A_534 = arith.constant 0 : i32
        %get3A_535 = arith.index_cast %get3A_534 : i32 to index
        %get3A_536 = arith.constant 304 : index
        %get3A_537 = tpu.vector_load %arg14[%get3A_535, %get3A_536] {strides = array<i32>} : memref<1x768xf32, #tpu.memory_space<vmem>>, vector<1x16xf32>,
        %get3A_538 = vector.shape_cast %get3A_537 : vector<1x16xf32> to vector<16xf32>
        %add3A_539 = arith.addf %get3A_533, %get3A_538 : vector<16xf32>
        %swap3A_540 = arith.constant 0 : i32
        %swap3A_541 = arith.index_cast %swap3A_540 : i32 to index
        %swap3A_542 = arith.constant 304 : index
        %swap3A_543 = tpu.vector_load %arg13[%swap3A_541, %swap3A_542] {strides = array<i32>} : memref<1x768xf32, #tpu.memory_space<vmem>>, vector<1x16xf32>,
        %swap3A_544 = vector.shape_cast %swap3A_543 : vector<1x16xf32> to vector<16xf32>
        %swap3A_545 = vector.shape_cast %add3A_539 : vector<16xf32> to vector<1x16xf32>
        tpu.vector_store %arg13[%swap3A_541, %swap3A_542], %swap3A_545 {strides = array<i32>} : memref<1x768xf32, #tpu.memory_space<vmem>>, vector<1x16xf32>,
        %get3A_546 = arith.constant 0 : i32
        %get3A_547 = arith.index_cast %get3A_546 : i32 to index
        %get3A_548 = arith.constant 320 : index
        %get3A_549 = tpu.vector_load %arg11[%get3A_547, %get3A_548] {strides = array<i32>} : memref<1x768xf32, #tpu.memory_space<vmem>>, vector<1x16xf32>,
        %get3A_550 = vector.shape_cast %get3A_549 : vector<1x16xf32> to vector<16xf32>
        %get3A_551 = arith.constant 0 : i32
        %get3A_552 = arith.index_cast %get3A_551 : i32 to index
        %get3A_553 = arith.constant 320 : index
        %get3A_554 = tpu.vector_load %arg14[%get3A_552, %get3A_553] {strides = array<i32>} : memref<1x768xf32, #tpu.memory_space<vmem>>, vector<1x16xf32>,
        %get3A_555 = vector.shape_cast %get3A_554 : vector<1x16xf32> to vector<16xf32>
        %add3A_556 = arith.addf %get3A_550, %get3A_555 : vector<16xf32>
        %swap3A_557 = arith.constant 0 : i32
        %swap3A_558 = arith.index_cast %swap3A_557 : i32 to index
        %swap3A_559 = arith.constant 320 : index
        %swap3A_560 = tpu.vector_load %arg13[%swap3A_558, %swap3A_559] {strides = array<i32>} : memref<1x768xf32, #tpu.memory_space<vmem>>, vector<1x16xf32>,
        %swap3A_561 = vector.shape_cast %swap3A_560 : vector<1x16xf32> to vector<16xf32>
        %swap3A_562 = vector.shape_cast %add3A_556 : vector<16xf32> to vector<1x16xf32>
        tpu.vector_store %arg13[%swap3A_558, %swap3A_559], %swap3A_562 {strides = array<i32>} : memref<1x768xf32, #tpu.memory_space<vmem>>, vector<1x16xf32>,
        %get3A_563 = arith.constant 0 : i32
        %get3A_564 = arith.index_cast %get3A_563 : i32 to index
        %get3A_565 = arith.constant 336 : index
        %get3A_566 = tpu.vector_load %arg11[%get3A_564, %get3A_565] {strides = array<i32>} : memref<1x768xf32, #tpu.memory_space<vmem>>, vector<1x16xf32>,
        %get3A_567 = vector.shape_cast %get3A_566 : vector<1x16xf32> to vector<16xf32>
        %get3A_568 = arith.constant 0 : i32
        %get3A_569 = arith.index_cast %get3A_568 : i32 to index
        %get3A_570 = arith.constant 336 : index
        %get3A_571 = tpu.vector_load %arg14[%get3A_569, %get3A_570] {strides = array<i32>} : memref<1x768xf32, #tpu.memory_space<vmem>>, vector<1x16xf32>,
        %get3A_572 = vector.shape_cast %get3A_571 : vector<1x16xf32> to vector<16xf32>
        %add3A_573 = arith.addf %get3A_567, %get3A_572 : vector<16xf32>
        %swap3A_574 = arith.constant 0 : i32
        %swap3A_575 = arith.index_cast %swap3A_574 : i32 to index
        %swap3A_576 = arith.constant 336 : index
        %swap3A_577 = tpu.vector_load %arg13[%swap3A_575, %swap3A_576] {strides = array<i32>} : memref<1x768xf32, #tpu.memory_space<vmem>>, vector<1x16xf32>,
        %swap3A_578 = vector.shape_cast %swap3A_577 : vector<1x16xf32> to vector<16xf32>
        %swap3A_579 = vector.shape_cast %add3A_573 : vector<16xf32> to vector<1x16xf32>
        tpu.vector_store %arg13[%swap3A_575, %swap3A_576], %swap3A_579 {strides = array<i32>} : memref<1x768xf32, #tpu.memory_space<vmem>>, vector<1x16xf32>,
        %get3A_580 = arith.constant 0 : i32
        %get3A_581 = arith.index_cast %get3A_580 : i32 to index
        %get3A_582 = arith.constant 352 : index
        %get3A_583 = tpu.vector_load %arg11[%get3A_581, %get3A_582] {strides = array<i32>} : memref<1x768xf32, #tpu.memory_space<vmem>>, vector<1x16xf32>,
        %get3A_584 = vector.shape_cast %get3A_583 : vector<1x16xf32> to vector<16xf32>
        %get3A_585 = arith.constant 0 : i32
        %get3A_586 = arith.index_cast %get3A_585 : i32 to index
        %get3A_587 = arith.constant 352 : index
        %get3A_588 = tpu.vector_load %arg14[%get3A_586, %get3A_587] {strides = array<i32>} : memref<1x768xf32, #tpu.memory_space<vmem>>, vector<1x16xf32>,
        %get3A_589 = vector.shape_cast %get3A_588 : vector<1x16xf32> to vector<16xf32>
        %add3A_590 = arith.addf %get3A_584, %get3A_589 : vector<16xf32>
        %swap3A_591 = arith.constant 0 : i32
        %swap3A_592 = arith.index_cast %swap3A_591 : i32 to index
        %swap3A_593 = arith.constant 352 : index
        %swap3A_594 = tpu.vector_load %arg13[%swap3A_592, %swap3A_593] {strides = array<i32>} : memref<1x768xf32, #tpu.memory_space<vmem>>, vector<1x16xf32>,
        %swap3A_595 = vector.shape_cast %swap3A_594 : vector<1x16xf32> to vector<16xf32>
        %swap3A_596 = vector.shape_cast %add3A_590 : vector<16xf32> to vector<1x16xf32>
        tpu.vector_store %arg13[%swap3A_592, %swap3A_593], %swap3A_596 {strides = array<i32>} : memref<1x768xf32, #tpu.memory_space<vmem>>, vector<1x16xf32>,
        %get3A_597 = arith.constant 0 : i32
        %get3A_598 = arith.index_cast %get3A_597 : i32 to index
        %get3A_599 = arith.constant 368 : index
        %get3A_600 = tpu.vector_load %arg11[%get3A_598, %get3A_599] {strides = array<i32>} : memref<1x768xf32, #tpu.memory_space<vmem>>, vector<1x16xf32>,
        %get3A_601 = vector.shape_cast %get3A_600 : vector<1x16xf32> to vector<16xf32>
        %get3A_602 = arith.constant 0 : i32
        %get3A_603 = arith.index_cast %get3A_602 : i32 to index
        %get3A_604 = arith.constant 368 : index
        %get3A_605 = tpu.vector_load %arg14[%get3A_603, %get3A_604] {strides = array<i32>} : memref<1x768xf32, #tpu.memory_space<vmem>>, vector<1x16xf32>,
        %get3A_606 = vector.shape_cast %get3A_605 : vector<1x16xf32> to vector<16xf32>
        %add3A_607 = arith.addf %get3A_601, %get3A_606 : vector<16xf32>
        %swap3A_608 = arith.constant 0 : i32
        %swap3A_609 = arith.index_cast %swap3A_608 : i32 to index
        %swap3A_610 = arith.constant 368 : index
        %swap3A_611 = tpu.vector_load %arg13[%swap3A_609, %swap3A_610] {strides = array<i32>} : memref<1x768xf32, #tpu.memory_space<vmem>>, vector<1x16xf32>,
        %swap3A_612 = vector.shape_cast %swap3A_611 : vector<1x16xf32> to vector<16xf32>
        %swap3A_613 = vector.shape_cast %add3A_607 : vector<16xf32> to vector<1x16xf32>
        tpu.vector_store %arg13[%swap3A_609, %swap3A_610], %swap3A_613 {strides = array<i32>} : memref<1x768xf32, #tpu.memory_space<vmem>>, vector<1x16xf32>,
        %get3A_614 = arith.constant 0 : i32
        %get3A_615 = arith.index_cast %get3A_614 : i32 to index
        %get3A_616 = arith.constant 384 : index
        %get3A_617 = tpu.vector_load %arg11[%get3A_615, %get3A_616] {strides = array<i32>} : memref<1x768xf32, #tpu.memory_space<vmem>>, vector<1x16xf32>,
        %get3A_618 = vector.shape_cast %get3A_617 : vector<1x16xf32> to vector<16xf32>
        %get3A_619 = arith.constant 0 : i32
        %get3A_620 = arith.index_cast %get3A_619 : i32 to index
        %get3A_621 = arith.constant 384 : index
        %get3A_622 = tpu.vector_load %arg14[%get3A_620, %get3A_621] {strides = array<i32>} : memref<1x768xf32, #tpu.memory_space<vmem>>, vector<1x16xf32>,
        %get3A_623 = vector.shape_cast %get3A_622 : vector<1x16xf32> to vector<16xf32>
        %add3A_624 = arith.addf %get3A_618, %get3A_623 : vector<16xf32>
        %swap3A_625 = arith.constant 0 : i32
        %swap3A_626 = arith.index_cast %swap3A_625 : i32 to index
        %swap3A_627 = arith.constant 384 : index
        %swap3A_628 = tpu.vector_load %arg13[%swap3A_626, %swap3A_627] {strides = array<i32>} : memref<1x768xf32, #tpu.memory_space<vmem>>, vector<1x16xf32>,
        %swap3A_629 = vector.shape_cast %swap3A_628 : vector<1x16xf32> to vector<16xf32>
        %swap3A_630 = vector.shape_cast %add3A_624 : vector<16xf32> to vector<1x16xf32>
        tpu.vector_store %arg13[%swap3A_626, %swap3A_627], %swap3A_630 {strides = array<i32>} : memref<1x768xf32, #tpu.memory_space<vmem>>, vector<1x16xf32>,
        %get3A_631 = arith.constant 0 : i32
        %get3A_632 = arith.index_cast %get3A_631 : i32 to index
        %get3A_633 = arith.constant 400 : index
        %get3A_634 = tpu.vector_load %arg11[%get3A_632, %get3A_633] {strides = array<i32>} : memref<1x768xf32, #tpu.memory_space<vmem>>, vector<1x16xf32>,
        %get3A_635 = vector.shape_cast %get3A_634 : vector<1x16xf32> to vector<16xf32>
        %get3A_636 = arith.constant 0 : i32
        %get3A_637 = arith.index_cast %get3A_636 : i32 to index
        %get3A_638 = arith.constant 400 : index
        %get3A_639 = tpu.vector_load %arg14[%get3A_637, %get3A_638] {strides = array<i32>} : memref<1x768xf32, #tpu.memory_space<vmem>>, vector<1x16xf32>,
        %get3A_640 = vector.shape_cast %get3A_639 : vector<1x16xf32> to vector<16xf32>
        %add3A_641 = arith.addf %get3A_635, %get3A_640 : vector<16xf32>
        %swap3A_642 = arith.constant 0 : i32
        %swap3A_643 = arith.index_cast %swap3A_642 : i32 to index
        %swap3A_644 = arith.constant 400 : index
        %swap3A_645 = tpu.vector_load %arg13[%swap3A_643, %swap3A_644] {strides = array<i32>} : memref<1x768xf32, #tpu.memory_space<vmem>>, vector<1x16xf32>,
        %swap3A_646 = vector.shape_cast %swap3A_645 : vector<1x16xf32> to vector<16xf32>
        %swap3A_647 = vector.shape_cast %add3A_641 : vector<16xf32> to vector<1x16xf32>
        tpu.vector_store %arg13[%swap3A_643, %swap3A_644], %swap3A_647 {strides = array<i32>} : memref<1x768xf32, #tpu.memory_space<vmem>>, vector<1x16xf32>,
        %get3A_648 = arith.constant 0 : i32
        %get3A_649 = arith.index_cast %get3A_648 : i32 to index
        %get3A_650 = arith.constant 416 : index
        %get3A_651 = tpu.vector_load %arg11[%get3A_649, %get3A_650] {strides = array<i32>} : memref<1x768xf32, #tpu.memory_space<vmem>>, vector<1x16xf32>,
        %get3A_652 = vector.shape_cast %get3A_651 : vector<1x16xf32> to vector<16xf32>
        %get3A_653 = arith.constant 0 : i32
        %get3A_654 = arith.index_cast %get3A_653 : i32 to index
        %get3A_655 = arith.constant 416 : index
        %get3A_656 = tpu.vector_load %arg14[%get3A_654, %get3A_655] {strides = array<i32>} : memref<1x768xf32, #tpu.memory_space<vmem>>, vector<1x16xf32>,
        %get3A_657 = vector.shape_cast %get3A_656 : vector<1x16xf32> to vector<16xf32>
        %add3A_658 = arith.addf %get3A_652, %get3A_657 : vector<16xf32>
        %swap3A_659 = arith.constant 0 : i32
        %swap3A_660 = arith.index_cast %swap3A_659 : i32 to index
        %swap3A_661 = arith.constant 416 : index
        %swap3A_662 = tpu.vector_load %arg13[%swap3A_660, %swap3A_661] {strides = array<i32>} : memref<1x768xf32, #tpu.memory_space<vmem>>, vector<1x16xf32>,
        %swap3A_663 = vector.shape_cast %swap3A_662 : vector<1x16xf32> to vector<16xf32>
        %swap3A_664 = vector.shape_cast %add3A_658 : vector<16xf32> to vector<1x16xf32>
        tpu.vector_store %arg13[%swap3A_660, %swap3A_661], %swap3A_664 {strides = array<i32>} : memref<1x768xf32, #tpu.memory_space<vmem>>, vector<1x16xf32>,
        %get3A_665 = arith.constant 0 : i32
        %get3A_666 = arith.index_cast %get3A_665 : i32 to index
        %get3A_667 = arith.constant 432 : index
        %get3A_668 = tpu.vector_load %arg11[%get3A_666, %get3A_667] {strides = array<i32>} : memref<1x768xf32, #tpu.memory_space<vmem>>, vector<1x16xf32>,
        %get3A_669 = vector.shape_cast %get3A_668 : vector<1x16xf32> to vector<16xf32>
        %get3A_670 = arith.constant 0 : i32
        %get3A_671 = arith.index_cast %get3A_670 : i32 to index
        %get3A_672 = arith.constant 432 : index
        %get3A_673 = tpu.vector_load %arg14[%get3A_671, %get3A_672] {strides = array<i32>} : memref<1x768xf32, #tpu.memory_space<vmem>>, vector<1x16xf32>,
        %get3A_674 = vector.shape_cast %get3A_673 : vector<1x16xf32> to vector<16xf32>
        %add3A_675 = arith.addf %get3A_669, %get3A_674 : vector<16xf32>
        %swap3A_676 = arith.constant 0 : i32
        %swap3A_677 = arith.index_cast %swap3A_676 : i32 to index
        %swap3A_678 = arith.constant 432 : index
        %swap3A_679 = tpu.vector_load %arg13[%swap3A_677, %swap3A_678] {strides = array<i32>} : memref<1x768xf32, #tpu.memory_space<vmem>>, vector<1x16xf32>,
        %swap3A_680 = vector.shape_cast %swap3A_679 : vector<1x16xf32> to vector<16xf32>
        %swap3A_681 = vector.shape_cast %add3A_675 : vector<16xf32> to vector<1x16xf32>
        tpu.vector_store %arg13[%swap3A_677, %swap3A_678], %swap3A_681 {strides = array<i32>} : memref<1x768xf32, #tpu.memory_space<vmem>>, vector<1x16xf32>,
        %get3A_682 = arith.constant 0 : i32
        %get3A_683 = arith.index_cast %get3A_682 : i32 to index
        %get3A_684 = arith.constant 448 : index
        %get3A_685 = tpu.vector_load %arg11[%get3A_683, %get3A_684] {strides = array<i32>} : memref<1x768xf32, #tpu.memory_space<vmem>>, vector<1x16xf32>,
        %get3A_686 = vector.shape_cast %get3A_685 : vector<1x16xf32> to vector<16xf32>
        %get3A_687 = arith.constant 0 : i32
        %get3A_688 = arith.index_cast %get3A_687 : i32 to index
        %get3A_689 = arith.constant 448 : index
        %get3A_690 = tpu.vector_load %arg14[%get3A_688, %get3A_689] {strides = array<i32>} : memref<1x768xf32, #tpu.memory_space<vmem>>, vector<1x16xf32>,
        %get3A_691 = vector.shape_cast %get3A_690 : vector<1x16xf32> to vector<16xf32>
        %add3A_692 = arith.addf %get3A_686, %get3A_691 : vector<16xf32>
        %swap3A_693 = arith.constant 0 : i32
        %swap3A_694 = arith.index_cast %swap3A_693 : i32 to index
        %swap3A_695 = arith.constant 448 : index
        %swap3A_696 = tpu.vector_load %arg13[%swap3A_694, %swap3A_695] {strides = array<i32>} : memref<1x768xf32, #tpu.memory_space<vmem>>, vector<1x16xf32>,
        %swap3A_697 = vector.shape_cast %swap3A_696 : vector<1x16xf32> to vector<16xf32>
        %swap3A_698 = vector.shape_cast %add3A_692 : vector<16xf32> to vector<1x16xf32>
        tpu.vector_store %arg13[%swap3A_694, %swap3A_695], %swap3A_698 {strides = array<i32>} : memref<1x768xf32, #tpu.memory_space<vmem>>, vector<1x16xf32>,
        %get3A_699 = arith.constant 0 : i32
        %get3A_700 = arith.index_cast %get3A_699 : i32 to index
        %get3A_701 = arith.constant 464 : index
        %get3A_702 = tpu.vector_load %arg11[%get3A_700, %get3A_701] {strides = array<i32>} : memref<1x768xf32, #tpu.memory_space<vmem>>, vector<1x16xf32>,
        %get3A_703 = vector.shape_cast %get3A_702 : vector<1x16xf32> to vector<16xf32>
        %get3A_704 = arith.constant 0 : i32
        %get3A_705 = arith.index_cast %get3A_704 : i32 to index
        %get3A_706 = arith.constant 464 : index
        %get3A_707 = tpu.vector_load %arg14[%get3A_705, %get3A_706] {strides = array<i32>} : memref<1x768xf32, #tpu.memory_space<vmem>>, vector<1x16xf32>,
        %get3A_708 = vector.shape_cast %get3A_707 : vector<1x16xf32> to vector<16xf32>
        %add3A_709 = arith.addf %get3A_703, %get3A_708 : vector<16xf32>
        %swap3A_710 = arith.constant 0 : i32
        %swap3A_711 = arith.index_cast %swap3A_710 : i32 to index
        %swap3A_712 = arith.constant 464 : index
        %swap3A_713 = tpu.vector_load %arg13[%swap3A_711, %swap3A_712] {strides = array<i32>} : memref<1x768xf32, #tpu.memory_space<vmem>>, vector<1x16xf32>,
        %swap3A_714 = vector.shape_cast %swap3A_713 : vector<1x16xf32> to vector<16xf32>
        %swap3A_715 = vector.shape_cast %add3A_709 : vector<16xf32> to vector<1x16xf32>
        tpu.vector_store %arg13[%swap3A_711, %swap3A_712], %swap3A_715 {strides = array<i32>} : memref<1x768xf32, #tpu.memory_space<vmem>>, vector<1x16xf32>,
        %get3A_716 = arith.constant 0 : i32
        %get3A_717 = arith.index_cast %get3A_716 : i32 to index
        %get3A_718 = arith.constant 480 : index
        %get3A_719 = tpu.vector_load %arg11[%get3A_717, %get3A_718] {strides = array<i32>} : memref<1x768xf32, #tpu.memory_space<vmem>>, vector<1x16xf32>,
        %get3A_720 = vector.shape_cast %get3A_719 : vector<1x16xf32> to vector<16xf32>
        %get3A_721 = arith.constant 0 : i32
        %get3A_722 = arith.index_cast %get3A_721 : i32 to index
        %get3A_723 = arith.constant 480 : index
        %get3A_724 = tpu.vector_load %arg14[%get3A_722, %get3A_723] {strides = array<i32>} : memref<1x768xf32, #tpu.memory_space<vmem>>, vector<1x16xf32>,
        %get3A_725 = vector.shape_cast %get3A_724 : vector<1x16xf32> to vector<16xf32>
        %add3A_726 = arith.addf %get3A_720, %get3A_725 : vector<16xf32>
        %swap3A_727 = arith.constant 0 : i32
        %swap3A_728 = arith.index_cast %swap3A_727 : i32 to index
        %swap3A_729 = arith.constant 480 : index
        %swap3A_730 = tpu.vector_load %arg13[%swap3A_728, %swap3A_729] {strides = array<i32>} : memref<1x768xf32, #tpu.memory_space<vmem>>, vector<1x16xf32>,
        %swap3A_731 = vector.shape_cast %swap3A_730 : vector<1x16xf32> to vector<16xf32>
        %swap3A_732 = vector.shape_cast %add3A_726 : vector<16xf32> to vector<1x16xf32>
        tpu.vector_store %arg13[%swap3A_728, %swap3A_729], %swap3A_732 {strides = array<i32>} : memref<1x768xf32, #tpu.memory_space<vmem>>, vector<1x16xf32>,
        %get3A_733 = arith.constant 0 : i32
        %get3A_734 = arith.index_cast %get3A_733 : i32 to index
        %get3A_735 = arith.constant 496 : index
        %get3A_736 = tpu.vector_load %arg11[%get3A_734, %get3A_735] {strides = array<i32>} : memref<1x768xf32, #tpu.memory_space<vmem>>, vector<1x16xf32>,
        %get3A_737 = vector.shape_cast %get3A_736 : vector<1x16xf32> to vector<16xf32>
        %get3A_738 = arith.constant 0 : i32
        %get3A_739 = arith.index_cast %get3A_738 : i32 to index
        %get3A_740 = arith.constant 496 : index
        %get3A_741 = tpu.vector_load %arg14[%get3A_739, %get3A_740] {strides = array<i32>} : memref<1x768xf32, #tpu.memory_space<vmem>>, vector<1x16xf32>,
        %get3A_742 = vector.shape_cast %get3A_741 : vector<1x16xf32> to vector<16xf32>
        %add3A_743 = arith.addf %get3A_737, %get3A_742 : vector<16xf32>
        %swap3A_744 = arith.constant 0 : i32
        %swap3A_745 = arith.index_cast %swap3A_744 : i32 to index
        %swap3A_746 = arith.constant 496 : index
        %swap3A_747 = tpu.vector_load %arg13[%swap3A_745, %swap3A_746] {strides = array<i32>} : memref<1x768xf32, #tpu.memory_space<vmem>>, vector<1x16xf32>,
        %swap3A_748 = vector.shape_cast %swap3A_747 : vector<1x16xf32> to vector<16xf32>
        %swap3A_749 = vector.shape_cast %add3A_743 : vector<16xf32> to vector<1x16xf32>
        tpu.vector_store %arg13[%swap3A_745, %swap3A_746], %swap3A_749 {strides = array<i32>} : memref<1x768xf32, #tpu.memory_space<vmem>>, vector<1x16xf32>,
        %get3A_750 = arith.constant 0 : i32
        %get3A_751 = arith.index_cast %get3A_750 : i32 to index
        %get3A_752 = arith.constant 512 : index
        %get3A_753 = tpu.vector_load %arg11[%get3A_751, %get3A_752] {strides = array<i32>} : memref<1x768xf32, #tpu.memory_space<vmem>>, vector<1x16xf32>,
        %get3A_754 = vector.shape_cast %get3A_753 : vector<1x16xf32> to vector<16xf32>
        %get3A_755 = arith.constant 0 : i32
        %get3A_756 = arith.index_cast %get3A_755 : i32 to index
        %get3A_757 = arith.constant 512 : index
        %get3A_758 = tpu.vector_load %arg14[%get3A_756, %get3A_757] {strides = array<i32>} : memref<1x768xf32, #tpu.memory_space<vmem>>, vector<1x16xf32>,
        %get3A_759 = vector.shape_cast %get3A_758 : vector<1x16xf32> to vector<16xf32>
        %add3A_760 = arith.addf %get3A_754, %get3A_759 : vector<16xf32>
        %swap3A_761 = arith.constant 0 : i32
        %swap3A_762 = arith.index_cast %swap3A_761 : i32 to index
        %swap3A_763 = arith.constant 512 : index
        %swap3A_764 = tpu.vector_load %arg13[%swap3A_762, %swap3A_763] {strides = array<i32>} : memref<1x768xf32, #tpu.memory_space<vmem>>, vector<1x16xf32>,
        %swap3A_765 = vector.shape_cast %swap3A_764 : vector<1x16xf32> to vector<16xf32>
        %swap3A_766 = vector.shape_cast %add3A_760 : vector<16xf32> to vector<1x16xf32>
        tpu.vector_store %arg13[%swap3A_762, %swap3A_763], %swap3A_766 {strides = array<i32>} : memref<1x768xf32, #tpu.memory_space<vmem>>, vector<1x16xf32>,
        %get3A_767 = arith.constant 0 : i32
        %get3A_768 = arith.index_cast %get3A_767 : i32 to index
        %get3A_769 = arith.constant 528 : index
        %get3A_770 = tpu.vector_load %arg11[%get3A_768, %get3A_769] {strides = array<i32>} : memref<1x768xf32, #tpu.memory_space<vmem>>, vector<1x16xf32>,
        %get3A_771 = vector.shape_cast %get3A_770 : vector<1x16xf32> to vector<16xf32>
        %get3A_772 = arith.constant 0 : i32
        %get3A_773 = arith.index_cast %get3A_772 : i32 to index
        %get3A_774 = arith.constant 528 : index
        %get3A_775 = tpu.vector_load %arg14[%get3A_773, %get3A_774] {strides = array<i32>} : memref<1x768xf32, #tpu.memory_space<vmem>>, vector<1x16xf32>,
        %get3A_776 = vector.shape_cast %get3A_775 : vector<1x16xf32> to vector<16xf32>
        %add3A_777 = arith.addf %get3A_771, %get3A_776 : vector<16xf32>
        %swap3A_778 = arith.constant 0 : i32
        %swap3A_779 = arith.index_cast %swap3A_778 : i32 to index
        %swap3A_780 = arith.constant 528 : index
        %swap3A_781 = tpu.vector_load %arg13[%swap3A_779, %swap3A_780] {strides = array<i32>} : memref<1x768xf32, #tpu.memory_space<vmem>>, vector<1x16xf32>,
        %swap3A_782 = vector.shape_cast %swap3A_781 : vector<1x16xf32> to vector<16xf32>
        %swap3A_783 = vector.shape_cast %add3A_777 : vector<16xf32> to vector<1x16xf32>
        tpu.vector_store %arg13[%swap3A_779, %swap3A_780], %swap3A_783 {strides = array<i32>} : memref<1x768xf32, #tpu.memory_space<vmem>>, vector<1x16xf32>,
        %get3A_784 = arith.constant 0 : i32
        %get3A_785 = arith.index_cast %get3A_784 : i32 to index
        %get3A_786 = arith.constant 544 : index
        %get3A_787 = tpu.vector_load %arg11[%get3A_785, %get3A_786] {strides = array<i32>} : memref<1x768xf32, #tpu.memory_space<vmem>>, vector<1x16xf32>,
        %get3A_788 = vector.shape_cast %get3A_787 : vector<1x16xf32> to vector<16xf32>
        %get3A_789 = arith.constant 0 : i32
        %get3A_790 = arith.index_cast %get3A_789 : i32 to index
        %get3A_791 = arith.constant 544 : index
        %get3A_792 = tpu.vector_load %arg14[%get3A_790, %get3A_791] {strides = array<i32>} : memref<1x768xf32, #tpu.memory_space<vmem>>, vector<1x16xf32>,
        %get3A_793 = vector.shape_cast %get3A_792 : vector<1x16xf32> to vector<16xf32>
        %add3A_794 = arith.addf %get3A_788, %get3A_793 : vector<16xf32>
        %swap3A_795 = arith.constant 0 : i32
        %swap3A_796 = arith.index_cast %swap3A_795 : i32 to index
        %swap3A_797 = arith.constant 544 : index
        %swap3A_798 = tpu.vector_load %arg13[%swap3A_796, %swap3A_797] {strides = array<i32>} : memref<1x768xf32, #tpu.memory_space<vmem>>, vector<1x16xf32>,
        %swap3A_799 = vector.shape_cast %swap3A_798 : vector<1x16xf32> to vector<16xf32>
        %swap3A_800 = vector.shape_cast %add3A_794 : vector<16xf32> to vector<1x16xf32>
        tpu.vector_store %arg13[%swap3A_796, %swap3A_797], %swap3A_800 {strides = array<i32>} : memref<1x768xf32, #tpu.memory_space<vmem>>, vector<1x16xf32>,
        %get3A_801 = arith.constant 0 : i32
        %get3A_802 = arith.index_cast %get3A_801 : i32 to index
        %get3A_803 = arith.constant 560 : index
        %get3A_804 = tpu.vector_load %arg11[%get3A_802, %get3A_803] {strides = array<i32>} : memref<1x768xf32, #tpu.memory_space<vmem>>, vector<1x16xf32>,
        %get3A_805 = vector.shape_cast %get3A_804 : vector<1x16xf32> to vector<16xf32>
        %get3A_806 = arith.constant 0 : i32
        %get3A_807 = arith.index_cast %get3A_806 : i32 to index
        %get3A_808 = arith.constant 560 : index
        %get3A_809 = tpu.vector_load %arg14[%get3A_807, %get3A_808] {strides = array<i32>} : memref<1x768xf32, #tpu.memory_space<vmem>>, vector<1x16xf32>,
        %get3A_810 = vector.shape_cast %get3A_809 : vector<1x16xf32> to vector<16xf32>
        %add3A_811 = arith.addf %get3A_805, %get3A_810 : vector<16xf32>
        %swap3A_812 = arith.constant 0 : i32
        %swap3A_813 = arith.index_cast %swap3A_812 : i32 to index
        %swap3A_814 = arith.constant 560 : index
        %swap3A_815 = tpu.vector_load %arg13[%swap3A_813, %swap3A_814] {strides = array<i32>} : memref<1x768xf32, #tpu.memory_space<vmem>>, vector<1x16xf32>,
        %swap3A_816 = vector.shape_cast %swap3A_815 : vector<1x16xf32> to vector<16xf32>
        %swap3A_817 = vector.shape_cast %add3A_811 : vector<16xf32> to vector<1x16xf32>
        tpu.vector_store %arg13[%swap3A_813, %swap3A_814], %swap3A_817 {strides = array<i32>} : memref<1x768xf32, #tpu.memory_space<vmem>>, vector<1x16xf32>,
        %get3A_818 = arith.constant 0 : i32
        %get3A_819 = arith.index_cast %get3A_818 : i32 to index
        %get3A_820 = arith.constant 576 : index
        %get3A_821 = tpu.vector_load %arg11[%get3A_819, %get3A_820] {strides = array<i32>} : memref<1x768xf32, #tpu.memory_space<vmem>>, vector<1x16xf32>,
        %get3A_822 = vector.shape_cast %get3A_821 : vector<1x16xf32> to vector<16xf32>
        %get3A_823 = arith.constant 0 : i32
        %get3A_824 = arith.index_cast %get3A_823 : i32 to index
        %get3A_825 = arith.constant 576 : index
        %get3A_826 = tpu.vector_load %arg14[%get3A_824, %get3A_825] {strides = array<i32>} : memref<1x768xf32, #tpu.memory_space<vmem>>, vector<1x16xf32>,
        %get3A_827 = vector.shape_cast %get3A_826 : vector<1x16xf32> to vector<16xf32>
        %add3A_828 = arith.addf %get3A_822, %get3A_827 : vector<16xf32>
        %swap3A_829 = arith.constant 0 : i32
        %swap3A_830 = arith.index_cast %swap3A_829 : i32 to index
        %swap3A_831 = arith.constant 576 : index
        %swap3A_832 = tpu.vector_load %arg13[%swap3A_830, %swap3A_831] {strides = array<i32>} : memref<1x768xf32, #tpu.memory_space<vmem>>, vector<1x16xf32>,
        %swap3A_833 = vector.shape_cast %swap3A_832 : vector<1x16xf32> to vector<16xf32>
        %swap3A_834 = vector.shape_cast %add3A_828 : vector<16xf32> to vector<1x16xf32>
        tpu.vector_store %arg13[%swap3A_830, %swap3A_831], %swap3A_834 {strides = array<i32>} : memref<1x768xf32, #tpu.memory_space<vmem>>, vector<1x16xf32>,
        %get3A_835 = arith.constant 0 : i32
        %get3A_836 = arith.index_cast %get3A_835 : i32 to index
        %get3A_837 = arith.constant 592 : index
        %get3A_838 = tpu.vector_load %arg11[%get3A_836, %get3A_837] {strides = array<i32>} : memref<1x768xf32, #tpu.memory_space<vmem>>, vector<1x16xf32>,
        %get3A_839 = vector.shape_cast %get3A_838 : vector<1x16xf32> to vector<16xf32>
        %get3A_840 = arith.constant 0 : i32
        %get3A_841 = arith.index_cast %get3A_840 : i32 to index
        %get3A_842 = arith.constant 592 : index
        %get3A_843 = tpu.vector_load %arg14[%get3A_841, %get3A_842] {strides = array<i32>} : memref<1x768xf32, #tpu.memory_space<vmem>>, vector<1x16xf32>,
        %get3A_844 = vector.shape_cast %get3A_843 : vector<1x16xf32> to vector<16xf32>
        %add3A_845 = arith.addf %get3A_839, %get3A_844 : vector<16xf32>
        %swap3A_846 = arith.constant 0 : i32
        %swap3A_847 = arith.index_cast %swap3A_846 : i32 to index
        %swap3A_848 = arith.constant 592 : index
        %swap3A_849 = tpu.vector_load %arg13[%swap3A_847, %swap3A_848] {strides = array<i32>} : memref<1x768xf32, #tpu.memory_space<vmem>>, vector<1x16xf32>,
        %swap3A_850 = vector.shape_cast %swap3A_849 : vector<1x16xf32> to vector<16xf32>
        %swap3A_851 = vector.shape_cast %add3A_845 : vector<16xf32> to vector<1x16xf32>
        tpu.vector_store %arg13[%swap3A_847, %swap3A_848], %swap3A_851 {strides = array<i32>} : memref<1x768xf32, #tpu.memory_space<vmem>>, vector<1x16xf32>,
        %get3A_852 = arith.constant 0 : i32
        %get3A_853 = arith.index_cast %get3A_852 : i32 to index
        %get3A_854 = arith.constant 608 : index
        %get3A_855 = tpu.vector_load %arg11[%get3A_853, %get3A_854] {strides = array<i32>} : memref<1x768xf32, #tpu.memory_space<vmem>>, vector<1x16xf32>,
        %get3A_856 = vector.shape_cast %get3A_855 : vector<1x16xf32> to vector<16xf32>
        %get3A_857 = arith.constant 0 : i32
        %get3A_858 = arith.index_cast %get3A_857 : i32 to index
        %get3A_859 = arith.constant 608 : index
        %get3A_860 = tpu.vector_load %arg14[%get3A_858, %get3A_859] {strides = array<i32>} : memref<1x768xf32, #tpu.memory_space<vmem>>, vector<1x16xf32>,
        %get3A_861 = vector.shape_cast %get3A_860 : vector<1x16xf32> to vector<16xf32>
        %add3A_862 = arith.addf %get3A_856, %get3A_861 : vector<16xf32>
        %swap3A_863 = arith.constant 0 : i32
        %swap3A_864 = arith.index_cast %swap3A_863 : i32 to index
        %swap3A_865 = arith.constant 608 : index
        %swap3A_866 = tpu.vector_load %arg13[%swap3A_864, %swap3A_865] {strides = array<i32>} : memref<1x768xf32, #tpu.memory_space<vmem>>, vector<1x16xf32>,
        %swap3A_867 = vector.shape_cast %swap3A_866 : vector<1x16xf32> to vector<16xf32>
        %swap3A_868 = vector.shape_cast %add3A_862 : vector<16xf32> to vector<1x16xf32>
        tpu.vector_store %arg13[%swap3A_864, %swap3A_865], %swap3A_868 {strides = array<i32>} : memref<1x768xf32, #tpu.memory_space<vmem>>, vector<1x16xf32>,
        %get3A_869 = arith.constant 0 : i32
        %get3A_870 = arith.index_cast %get3A_869 : i32 to index
        %get3A_871 = arith.constant 624 : index
        %get3A_872 = tpu.vector_load %arg11[%get3A_870, %get3A_871] {strides = array<i32>} : memref<1x768xf32, #tpu.memory_space<vmem>>, vector<1x16xf32>,
        %get3A_873 = vector.shape_cast %get3A_872 : vector<1x16xf32> to vector<16xf32>
        %get3A_874 = arith.constant 0 : i32
        %get3A_875 = arith.index_cast %get3A_874 : i32 to index
        %get3A_876 = arith.constant 624 : index
        %get3A_877 = tpu.vector_load %arg14[%get3A_875, %get3A_876] {strides = array<i32>} : memref<1x768xf32, #tpu.memory_space<vmem>>, vector<1x16xf32>,
        %get3A_878 = vector.shape_cast %get3A_877 : vector<1x16xf32> to vector<16xf32>
        %add3A_879 = arith.addf %get3A_873, %get3A_878 : vector<16xf32>
        %swap3A_880 = arith.constant 0 : i32
        %swap3A_881 = arith.index_cast %swap3A_880 : i32 to index
        %swap3A_882 = arith.constant 624 : index
        %swap3A_883 = tpu.vector_load %arg13[%swap3A_881, %swap3A_882] {strides = array<i32>} : memref<1x768xf32, #tpu.memory_space<vmem>>, vector<1x16xf32>,
        %swap3A_884 = vector.shape_cast %swap3A_883 : vector<1x16xf32> to vector<16xf32>
        %swap3A_885 = vector.shape_cast %add3A_879 : vector<16xf32> to vector<1x16xf32>
        tpu.vector_store %arg13[%swap3A_881, %swap3A_882], %swap3A_885 {strides = array<i32>} : memref<1x768xf32, #tpu.memory_space<vmem>>, vector<1x16xf32>,
        %get3A_886 = arith.constant 0 : i32
        %get3A_887 = arith.index_cast %get3A_886 : i32 to index
        %get3A_888 = arith.constant 640 : index
        %get3A_889 = tpu.vector_load %arg11[%get3A_887, %get3A_888] {strides = array<i32>} : memref<1x768xf32, #tpu.memory_space<vmem>>, vector<1x16xf32>,
        %get3A_890 = vector.shape_cast %get3A_889 : vector<1x16xf32> to vector<16xf32>
        %get3A_891 = arith.constant 0 : i32
        %get3A_892 = arith.index_cast %get3A_891 : i32 to index
        %get3A_893 = arith.constant 640 : index
        %get3A_894 = tpu.vector_load %arg14[%get3A_892, %get3A_893] {strides = array<i32>} : memref<1x768xf32, #tpu.memory_space<vmem>>, vector<1x16xf32>,
        %get3A_895 = vector.shape_cast %get3A_894 : vector<1x16xf32> to vector<16xf32>
        %add3A_896 = arith.addf %get3A_890, %get3A_895 : vector<16xf32>
        %swap3A_897 = arith.constant 0 : i32
        %swap3A_898 = arith.index_cast %swap3A_897 : i32 to index
        %swap3A_899 = arith.constant 640 : index
        %swap3A_900 = tpu.vector_load %arg13[%swap3A_898, %swap3A_899] {strides = array<i32>} : memref<1x768xf32, #tpu.memory_space<vmem>>, vector<1x16xf32>,
        %swap3A_901 = vector.shape_cast %swap3A_900 : vector<1x16xf32> to vector<16xf32>
        %swap3A_902 = vector.shape_cast %add3A_896 : vector<16xf32> to vector<1x16xf32>
        tpu.vector_store %arg13[%swap3A_898, %swap3A_899], %swap3A_902 {strides = array<i32>} : memref<1x768xf32, #tpu.memory_space<vmem>>, vector<1x16xf32>,
        %get3A_903 = arith.constant 0 : i32
        %get3A_904 = arith.index_cast %get3A_903 : i32 to index
        %get3A_905 = arith.constant 656 : index
        %get3A_906 = tpu.vector_load %arg11[%get3A_904, %get3A_905] {strides = array<i32>} : memref<1x768xf32, #tpu.memory_space<vmem>>, vector<1x16xf32>,
        %get3A_907 = vector.shape_cast %get3A_906 : vector<1x16xf32> to vector<16xf32>
        %get3A_908 = arith.constant 0 : i32
        %get3A_909 = arith.index_cast %get3A_908 : i32 to index
        %get3A_910 = arith.constant 656 : index
        %get3A_911 = tpu.vector_load %arg14[%get3A_909, %get3A_910] {strides = array<i32>} : memref<1x768xf32, #tpu.memory_space<vmem>>, vector<1x16xf32>,
        %get3A_912 = vector.shape_cast %get3A_911 : vector<1x16xf32> to vector<16xf32>
        %add3A_913 = arith.addf %get3A_907, %get3A_912 : vector<16xf32>
        %swap3A_914 = arith.constant 0 : i32
        %swap3A_915 = arith.index_cast %swap3A_914 : i32 to index
        %swap3A_916 = arith.constant 656 : index
        %swap3A_917 = tpu.vector_load %arg13[%swap3A_915, %swap3A_916] {strides = array<i32>} : memref<1x768xf32, #tpu.memory_space<vmem>>, vector<1x16xf32>,
        %swap3A_918 = vector.shape_cast %swap3A_917 : vector<1x16xf32> to vector<16xf32>
        %swap3A_919 = vector.shape_cast %add3A_913 : vector<16xf32> to vector<1x16xf32>
        tpu.vector_store %arg13[%swap3A_915, %swap3A_916], %swap3A_919 {strides = array<i32>} : memref<1x768xf32, #tpu.memory_space<vmem>>, vector<1x16xf32>,
        %get3A_920 = arith.constant 0 : i32
        %get3A_921 = arith.index_cast %get3A_920 : i32 to index
        %get3A_922 = arith.constant 672 : index
        %get3A_923 = tpu.vector_load %arg11[%get3A_921, %get3A_922] {strides = array<i32>} : memref<1x768xf32, #tpu.memory_space<vmem>>, vector<1x16xf32>,
        %get3A_924 = vector.shape_cast %get3A_923 : vector<1x16xf32> to vector<16xf32>
        %get3A_925 = arith.constant 0 : i32
        %get3A_926 = arith.index_cast %get3A_925 : i32 to index
        %get3A_927 = arith.constant 672 : index
        %get3A_928 = tpu.vector_load %arg14[%get3A_926, %get3A_927] {strides = array<i32>} : memref<1x768xf32, #tpu.memory_space<vmem>>, vector<1x16xf32>,
        %get3A_929 = vector.shape_cast %get3A_928 : vector<1x16xf32> to vector<16xf32>
        %add3A_930 = arith.addf %get3A_924, %get3A_929 : vector<16xf32>
        %swap3A_931 = arith.constant 0 : i32
        %swap3A_932 = arith.index_cast %swap3A_931 : i32 to index
        %swap3A_933 = arith.constant 672 : index
        %swap3A_934 = tpu.vector_load %arg13[%swap3A_932, %swap3A_933] {strides = array<i32>} : memref<1x768xf32, #tpu.memory_space<vmem>>, vector<1x16xf32>,
        %swap3A_935 = vector.shape_cast %swap3A_934 : vector<1x16xf32> to vector<16xf32>
        %swap3A_936 = vector.shape_cast %add3A_930 : vector<16xf32> to vector<1x16xf32>
        tpu.vector_store %arg13[%swap3A_932, %swap3A_933], %swap3A_936 {strides = array<i32>} : memref<1x768xf32, #tpu.memory_space<vmem>>, vector<1x16xf32>,
        %get3A_937 = arith.constant 0 : i32
        %get3A_938 = arith.index_cast %get3A_937 : i32 to index
        %get3A_939 = arith.constant 688 : index
        %get3A_940 = tpu.vector_load %arg11[%get3A_938, %get3A_939] {strides = array<i32>} : memref<1x768xf32, #tpu.memory_space<vmem>>, vector<1x16xf32>,
        %get3A_941 = vector.shape_cast %get3A_940 : vector<1x16xf32> to vector<16xf32>
        %get3A_942 = arith.constant 0 : i32
        %get3A_943 = arith.index_cast %get3A_942 : i32 to index
        %get3A_944 = arith.constant 688 : index
        %get3A_945 = tpu.vector_load %arg14[%get3A_943, %get3A_944] {strides = array<i32>} : memref<1x768xf32, #tpu.memory_space<vmem>>, vector<1x16xf32>,
        %get3A_946 = vector.shape_cast %get3A_945 : vector<1x16xf32> to vector<16xf32>
        %add3A_947 = arith.addf %get3A_941, %get3A_946 : vector<16xf32>
        %swap3A_948 = arith.constant 0 : i32
        %swap3A_949 = arith.index_cast %swap3A_948 : i32 to index
        %swap3A_950 = arith.constant 688 : index
        %swap3A_951 = tpu.vector_load %arg13[%swap3A_949, %swap3A_950] {strides = array<i32>} : memref<1x768xf32, #tpu.memory_space<vmem>>, vector<1x16xf32>,
        %swap3A_952 = vector.shape_cast %swap3A_951 : vector<1x16xf32> to vector<16xf32>
        %swap3A_953 = vector.shape_cast %add3A_947 : vector<16xf32> to vector<1x16xf32>
        tpu.vector_store %arg13[%swap3A_949, %swap3A_950], %swap3A_953 {strides = array<i32>} : memref<1x768xf32, #tpu.memory_space<vmem>>, vector<1x16xf32>,
        %get3A_954 = arith.constant 0 : i32
        %get3A_955 = arith.index_cast %get3A_954 : i32 to index
        %get3A_956 = arith.constant 704 : index
        %get3A_957 = tpu.vector_load %arg11[%get3A_955, %get3A_956] {strides = array<i32>} : memref<1x768xf32, #tpu.memory_space<vmem>>, vector<1x16xf32>,
        %get3A_958 = vector.shape_cast %get3A_957 : vector<1x16xf32> to vector<16xf32>
        %get3A_959 = arith.constant 0 : i32
        %get3A_960 = arith.index_cast %get3A_959 : i32 to index
        %get3A_961 = arith.constant 704 : index
        %get3A_962 = tpu.vector_load %arg14[%get3A_960, %get3A_961] {strides = array<i32>} : memref<1x768xf32, #tpu.memory_space<vmem>>, vector<1x16xf32>,
        %get3A_963 = vector.shape_cast %get3A_962 : vector<1x16xf32> to vector<16xf32>
        %add3A_964 = arith.addf %get3A_958, %get3A_963 : vector<16xf32>
        %swap3A_965 = arith.constant 0 : i32
        %swap3A_966 = arith.index_cast %swap3A_965 : i32 to index
        %swap3A_967 = arith.constant 704 : index
        %swap3A_968 = tpu.vector_load %arg13[%swap3A_966, %swap3A_967] {strides = array<i32>} : memref<1x768xf32, #tpu.memory_space<vmem>>, vector<1x16xf32>,
        %swap3A_969 = vector.shape_cast %swap3A_968 : vector<1x16xf32> to vector<16xf32>
        %swap3A_970 = vector.shape_cast %add3A_964 : vector<16xf32> to vector<1x16xf32>
        tpu.vector_store %arg13[%swap3A_966, %swap3A_967], %swap3A_970 {strides = array<i32>} : memref<1x768xf32, #tpu.memory_space<vmem>>, vector<1x16xf32>,
        %get3A_971 = arith.constant 0 : i32
        %get3A_972 = arith.index_cast %get3A_971 : i32 to index
        %get3A_973 = arith.constant 720 : index
        %get3A_974 = tpu.vector_load %arg11[%get3A_972, %get3A_973] {strides = array<i32>} : memref<1x768xf32, #tpu.memory_space<vmem>>, vector<1x16xf32>,
        %get3A_975 = vector.shape_cast %get3A_974 : vector<1x16xf32> to vector<16xf32>
        %get3A_976 = arith.constant 0 : i32
        %get3A_977 = arith.index_cast %get3A_976 : i32 to index
        %get3A_978 = arith.constant 720 : index
        %get3A_979 = tpu.vector_load %arg14[%get3A_977, %get3A_978] {strides = array<i32>} : memref<1x768xf32, #tpu.memory_space<vmem>>, vector<1x16xf32>,
        %get3A_980 = vector.shape_cast %get3A_979 : vector<1x16xf32> to vector<16xf32>
        %add3A_981 = arith.addf %get3A_975, %get3A_980 : vector<16xf32>
        %swap3A_982 = arith.constant 0 : i32
        %swap3A_983 = arith.index_cast %swap3A_982 : i32 to index
        %swap3A_984 = arith.constant 720 : index
        %swap3A_985 = tpu.vector_load %arg13[%swap3A_983, %swap3A_984] {strides = array<i32>} : memref<1x768xf32, #tpu.memory_space<vmem>>, vector<1x16xf32>,
        %swap3A_986 = vector.shape_cast %swap3A_985 : vector<1x16xf32> to vector<16xf32>
        %swap3A_987 = vector.shape_cast %add3A_981 : vector<16xf32> to vector<1x16xf32>
        tpu.vector_store %arg13[%swap3A_983, %swap3A_984], %swap3A_987 {strides = array<i32>} : memref<1x768xf32, #tpu.memory_space<vmem>>, vector<1x16xf32>,
        %get3A_988 = arith.constant 0 : i32
        %get3A_989 = arith.index_cast %get3A_988 : i32 to index
        %get3A_990 = arith.constant 736 : index
        %get3A_991 = tpu.vector_load %arg11[%get3A_989, %get3A_990] {strides = array<i32>} : memref<1x768xf32, #tpu.memory_space<vmem>>, vector<1x16xf32>,
        %get3A_992 = vector.shape_cast %get3A_991 : vector<1x16xf32> to vector<16xf32>
        %get3A_993 = arith.constant 0 : i32
        %get3A_994 = arith.index_cast %get3A_993 : i32 to index
        %get3A_995 = arith.constant 736 : index
        %get3A_996 = tpu.vector_load %arg14[%get3A_994, %get3A_995] {strides = array<i32>} : memref<1x768xf32, #tpu.memory_space<vmem>>, vector<1x16xf32>,
        %get3A_997 = vector.shape_cast %get3A_996 : vector<1x16xf32> to vector<16xf32>
        %add3A_998 = arith.addf %get3A_992, %get3A_997 : vector<16xf32>
        %swap3A_999 = arith.constant 0 : i32
        %swap3A_1000 = arith.index_cast %swap3A_999 : i32 to index
        %swap3A_1001 = arith.constant 736 : index
        %swap3A_1002 = tpu.vector_load %arg13[%swap3A_1000, %swap3A_1001] {strides = array<i32>} : memref<1x768xf32, #tpu.memory_space<vmem>>, vector<1x16xf32>,
        %swap3A_1003 = vector.shape_cast %swap3A_1002 : vector<1x16xf32> to vector<16xf32>
        %swap3A_1004 = vector.shape_cast %add3A_998 : vector<16xf32> to vector<1x16xf32>
        tpu.vector_store %arg13[%swap3A_1000, %swap3A_1001], %swap3A_1004 {strides = array<i32>} : memref<1x768xf32, #tpu.memory_space<vmem>>, vector<1x16xf32>,
        %get3A_1005 = arith.constant 0 : i32
        %get3A_1006 = arith.index_cast %get3A_1005 : i32 to index
        %get3A_1007 = arith.constant 752 : index
        %get3A_1008 = tpu.vector_load %arg11[%get3A_1006, %get3A_1007] {strides = array<i32>} : memref<1x768xf32, #tpu.memory_space<vmem>>, vector<1x16xf32>,
        %get3A_1009 = vector.shape_cast %get3A_1008 : vector<1x16xf32> to vector<16xf32>
        %get3A_1010 = arith.constant 0 : i32
        %get3A_1011 = arith.index_cast %get3A_1010 : i32 to index
        %get3A_1012 = arith.constant 752 : index
        %get3A_1013 = tpu.vector_load %arg14[%get3A_1011, %get3A_1012] {strides = array<i32>} : memref<1x768xf32, #tpu.memory_space<vmem>>, vector<1x16xf32>,
        %get3A_1014 = vector.shape_cast %get3A_1013 : vector<1x16xf32> to vector<16xf32>
        %add3A_1015 = arith.addf %get3A_1009, %get3A_1014 : vector<16xf32>
        %swap3A_1016 = arith.constant 0 : i32
        %swap3A_1017 = arith.index_cast %swap3A_1016 : i32 to index
        %swap3A_1018 = arith.constant 752 : index
        %swap3A_1019 = tpu.vector_load %arg13[%swap3A_1017, %swap3A_1018] {strides = array<i32>} : memref<1x768xf32, #tpu.memory_space<vmem>>, vector<1x16xf32>,
        %swap3A_1020 = vector.shape_cast %swap3A_1019 : vector<1x16xf32> to vector<16xf32>
        %swap3A_1021 = vector.shape_cast %add3A_1015 : vector<16xf32> to vector<1x16xf32>
        tpu.vector_store %arg13[%swap3A_1017, %swap3A_1018], %swap3A_1021 {strides = array<i32>} : memref<1x768xf32, #tpu.memory_space<vmem>>, vector<1x16xf32>,
        %dma_start3A_1022 = arith.constant 1024 : i32
        %dma_start3A_1023 = arith.constant 0 : i32
        %dma_start3A_1024 = tpu.memref_slice %arg4[%add3A_143, %dma_start3A_1022, %dma_start3A_1023] : memref<64x1025x768xf32, #tpu.memory_space<hbm>> -> memref<1x1x768xf32, #tpu.memory_space<hbm>>
        %dma_start3A_1025 = tpu.memref_squeeze %dma_start3A_1024 : memref<1x1x768xf32, #tpu.memory_space<hbm>> -> memref<1x768xf32, #tpu.memory_space<hbm>>
        %dma_start3A_1026 = arith.constant 1024 : i32
        %dma_start3A_1027 = arith.constant 0 : i32
        %dma_start3A_1028 = tpu.memref_slice %arg4[%add3A_143, %dma_start3A_1026, %dma_start3A_1027] : memref<64x1025x768xf32, #tpu.memory_space<hbm>> -> memref<1x1x768xf32, #tpu.memory_space<hbm>>
        %dma_start3A_1029 = tpu.memref_squeeze %dma_start3A_1028 : memref<1x1x768xf32, #tpu.memory_space<hbm>> -> memref<1x768xf32, #tpu.memory_space<hbm>>
        tpu.enqueue_dma source(%arg13 : memref<1x768xf32, #tpu.memory_space<vmem>>) target(%dma_start3A_1029 : memref<1x768xf32, #tpu.memory_space<hbm>>) target_semaphore(%arg22 : memref<!tpu.dma_semaphore, #tpu.memory_space<semaphore_mem>>)
        %add3A_1030 = arith.constant 2 : i32
        %add3A_1031 = arith.addi %add3A_143, %add3A_1030 : i32
        %lt3A_1032 = arith.constant 64 : i32
        %lt3A_1033 = arith.cmpi slt, %add3A_1031, %lt3A_1032 : i32
        %convert_element_type3A_1034 = arith.extui %lt3A_1033 : i1 to i32
        %cond3A_1035 = arith.constant 0 : i32
        %cond3A_1036 = arith.cmpi ne, %convert_element_type3A_1034, %cond3A_1035 : i32
        scf.if %cond3A_1036 {
          %add3A_1037 = arith.constant 2 : i32
          %add3A_1038 = arith.addi %add3A_143, %add3A_1037 : i32
          %dma_start3A_1039 = arith.constant 1024 : i32
          %dma_start3A_1040 = arith.constant 0 : i32
          %dma_start3A_1041 = tpu.memref_slice %arg2[%add3A_1038, %dma_start3A_1039, %dma_start3A_1040] : memref<64x1025x768xf32, #tpu.memory_space<hbm>> -> memref<1x1x768xf32, #tpu.memory_space<hbm>>
          %dma_start3A_1042 = tpu.memref_squeeze %dma_start3A_1041 : memref<1x1x768xf32, #tpu.memory_space<hbm>> -> memref<1x768xf32, #tpu.memory_space<hbm>>
          %dma_start3A_1043 = arith.constant 1024 : i32
          %dma_start3A_1044 = arith.constant 0 : i32
          %dma_start3A_1045 = tpu.memref_slice %arg2[%add3A_1038, %dma_start3A_1043, %dma_start3A_1044] : memref<64x1025x768xf32, #tpu.memory_space<hbm>> -> memref<1x1x768xf32, #tpu.memory_space<hbm>>
          %dma_start3A_1046 = tpu.memref_squeeze %dma_start3A_1045 : memref<1x1x768xf32, #tpu.memory_space<hbm>> -> memref<1x768xf32, #tpu.memory_space<hbm>>
          tpu.enqueue_dma source(%dma_start3A_1046 : memref<1x768xf32, #tpu.memory_space<hbm>>) target(%arg11 : memref<1x768xf32, #tpu.memory_space<vmem>>) target_semaphore(%arg20 : memref<!tpu.dma_semaphore, #tpu.memory_space<semaphore_mem>>)
        } else {
        }
      } else {
      }
    }
    %scan3A_69 = arith.constant 32 : i32
    %dma_wait3A = arith.constant 62 : i32
    %dma_wait3A_70 = arith.constant 0 : i32
    %dma_wait3A_71 = tpu.memref_slice %arg4[%dma_wait3A, %mul3A_2, %dma_wait3A_70] : memref<64x1025x768xf32, #tpu.memory_space<hbm>> -> memref<1x32x768xf32, #tpu.memory_space<hbm>>
    %dma_wait3A_72 = tpu.memref_squeeze %dma_wait3A_71 : memref<1x32x768xf32, #tpu.memory_space<hbm>> -> memref<32x768xf32, #tpu.memory_space<hbm>>
    %dma_wait3A_73 = arith.constant 0 : i32
    %dma_wait3A_74 = tpu.memref_slice %arg4[%dma_wait3A, %mul3A_2, %dma_wait3A_73] : memref<64x1025x768xf32, #tpu.memory_space<hbm>> -> memref<1x32x768xf32, #tpu.memory_space<hbm>>
    %dma_wait3A_75 = tpu.memref_squeeze %dma_wait3A_74 : memref<1x32x768xf32, #tpu.memory_space<hbm>> -> memref<32x768xf32, #tpu.memory_space<hbm>>
    tpu.wait_dma2 semaphore(%arg17 : memref<!tpu.dma_semaphore, #tpu.memory_space<semaphore_mem>>) src(%arg7 : memref<32x768xf32, #tpu.memory_space<vmem>>) dst(%dma_wait3A_75 : memref<32x768xf32, #tpu.memory_space<hbm>>)
    %dma_wait3A_76 = arith.constant 63 : i32
    %dma_wait3A_77 = arith.constant 0 : i32
    %dma_wait3A_78 = tpu.memref_slice %arg4[%dma_wait3A_76, %mul3A_2, %dma_wait3A_77] : memref<64x1025x768xf32, #tpu.memory_space<hbm>> -> memref<1x32x768xf32, #tpu.memory_space<hbm>>
    %dma_wait3A_79 = tpu.memref_squeeze %dma_wait3A_78 : memref<1x32x768xf32, #tpu.memory_space<hbm>> -> memref<32x768xf32, #tpu.memory_space<hbm>>
    %dma_wait3A_80 = arith.constant 0 : i32
    %dma_wait3A_81 = tpu.memref_slice %arg4[%dma_wait3A_76, %mul3A_2, %dma_wait3A_80] : memref<64x1025x768xf32, #tpu.memory_space<hbm>> -> memref<1x32x768xf32, #tpu.memory_space<hbm>>
    %dma_wait3A_82 = tpu.memref_squeeze %dma_wait3A_81 : memref<1x32x768xf32, #tpu.memory_space<hbm>> -> memref<32x768xf32, #tpu.memory_space<hbm>>
    tpu.wait_dma2 semaphore(%arg18 : memref<!tpu.dma_semaphore, #tpu.memory_space<semaphore_mem>>) src(%arg8 : memref<32x768xf32, #tpu.memory_space<vmem>>) dst(%dma_wait3A_82 : memref<32x768xf32, #tpu.memory_space<hbm>>)
    %convert_element_type3A_83 = arith.extui %eq3A_3 : i1 to i32
    %cond3A_84 = arith.constant 0 : i32
    %cond3A_85 = arith.cmpi ne, %convert_element_type3A_83, %cond3A_84 : i32
    scf.if %cond3A_85 {
      %dma_wait3A_86 = arith.constant 62 : i32
      %dma_wait3A_87 = arith.constant 1024 : i32
      %dma_wait3A_88 = arith.constant 0 : i32
      %dma_wait3A_89 = tpu.memref_slice %arg4[%dma_wait3A_86, %dma_wait3A_87, %dma_wait3A_88] : memref<64x1025x768xf32, #tpu.memory_space<hbm>> -> memref<1x1x768xf32, #tpu.memory_space<hbm>>
      %dma_wait3A_90 = tpu.memref_squeeze %dma_wait3A_89 : memref<1x1x768xf32, #tpu.memory_space<hbm>> -> memref<1x768xf32, #tpu.memory_space<hbm>>
      %dma_wait3A_91 = arith.constant 1024 : i32
      %dma_wait3A_92 = arith.constant 0 : i32
      %dma_wait3A_93 = tpu.memref_slice %arg4[%dma_wait3A_86, %dma_wait3A_91, %dma_wait3A_92] : memref<64x1025x768xf32, #tpu.memory_space<hbm>> -> memref<1x1x768xf32, #tpu.memory_space<hbm>>
      %dma_wait3A_94 = tpu.memref_squeeze %dma_wait3A_93 : memref<1x1x768xf32, #tpu.memory_space<hbm>> -> memref<1x768xf32, #tpu.memory_space<hbm>>
      tpu.wait_dma2 semaphore(%arg21 : memref<!tpu.dma_semaphore, #tpu.memory_space<semaphore_mem>>) src(%arg12 : memref<1x768xf32, #tpu.memory_space<vmem>>) dst(%dma_wait3A_94 : memref<1x768xf32, #tpu.memory_space<hbm>>)
      %dma_wait3A_95 = arith.constant 63 : i32
      %dma_wait3A_96 = arith.constant 1024 : i32
      %dma_wait3A_97 = arith.constant 0 : i32
      %dma_wait3A_98 = tpu.memref_slice %arg4[%dma_wait3A_95, %dma_wait3A_96, %dma_wait3A_97] : memref<64x1025x768xf32, #tpu.memory_space<hbm>> -> memref<1x1x768xf32, #tpu.memory_space<hbm>>
      %dma_wait3A_99 = tpu.memref_squeeze %dma_wait3A_98 : memref<1x1x768xf32, #tpu.memory_space<hbm>> -> memref<1x768xf32, #tpu.memory_space<hbm>>
      %dma_wait3A_100 = arith.constant 1024 : i32
      %dma_wait3A_101 = arith.constant 0 : i32
      %dma_wait3A_102 = tpu.memref_slice %arg4[%dma_wait3A_95, %dma_wait3A_100, %dma_wait3A_101] : memref<64x1025x768xf32, #tpu.memory_space<hbm>> -> memref<1x1x768xf32, #tpu.memory_space<hbm>>
      %dma_wait3A_103 = tpu.memref_squeeze %dma_wait3A_102 : memref<1x1x768xf32, #tpu.memory_space<hbm>> -> memref<1x768xf32, #tpu.memory_space<hbm>>
      tpu.wait_dma2 semaphore(%arg22 : memref<!tpu.dma_semaphore, #tpu.memory_space<semaphore_mem>>) src(%arg13 : memref<1x768xf32, #tpu.memory_space<vmem>>) dst(%dma_wait3A_103 : memref<1x768xf32, #tpu.memory_space<hbm>>)
    } else {
    }
    return
  }
}

</mosaic_0001>

<sc_bundles>
// kernel: kernel.3.cloned.1.call-start
scs
__scs_entry_jumppad:
0x0: {  	(pc) =	sbr.rel $0x88, $3  }
0x1: {  	(tag) =	ssettag $0x0;
	lr =	simm.s32 $0x1  }
0x2: {  	[smem:$0x3F9F] =	sst lr;
	_ =	strace $0xD0000000  }
0x3: {  	_ = 	snop  }
0x4: {  	_ = 	snop  }
0x5: {  	_ = 	snop  }
0x6: {  	_ = 	snop  }
0x7: {  	_ = 	snop  }
__scs_overlays_trampoline_lowered:
0x8: {  	[smem:$0x3FAE] =	sst s0  }
0x9: {  	[smem:$0x3FAF] =	sst s1  }
0xa: {  	[smem:$0x3FB0] =	sst s2  }
0xb: {  	[smem:$0x3FB1] =	sst s3  }
0xc: {  	[smem:$0x3FB2] =	sst s4  }
0xd: {  	[smem:$0x3FB3] =	sst s5  }
0xe: {  	[smem:$0x3FB4] =	sst s6  }
0xf: {  	[smem:$0x3FB5] =	sst s7  }
0x10: {  	[smem:$0x3FB6] =	sst s8  }
0x11: {  	[smem:$0x3FB7] =	sst s9;
	s0 =	simm.s32 @!p0 $0x0  }
0x12: {  	s1 =	sld [smem:$0x3F9D];
	s0 =	simm.s32 @p0 $0x1  }
0x13: {  	[smem:$0x3FB8] =	sst s0;
	s0 =	simm.s32 @!p1 $0x0  }
0x14: {  	s2 =	sld [smem:$0x3F9C];
	s0 =	simm.s32 @p1 $0x1  }
0x15: {  	[smem:$0x3FB9] =	sst s0;
	s0 =	simm.s32 @!p2 $0x0  }
0x16: {  	s3 =	sld [smem:$0x3FDB];
	s0 =	simm.s32 @p2 $0x1  }
0x17: {  	s4 =	simm.s32 $0x1BF5;
	[smem:$0x3FBB] =	sst s0  }
0x18: {  	s0 =	sld [smem:$0x3F9E];
	_ =	swait.ge [sflag:s4], $0x0  }
0x19: {  	s7 =	sld [smem:$0x3F9F]  }
0x1a: {  	s8 =	sadd.s32 $0xFFFFE003, lr  }
0x1b: {  	s9 =	sadd.s32 $0xFFFFFEF7, lr;
	s5 =	simm.s32 $0xFFFFFFFF;
	p2 =	slt.u32 s8, $0xFFFFF086  }
0x1c: {  	p1 =	slt.u32 s9, $0xF7A;
	s5 =	simm.s32 @!p2 $0x0  }
0x1d: {  	s5 =	simm.s32 @p1 $0x1;
	p0 =	seq.s32 s7, s2  }
0x1e: {  	s7 =	smul.u32 @!p0 $0xF7A, s2;
	p2 =	seq.s32 @!p0 s5, $0x0  }
0x1f: {  	s9 =	smul.u32 $0xF7A, s1;
	s8 =	simm.s32 @!p0 $0x1BF5;
	p2 =	por !p2, p0  }
0x20: {  	[sflag:s8] =	ssyncset.s32 @!p0 $0xFFFFF086;
	s6 =	sadd.s32 @!p0 s3, s7;
	s7 =	simm.s32 @!p0 $0x108  }
0x21: {  	s3 =	sadd.s32 s3, s9;
	s6 =	sadd.s32 @!p0 $0x88, s6;
	s7 =	simm.s32 @p2 $0x1082  }
0x22: {  	[simem:s7], [sflag:s8] =	dma.local @!p0 [hbm:s6], $0xF7A  }
0x23: {  	s9 =	sor.u32 $0xD0000000, s2;
	s6 =	simm.s32 $0x108;
	_ =	swait.ge @!p0 [sflag:s8], $0x0  }
0x24: {  	s3 =	sadd.s32 $0x88, s3;
	s6 =	simm.s32 @!p1 $0x1082;
	[sflag:s4] =	ssyncset.s32 $0xFFFFF086  }
0x25: {  	[simem:s6], [sflag:s4] =	dma.local [hbm:s3], $0xF7A  }
0x26: {  	[smem:$0x3F9F] =	sst s1;
	(tag) =	ssettag s2;
	_ =	strace s9  }
0x27: {  	s1 =	sld [smem:$0x3FAF]  }
0x28: {  	s2 =	sld [smem:$0x3FB0]  }
0x29: {  	s4 =	sld [smem:$0x3FB2]  }
0x2a: {  	p0 =	seq.s32 s5, $0x0;
	s5 =	sld [smem:$0x3FB3]  }
0x2b: {  	s6 =	sld [smem:$0x3FB4]  }
0x2c: {  	s7 =	sld [smem:$0x3FB5]  }
0x2d: {  	s3 =	simm.s32 $0x108;
	s8 =	sld [smem:$0x3FB6]  }
0x2e: {  	s3 =	simm.s32 @!p0 $0x1082;
	s9 =	sld [smem:$0x3FB7]  }
0x2f: {  	lr =	sadd.s32 s0, s3;
	s0 =	sld [smem:$0x3FAE]  }
0x30: {  	s3 =	sld [smem:$0x3FB1]  }
0x31: {  	[smem:$0x3FBA] =	sst s10  }
0x32: {  	s10 =	sld [smem:$0x3FB8];
	_ =	sdelay $0x3  }
0x33: {  	p0 =	seq.s32 s10, $0x1;
	s10 =	sld [smem:$0x3FBA];
	_ =	sdelay $0x3  }
0x34: {  	[smem:$0x3FBA] =	sst s10  }
0x35: {  	s10 =	sld [smem:$0x3FB9];
	_ =	sdelay $0x3  }
0x36: {  	p1 =	seq.s32 s10, $0x1;
	s10 =	sld [smem:$0x3FBA];
	_ =	sdelay $0x3  }
0x37: {  	[smem:$0x3FBA] =	sst s10  }
0x38: {  	s10 =	sld [smem:$0x3FBB]  }
0x39: {  	_ = 	snop;
	(pc) =	sbr.ind lr, $3  }
0x3a: {  	_ = 	snop  }
0x3b: {  	_ = 	snop  }
0x3c: {  	p2 =	seq.s32 s10, $0x1;
	s10 =	sld [smem:$0x3FBA]  }
0x3d: {  	_ =	shalt  }
0x3e: {  	_ =	shalt  }
0x3f: {  	_ =	shalt  }
0x40: {  	_ =	shalt  }
0x41: {  	_ =	shalt  }
0x42: {  	_ =	shalt  }
0x43: {  	_ =	shalt  }
0x44: {  	_ =	shalt  }
0x45: {  	_ =	shalt  }
0x46: {  	_ =	shalt  }
0x47: {  	_ =	shalt  }
0x48: {  	_ =	shalt  }
0x49: {  	_ =	shalt  }
0x4a: {  	_ =	shalt  }
0x4b: {  	_ =	shalt  }
0x4c: {  	_ =	shalt  }
0x4d: {  	_ =	shalt  }
0x4e: {  	_ =	shalt  }
0x4f: {  	_ =	shalt  }
0x50: {  	_ =	shalt  }
0x51: {  	_ =	shalt  }
0x52: {  	_ =	shalt  }
0x53: {  	_ =	shalt  }
0x54: {  	_ =	shalt  }
0x55: {  	_ =	shalt  }
0x56: {  	_ =	shalt  }
0x57: {  	_ =	shalt  }
0x58: {  	_ =	shalt  }
0x59: {  	_ =	shalt  }
0x5a: {  	_ =	shalt  }
0x5b: {  	_ =	shalt  }
0x5c: {  	_ =	shalt  }
0x5d: {  	_ =	shalt  }
0x5e: {  	_ =	shalt  }
0x5f: {  	_ =	shalt  }
0x60: {  	_ =	shalt  }
0x61: {  	_ =	shalt  }
0x62: {  	_ =	shalt  }
0x63: {  	_ =	shalt  }
0x64: {  	_ =	shalt  }
0x65: {  	_ =	shalt  }
0x66: {  	_ =	shalt  }
0x67: {  	_ =	shalt  }
0x68: {  	_ =	shalt  }
0x69: {  	_ =	shalt  }
0x6a: {  	_ =	shalt  }
0x6b: {  	_ =	shalt  }
0x6c: {  	_ =	shalt  }
0x6d: {  	_ =	shalt  }
0x6e: {  	_ =	shalt  }
0x6f: {  	_ =	shalt  }
0x70: {  	_ =	shalt  }
0x71: {  	_ =	shalt  }
0x72: {  	_ =	shalt  }
0x73: {  	_ =	shalt  }
0x74: {  	_ =	shalt  }
0x75: {  	_ =	shalt  }
0x76: {  	_ =	shalt  }
0x77: {  	_ =	shalt  }
0x78: {  	_ =	shalt  }
0x79: {  	_ =	shalt  }
0x7a: {  	_ =	shalt  }
0x7b: {  	_ =	shalt  }
0x7c: {  	_ =	shalt  }
0x7d: {  	_ =	shalt  }
0x7e: {  	_ =	shalt  }
0x7f: {  	_ =	shalt  }
0x80: {  	_ =	shalt  }
0x81: {  	_ =	shalt  }
0x82: {  	_ =	shalt  }
0x83: {  	_ =	shalt  }
0x84: {  	_ =	shalt  }
0x85: {  	_ =	shalt  }
0x86: {  	_ =	shalt  }
0x87: {  	_ =	shalt  }
.Lfunc_end0:
.L_simem_size_0:
called_computation_lowered:
.L_overlay_start_0:
0x88: {  	s2 =	sld [smem:$0x3FD9]  }
0x89: {  	s3 =	sld [smem:$0x3FFE];
	_ =	sdelay $0x1  }
0x8a: {  	s1 =	srdreg.scid  }
0x8b: {  	s0 =	sand.u32 $0x1, s1  }
0x8c: {  	s17 =	sshll.u32 s0, $0xA;
	s2 =	sadd.s32 s3, s2  }
0x8d: {  	s2 =	sadd.s32 s2, s17  }
0x8e: {  	[smem:$0x3FC6] =	sst s2  }
0x8f: {  	_ = 	snop  }
0x90: {  	s2 =	sld [smem:$0x3FC8];
	(tm) =	ssettm $0x1  }
0x91: {  	s18 =	sld [smem:$0x3FFB];
	_ =	sdelay $0x3  }
0x92: {  	_ =	strace s18  }
0x93: {  	s3 =	sld [smem:$0x3FFC];
	_ =	sdelay $0x3  }
0x94: {  	_ =	strace s3  }
0x95: {  	s3 =	sld [smem:$0x3FFD];
	_ =	sdelay $0x3  }
0x96: {  	_ =	strace s3  }
0x97: {  	_ =	strace $0x8FFFFFFF  }
0x98: {  	s19 =	sld [smem:$0x3FDB];
	_ =	sdelay $0x1  }
0x99: {  	s4 =	simm.s32 $_scs_section_size  }
0x9a: {  	s5 =	simm.s32 $_size__tile_overlayer_lowered;
	s6 =	simm.s32 $_tile_overlayer_lowered  }
0x9b: {  	s22 =	simm.s32 $0x1BFF;
	s21 =	sshll.u32 s6, $0x1;
	s3 =	sadd.s32 s4, s19  }
0x9c: {  	s7 =	simm.s32 $0x0;
	s20 =	sshll.u32 s5, $0x1;
	s5 =	sadd.s32 s21, s3  }
0x9d: {  	[timem:s7], [sflag:s22] =	dma.local [hbm:s5], s20  }
0x9e: {  	_ =	swait.ge [sflag:s22], s20  }
0x9f: {  	s4 =	ssub.s32 $0x0, s20;
	[sflag:s22] =	ssyncset.done $0x0  }
0xa0: {  	[sflag:s22] =	ssyncadd.s32 s4;
	_ =	sdelay $0x1  }
0xa1: {  	s23 =	simm.s32 $0x1B8B  }
0xa2: {  	_ =	swait.ge [sflag:s23], $0x1  }
0xa3: {  	[sflag:s23] =	ssyncset.done $0x0  }
0xa4: {  	s25 =	simm.s32 $0x1B8E;
	s24 =	sld [smem:$0x3FFE];
	[sflag:s23] =	ssyncadd.s32 $0xFFFFFFFF  }
0xa5: {  	s26 =	simm.s32 $execute0_lowered;
	[smem:$0x3FD2] =	sst s25  }
0xa6: {  	s5 =	sshll.u32 s26, $0x1;
	_ =	strace $0x80000046;
	[dreg:$0x1] =	wrdreg $0xFFFFFFFF  }
0xa7: {  	s28 =	simm.s32 $_size_execute0_lowered;
	s3 =	sadd.s32 s3, s5;
	[dreg:$0x0] =	wrdreg $0x0  }
0xa8: {  	s5 =	sshll.u32 s28, $0x1;
	[dreg:$0x2] =	wrdreg s3  }
0xa9: {  	[dreg:$0x3] =	wrdreg s5  }
0xaa: {  	[dreg:$0x4] =	wrdreg $0xC0  }
0xab: {  	_ =	task [dreg:s7], $0x5FFFF  }
0xac: {  	[dreg:$0x1] =	wrdreg $0xFFFFFFFF  }
0xad: {  	[dreg:$0x0] =	wrdreg $0x60  }
0xae: {  	[dreg:$0x2] =	wrdreg s24  }
0xaf: {  	[dreg:$0x3] =	wrdreg s2  }
0xb0: {  	[dreg:$0x4] =	wrdreg $0x9  }
0xb1: {  	_ =	task.clear_ibuf [dreg:s7], $0x5FFFF;
	_ =	strace $0x90000046  }
0xb2: {  	s29 =	simm.s32 $0x9;
	_ =	strace $0x80000048  }
0xb3: {  	_ =	swait.ge [sflag:s29], $0x1  }
0xb4: {  	[sflag:s29] =	ssyncadd.s32 $0xFFFFFFFF  }
0xb5: {  	_ =	strace $0x90000048  }
0xb6: {  	_ =	sfence  }
0xb7: {  	s30 =	sld [smem:$0x0];
	_ =	sdelay $0x2  }
0xb8: {  	s31 =	sshll.u32 s1, $0xD;
	s1 =	sshrl.u32 s1, $0x2  }
0xb9: {  	s3 =	sand.u32 $0x4000, s31;
	s1 =	sadd.s32 s1, s30  }
0xba: {  	s0 =	sor.u32 s3, s0;
	s1 =	sshll.u32 s1, $0x11  }
0xbb: {  	s0 =	sor.u32 s1, s0  }
0xbc: {  	s0 =	sadd.s32 $0x8F2B, s0  }
0xbd: {  	[sflag:s0] =	ssyncadd.remote.s32 $0x1  }
0xbe: {  	_ =	sfence.sel $0xFFFF  }
0xbf: {  	[dreg:$0x0] =	wrdreg $0xFFFFFFFF;
	(pc) =	sbr.abs _section_cstart, $3  }
0xc0: {  	[dreg:$0x1] =	wrdreg $0xFFFFFFFF  }
0xc1: {  	_ =	task.clear_ibuf [dreg:s7], $0x2FFFF;
	_ =	strace $0x9FFFFFFF  }
0xc2: {  	(tm) =	ssettm $0x7FFFFFFF  }
0xc3: {  	_ =	shalt  }
tec
execute0_lowered:
.L_overlay_start_1:
0x0: {  	(tag) =	ssettag $0x1  }
0x1: {  	s0 =	rddreg [dreg:$0x0]  }
0x2: {  	s1 =	srdreg.scid;
	s2 =	stileid.u32  }
0x3: {  	s6 =	rddreg [dreg:$0x1];
	s18 =	simm.s32 $0x9;
	s28 =	simm.s32 $0x1E600  }
0x4: {  	s29 =	simm.s32 $0x2;
	s30 =	simm.s32 $0x12000;
	s31 =	simm.s32 $0x6  }
0x5: {  	s17 =	simm.s32 $0x3;
	s19 =	simm.s32 $0x4;
	s20 =	simm.s32 $0x0  }
0x6: {  	s1 =	sand.u32 $0x1, s1;
	s3 =	sshll.u32 s2, $0x1;
	s2 =	simm.s32 $0x0  }
0x7: {  	s4 =	sadd.s32 $0x400, s0;
	s5 =	sadd.s32 $0x60C400, s0;
	s26 =	sadd.s32 $0x18400, s0  }
0x8: {  	s0 =	sadd.s32 $0x30700, s0;
	s9 =	sor.u32 s1, s3;
	[smem:$0x7FF] =	sst s2  }
0x9: {  	s1 =	ssub.s32 $0x2, s1;
	_ =	strace $0x80000047;
	[dreg:$0x8] =	wrdreg s26  }
0xa: {  	s3 =	smul.u32 $0x6000, s9;
	s7 =	sshrl.u32 s1, $0x1;
	[dreg:$0x9] =	wrdreg s0  }
0xb: {  	p0 =	sne.s32 s9, $0x1F;
	s26 =	simm.s32 $0x400;
	s0 =	simm.s32 $0x1E300  }
0xc: {  	s1 =	ssub.s32 s1, s7;
	s10 =	sshrl.u32 s3, $0x3;
	s7 =	sadd.s32 $0x3000, s3  }
0xd: {  	s8 =	sadd.s32 $0xC1800, s3;
	s16 =	smax.u32 s1, $0x1;
	s1 =	simm.s32 $0x1E900  }
0xe: {  	s22 =	sadd.s32 s6, s10;
	s6 =	sadd.s32 $0x18000, s6;
	s23 =	sshrl.u32 s7, $0x3  }
.Ltmp0:
0xf: {  	s11 =	sshrl.u32 s8, $0x3;
	[dreg:$0x3] =	wrdreg s22;
	(pc) =	sbr.rel .LBB2_1-.Ltmp0, $4  }
0x10: {  	s10 =	sadd.s32 s4, s10;
	[dreg:$0x4] =	wrdreg s6;
	s6 =	sadd.s32 s4, s23  }
0x11: {  	s24 =	sadd.s32 s4, s11;
	s25 =	sadd.s32 $0x18900, s10;
	[dreg:$0x5] =	wrdreg s6  }
0x12: {  	s22 =	simm.s32 $0x1;
	s23 =	simm.s32 $0xC000;
	[dreg:$0x6] =	wrdreg s24  }
0x13: {  	[dreg:$0x7] =	wrdreg s25;
	s24 =	simm.s32 $0x5;
	s25 =	simm.s32 $0x80  }
.LBB2_12:
0x14: {  	_ =	swait.ge [sflag:s17], $0x6000  }
0x15: {  	[sflag:s17] =	ssyncset.done $0x0  }
0x16: {  	[sflag:s17] =	ssyncadd.s32 $0xFFFFA000  }
0x17: {  	_ =	swait.ge [sflag:s19], $0x6000  }
0x18: {  	[sflag:s19] =	ssyncset.done $0x0  }
0x19: {  	s6 =	simm.s32 @!p0 $0x7;
	s20 =	sadd.s32 $0x1, s20;
	[sflag:s19] =	ssyncadd.s32 $0xFFFFA000  }
0x1a: {  	p1 =	sne.s32 s20, s16;
	_ =	swait.ge @!p0 [sflag:s6], $0x300  }
.Ltmp1:
0x1b: {  	[sflag:s6] =	ssyncset.done @!p0 $0x0;
	(pc) =	sbr.rel @!p1 .LBB2_13-.Ltmp1, $4  }
0x1c: {  	[sflag:s6] =	ssyncadd.s32 @!p0 $0xFFFFFD00;
	s6 =	simm.s32 @!p0 $0x8  }
0x1d: {  	_ =	swait.ge @!p0 [sflag:s6], $0x300  }
0x1e: {  	[sflag:s6] =	ssyncset.done @!p0 $0x0  }
0x1f: {  	[sflag:s6] =	ssyncadd.s32 @!p0 $0xFFFFFD00  }
.LBB2_1:
0x20: {  	s6 =	rddreg [dreg:$0x3];
	s9 =	simm.s32 $0x18000  }
0x21: {  	[tilespmem:s9], [sflag:$0x9] =	stream.linear.gather [hbm4b:s6+s2], $0x6000, $0x38;
	[tilespmem:$0x1EF00] =	vst v63  }
0x22: {  	_ =	swait.ge [sflag:s18], $0x6000  }
0x23: {  	s11 =	simm.s32 @!p0 $0x1EC00;
	s6 =	simm.s32 @!p0 $0x80;
	[sflag:s18] =	ssyncset.done $0x0  }
0x24: {  	s9 =	simm.s32 @!p0 $0x400;
	s12 =	rddreg [dreg:$0x4];
	[sflag:s18] =	ssyncadd.s32 $0xFFFFA000  }
0x25: {  	[tilespmem:s11], [sflag:$0x9] =	stream.strided.gather @!p0 [hbm4b:s12+s6], $0x300, s9, s6, $0x38;
	[tilespmem:$0x1EF00] =	vst v63  }
0x26: {  	s11 =	simm.s32 @!p0 $0x9  }
0x27: {  	_ =	swait.ge @!p0 [sflag:s11], $0x300  }
0x28: {  	[sflag:s11] =	ssyncset.done @!p0 $0x0  }
0x29: {  	[sflag:s11] =	ssyncadd.s32 @!p0 $0xFFFFFD00  }
0x2a: {  	[tilespmem:s2], [sflag:$0x1] =	stream.linear.gather [hbm4b:s10+s2], $0x3000, $0x38;
	[tilespmem:$0x1EF00] =	vst v63  }
0x2b: {  	s21 =	simm.s32 $0x3000;
	s15 =	rddreg [dreg:$0x5]  }
0x2c: {  	[tilespmem:s21], [sflag:$0x1] =	stream.linear.gather [hbm4b:s15+s2], $0x3000, $0x38;
	[tilespmem:$0x1EF00] =	vst v63  }
0x2d: {  	s14 =	simm.s32 $0x6000;
	s13 =	rddreg [dreg:$0x6]  }
0x2e: {  	[tilespmem:s14], [sflag:$0x2] =	stream.linear.gather [hbm4b:s13+s2], $0x3000, $0x38;
	[tilespmem:$0x1EF00] =	vst v63  }
0x2f: {  	s15 =	rddreg [dreg:$0x7];
	s21 =	simm.s32 $0x9000  }
0x30: {  	[tilespmem:s21], [sflag:$0x2] =	stream.linear.gather [hbm4b:s15+s2], $0x3000, $0x38;
	[tilespmem:$0x1EF00] =	vst v63  }
.Ltmp2:
0x31: {  	_ = 	snop;
	(pc) =	sbr.rel .LBB2_2-.Ltmp2, $4  }
0x32: {  	s12 =	rddreg [dreg:$0x8];
	s11 =	simm.s32 @!p0 $0x1E000  }
0x33: {  	[tilespmem:s11], [sflag:$0x5] =	stream.strided.gather @!p0 [hbm4b:s12+s6], $0x300, s9, s6, $0x38;
	[tilespmem:$0x1EF00] =	vst v63  }
0x34: {  	s21 =	simm.s32 $0x0;
	s11 =	simm.s32 @!p0 $0x1E300;
	s12 =	rddreg [dreg:$0x9]  }
0x35: {  	[tilespmem:s11], [sflag:$0x6] =	stream.strided.gather @!p0 [hbm4b:s12+s6], $0x300, s9, s6, $0x38;
	[tilespmem:$0x1EF00] =	vst v63  }
.LBB2_11:
0x36: {  	s21 =	sadd.s32 $0x1, s21  }
0x37: {  	p1 =	sne.s32 s21, $0x20  }
.Ltmp3:
0x38: {  	_ = 	snop;
	(pc) =	sbr.rel @!p1 .LBB2_12-.Ltmp3, $1  }
0x39: {  	_ =	sdelay $0x3  }
.LBB2_2:
0x3a: {  	_ =	swait.ge [sflag:s22], $0x3000  }
0x3b: {  	[sflag:s22] =	ssyncset.done $0x0  }
0x3c: {  	[sflag:s22] =	ssyncadd.s32 $0xFFFFD000  }
0x3d: {  	_ =	swait.ge [sflag:s22], $0x3000  }
0x3e: {  	p1 =	seq.s32 s21, $0x0;
	[sflag:s22] =	ssyncset.done $0x0  }
0x3f: {  	s9 =	simm.s32 $0x0;
	s6 =	simm.s32 @!p1 $0x3;
	[sflag:s22] =	ssyncadd.s32 $0xFFFFD000  }
0x40: {  	s11 =	simm.s32 $0x0;
	s9 =	smul.u32 $0x1800, s9;
	_ =	swait.ge @!p1 [sflag:s6], $0x6000  }
0x41: {  	s11 =	sand.u32 $0x380, s11;
	[sflag:s6] =	ssyncset.done @!p1 $0x0  }
0x42: {  	s9 =	sor.u32 s11, s9;
	[sflag:s6] =	ssyncadd.s32 @!p1 $0xFFFFA000  }
0x43: {  	v0 =	vld [tilespmem:s9+$0x1470]  }
0x44: {  	v1 =	vld [tilespmem:s9+$0x19470]  }
0x45: {  	v2 =	vld [tilespmem:s9+$0x0]  }
0x46: {  	v3 =	vld [tilespmem:s9+$0x18000]  }
0x47: {  	v4 =	vld [tilespmem:s9+$0x10]  }
0x48: {  	v5 =	vld [tilespmem:s9+$0x18010]  }
0x49: {  	v6 =	vld [tilespmem:s9+$0x20]  }
0x4a: {  	v7 =	vld [tilespmem:s9+$0x30]  }
0x4b: {  	v8 =	vld [tilespmem:s9+$0x19420];
	v0 =	vadd.f32 v1, v0  }
0x4c: {  	v1 =	vld [tilespmem:s9+$0x18020]  }
0x4d: {  	v2 =	vadd.f32 v3, v2;
	[tilespmem:s9+$0xD470] =	vst v0;
	v0 =	vld [tilespmem:s9+$0x18030]  }
0x4e: {  	v3 =	vld [tilespmem:s9+$0x40]  }
0x4f: {  	[tilespmem:s9+$0xC000] =	vst v2;
	v2 =	vadd.f32 v5, v4;
	v4 =	vld [tilespmem:s9+$0x18040]  }
0x50: {  	v5 =	vld [tilespmem:s9+$0x18050]  }
0x51: {  	[tilespmem:s9+$0xC010] =	vst v2;
	v2 =	vld [tilespmem:s9+$0x50];
	v1 =	vadd.f32 v1, v6  }
0x52: {  	v6 =	vld [tilespmem:s9+$0x18060];
	v0 =	vadd.f32 v0, v7  }
0x53: {  	[tilespmem:s9+$0xC020] =	vst v1;
	v1 =	vld [tilespmem:s9+$0x60]  }
0x54: {  	[tilespmem:s9+$0xC030] =	vst v0;
	v0 =	vadd.f32 v4, v3;
	v3 =	vld [tilespmem:s9+$0x70]  }
0x55: {  	v4 =	vld [tilespmem:s9+$0x18070]  }
0x56: {  	[tilespmem:s9+$0xC040] =	vst v0;
	v0 =	vadd.f32 v5, v2;
	v2 =	vld [tilespmem:s9+$0x400]  }
0x57: {  	v5 =	vld [tilespmem:s9+$0x18400]  }
0x58: {  	[tilespmem:s9+$0xC050] =	vst v0;
	v0 =	vadd.f32 v6, v1;
	v1 =	vld [tilespmem:s9+$0x410]  }
0x59: {  	v6 =	vld [tilespmem:s9+$0x18410]  }
0x5a: {  	[tilespmem:s9+$0xC060] =	vst v0;
	v0 =	vadd.f32 v4, v3;
	v3 =	vld [tilespmem:s9+$0x420]  }
0x5b: {  	v4 =	vld [tilespmem:s9+$0x18420]  }
0x5c: {  	[tilespmem:s9+$0xC070] =	vst v0;
	v0 =	vadd.f32 v5, v2;
	v2 =	vld [tilespmem:s9+$0x430]  }
0x5d: {  	v5 =	vld [tilespmem:s9+$0x18430]  }
0x5e: {  	[tilespmem:s9+$0xC400] =	vst v0;
	v0 =	vadd.f32 v6, v1;
	v1 =	vld [tilespmem:s9+$0x440]  }
0x5f: {  	v6 =	vld [tilespmem:s9+$0x18440]  }
0x60: {  	[tilespmem:s9+$0xC410] =	vst v0;
	v0 =	vadd.f32 v4, v3;
	v3 =	vld [tilespmem:s9+$0x450]  }
0x61: {  	v4 =	vld [tilespmem:s9+$0x18450]  }
0x62: {  	[tilespmem:s9+$0xC420] =	vst v0;
	v0 =	vadd.f32 v5, v2;
	v2 =	vld [tilespmem:s9+$0x460]  }
0x63: {  	v5 =	vld [tilespmem:s9+$0x18460]  }
0x64: {  	[tilespmem:s9+$0xC430] =	vst v0;
	v0 =	vadd.f32 v6, v1;
	v1 =	vld [tilespmem:s9+$0x470]  }
0x65: {  	v6 =	vld [tilespmem:s9+$0x18470]  }
0x66: {  	[tilespmem:s9+$0xC440] =	vst v0;
	v0 =	vadd.f32 v4, v3;
	v3 =	vld [tilespmem:s9+$0x800]  }
0x67: {  	v4 =	vld [tilespmem:s9+$0x18800]  }
0x68: {  	[tilespmem:s9+$0xC450] =	vst v0;
	v0 =	vadd.f32 v5, v2;
	v2 =	vld [tilespmem:s9+$0x810]  }
0x69: {  	v5 =	vld [tilespmem:s9+$0x18810]  }
0x6a: {  	[tilespmem:s9+$0xC460] =	vst v0;
	v0 =	vadd.f32 v6, v1;
	v1 =	vld [tilespmem:s9+$0x820]  }
0x6b: {  	v6 =	vld [tilespmem:s9+$0x18820]  }
0x6c: {  	[tilespmem:s9+$0xC470] =	vst v0;
	v0 =	vadd.f32 v4, v3;
	v3 =	vld [tilespmem:s9+$0x830]  }
0x6d: {  	v4 =	vld [tilespmem:s9+$0x18830]  }
0x6e: {  	[tilespmem:s9+$0xC800] =	vst v0;
	v0 =	vadd.f32 v5, v2;
	v2 =	vld [tilespmem:s9+$0x840]  }
0x6f: {  	v5 =	vld [tilespmem:s9+$0x18840]  }
0x70: {  	[tilespmem:s9+$0xC810] =	vst v0;
	v0 =	vadd.f32 v6, v1;
	v1 =	vld [tilespmem:s9+$0x850]  }
0x71: {  	v6 =	vld [tilespmem:s9+$0x18850]  }
0x72: {  	[tilespmem:s9+$0xC820] =	vst v0;
	v0 =	vadd.f32 v4, v3;
	v3 =	vld [tilespmem:s9+$0x860]  }
0x73: {  	v4 =	vld [tilespmem:s9+$0x18860]  }
0x74: {  	[tilespmem:s9+$0xC830] =	vst v0;
	v0 =	vadd.f32 v5, v2;
	v2 =	vld [tilespmem:s9+$0x870]  }
0x75: {  	v5 =	vld [tilespmem:s9+$0x18870]  }
0x76: {  	[tilespmem:s9+$0xC840] =	vst v0;
	v0 =	vadd.f32 v6, v1;
	v1 =	vld [tilespmem:s9+$0xC00]  }
0x77: {  	v6 =	vld [tilespmem:s9+$0x18C00]  }
0x78: {  	[tilespmem:s9+$0xC850] =	vst v0;
	v0 =	vadd.f32 v4, v3;
	v3 =	vld [tilespmem:s9+$0xC10]  }
0x79: {  	v4 =	vld [tilespmem:s9+$0x18C10]  }
0x7a: {  	[tilespmem:s9+$0xC860] =	vst v0;
	v0 =	vadd.f32 v5, v2;
	v2 =	vld [tilespmem:s9+$0xC20]  }
0x7b: {  	v5 =	vld [tilespmem:s9+$0x18C20]  }
0x7c: {  	[tilespmem:s9+$0xC870] =	vst v0;
	v0 =	vadd.f32 v6, v1;
	v1 =	vld [tilespmem:s9+$0xC30]  }
0x7d: {  	v6 =	vld [tilespmem:s9+$0x18C30]  }
0x7e: {  	[tilespmem:s9+$0xCC00] =	vst v0;
	v0 =	vadd.f32 v4, v3;
	v3 =	vld [tilespmem:s9+$0xC40]  }
0x7f: {  	v4 =	vld [tilespmem:s9+$0x18C40]  }
0x80: {  	[tilespmem:s9+$0xCC10] =	vst v0;
	v0 =	vadd.f32 v5, v2;
	v2 =	vld [tilespmem:s9+$0xC50]  }
0x81: {  	v5 =	vld [tilespmem:s9+$0x18C50]  }
0x82: {  	[tilespmem:s9+$0xCC20] =	vst v0;
	v0 =	vadd.f32 v6, v1;
	v1 =	vld [tilespmem:s9+$0xC60]  }
0x83: {  	v6 =	vld [tilespmem:s9+$0x18C60]  }
0x84: {  	[tilespmem:s9+$0xCC30] =	vst v0;
	v0 =	vadd.f32 v4, v3;
	v3 =	vld [tilespmem:s9+$0xC70]  }
0x85: {  	v4 =	vld [tilespmem:s9+$0x18C70]  }
0x86: {  	[tilespmem:s9+$0xCC40] =	vst v0;
	v0 =	vadd.f32 v5, v2;
	v2 =	vld [tilespmem:s9+$0x1000]  }
0x87: {  	v5 =	vld [tilespmem:s9+$0x19000]  }
0x88: {  	[tilespmem:s9+$0xCC50] =	vst v0;
	v0 =	vadd.f32 v6, v1;
	v1 =	vld [tilespmem:s9+$0x1010]  }
0x89: {  	v6 =	vld [tilespmem:s9+$0x19010]  }
0x8a: {  	[tilespmem:s9+$0xCC60] =	vst v0;
	v0 =	vadd.f32 v4, v3;
	v3 =	vld [tilespmem:s9+$0x1020]  }
0x8b: {  	v4 =	vld [tilespmem:s9+$0x19020]  }
0x8c: {  	[tilespmem:s9+$0xCC70] =	vst v0;
	v0 =	vadd.f32 v5, v2;
	v2 =	vld [tilespmem:s9+$0x1030]  }
0x8d: {  	v5 =	vld [tilespmem:s9+$0x19030]  }
0x8e: {  	[tilespmem:s9+$0xD000] =	vst v0;
	v0 =	vadd.f32 v6, v1;
	v1 =	vld [tilespmem:s9+$0x1040]  }
0x8f: {  	v6 =	vld [tilespmem:s9+$0x19040]  }
0x90: {  	[tilespmem:s9+$0xD010] =	vst v0;
	v0 =	vadd.f32 v4, v3;
	v3 =	vld [tilespmem:s9+$0x1050]  }
0x91: {  	v4 =	vld [tilespmem:s9+$0x19050]  }
0x92: {  	[tilespmem:s9+$0xD020] =	vst v0;
	v0 =	vadd.f32 v5, v2;
	v2 =	vld [tilespmem:s9+$0x1060]  }
0x93: {  	v5 =	vld [tilespmem:s9+$0x19060]  }
0x94: {  	[tilespmem:s9+$0xD030] =	vst v0;
	v0 =	vadd.f32 v6, v1;
	v1 =	vld [tilespmem:s9+$0x1070]  }
0x95: {  	v6 =	vld [tilespmem:s9+$0x19070]  }
0x96: {  	[tilespmem:s9+$0xD040] =	vst v0;
	v0 =	vadd.f32 v4, v3;
	v3 =	vld [tilespmem:s9+$0x1400]  }
0x97: {  	v4 =	vld [tilespmem:s9+$0x19400]  }
0x98: {  	v7 =	vld [tilespmem:s9+$0x19410];
	[tilespmem:s9+$0xD050] =	vst v0;
	v0 =	vadd.f32 v5, v2  }
0x99: {  	v5 =	vld [tilespmem:s9+$0x1410]  }
0x9a: {  	[tilespmem:s9+$0xD060] =	vst v0;
	v0 =	vadd.f32 v6, v1;
	v6 =	vld [tilespmem:s9+$0x1420]  }
0x9b: {  	v2 =	vld [tilespmem:s9+$0x1430]  }
0x9c: {  	[tilespmem:s9+$0xD070] =	vst v0;
	v0 =	vadd.f32 v4, v3;
	v4 =	vld [tilespmem:s9+$0x19430]  }
0x9d: {  	v3 =	vld [tilespmem:s9+$0x19440]  }
0x9e: {  	v1 =	vadd.f32 v7, v5;
	[tilespmem:s9+$0xD400] =	vst v0;
	v0 =	vld [tilespmem:s9+$0x1440]  }
0x9f: {  	s15 =	simm.s32 $0x0;
	s12 =	simm.s32 $0x2;
	v5 =	vld [tilespmem:s9+$0x19450];
	v6 =	vadd.f32 v8, v6  }
0xa0: {  	s13 =	smul.u32 $0x1800, s15;
	s11 =	simm.s32 $0x80;
	s6 =	sshll.u32 s21, $0x1;
	[tilespmem:s9+$0xD410] =	vst v1;
	v1 =	vld [tilespmem:s9+$0x1450]  }
.LBB2_3:
0xa1: {  	p2 =	sne.s32 s12, $0x1F;
	s14 =	sand.u32 $0x380, s11;
	[tilespmem:s9+$0xD420] =	vst v6;
	v2 =	vadd.f32 v4, v2;
	v4 =	vld [tilespmem:s9+$0x1460]  }
0xa2: {  	s13 =	sor.u32 s14, s13;
	v6 =	vld [tilespmem:s9+$0x19460]  }
0xa3: {  	v7 =	vld [tilespmem:s13+$0x1470];
	[tilespmem:s9+$0xD430] =	vst v2;
	v0 =	vadd.f32 v3, v0  }
0xa4: {  	v2 =	vld [tilespmem:s13+$0x19470]  }
0xa5: {  	v3 =	vld [tilespmem:s13+$0x0];
	[tilespmem:s9+$0xD440] =	vst v0;
	v0 =	vadd.f32 v5, v1  }
0xa6: {  	v1 =	vld [tilespmem:s13+$0x18000]  }
0xa7: {  	v5 =	vld [tilespmem:s13+$0x10];
	[tilespmem:s9+$0xD450] =	vst v0;
	v0 =	vadd.f32 v6, v4  }
0xa8: {  	v4 =	vld [tilespmem:s13+$0x18010]  }
0xa9: {  	v6 =	vld [tilespmem:s13+$0x20];
	v2 =	vadd.f32 v2, v7;
	[tilespmem:s9+$0xD460] =	vst v0;
	s9 =	smov.u32 s13  }
0xaa: {  	v0 =	vld [tilespmem:s9+$0x18020]  }
0xab: {  	v1 =	vadd.f32 v1, v3;
	v3 =	vld [tilespmem:s9+$0x30];
	[tilespmem:s9+$0xD470] =	vst v2  }
0xac: {  	v2 =	vld [tilespmem:s9+$0x18030]  }
0xad: {  	[tilespmem:s9+$0xC000] =	vst v1;
	v1 =	vadd.f32 v4, v5;
	v4 =	vld [tilespmem:s9+$0x40]  }
0xae: {  	v5 =	vld [tilespmem:s9+$0x18040]  }
0xaf: {  	[tilespmem:s9+$0xC010] =	vst v1;
	v0 =	vadd.f32 v0, v6;
	v1 =	vld [tilespmem:s9+$0x50]  }
0xb0: {  	v6 =	vld [tilespmem:s9+$0x18050]  }
0xb1: {  	[tilespmem:s9+$0xC020] =	vst v0;
	v0 =	vadd.f32 v2, v3;
	v2 =	vld [tilespmem:s9+$0x60]  }
0xb2: {  	v3 =	vld [tilespmem:s9+$0x18060]  }
0xb3: {  	[tilespmem:s9+$0xC030] =	vst v0;
	v0 =	vadd.f32 v5, v4;
	v4 =	vld [tilespmem:s9+$0x70]  }
0xb4: {  	v5 =	vld [tilespmem:s9+$0x18070]  }
0xb5: {  	[tilespmem:s9+$0xC040] =	vst v0;
	v0 =	vadd.f32 v6, v1;
	v1 =	vld [tilespmem:s9+$0x400]  }
0xb6: {  	v6 =	vld [tilespmem:s9+$0x18400]  }
0xb7: {  	[tilespmem:s9+$0xC050] =	vst v0;
	v0 =	vadd.f32 v3, v2;
	v2 =	vld [tilespmem:s9+$0x410]  }
0xb8: {  	v3 =	vld [tilespmem:s9+$0x18410]  }
0xb9: {  	[tilespmem:s9+$0xC060] =	vst v0;
	v0 =	vadd.f32 v5, v4;
	v4 =	vld [tilespmem:s9+$0x420]  }
0xba: {  	v5 =	vld [tilespmem:s9+$0x18420]  }
0xbb: {  	[tilespmem:s9+$0xC070] =	vst v0;
	v0 =	vadd.f32 v6, v1;
	v1 =	vld [tilespmem:s9+$0x430]  }
0xbc: {  	v6 =	vld [tilespmem:s9+$0x18430]  }
0xbd: {  	[tilespmem:s9+$0xC400] =	vst v0;
	v0 =	vadd.f32 v3, v2;
	v2 =	vld [tilespmem:s9+$0x440]  }
0xbe: {  	v3 =	vld [tilespmem:s9+$0x18440]  }
0xbf: {  	[tilespmem:s9+$0xC410] =	vst v0;
	v0 =	vadd.f32 v5, v4;
	v4 =	vld [tilespmem:s9+$0x450]  }
0xc0: {  	v5 =	vld [tilespmem:s9+$0x18450]  }
0xc1: {  	[tilespmem:s9+$0xC420] =	vst v0;
	v0 =	vadd.f32 v6, v1;
	v1 =	vld [tilespmem:s9+$0x460]  }
0xc2: {  	v6 =	vld [tilespmem:s9+$0x18460]  }
0xc3: {  	[tilespmem:s9+$0xC430] =	vst v0;
	v0 =	vadd.f32 v3, v2;
	v2 =	vld [tilespmem:s9+$0x470]  }
0xc4: {  	v3 =	vld [tilespmem:s9+$0x18470]  }
0xc5: {  	[tilespmem:s9+$0xC440] =	vst v0;
	v0 =	vadd.f32 v5, v4;
	v4 =	vld [tilespmem:s9+$0x800]  }
0xc6: {  	v5 =	vld [tilespmem:s9+$0x18800]  }
0xc7: {  	[tilespmem:s9+$0xC450] =	vst v0;
	v0 =	vadd.f32 v6, v1;
	v1 =	vld [tilespmem:s9+$0x810]  }
0xc8: {  	v6 =	vld [tilespmem:s9+$0x18810]  }
0xc9: {  	[tilespmem:s9+$0xC460] =	vst v0;
	v0 =	vadd.f32 v3, v2;
	v2 =	vld [tilespmem:s9+$0x820]  }
0xca: {  	v3 =	vld [tilespmem:s9+$0x18820]  }
0xcb: {  	[tilespmem:s9+$0xC470] =	vst v0;
	v0 =	vadd.f32 v5, v4;
	v4 =	vld [tilespmem:s9+$0x830]  }
0xcc: {  	v5 =	vld [tilespmem:s9+$0x18830]  }
0xcd: {  	[tilespmem:s9+$0xC800] =	vst v0;
	v0 =	vadd.f32 v6, v1;
	v1 =	vld [tilespmem:s9+$0x840]  }
0xce: {  	v6 =	vld [tilespmem:s9+$0x18840]  }
0xcf: {  	[tilespmem:s9+$0xC810] =	vst v0;
	v0 =	vadd.f32 v3, v2;
	v2 =	vld [tilespmem:s9+$0x850]  }
0xd0: {  	v3 =	vld [tilespmem:s9+$0x18850]  }
0xd1: {  	[tilespmem:s9+$0xC820] =	vst v0;
	v0 =	vadd.f32 v5, v4;
	v4 =	vld [tilespmem:s9+$0x860]  }
0xd2: {  	v5 =	vld [tilespmem:s9+$0x18860]  }
0xd3: {  	[tilespmem:s9+$0xC830] =	vst v0;
	v0 =	vadd.f32 v6, v1;
	v1 =	vld [tilespmem:s9+$0x870]  }
0xd4: {  	v6 =	vld [tilespmem:s9+$0x18870]  }
0xd5: {  	[tilespmem:s9+$0xC840] =	vst v0;
	v0 =	vadd.f32 v3, v2;
	v2 =	vld [tilespmem:s9+$0xC00]  }
0xd6: {  	v3 =	vld [tilespmem:s9+$0x18C00]  }
0xd7: {  	[tilespmem:s9+$0xC850] =	vst v0;
	v0 =	vadd.f32 v5, v4;
	v4 =	vld [tilespmem:s9+$0xC10]  }
0xd8: {  	v5 =	vld [tilespmem:s9+$0x18C10]  }
0xd9: {  	[tilespmem:s9+$0xC860] =	vst v0;
	v0 =	vadd.f32 v6, v1;
	v1 =	vld [tilespmem:s9+$0xC20]  }
0xda: {  	v6 =	vld [tilespmem:s9+$0x18C20]  }
0xdb: {  	[tilespmem:s9+$0xC870] =	vst v0;
	v0 =	vadd.f32 v3, v2;
	v2 =	vld [tilespmem:s9+$0xC30]  }
0xdc: {  	v3 =	vld [tilespmem:s9+$0x18C30]  }
0xdd: {  	[tilespmem:s9+$0xCC00] =	vst v0;
	v0 =	vadd.f32 v5, v4;
	v4 =	vld [tilespmem:s9+$0xC40]  }
0xde: {  	v5 =	vld [tilespmem:s9+$0x18C40]  }
0xdf: {  	[tilespmem:s9+$0xCC10] =	vst v0;
	v0 =	vadd.f32 v6, v1;
	v1 =	vld [tilespmem:s9+$0xC50]  }
0xe0: {  	v6 =	vld [tilespmem:s9+$0x18C50]  }
0xe1: {  	[tilespmem:s9+$0xCC20] =	vst v0;
	v0 =	vadd.f32 v3, v2;
	v2 =	vld [tilespmem:s9+$0xC60]  }
0xe2: {  	v3 =	vld [tilespmem:s9+$0x18C60]  }
0xe3: {  	[tilespmem:s9+$0xCC30] =	vst v0;
	v0 =	vadd.f32 v5, v4;
	v4 =	vld [tilespmem:s9+$0xC70]  }
0xe4: {  	v5 =	vld [tilespmem:s9+$0x18C70]  }
0xe5: {  	[tilespmem:s9+$0xCC40] =	vst v0;
	v0 =	vadd.f32 v6, v1;
	v1 =	vld [tilespmem:s9+$0x1000]  }
0xe6: {  	v6 =	vld [tilespmem:s9+$0x19000]  }
0xe7: {  	[tilespmem:s9+$0xCC50] =	vst v0;
	v0 =	vadd.f32 v3, v2;
	v2 =	vld [tilespmem:s9+$0x1010]  }
0xe8: {  	v3 =	vld [tilespmem:s9+$0x19010]  }
0xe9: {  	[tilespmem:s9+$0xCC60] =	vst v0;
	v0 =	vadd.f32 v5, v4;
	v4 =	vld [tilespmem:s9+$0x1020]  }
0xea: {  	v5 =	vld [tilespmem:s9+$0x19020]  }
0xeb: {  	[tilespmem:s9+$0xCC70] =	vst v0;
	v0 =	vadd.f32 v6, v1;
	v1 =	vld [tilespmem:s9+$0x1030]  }
0xec: {  	v6 =	vld [tilespmem:s9+$0x19030]  }
0xed: {  	[tilespmem:s9+$0xD000] =	vst v0;
	v0 =	vadd.f32 v3, v2;
	v2 =	vld [tilespmem:s9+$0x1040]  }
0xee: {  	v3 =	vld [tilespmem:s9+$0x19040]  }
0xef: {  	[tilespmem:s9+$0xD010] =	vst v0;
	v0 =	vadd.f32 v5, v4;
	v4 =	vld [tilespmem:s9+$0x1050]  }
0xf0: {  	v5 =	vld [tilespmem:s9+$0x19050]  }
0xf1: {  	[tilespmem:s9+$0xD020] =	vst v0;
	v0 =	vadd.f32 v6, v1;
	v1 =	vld [tilespmem:s9+$0x1060]  }
0xf2: {  	v6 =	vld [tilespmem:s9+$0x19060]  }
0xf3: {  	[tilespmem:s9+$0xD030] =	vst v0;
	v0 =	vadd.f32 v3, v2;
	v2 =	vld [tilespmem:s9+$0x1070]  }
0xf4: {  	v3 =	vld [tilespmem:s9+$0x19070]  }
0xf5: {  	[tilespmem:s9+$0xD040] =	vst v0;
	v0 =	vadd.f32 v5, v4;
	v4 =	vld [tilespmem:s9+$0x1400]  }
0xf6: {  	v5 =	vld [tilespmem:s9+$0x19400]  }
0xf7: {  	[tilespmem:s9+$0xD050] =	vst v0;
	v0 =	vadd.f32 v6, v1;
	v1 =	vld [tilespmem:s9+$0x1410]  }
0xf8: {  	v6 =	vld [tilespmem:s9+$0x19410]  }
0xf9: {  	[tilespmem:s9+$0xD060] =	vst v0;
	v0 =	vadd.f32 v3, v2;
	v7 =	vld [tilespmem:s9+$0x1420]  }
0xfa: {  	v8 =	vld [tilespmem:s9+$0x19420]  }
0xfb: {  	[tilespmem:s9+$0xD070] =	vst v0;
	v0 =	vadd.f32 v5, v4;
	v2 =	vld [tilespmem:s9+$0x1430]  }
.Ltmp4:
0xfc: {  	v4 =	vld [tilespmem:s9+$0x19430];
	(pc) =	sbr.rel @p2 .LBB2_3-.Ltmp4, $4  }
0xfd: {  	[tilespmem:s9+$0xD400] =	vst v0;
	v1 =	vadd.f32 v6, v1;
	v0 =	vld [tilespmem:s9+$0x1440]  }
0xfe: {  	v3 =	vld [tilespmem:s9+$0x19440]  }
0xff: {  	s13 =	sshrl.u32 s12, $0x3;
	[tilespmem:s9+$0xD410] =	vst v1;
	v6 =	vadd.f32 v8, v7;
	v1 =	vld [tilespmem:s9+$0x1450]  }
0x100: {  	s11 =	sadd.s32 $0x80, s11;
	s12 =	sadd.s32 $0x1, s12;
	s13 =	smul.u32 $0x1800, s13;
	v5 =	vld [tilespmem:s9+$0x19450]  }
0x101: {  	s11 =	sand.u32 $0x380, s11;
	v61 =	vld [tilespmem:s9+$0x1460];
	v2 =	vadd.f32 v4, v2  }
0x102: {  	[tilespmem:s9+$0xD420] =	vst v6;
	v62 =	vld [tilespmem:s9+$0x19460];
	s11 =	sor.u32 s11, s13  }
0x103: {  	v7 =	vld [tilespmem:s11+$0x1470];
	[tilespmem:s9+$0xD430] =	vst v2;
	v0 =	vadd.f32 v3, v0  }
0x104: {  	v2 =	vld [tilespmem:s11+$0x19470]  }
0x105: {  	v63 =	vld [tilespmem:s11+$0x0];
	[tilespmem:s9+$0xD440] =	vst v0;
	v55 =	vadd.f32 v5, v1  }
0x106: {  	v56 =	vld [tilespmem:s11+$0x18000]  }
0x107: {  	v57 =	vld [tilespmem:s11+$0x10];
	v58 =	vadd.f32 v62, v61;
	[tilespmem:s9+$0xD450] =	vst v55  }
0x108: {  	v59 =	vld [tilespmem:s11+$0x18010]  }
0x109: {  	v60 =	vld [tilespmem:s11+$0x20];
	[tilespmem:s9+$0xD460] =	vst v58  }
0x10a: {  	v0 =	vld [tilespmem:s11+$0x18020]  }
0x10b: {  	v8 =	vld [tilespmem:s11+$0x30]  }
0x10c: {  	v9 =	vld [tilespmem:s11+$0x18030]  }
0x10d: {  	v10 =	vld [tilespmem:s11+$0x40]  }
0x10e: {  	v11 =	vld [tilespmem:s11+$0x18040]  }
0x10f: {  	v12 =	vld [tilespmem:s11+$0x50]  }
0x110: {  	v13 =	vld [tilespmem:s11+$0x18050]  }
0x111: {  	v14 =	vld [tilespmem:s11+$0x60]  }
0x112: {  	v15 =	vld [tilespmem:s11+$0x18060]  }
0x113: {  	v16 =	vld [tilespmem:s11+$0x70]  }
0x114: {  	v17 =	vld [tilespmem:s11+$0x18070]  }
0x115: {  	v18 =	vld [tilespmem:s11+$0x400]  }
0x116: {  	v19 =	vld [tilespmem:s11+$0x18400]  }
0x117: {  	v20 =	vld [tilespmem:s11+$0x410]  }
0x118: {  	v21 =	vld [tilespmem:s11+$0x18410]  }
0x119: {  	v22 =	vld [tilespmem:s11+$0x420]  }
0x11a: {  	v23 =	vld [tilespmem:s11+$0x18420]  }
0x11b: {  	v24 =	vld [tilespmem:s11+$0x430]  }
0x11c: {  	v25 =	vld [tilespmem:s11+$0x18430]  }
0x11d: {  	v26 =	vld [tilespmem:s11+$0x440]  }
0x11e: {  	v27 =	vld [tilespmem:s11+$0x18440]  }
0x11f: {  	v28 =	vld [tilespmem:s11+$0x450]  }
0x120: {  	v29 =	vld [tilespmem:s11+$0x18450]  }
0x121: {  	v30 =	vld [tilespmem:s11+$0x460]  }
0x122: {  	v31 =	vld [tilespmem:s11+$0x18460]  }
0x123: {  	v32 =	vld [tilespmem:s11+$0x470]  }
0x124: {  	v33 =	vld [tilespmem:s11+$0x18470]  }
0x125: {  	v34 =	vld [tilespmem:s11+$0x800]  }
0x126: {  	v35 =	vld [tilespmem:s11+$0x18800]  }
0x127: {  	v36 =	vld [tilespmem:s11+$0x810]  }
0x128: {  	v37 =	vld [tilespmem:s11+$0x18810]  }
0x129: {  	v38 =	vld [tilespmem:s11+$0x820]  }
0x12a: {  	v39 =	vld [tilespmem:s11+$0x18820]  }
0x12b: {  	v40 =	vld [tilespmem:s11+$0x830]  }
0x12c: {  	v41 =	vld [tilespmem:s11+$0x18830]  }
0x12d: {  	v42 =	vld [tilespmem:s11+$0x840]  }
0x12e: {  	v43 =	vld [tilespmem:s11+$0x18840]  }
0x12f: {  	v44 =	vld [tilespmem:s11+$0x850]  }
0x130: {  	v45 =	vld [tilespmem:s11+$0x18850]  }
0x131: {  	v46 =	vld [tilespmem:s11+$0x860]  }
0x132: {  	v47 =	vld [tilespmem:s11+$0x18860]  }
0x133: {  	v48 =	vld [tilespmem:s11+$0x870]  }
0x134: {  	v49 =	vld [tilespmem:s11+$0x18870]  }
0x135: {  	v50 =	vld [tilespmem:s11+$0xC00]  }
0x136: {  	v51 =	vld [tilespmem:s11+$0x18C00]  }
0x137: {  	v52 =	vld [tilespmem:s11+$0xC10]  }
0x138: {  	v2 =	vadd.f32 v2, v7;
	v7 =	vld [tilespmem:s11+$0x18C10]  }
0x139: {  	v3 =	vld [tilespmem:s11+$0xC20];
	v1 =	vadd.f32 v56, v63  }
0x13a: {  	v4 =	vld [tilespmem:s11+$0x18C20];
	[tilespmem:s11+$0xD470] =	vst v2;
	v61 =	vadd.f32 v59, v57  }
0x13b: {  	v5 =	vld [tilespmem:s11+$0x18C30];
	[tilespmem:s11+$0xC000] =	vst v1;
	v0 =	vadd.f32 v0, v60  }
0x13c: {  	v6 =	vld [tilespmem:s11+$0xC40];
	v62 =	vadd.f32 v9, v8;
	[tilespmem:s11+$0xC010] =	vst v61  }
0x13d: {  	v53 =	vld [tilespmem:s11+$0x1040];
	v63 =	vadd.f32 v11, v10;
	[tilespmem:s11+$0xC020] =	vst v0  }
0x13e: {  	v55 =	vld [tilespmem:s11+$0x19040];
	v13 =	vadd.f32 v13, v12;
	[tilespmem:s11+$0xC030] =	vst v62  }
0x13f: {  	v1 =	vld [tilespmem:s11+$0xC30];
	v15 =	vadd.f32 v15, v14;
	[tilespmem:s11+$0xC040] =	vst v63  }
0x140: {  	v57 =	vld [tilespmem:s11+$0x1050];
	v17 =	vadd.f32 v17, v16;
	[tilespmem:s11+$0xC050] =	vst v13  }
0x141: {  	v59 =	vld [tilespmem:s11+$0x19050];
	v19 =	vadd.f32 v19, v18;
	[tilespmem:s11+$0xC060] =	vst v15  }
0x142: {  	v8 =	vld [tilespmem:s11+$0x18C40];
	v21 =	vadd.f32 v21, v20;
	[tilespmem:s11+$0xC070] =	vst v17  }
0x143: {  	v9 =	vld [tilespmem:s11+$0xC50];
	v23 =	vadd.f32 v23, v22;
	[tilespmem:s11+$0xC400] =	vst v19  }
0x144: {  	v10 =	vld [tilespmem:s11+$0x18C50];
	v25 =	vadd.f32 v25, v24;
	[tilespmem:s11+$0xC410] =	vst v21  }
0x145: {  	v11 =	vld [tilespmem:s11+$0xC60];
	v27 =	vadd.f32 v27, v26;
	[tilespmem:s11+$0xC420] =	vst v23  }
0x146: {  	v12 =	vld [tilespmem:s11+$0x18C60];
	v29 =	vadd.f32 v29, v28;
	[tilespmem:s11+$0xC430] =	vst v25  }
0x147: {  	v14 =	vld [tilespmem:s11+$0x18C70];
	v31 =	vadd.f32 v31, v30;
	[tilespmem:s11+$0xC440] =	vst v27  }
0x148: {  	v16 =	vld [tilespmem:s11+$0x19000];
	v33 =	vadd.f32 v33, v32;
	[tilespmem:s11+$0xC450] =	vst v29  }
0x149: {  	v18 =	vld [tilespmem:s11+$0x19010];
	v35 =	vadd.f32 v35, v34;
	[tilespmem:s11+$0xC460] =	vst v31  }
0x14a: {  	v37 =	vadd.f32 v37, v36;
	v20 =	vld [tilespmem:s11+$0x19020];
	[tilespmem:s11+$0xC470] =	vst v33  }
0x14b: {  	v39 =	vadd.f32 v39, v38;
	v22 =	vld [tilespmem:s11+$0x19030];
	[tilespmem:s11+$0xC800] =	vst v35  }
0x14c: {  	v41 =	vadd.f32 v41, v40;
	v30 =	vld [tilespmem:s11+$0x19070];
	[tilespmem:s11+$0xC810] =	vst v37  }
0x14d: {  	v43 =	vadd.f32 v43, v42;
	v32 =	vld [tilespmem:s11+$0x1400];
	[tilespmem:s11+$0xC820] =	vst v39  }
0x14e: {  	v54 =	vadd.f32 v45, v44;
	v34 =	vld [tilespmem:s11+$0x19400];
	[tilespmem:s11+$0xC830] =	vst v41  }
0x14f: {  	v56 =	vadd.f32 v47, v46;
	v36 =	vld [tilespmem:s11+$0x1410];
	[tilespmem:s11+$0xC840] =	vst v43  }
0x150: {  	v58 =	vadd.f32 v49, v48;
	v38 =	vld [tilespmem:s11+$0x19410];
	[tilespmem:s11+$0xC850] =	vst v54  }
0x151: {  	v60 =	vadd.f32 v51, v50;
	v40 =	vld [tilespmem:s11+$0x1420];
	[tilespmem:s11+$0xC860] =	vst v56  }
0x152: {  	v28 =	vadd.f32 v4, v3;
	v42 =	vld [tilespmem:s11+$0x19420];
	[tilespmem:s11+$0xC870] =	vst v58  }
0x153: {  	v44 =	vld [tilespmem:s11+$0x1430];
	v47 =	vadd.f32 v55, v53;
	[tilespmem:s11+$0xCC00] =	vst v60  }
0x154: {  	v46 =	vld [tilespmem:s11+$0x19430];
	v62 =	vadd.f32 v7, v52;
	[tilespmem:s11+$0xCC20] =	vst v28  }
0x155: {  	v48 =	vld [tilespmem:s11+$0x1440];
	[tilespmem:s11+$0xD040] =	vst v47;
	v1 =	vadd.f32 v5, v1  }
0x156: {  	v50 =	vld [tilespmem:s11+$0x19440];
	[tilespmem:s11+$0xCC10] =	vst v62;
	v49 =	vadd.f32 v59, v57  }
0x157: {  	v61 =	vld [tilespmem:s11+$0x1060];
	v31 =	vadd.f32 v8, v6;
	[tilespmem:s11+$0xCC30] =	vst v1  }
0x158: {  	v13 =	vld [tilespmem:s11+$0xC70];
	v33 =	vadd.f32 v10, v9;
	[tilespmem:s11+$0xD050] =	vst v49  }
0x159: {  	v15 =	vld [tilespmem:s11+$0x1000];
	v35 =	vadd.f32 v12, v11;
	[tilespmem:s11+$0xCC40] =	vst v31  }
0x15a: {  	v17 =	vld [tilespmem:s11+$0x1010];
	v55 =	vadd.f32 v34, v32;
	[tilespmem:s11+$0xCC50] =	vst v33  }
0x15b: {  	v19 =	vld [tilespmem:s11+$0x1020];
	v57 =	vadd.f32 v38, v36;
	[tilespmem:s11+$0xCC60] =	vst v35  }
0x15c: {  	v21 =	vld [tilespmem:s11+$0x1030];
	v59 =	vadd.f32 v42, v40;
	[tilespmem:s11+$0xD400] =	vst v55  }
0x15d: {  	v63 =	vld [tilespmem:s11+$0x19060];
	v60 =	vadd.f32 v46, v44;
	[tilespmem:s11+$0xD410] =	vst v57  }
0x15e: {  	v29 =	vld [tilespmem:s11+$0x1070];
	v37 =	vadd.f32 v14, v13;
	[tilespmem:s11+$0xD420] =	vst v59  }
0x15f: {  	v52 =	vld [tilespmem:s11+$0x1450];
	v39 =	vadd.f32 v16, v15;
	[tilespmem:s11+$0xD430] =	vst v60  }
0x160: {  	v54 =	vld [tilespmem:s11+$0x19450];
	v41 =	vadd.f32 v18, v17;
	[tilespmem:s11+$0xCC70] =	vst v37  }
0x161: {  	v56 =	vld [tilespmem:s11+$0x1460];
	v43 =	vadd.f32 v20, v19;
	[tilespmem:s11+$0xD000] =	vst v39  }
0x162: {  	v58 =	vld [tilespmem:s11+$0x19460];
	v45 =	vadd.f32 v22, v21;
	[tilespmem:s11+$0xD010] =	vst v41  }
0x163: {  	v51 =	vadd.f32 v63, v61;
	[tilespmem:s11+$0xD020] =	vst v43  }
0x164: {  	v53 =	vadd.f32 v30, v29;
	[tilespmem:s11+$0xD030] =	vst v45  }
0x165: {  	s9 =	smul.u32 $0x183000, s21;
	v61 =	vadd.f32 v50, v48;
	[tilespmem:s11+$0xD060] =	vst v51  }
0x166: {  	v62 =	vadd.f32 v54, v52;
	[tilespmem:s11+$0xD070] =	vst v53  }
0x167: {  	s12 =	sadd.s32 s3, s9;
	v63 =	vadd.f32 v58, v56;
	[tilespmem:s11+$0xD440] =	vst v61  }
0x168: {  	p2 =	seq.s32 s21, $0x1F;
	s13 =	sadd.s32 $0x2, s6;
	s12 =	sshrl.u32 s12, $0x3;
	[tilespmem:s11+$0xD450] =	vst v62  }
0x169: {  	s12 =	sadd.s32 s5, s12;
	[tilespmem:s11+$0xD460] =	vst v63;
	s11 =	smul.u32 @!p2 $0xC1800, s13  }
0x16a: {  	[hbm4b:s12+s2] =	stream.linear.scatter [tilespmem:s23], [sflag:$0x3], $0x6000, $0x38;
	[tilespmem:$0x1EF00] =	vst v63  }
0x16b: {  	s12 =	sadd.s32 @!p2 s3, s11  }
0x16c: {  	s12 =	sshrl.u32 @!p2 s12, $0x3  }
0x16d: {  	s13 =	simm.s32 @!p2 $0x0;
	s12 =	sadd.s32 @!p2 s4, s12  }
0x16e: {  	[tilespmem:s13], [sflag:$0x1] =	stream.linear.gather @!p2 [hbm4b:s12+s13], $0x3000, $0x38;
	[tilespmem:$0x1EF00] =	vst v63  }
.Ltmp5:
0x16f: {  	_ = 	snop;
	(pc) =	sbr.rel @p0 .LBB2_6-.Ltmp5, $4  }
0x170: {  	s12 =	sadd.s32 @!p2 s7, s11  }
0x171: {  	s12 =	sshrl.u32 @!p2 s12, $0x3  }
0x172: {  	s14 =	simm.s32 @!p2 $0x3000;
	s12 =	sadd.s32 @!p2 s4, s12  }
0x173: {  	[tilespmem:s14], [sflag:$0x1] =	stream.linear.gather @!p2 [hbm4b:s12+s13], $0x3000, $0x38;
	[tilespmem:$0x1EF00] =	vst v63  }
0x174: {  	_ =	swait.ge [sflag:s24], $0x300  }
0x175: {  	[sflag:s24] =	ssyncset.done $0x0  }
0x176: {  	s12 =	simm.s32 @!p1 $0x7;
	[sflag:s24] =	ssyncadd.s32 $0xFFFFFD00  }
0x177: {  	_ =	swait.ge @!p1 [sflag:s12], $0x300  }
0x178: {  	[sflag:s12] =	ssyncset.done @!p1 $0x0  }
0x179: {  	[sflag:s12] =	ssyncadd.s32 @!p1 $0xFFFFFD00  }
0x17a: {  	v0 =	vld [tilespmem:$0x1E000]  }
0x17b: {  	v1 =	vld [tilespmem:$0x1EC00]  }
0x17c: {  	v2 =	vld [tilespmem:$0x1E010]  }
0x17d: {  	v3 =	vld [tilespmem:$0x1EC10]  }
0x17e: {  	v4 =	vld [tilespmem:$0x1E020]  }
0x17f: {  	v5 =	vld [tilespmem:$0x1EC20]  }
0x180: {  	v6 =	vld [tilespmem:$0x1E030]  }
0x181: {  	v7 =	vld [tilespmem:$0x1EC30]  }
0x182: {  	v8 =	vld [tilespmem:$0x1E040]  }
0x183: {  	v9 =	vld [tilespmem:$0x1EC40]  }
0x184: {  	v10 =	vld [tilespmem:$0x1E050]  }
0x185: {  	v11 =	vld [tilespmem:$0x1EC50]  }
0x186: {  	v12 =	vld [tilespmem:$0x1E060]  }
0x187: {  	v13 =	vld [tilespmem:$0x1EC60]  }
0x188: {  	v14 =	vld [tilespmem:$0x1E070]  }
0x189: {  	v15 =	vld [tilespmem:$0x1EC70]  }
0x18a: {  	v16 =	vld [tilespmem:$0x1E080]  }
0x18b: {  	v17 =	vld [tilespmem:$0x1EC80]  }
0x18c: {  	v18 =	vld [tilespmem:$0x1E090]  }
0x18d: {  	v19 =	vld [tilespmem:$0x1EC90]  }
0x18e: {  	v20 =	vld [tilespmem:$0x1E0A0]  }
0x18f: {  	v21 =	vld [tilespmem:$0x1ECA0]  }
0x190: {  	v22 =	vld [tilespmem:$0x1E0B0]  }
0x191: {  	v23 =	vld [tilespmem:$0x1ECB0]  }
0x192: {  	v24 =	vld [tilespmem:$0x1E0C0]  }
0x193: {  	v25 =	vld [tilespmem:$0x1ECC0]  }
0x194: {  	v26 =	vld [tilespmem:$0x1E0D0]  }
0x195: {  	v27 =	vld [tilespmem:$0x1ECD0]  }
0x196: {  	v28 =	vld [tilespmem:$0x1E0E0]  }
0x197: {  	v29 =	vld [tilespmem:$0x1ECE0]  }
0x198: {  	v30 =	vld [tilespmem:$0x1E0F0]  }
0x199: {  	v31 =	vld [tilespmem:$0x1ECF0]  }
0x19a: {  	v32 =	vld [tilespmem:$0x1E100]  }
0x19b: {  	v33 =	vld [tilespmem:$0x1ED00]  }
0x19c: {  	v34 =	vld [tilespmem:$0x1E110]  }
0x19d: {  	v35 =	vld [tilespmem:$0x1ED10]  }
0x19e: {  	v36 =	vld [tilespmem:$0x1E120]  }
0x19f: {  	v37 =	vld [tilespmem:$0x1ED20]  }
0x1a0: {  	v38 =	vld [tilespmem:$0x1E130]  }
0x1a1: {  	v39 =	vld [tilespmem:$0x1ED30]  }
0x1a2: {  	v40 =	vld [tilespmem:$0x1E140]  }
0x1a3: {  	v41 =	vld [tilespmem:$0x1ED40]  }
0x1a4: {  	v42 =	vld [tilespmem:$0x1E150]  }
0x1a5: {  	v43 =	vld [tilespmem:$0x1ED50]  }
0x1a6: {  	v44 =	vld [tilespmem:$0x1E160]  }
0x1a7: {  	v45 =	vld [tilespmem:$0x1ED60]  }
0x1a8: {  	v46 =	vld [tilespmem:$0x1E170]  }
0x1a9: {  	v47 =	vld [tilespmem:$0x1ED70]  }
0x1aa: {  	v48 =	vld [tilespmem:$0x1E180]  }
0x1ab: {  	v49 =	vld [tilespmem:$0x1ED80]  }
0x1ac: {  	v50 =	vld [tilespmem:$0x1E190]  }
0x1ad: {  	v51 =	vld [tilespmem:$0x1ED90]  }
0x1ae: {  	v52 =	vld [tilespmem:$0x1E1A0]  }
0x1af: {  	v53 =	vld [tilespmem:$0x1E250];
	v0 =	vadd.f32 v1, v0  }
0x1b0: {  	v55 =	vld [tilespmem:$0x1EE50];
	v2 =	vadd.f32 v3, v2  }
0x1b1: {  	v57 =	vld [tilespmem:$0x1E260];
	v60 =	vadd.f32 v5, v4;
	[tilespmem:$0x1E600] =	vst v0  }
0x1b2: {  	v59 =	vld [tilespmem:$0x1EE60];
	v61 =	vadd.f32 v7, v6;
	[tilespmem:$0x1E610] =	vst v2  }
0x1b3: {  	v1 =	vld [tilespmem:$0x1EDA0];
	v62 =	vadd.f32 v9, v8;
	[tilespmem:$0x1E620] =	vst v60  }
0x1b4: {  	v3 =	vld [tilespmem:$0x1E1B0];
	v63 =	vadd.f32 v11, v10;
	[tilespmem:$0x1E630] =	vst v61  }
0x1b5: {  	v4 =	vld [tilespmem:$0x1EDB0];
	v13 =	vadd.f32 v13, v12;
	[tilespmem:$0x1E640] =	vst v62  }
0x1b6: {  	v5 =	vld [tilespmem:$0x1E1C0];
	v15 =	vadd.f32 v15, v14;
	[tilespmem:$0x1E650] =	vst v63  }
0x1b7: {  	v6 =	vld [tilespmem:$0x1EDC0];
	v17 =	vadd.f32 v17, v16;
	[tilespmem:$0x1E660] =	vst v13  }
0x1b8: {  	v7 =	vld [tilespmem:$0x1E1D0];
	v19 =	vadd.f32 v19, v18;
	[tilespmem:$0x1E670] =	vst v15  }
0x1b9: {  	v8 =	vld [tilespmem:$0x1EDD0];
	v21 =	vadd.f32 v21, v20;
	[tilespmem:$0x1E680] =	vst v17  }
0x1ba: {  	v9 =	vld [tilespmem:$0x1E1E0];
	v23 =	vadd.f32 v23, v22;
	[tilespmem:$0x1E690] =	vst v19  }
0x1bb: {  	v10 =	vld [tilespmem:$0x1EDE0];
	v25 =	vadd.f32 v25, v24;
	[tilespmem:$0x1E6A0] =	vst v21  }
0x1bc: {  	v11 =	vld [tilespmem:$0x1E1F0];
	v27 =	vadd.f32 v27, v26;
	[tilespmem:$0x1E6B0] =	vst v23  }
0x1bd: {  	v12 =	vld [tilespmem:$0x1EDF0];
	v29 =	vadd.f32 v29, v28;
	[tilespmem:$0x1E6C0] =	vst v25  }
0x1be: {  	v14 =	vld [tilespmem:$0x1EE00];
	v31 =	vadd.f32 v31, v30;
	[tilespmem:$0x1E6D0] =	vst v27  }
0x1bf: {  	v16 =	vld [tilespmem:$0x1EE10];
	v33 =	vadd.f32 v33, v32;
	[tilespmem:$0x1E6E0] =	vst v29  }
0x1c0: {  	v18 =	vld [tilespmem:$0x1EE20];
	v35 =	vadd.f32 v35, v34;
	[tilespmem:$0x1E6F0] =	vst v31  }
0x1c1: {  	v37 =	vadd.f32 v37, v36;
	v20 =	vld [tilespmem:$0x1EE30];
	[tilespmem:$0x1E700] =	vst v33  }
0x1c2: {  	v39 =	vadd.f32 v39, v38;
	v22 =	vld [tilespmem:$0x1EE40];
	[tilespmem:$0x1E710] =	vst v35  }
0x1c3: {  	v41 =	vadd.f32 v41, v40;
	v54 =	vadd.f32 v45, v44;
	v45 =	vld [tilespmem:$0x1E2C0];
	[tilespmem:$0x1E720] =	vst v37  }
0x1c4: {  	v43 =	vadd.f32 v43, v42;
	v56 =	vadd.f32 v47, v46;
	v47 =	vld [tilespmem:$0x1EEC0];
	[tilespmem:$0x1E730] =	vst v39  }
0x1c5: {  	v58 =	vadd.f32 v49, v48;
	v49 =	vld [tilespmem:$0x1E2D0];
	[tilespmem:$0x1E740] =	vst v41  }
0x1c6: {  	v13 =	vld [tilespmem:$0x1E200];
	[tilespmem:$0x1E750] =	vst v43  }
0x1c7: {  	v15 =	vld [tilespmem:$0x1E210];
	[tilespmem:$0x1E760] =	vst v54  }
0x1c8: {  	v48 =	vadd.f32 v55, v53;
	v17 =	vld [tilespmem:$0x1E220];
	[tilespmem:$0x1E770] =	vst v56  }
0x1c9: {  	v19 =	vld [tilespmem:$0x1E230];
	v60 =	vadd.f32 v51, v50;
	[tilespmem:$0x1E780] =	vst v58  }
0x1ca: {  	v21 =	vld [tilespmem:$0x1E240];
	v50 =	vadd.f32 v59, v57;
	[tilespmem:$0x1E850] =	vst v48  }
0x1cb: {  	v61 =	vld [tilespmem:$0x1E270];
	[tilespmem:$0x1E790] =	vst v60;
	v62 =	vadd.f32 v1, v52  }
0x1cc: {  	v63 =	vld [tilespmem:$0x1EE70];
	[tilespmem:$0x1E860] =	vst v50;
	v28 =	vadd.f32 v4, v3  }
0x1cd: {  	v29 =	vld [tilespmem:$0x1E280];
	v30 =	vadd.f32 v6, v5;
	[tilespmem:$0x1E7A0] =	vst v62  }
0x1ce: {  	v31 =	vld [tilespmem:$0x1EE80];
	v32 =	vadd.f32 v8, v7;
	[tilespmem:$0x1E7B0] =	vst v28  }
0x1cf: {  	v33 =	vld [tilespmem:$0x1E290];
	v34 =	vadd.f32 v10, v9;
	[tilespmem:$0x1E7C0] =	vst v30  }
0x1d0: {  	v35 =	vld [tilespmem:$0x1EE90];
	v36 =	vadd.f32 v12, v11;
	[tilespmem:$0x1E7D0] =	vst v32  }
0x1d1: {  	v37 =	vld [tilespmem:$0x1E2A0];
	v60 =	vadd.f32 v47, v45;
	[tilespmem:$0x1E7E0] =	vst v34  }
0x1d2: {  	v39 =	vld [tilespmem:$0x1EEA0];
	v38 =	vadd.f32 v14, v13;
	[tilespmem:$0x1E7F0] =	vst v36  }
0x1d3: {  	v41 =	vld [tilespmem:$0x1E2B0];
	v40 =	vadd.f32 v16, v15;
	[tilespmem:$0x1E8C0] =	vst v60  }
0x1d4: {  	v43 =	vld [tilespmem:$0x1EEB0];
	v42 =	vadd.f32 v18, v17;
	[tilespmem:$0x1E800] =	vst v38  }
0x1d5: {  	v51 =	vld [tilespmem:$0x1EED0];
	v44 =	vadd.f32 v20, v19;
	[tilespmem:$0x1E810] =	vst v40  }
0x1d6: {  	v54 =	vld [tilespmem:$0x1EEE0];
	v46 =	vadd.f32 v22, v21;
	[tilespmem:$0x1E820] =	vst v42  }
0x1d7: {  	v56 =	vld [tilespmem:$0x1E2F0];
	v1 =	vadd.f32 v63, v61;
	[tilespmem:$0x1E830] =	vst v44  }
0x1d8: {  	v58 =	vld [tilespmem:$0x1EEF0];
	v53 =	vadd.f32 v31, v29;
	[tilespmem:$0x1E840] =	vst v46  }
0x1d9: {  	v52 =	vld [tilespmem:$0x1E2E0];
	v55 =	vadd.f32 v35, v33;
	[tilespmem:$0x1E870] =	vst v1  }
0x1da: {  	v57 =	vadd.f32 v39, v37;
	[tilespmem:$0x1E880] =	vst v53  }
0x1db: {  	v59 =	vadd.f32 v43, v41;
	[tilespmem:$0x1E890] =	vst v55  }
0x1dc: {  	v61 =	vadd.f32 v51, v49;
	[tilespmem:$0x1E8A0] =	vst v57  }
0x1dd: {  	v63 =	vadd.f32 v58, v56;
	[tilespmem:$0x1E8B0] =	vst v59  }
0x1de: {  	s15 =	sadd.s32 $0xC0000, s9;
	[tilespmem:$0x1E8D0] =	vst v61;
	v62 =	vadd.f32 v54, v52  }
0x1df: {  	s11 =	sshrl.u32 @!p2 s11, $0x3;
	s12 =	sshrl.u32 s15, $0x3;
	[tilespmem:$0x1E8F0] =	vst v63  }
0x1e0: {  	s13 =	simm.s32 @!p2 $0x400;
	s11 =	sadd.s32 @!p2 s4, s11;
	s12 =	sadd.s32 s5, s12;
	[tilespmem:$0x1E8E0] =	vst v62  }
0x1e1: {  	[hbm4b:s12+s25] =	stream.strided.scatter [tilespmem:s28], [sflag:$0x7], $0x300, s26, s25, $0x38;
	[tilespmem:$0x1EF00] =	vst v63  }
0x1e2: {  	s14 =	simm.s32 @!p2 $0x1E000;
	s11 =	sadd.s32 @!p2 $0x18000, s11;
	s12 =	simm.s32 @!p2 $0x80  }
0x1e3: {  	[tilespmem:s14], [sflag:$0x5] =	stream.strided.gather @!p2 [hbm4b:s11+s12], $0x300, s13, s12, $0x38;
	[tilespmem:$0x1EF00] =	vst v63  }
.LBB2_6:
0x1e4: {  	_ =	swait.ge [sflag:s29], $0x3000  }
0x1e5: {  	[sflag:s29] =	ssyncset.done $0x0  }
0x1e6: {  	[sflag:s29] =	ssyncadd.s32 $0xFFFFD000  }
0x1e7: {  	_ =	swait.ge [sflag:s29], $0x3000  }
0x1e8: {  	[sflag:s29] =	ssyncset.done $0x0  }
0x1e9: {  	s11 =	simm.s32 @!p1 $0x4;
	s12 =	simm.s32 $0x0;
	[sflag:s29] =	ssyncadd.s32 $0xFFFFD000  }
0x1ea: {  	s13 =	simm.s32 $0x0;
	s12 =	smul.u32 $0x1800, s12;
	_ =	swait.ge @!p1 [sflag:s11], $0x6000  }
0x1eb: {  	s13 =	sand.u32 $0x380, s13;
	[sflag:s11] =	ssyncset.done @!p1 $0x0  }
0x1ec: {  	[sflag:s11] =	ssyncadd.s32 @!p1 $0xFFFFA000;
	s11 =	sor.u32 s13, s12  }
0x1ed: {  	v0 =	vld [tilespmem:s11+$0x7470]  }
0x1ee: {  	v1 =	vld [tilespmem:s11+$0x19470]  }
0x1ef: {  	v2 =	vld [tilespmem:s11+$0x6000]  }
0x1f0: {  	v3 =	vld [tilespmem:s11+$0x18000]  }
0x1f1: {  	v4 =	vld [tilespmem:s11+$0x6010]  }
0x1f2: {  	v5 =	vld [tilespmem:s11+$0x18010]  }
0x1f3: {  	v6 =	vld [tilespmem:s11+$0x6020]  }
0x1f4: {  	v7 =	vld [tilespmem:s11+$0x6030]  }
0x1f5: {  	v8 =	vld [tilespmem:s11+$0x19420];
	v0 =	vadd.f32 v1, v0  }
0x1f6: {  	v1 =	vld [tilespmem:s11+$0x18020]  }
0x1f7: {  	v2 =	vadd.f32 v3, v2;
	[tilespmem:s11+$0x13470] =	vst v0;
	v0 =	vld [tilespmem:s11+$0x18030]  }
0x1f8: {  	v3 =	vld [tilespmem:s11+$0x6040]  }
0x1f9: {  	[tilespmem:s11+$0x12000] =	vst v2;
	v2 =	vadd.f32 v5, v4;
	v4 =	vld [tilespmem:s11+$0x18040]  }
0x1fa: {  	v5 =	vld [tilespmem:s11+$0x18050]  }
0x1fb: {  	[tilespmem:s11+$0x12010] =	vst v2;
	v2 =	vld [tilespmem:s11+$0x6050];
	v1 =	vadd.f32 v1, v6  }
0x1fc: {  	v6 =	vld [tilespmem:s11+$0x18060];
	v0 =	vadd.f32 v0, v7  }
0x1fd: {  	[tilespmem:s11+$0x12020] =	vst v1;
	v1 =	vld [tilespmem:s11+$0x6060]  }
0x1fe: {  	[tilespmem:s11+$0x12030] =	vst v0;
	v0 =	vadd.f32 v4, v3;
	v3 =	vld [tilespmem:s11+$0x6070]  }
0x1ff: {  	v4 =	vld [tilespmem:s11+$0x18070]  }
0x200: {  	[tilespmem:s11+$0x12040] =	vst v0;
	v0 =	vadd.f32 v5, v2;
	v2 =	vld [tilespmem:s11+$0x6400]  }
0x201: {  	v5 =	vld [tilespmem:s11+$0x18400]  }
0x202: {  	[tilespmem:s11+$0x12050] =	vst v0;
	v0 =	vadd.f32 v6, v1;
	v1 =	vld [tilespmem:s11+$0x6410]  }
0x203: {  	v6 =	vld [tilespmem:s11+$0x18410]  }
0x204: {  	[tilespmem:s11+$0x12060] =	vst v0;
	v0 =	vadd.f32 v4, v3;
	v3 =	vld [tilespmem:s11+$0x6420]  }
0x205: {  	v4 =	vld [tilespmem:s11+$0x18420]  }
0x206: {  	[tilespmem:s11+$0x12070] =	vst v0;
	v0 =	vadd.f32 v5, v2;
	v2 =	vld [tilespmem:s11+$0x6430]  }
0x207: {  	v5 =	vld [tilespmem:s11+$0x18430]  }
0x208: {  	[tilespmem:s11+$0x12400] =	vst v0;
	v0 =	vadd.f32 v6, v1;
	v1 =	vld [tilespmem:s11+$0x6440]  }
0x209: {  	v6 =	vld [tilespmem:s11+$0x18440]  }
0x20a: {  	[tilespmem:s11+$0x12410] =	vst v0;
	v0 =	vadd.f32 v4, v3;
	v3 =	vld [tilespmem:s11+$0x6450]  }
0x20b: {  	v4 =	vld [tilespmem:s11+$0x18450]  }
0x20c: {  	[tilespmem:s11+$0x12420] =	vst v0;
	v0 =	vadd.f32 v5, v2;
	v2 =	vld [tilespmem:s11+$0x6460]  }
0x20d: {  	v5 =	vld [tilespmem:s11+$0x18460]  }
0x20e: {  	[tilespmem:s11+$0x12430] =	vst v0;
	v0 =	vadd.f32 v6, v1;
	v1 =	vld [tilespmem:s11+$0x6470]  }
0x20f: {  	v6 =	vld [tilespmem:s11+$0x18470]  }
0x210: {  	[tilespmem:s11+$0x12440] =	vst v0;
	v0 =	vadd.f32 v4, v3;
	v3 =	vld [tilespmem:s11+$0x6800]  }
0x211: {  	v4 =	vld [tilespmem:s11+$0x18800]  }
0x212: {  	[tilespmem:s11+$0x12450] =	vst v0;
	v0 =	vadd.f32 v5, v2;
	v2 =	vld [tilespmem:s11+$0x6810]  }
0x213: {  	v5 =	vld [tilespmem:s11+$0x18810]  }
0x214: {  	[tilespmem:s11+$0x12460] =	vst v0;
	v0 =	vadd.f32 v6, v1;
	v1 =	vld [tilespmem:s11+$0x6820]  }
0x215: {  	v6 =	vld [tilespmem:s11+$0x18820]  }
0x216: {  	[tilespmem:s11+$0x12470] =	vst v0;
	v0 =	vadd.f32 v4, v3;
	v3 =	vld [tilespmem:s11+$0x6830]  }
0x217: {  	v4 =	vld [tilespmem:s11+$0x18830]  }
0x218: {  	[tilespmem:s11+$0x12800] =	vst v0;
	v0 =	vadd.f32 v5, v2;
	v2 =	vld [tilespmem:s11+$0x6840]  }
0x219: {  	v5 =	vld [tilespmem:s11+$0x18840]  }
0x21a: {  	[tilespmem:s11+$0x12810] =	vst v0;
	v0 =	vadd.f32 v6, v1;
	v1 =	vld [tilespmem:s11+$0x6850]  }
0x21b: {  	v6 =	vld [tilespmem:s11+$0x18850]  }
0x21c: {  	[tilespmem:s11+$0x12820] =	vst v0;
	v0 =	vadd.f32 v4, v3;
	v3 =	vld [tilespmem:s11+$0x6860]  }
0x21d: {  	v4 =	vld [tilespmem:s11+$0x18860]  }
0x21e: {  	[tilespmem:s11+$0x12830] =	vst v0;
	v0 =	vadd.f32 v5, v2;
	v2 =	vld [tilespmem:s11+$0x6870]  }
0x21f: {  	v5 =	vld [tilespmem:s11+$0x18870]  }
0x220: {  	[tilespmem:s11+$0x12840] =	vst v0;
	v0 =	vadd.f32 v6, v1;
	v1 =	vld [tilespmem:s11+$0x6C00]  }
0x221: {  	v6 =	vld [tilespmem:s11+$0x18C00]  }
0x222: {  	[tilespmem:s11+$0x12850] =	vst v0;
	v0 =	vadd.f32 v4, v3;
	v3 =	vld [tilespmem:s11+$0x6C10]  }
0x223: {  	v4 =	vld [tilespmem:s11+$0x18C10]  }
0x224: {  	[tilespmem:s11+$0x12860] =	vst v0;
	v0 =	vadd.f32 v5, v2;
	v2 =	vld [tilespmem:s11+$0x6C20]  }
0x225: {  	v5 =	vld [tilespmem:s11+$0x18C20]  }
0x226: {  	[tilespmem:s11+$0x12870] =	vst v0;
	v0 =	vadd.f32 v6, v1;
	v1 =	vld [tilespmem:s11+$0x6C30]  }
0x227: {  	v6 =	vld [tilespmem:s11+$0x18C30]  }
0x228: {  	[tilespmem:s11+$0x12C00] =	vst v0;
	v0 =	vadd.f32 v4, v3;
	v3 =	vld [tilespmem:s11+$0x6C40]  }
0x229: {  	v4 =	vld [tilespmem:s11+$0x18C40]  }
0x22a: {  	[tilespmem:s11+$0x12C10] =	vst v0;
	v0 =	vadd.f32 v5, v2;
	v2 =	vld [tilespmem:s11+$0x6C50]  }
0x22b: {  	v5 =	vld [tilespmem:s11+$0x18C50]  }
0x22c: {  	[tilespmem:s11+$0x12C20] =	vst v0;
	v0 =	vadd.f32 v6, v1;
	v1 =	vld [tilespmem:s11+$0x6C60]  }
0x22d: {  	v6 =	vld [tilespmem:s11+$0x18C60]  }
0x22e: {  	[tilespmem:s11+$0x12C30] =	vst v0;
	v0 =	vadd.f32 v4, v3;
	v3 =	vld [tilespmem:s11+$0x6C70]  }
0x22f: {  	v4 =	vld [tilespmem:s11+$0x18C70]  }
0x230: {  	[tilespmem:s11+$0x12C40] =	vst v0;
	v0 =	vadd.f32 v5, v2;
	v2 =	vld [tilespmem:s11+$0x7000]  }
0x231: {  	v5 =	vld [tilespmem:s11+$0x19000]  }
0x232: {  	[tilespmem:s11+$0x12C50] =	vst v0;
	v0 =	vadd.f32 v6, v1;
	v1 =	vld [tilespmem:s11+$0x7010]  }
0x233: {  	v6 =	vld [tilespmem:s11+$0x19010]  }
0x234: {  	[tilespmem:s11+$0x12C60] =	vst v0;
	v0 =	vadd.f32 v4, v3;
	v3 =	vld [tilespmem:s11+$0x7020]  }
0x235: {  	v4 =	vld [tilespmem:s11+$0x19020]  }
0x236: {  	[tilespmem:s11+$0x12C70] =	vst v0;
	v0 =	vadd.f32 v5, v2;
	v2 =	vld [tilespmem:s11+$0x7030]  }
0x237: {  	v5 =	vld [tilespmem:s11+$0x19030]  }
0x238: {  	[tilespmem:s11+$0x13000] =	vst v0;
	v0 =	vadd.f32 v6, v1;
	v1 =	vld [tilespmem:s11+$0x7040]  }
0x239: {  	v6 =	vld [tilespmem:s11+$0x19040]  }
0x23a: {  	[tilespmem:s11+$0x13010] =	vst v0;
	v0 =	vadd.f32 v4, v3;
	v3 =	vld [tilespmem:s11+$0x7050]  }
0x23b: {  	v4 =	vld [tilespmem:s11+$0x19050]  }
0x23c: {  	[tilespmem:s11+$0x13020] =	vst v0;
	v0 =	vadd.f32 v5, v2;
	v2 =	vld [tilespmem:s11+$0x7060]  }
0x23d: {  	v5 =	vld [tilespmem:s11+$0x19060]  }
0x23e: {  	[tilespmem:s11+$0x13030] =	vst v0;
	v0 =	vadd.f32 v6, v1;
	v1 =	vld [tilespmem:s11+$0x7070]  }
0x23f: {  	v6 =	vld [tilespmem:s11+$0x19070]  }
0x240: {  	[tilespmem:s11+$0x13040] =	vst v0;
	v0 =	vadd.f32 v4, v3;
	v3 =	vld [tilespmem:s11+$0x7400]  }
0x241: {  	v4 =	vld [tilespmem:s11+$0x19400]  }
0x242: {  	v7 =	vld [tilespmem:s11+$0x19410];
	[tilespmem:s11+$0x13050] =	vst v0;
	v0 =	vadd.f32 v5, v2  }
0x243: {  	v5 =	vld [tilespmem:s11+$0x7410]  }
0x244: {  	[tilespmem:s11+$0x13060] =	vst v0;
	v0 =	vadd.f32 v6, v1;
	v6 =	vld [tilespmem:s11+$0x7420]  }
0x245: {  	v2 =	vld [tilespmem:s11+$0x7430]  }
0x246: {  	[tilespmem:s11+$0x13070] =	vst v0;
	v0 =	vadd.f32 v4, v3;
	v4 =	vld [tilespmem:s11+$0x19430]  }
0x247: {  	v3 =	vld [tilespmem:s11+$0x19440]  }
0x248: {  	v1 =	vadd.f32 v7, v5;
	[tilespmem:s11+$0x13400] =	vst v0;
	v0 =	vld [tilespmem:s11+$0x7440]  }
0x249: {  	s15 =	simm.s32 $0x0;
	v5 =	vld [tilespmem:s11+$0x19450];
	v6 =	vadd.f32 v8, v6  }
0x24a: {  	s14 =	smul.u32 $0x1800, s15;
	s13 =	simm.s32 $0x2;
	s12 =	simm.s32 $0x80;
	[tilespmem:s11+$0x13410] =	vst v1;
	v1 =	vld [tilespmem:s11+$0x7450]  }
.LBB2_7:
0x24b: {  	p3 =	sne.s32 s13, $0x1F;
	s15 =	sand.u32 $0x380, s12;
	[tilespmem:s11+$0x13420] =	vst v6;
	v2 =	vadd.f32 v4, v2;
	v4 =	vld [tilespmem:s11+$0x7460]  }
0x24c: {  	s14 =	sor.u32 s15, s14;
	v6 =	vld [tilespmem:s11+$0x19460]  }
0x24d: {  	v7 =	vld [tilespmem:s14+$0x7470];
	[tilespmem:s11+$0x13430] =	vst v2;
	v0 =	vadd.f32 v3, v0  }
0x24e: {  	v2 =	vld [tilespmem:s14+$0x19470]  }
0x24f: {  	v3 =	vld [tilespmem:s14+$0x6000];
	[tilespmem:s11+$0x13440] =	vst v0;
	v0 =	vadd.f32 v5, v1  }
0x250: {  	v1 =	vld [tilespmem:s14+$0x18000]  }
0x251: {  	v5 =	vld [tilespmem:s14+$0x6010];
	[tilespmem:s11+$0x13450] =	vst v0;
	v0 =	vadd.f32 v6, v4  }
0x252: {  	v4 =	vld [tilespmem:s14+$0x18010]  }
0x253: {  	v6 =	vld [tilespmem:s14+$0x6020];
	v2 =	vadd.f32 v2, v7;
	[tilespmem:s11+$0x13460] =	vst v0;
	s11 =	smov.u32 s14  }
0x254: {  	v0 =	vld [tilespmem:s11+$0x18020]  }
0x255: {  	v1 =	vadd.f32 v1, v3;
	v3 =	vld [tilespmem:s11+$0x6030];
	[tilespmem:s11+$0x13470] =	vst v2  }
0x256: {  	v2 =	vld [tilespmem:s11+$0x18030]  }
0x257: {  	[tilespmem:s11+$0x12000] =	vst v1;
	v1 =	vadd.f32 v4, v5;
	v4 =	vld [tilespmem:s11+$0x6040]  }
0x258: {  	v5 =	vld [tilespmem:s11+$0x18040]  }
0x259: {  	[tilespmem:s11+$0x12010] =	vst v1;
	v0 =	vadd.f32 v0, v6;
	v1 =	vld [tilespmem:s11+$0x6050]  }
0x25a: {  	v6 =	vld [tilespmem:s11+$0x18050]  }
0x25b: {  	[tilespmem:s11+$0x12020] =	vst v0;
	v0 =	vadd.f32 v2, v3;
	v2 =	vld [tilespmem:s11+$0x6060]  }
0x25c: {  	v3 =	vld [tilespmem:s11+$0x18060]  }
0x25d: {  	[tilespmem:s11+$0x12030] =	vst v0;
	v0 =	vadd.f32 v5, v4;
	v4 =	vld [tilespmem:s11+$0x6070]  }
0x25e: {  	v5 =	vld [tilespmem:s11+$0x18070]  }
0x25f: {  	[tilespmem:s11+$0x12040] =	vst v0;
	v0 =	vadd.f32 v6, v1;
	v1 =	vld [tilespmem:s11+$0x6400]  }
0x260: {  	v6 =	vld [tilespmem:s11+$0x18400]  }
0x261: {  	[tilespmem:s11+$0x12050] =	vst v0;
	v0 =	vadd.f32 v3, v2;
	v2 =	vld [tilespmem:s11+$0x6410]  }
0x262: {  	v3 =	vld [tilespmem:s11+$0x18410]  }
0x263: {  	[tilespmem:s11+$0x12060] =	vst v0;
	v0 =	vadd.f32 v5, v4;
	v4 =	vld [tilespmem:s11+$0x6420]  }
0x264: {  	v5 =	vld [tilespmem:s11+$0x18420]  }
0x265: {  	[tilespmem:s11+$0x12070] =	vst v0;
	v0 =	vadd.f32 v6, v1;
	v1 =	vld [tilespmem:s11+$0x6430]  }
0x266: {  	v6 =	vld [tilespmem:s11+$0x18430]  }
0x267: {  	[tilespmem:s11+$0x12400] =	vst v0;
	v0 =	vadd.f32 v3, v2;
	v2 =	vld [tilespmem:s11+$0x6440]  }
0x268: {  	v3 =	vld [tilespmem:s11+$0x18440]  }
0x269: {  	[tilespmem:s11+$0x12410] =	vst v0;
	v0 =	vadd.f32 v5, v4;
	v4 =	vld [tilespmem:s11+$0x6450]  }
0x26a: {  	v5 =	vld [tilespmem:s11+$0x18450]  }
0x26b: {  	[tilespmem:s11+$0x12420] =	vst v0;
	v0 =	vadd.f32 v6, v1;
	v1 =	vld [tilespmem:s11+$0x6460]  }
0x26c: {  	v6 =	vld [tilespmem:s11+$0x18460]  }
0x26d: {  	[tilespmem:s11+$0x12430] =	vst v0;
	v0 =	vadd.f32 v3, v2;
	v2 =	vld [tilespmem:s11+$0x6470]  }
0x26e: {  	v3 =	vld [tilespmem:s11+$0x18470]  }
0x26f: {  	[tilespmem:s11+$0x12440] =	vst v0;
	v0 =	vadd.f32 v5, v4;
	v4 =	vld [tilespmem:s11+$0x6800]  }
0x270: {  	v5 =	vld [tilespmem:s11+$0x18800]  }
0x271: {  	[tilespmem:s11+$0x12450] =	vst v0;
	v0 =	vadd.f32 v6, v1;
	v1 =	vld [tilespmem:s11+$0x6810]  }
0x272: {  	v6 =	vld [tilespmem:s11+$0x18810]  }
0x273: {  	[tilespmem:s11+$0x12460] =	vst v0;
	v0 =	vadd.f32 v3, v2;
	v2 =	vld [tilespmem:s11+$0x6820]  }
0x274: {  	v3 =	vld [tilespmem:s11+$0x18820]  }
0x275: {  	[tilespmem:s11+$0x12470] =	vst v0;
	v0 =	vadd.f32 v5, v4;
	v4 =	vld [tilespmem:s11+$0x6830]  }
0x276: {  	v5 =	vld [tilespmem:s11+$0x18830]  }
0x277: {  	[tilespmem:s11+$0x12800] =	vst v0;
	v0 =	vadd.f32 v6, v1;
	v1 =	vld [tilespmem:s11+$0x6840]  }
0x278: {  	v6 =	vld [tilespmem:s11+$0x18840]  }
0x279: {  	[tilespmem:s11+$0x12810] =	vst v0;
	v0 =	vadd.f32 v3, v2;
	v2 =	vld [tilespmem:s11+$0x6850]  }
0x27a: {  	v3 =	vld [tilespmem:s11+$0x18850]  }
0x27b: {  	[tilespmem:s11+$0x12820] =	vst v0;
	v0 =	vadd.f32 v5, v4;
	v4 =	vld [tilespmem:s11+$0x6860]  }
0x27c: {  	v5 =	vld [tilespmem:s11+$0x18860]  }
0x27d: {  	[tilespmem:s11+$0x12830] =	vst v0;
	v0 =	vadd.f32 v6, v1;
	v1 =	vld [tilespmem:s11+$0x6870]  }
0x27e: {  	v6 =	vld [tilespmem:s11+$0x18870]  }
0x27f: {  	[tilespmem:s11+$0x12840] =	vst v0;
	v0 =	vadd.f32 v3, v2;
	v2 =	vld [tilespmem:s11+$0x6C00]  }
0x280: {  	v3 =	vld [tilespmem:s11+$0x18C00]  }
0x281: {  	[tilespmem:s11+$0x12850] =	vst v0;
	v0 =	vadd.f32 v5, v4;
	v4 =	vld [tilespmem:s11+$0x6C10]  }
0x282: {  	v5 =	vld [tilespmem:s11+$0x18C10]  }
0x283: {  	[tilespmem:s11+$0x12860] =	vst v0;
	v0 =	vadd.f32 v6, v1;
	v1 =	vld [tilespmem:s11+$0x6C20]  }
0x284: {  	v6 =	vld [tilespmem:s11+$0x18C20]  }
0x285: {  	[tilespmem:s11+$0x12870] =	vst v0;
	v0 =	vadd.f32 v3, v2;
	v2 =	vld [tilespmem:s11+$0x6C30]  }
0x286: {  	v3 =	vld [tilespmem:s11+$0x18C30]  }
0x287: {  	[tilespmem:s11+$0x12C00] =	vst v0;
	v0 =	vadd.f32 v5, v4;
	v4 =	vld [tilespmem:s11+$0x6C40]  }
0x288: {  	v5 =	vld [tilespmem:s11+$0x18C40]  }
0x289: {  	[tilespmem:s11+$0x12C10] =	vst v0;
	v0 =	vadd.f32 v6, v1;
	v1 =	vld [tilespmem:s11+$0x6C50]  }
0x28a: {  	v6 =	vld [tilespmem:s11+$0x18C50]  }
0x28b: {  	[tilespmem:s11+$0x12C20] =	vst v0;
	v0 =	vadd.f32 v3, v2;
	v2 =	vld [tilespmem:s11+$0x6C60]  }
0x28c: {  	v3 =	vld [tilespmem:s11+$0x18C60]  }
0x28d: {  	[tilespmem:s11+$0x12C30] =	vst v0;
	v0 =	vadd.f32 v5, v4;
	v4 =	vld [tilespmem:s11+$0x6C70]  }
0x28e: {  	v5 =	vld [tilespmem:s11+$0x18C70]  }
0x28f: {  	[tilespmem:s11+$0x12C40] =	vst v0;
	v0 =	vadd.f32 v6, v1;
	v1 =	vld [tilespmem:s11+$0x7000]  }
0x290: {  	v6 =	vld [tilespmem:s11+$0x19000]  }
0x291: {  	[tilespmem:s11+$0x12C50] =	vst v0;
	v0 =	vadd.f32 v3, v2;
	v2 =	vld [tilespmem:s11+$0x7010]  }
0x292: {  	v3 =	vld [tilespmem:s11+$0x19010]  }
0x293: {  	[tilespmem:s11+$0x12C60] =	vst v0;
	v0 =	vadd.f32 v5, v4;
	v4 =	vld [tilespmem:s11+$0x7020]  }
0x294: {  	v5 =	vld [tilespmem:s11+$0x19020]  }
0x295: {  	[tilespmem:s11+$0x12C70] =	vst v0;
	v0 =	vadd.f32 v6, v1;
	v1 =	vld [tilespmem:s11+$0x7030]  }
0x296: {  	v6 =	vld [tilespmem:s11+$0x19030]  }
0x297: {  	[tilespmem:s11+$0x13000] =	vst v0;
	v0 =	vadd.f32 v3, v2;
	v2 =	vld [tilespmem:s11+$0x7040]  }
0x298: {  	v3 =	vld [tilespmem:s11+$0x19040]  }
0x299: {  	[tilespmem:s11+$0x13010] =	vst v0;
	v0 =	vadd.f32 v5, v4;
	v4 =	vld [tilespmem:s11+$0x7050]  }
0x29a: {  	v5 =	vld [tilespmem:s11+$0x19050]  }
0x29b: {  	[tilespmem:s11+$0x13020] =	vst v0;
	v0 =	vadd.f32 v6, v1;
	v1 =	vld [tilespmem:s11+$0x7060]  }
0x29c: {  	v6 =	vld [tilespmem:s11+$0x19060]  }
0x29d: {  	[tilespmem:s11+$0x13030] =	vst v0;
	v0 =	vadd.f32 v3, v2;
	v2 =	vld [tilespmem:s11+$0x7070]  }
0x29e: {  	v3 =	vld [tilespmem:s11+$0x19070]  }
0x29f: {  	[tilespmem:s11+$0x13040] =	vst v0;
	v0 =	vadd.f32 v5, v4;
	v4 =	vld [tilespmem:s11+$0x7400]  }
0x2a0: {  	v5 =	vld [tilespmem:s11+$0x19400]  }
0x2a1: {  	[tilespmem:s11+$0x13050] =	vst v0;
	v0 =	vadd.f32 v6, v1;
	v1 =	vld [tilespmem:s11+$0x7410]  }
0x2a2: {  	v6 =	vld [tilespmem:s11+$0x19410]  }
0x2a3: {  	[tilespmem:s11+$0x13060] =	vst v0;
	v0 =	vadd.f32 v3, v2;
	v7 =	vld [tilespmem:s11+$0x7420]  }
0x2a4: {  	v8 =	vld [tilespmem:s11+$0x19420]  }
0x2a5: {  	[tilespmem:s11+$0x13070] =	vst v0;
	v0 =	vadd.f32 v5, v4;
	v2 =	vld [tilespmem:s11+$0x7430]  }
.Ltmp6:
0x2a6: {  	v4 =	vld [tilespmem:s11+$0x19430];
	(pc) =	sbr.rel @p3 .LBB2_7-.Ltmp6, $4  }
0x2a7: {  	[tilespmem:s11+$0x13400] =	vst v0;
	v1 =	vadd.f32 v6, v1;
	v0 =	vld [tilespmem:s11+$0x7440]  }
0x2a8: {  	v3 =	vld [tilespmem:s11+$0x19440]  }
0x2a9: {  	s14 =	sshrl.u32 s13, $0x3;
	[tilespmem:s11+$0x13410] =	vst v1;
	v6 =	vadd.f32 v8, v7;
	v1 =	vld [tilespmem:s11+$0x7450]  }
0x2aa: {  	s12 =	sadd.s32 $0x80, s12;
	s13 =	sadd.s32 $0x1, s13;
	s14 =	smul.u32 $0x1800, s14;
	v5 =	vld [tilespmem:s11+$0x19450]  }
0x2ab: {  	s12 =	sand.u32 $0x380, s12;
	v61 =	vld [tilespmem:s11+$0x7460];
	v2 =	vadd.f32 v4, v2  }
0x2ac: {  	[tilespmem:s11+$0x13420] =	vst v6;
	v62 =	vld [tilespmem:s11+$0x19460];
	s12 =	sor.u32 s12, s14  }
0x2ad: {  	v7 =	vld [tilespmem:s12+$0x7470];
	[tilespmem:s11+$0x13430] =	vst v2;
	v0 =	vadd.f32 v3, v0  }
0x2ae: {  	v2 =	vld [tilespmem:s12+$0x19470]  }
0x2af: {  	v63 =	vld [tilespmem:s12+$0x6000];
	[tilespmem:s11+$0x13440] =	vst v0;
	v55 =	vadd.f32 v5, v1  }
0x2b0: {  	v56 =	vld [tilespmem:s12+$0x18000]  }
0x2b1: {  	v57 =	vld [tilespmem:s12+$0x6010];
	v58 =	vadd.f32 v62, v61;
	[tilespmem:s11+$0x13450] =	vst v55  }
0x2b2: {  	v59 =	vld [tilespmem:s12+$0x18010]  }
0x2b3: {  	v60 =	vld [tilespmem:s12+$0x6020];
	[tilespmem:s11+$0x13460] =	vst v58  }
0x2b4: {  	v0 =	vld [tilespmem:s12+$0x18020]  }
0x2b5: {  	v8 =	vld [tilespmem:s12+$0x6030]  }
0x2b6: {  	v9 =	vld [tilespmem:s12+$0x18030]  }
0x2b7: {  	v10 =	vld [tilespmem:s12+$0x6040]  }
0x2b8: {  	v11 =	vld [tilespmem:s12+$0x18040]  }
0x2b9: {  	v12 =	vld [tilespmem:s12+$0x6050]  }
0x2ba: {  	v13 =	vld [tilespmem:s12+$0x18050]  }
0x2bb: {  	v14 =	vld [tilespmem:s12+$0x6060]  }
0x2bc: {  	v15 =	vld [tilespmem:s12+$0x18060]  }
0x2bd: {  	v16 =	vld [tilespmem:s12+$0x6070]  }
0x2be: {  	v17 =	vld [tilespmem:s12+$0x18070]  }
0x2bf: {  	v18 =	vld [tilespmem:s12+$0x6400]  }
0x2c0: {  	v19 =	vld [tilespmem:s12+$0x18400]  }
0x2c1: {  	v20 =	vld [tilespmem:s12+$0x6410]  }
0x2c2: {  	v21 =	vld [tilespmem:s12+$0x18410]  }
0x2c3: {  	v22 =	vld [tilespmem:s12+$0x6420]  }
0x2c4: {  	v23 =	vld [tilespmem:s12+$0x18420]  }
0x2c5: {  	v24 =	vld [tilespmem:s12+$0x6430]  }
0x2c6: {  	v25 =	vld [tilespmem:s12+$0x18430]  }
0x2c7: {  	v26 =	vld [tilespmem:s12+$0x6440]  }
0x2c8: {  	v27 =	vld [tilespmem:s12+$0x18440]  }
0x2c9: {  	v28 =	vld [tilespmem:s12+$0x6450]  }
0x2ca: {  	v29 =	vld [tilespmem:s12+$0x18450]  }
0x2cb: {  	v30 =	vld [tilespmem:s12+$0x6460]  }
0x2cc: {  	v31 =	vld [tilespmem:s12+$0x18460]  }
0x2cd: {  	v32 =	vld [tilespmem:s12+$0x6470]  }
0x2ce: {  	v33 =	vld [tilespmem:s12+$0x18470]  }
0x2cf: {  	v34 =	vld [tilespmem:s12+$0x6800]  }
0x2d0: {  	v35 =	vld [tilespmem:s12+$0x18800]  }
0x2d1: {  	v36 =	vld [tilespmem:s12+$0x6810]  }
0x2d2: {  	v37 =	vld [tilespmem:s12+$0x18810]  }
0x2d3: {  	v38 =	vld [tilespmem:s12+$0x6820]  }
0x2d4: {  	v39 =	vld [tilespmem:s12+$0x18820]  }
0x2d5: {  	v40 =	vld [tilespmem:s12+$0x6830]  }
0x2d6: {  	v41 =	vld [tilespmem:s12+$0x18830]  }
0x2d7: {  	v42 =	vld [tilespmem:s12+$0x6840]  }
0x2d8: {  	v43 =	vld [tilespmem:s12+$0x18840]  }
0x2d9: {  	v44 =	vld [tilespmem:s12+$0x6850]  }
0x2da: {  	v45 =	vld [tilespmem:s12+$0x18850]  }
0x2db: {  	v46 =	vld [tilespmem:s12+$0x6860]  }
0x2dc: {  	v47 =	vld [tilespmem:s12+$0x18860]  }
0x2dd: {  	v48 =	vld [tilespmem:s12+$0x6870]  }
0x2de: {  	v49 =	vld [tilespmem:s12+$0x18870]  }
0x2df: {  	v50 =	vld [tilespmem:s12+$0x6C00]  }
0x2e0: {  	v51 =	vld [tilespmem:s12+$0x18C00]  }
0x2e1: {  	v52 =	vld [tilespmem:s12+$0x6C10]  }
0x2e2: {  	v2 =	vadd.f32 v2, v7;
	v7 =	vld [tilespmem:s12+$0x18C10]  }
0x2e3: {  	v3 =	vld [tilespmem:s12+$0x6C20];
	v1 =	vadd.f32 v56, v63  }
0x2e4: {  	v4 =	vld [tilespmem:s12+$0x18C20];
	[tilespmem:s12+$0x13470] =	vst v2;
	v61 =	vadd.f32 v59, v57  }
0x2e5: {  	v5 =	vld [tilespmem:s12+$0x18C30];
	[tilespmem:s12+$0x12000] =	vst v1;
	v0 =	vadd.f32 v0, v60  }
0x2e6: {  	v6 =	vld [tilespmem:s12+$0x6C40];
	v62 =	vadd.f32 v9, v8;
	[tilespmem:s12+$0x12010] =	vst v61  }
0x2e7: {  	v53 =	vld [tilespmem:s12+$0x7040];
	v63 =	vadd.f32 v11, v10;
	[tilespmem:s12+$0x12020] =	vst v0  }
0x2e8: {  	v55 =	vld [tilespmem:s12+$0x19040];
	v13 =	vadd.f32 v13, v12;
	[tilespmem:s12+$0x12030] =	vst v62  }
0x2e9: {  	v1 =	vld [tilespmem:s12+$0x6C30];
	v15 =	vadd.f32 v15, v14;
	[tilespmem:s12+$0x12040] =	vst v63  }
0x2ea: {  	v57 =	vld [tilespmem:s12+$0x7050];
	v17 =	vadd.f32 v17, v16;
	[tilespmem:s12+$0x12050] =	vst v13  }
0x2eb: {  	v59 =	vld [tilespmem:s12+$0x19050];
	v19 =	vadd.f32 v19, v18;
	[tilespmem:s12+$0x12060] =	vst v15  }
0x2ec: {  	v8 =	vld [tilespmem:s12+$0x18C40];
	v21 =	vadd.f32 v21, v20;
	[tilespmem:s12+$0x12070] =	vst v17  }
0x2ed: {  	v9 =	vld [tilespmem:s12+$0x6C50];
	v23 =	vadd.f32 v23, v22;
	[tilespmem:s12+$0x12400] =	vst v19  }
0x2ee: {  	v10 =	vld [tilespmem:s12+$0x18C50];
	v25 =	vadd.f32 v25, v24;
	[tilespmem:s12+$0x12410] =	vst v21  }
0x2ef: {  	v11 =	vld [tilespmem:s12+$0x6C60];
	v27 =	vadd.f32 v27, v26;
	[tilespmem:s12+$0x12420] =	vst v23  }
0x2f0: {  	v12 =	vld [tilespmem:s12+$0x18C60];
	v29 =	vadd.f32 v29, v28;
	[tilespmem:s12+$0x12430] =	vst v25  }
0x2f1: {  	v14 =	vld [tilespmem:s12+$0x18C70];
	v31 =	vadd.f32 v31, v30;
	[tilespmem:s12+$0x12440] =	vst v27  }
0x2f2: {  	v16 =	vld [tilespmem:s12+$0x19000];
	v33 =	vadd.f32 v33, v32;
	[tilespmem:s12+$0x12450] =	vst v29  }
0x2f3: {  	v18 =	vld [tilespmem:s12+$0x19010];
	v35 =	vadd.f32 v35, v34;
	[tilespmem:s12+$0x12460] =	vst v31  }
0x2f4: {  	v37 =	vadd.f32 v37, v36;
	v20 =	vld [tilespmem:s12+$0x19020];
	[tilespmem:s12+$0x12470] =	vst v33  }
0x2f5: {  	v39 =	vadd.f32 v39, v38;
	v22 =	vld [tilespmem:s12+$0x19030];
	[tilespmem:s12+$0x12800] =	vst v35  }
0x2f6: {  	v41 =	vadd.f32 v41, v40;
	v30 =	vld [tilespmem:s12+$0x19070];
	[tilespmem:s12+$0x12810] =	vst v37  }
0x2f7: {  	v43 =	vadd.f32 v43, v42;
	v32 =	vld [tilespmem:s12+$0x7400];
	[tilespmem:s12+$0x12820] =	vst v39  }
0x2f8: {  	v54 =	vadd.f32 v45, v44;
	v34 =	vld [tilespmem:s12+$0x19400];
	[tilespmem:s12+$0x12830] =	vst v41  }
0x2f9: {  	v56 =	vadd.f32 v47, v46;
	v36 =	vld [tilespmem:s12+$0x7410];
	[tilespmem:s12+$0x12840] =	vst v43  }
0x2fa: {  	v58 =	vadd.f32 v49, v48;
	v38 =	vld [tilespmem:s12+$0x19410];
	[tilespmem:s12+$0x12850] =	vst v54  }
0x2fb: {  	v60 =	vadd.f32 v51, v50;
	v40 =	vld [tilespmem:s12+$0x7420];
	[tilespmem:s12+$0x12860] =	vst v56  }
0x2fc: {  	v28 =	vadd.f32 v4, v3;
	v42 =	vld [tilespmem:s12+$0x19420];
	[tilespmem:s12+$0x12870] =	vst v58  }
0x2fd: {  	v44 =	vld [tilespmem:s12+$0x7430];
	v47 =	vadd.f32 v55, v53;
	[tilespmem:s12+$0x12C00] =	vst v60  }
0x2fe: {  	v46 =	vld [tilespmem:s12+$0x19430];
	v62 =	vadd.f32 v7, v52;
	[tilespmem:s12+$0x12C20] =	vst v28  }
0x2ff: {  	v48 =	vld [tilespmem:s12+$0x7440];
	[tilespmem:s12+$0x13040] =	vst v47;
	v1 =	vadd.f32 v5, v1  }
0x300: {  	v50 =	vld [tilespmem:s12+$0x19440];
	[tilespmem:s12+$0x12C10] =	vst v62;
	v49 =	vadd.f32 v59, v57  }
0x301: {  	v61 =	vld [tilespmem:s12+$0x7060];
	v31 =	vadd.f32 v8, v6;
	[tilespmem:s12+$0x12C30] =	vst v1  }
0x302: {  	v13 =	vld [tilespmem:s12+$0x6C70];
	v33 =	vadd.f32 v10, v9;
	[tilespmem:s12+$0x13050] =	vst v49  }
0x303: {  	v15 =	vld [tilespmem:s12+$0x7000];
	v35 =	vadd.f32 v12, v11;
	[tilespmem:s12+$0x12C40] =	vst v31  }
0x304: {  	v17 =	vld [tilespmem:s12+$0x7010];
	v55 =	vadd.f32 v34, v32;
	[tilespmem:s12+$0x12C50] =	vst v33  }
0x305: {  	v19 =	vld [tilespmem:s12+$0x7020];
	v57 =	vadd.f32 v38, v36;
	[tilespmem:s12+$0x12C60] =	vst v35  }
0x306: {  	v21 =	vld [tilespmem:s12+$0x7030];
	v59 =	vadd.f32 v42, v40;
	[tilespmem:s12+$0x13400] =	vst v55  }
0x307: {  	v63 =	vld [tilespmem:s12+$0x19060];
	v60 =	vadd.f32 v46, v44;
	[tilespmem:s12+$0x13410] =	vst v57  }
0x308: {  	v29 =	vld [tilespmem:s12+$0x7070];
	v37 =	vadd.f32 v14, v13;
	[tilespmem:s12+$0x13420] =	vst v59  }
0x309: {  	v52 =	vld [tilespmem:s12+$0x7450];
	v39 =	vadd.f32 v16, v15;
	[tilespmem:s12+$0x13430] =	vst v60  }
0x30a: {  	v54 =	vld [tilespmem:s12+$0x19450];
	v41 =	vadd.f32 v18, v17;
	[tilespmem:s12+$0x12C70] =	vst v37  }
0x30b: {  	v56 =	vld [tilespmem:s12+$0x7460];
	v43 =	vadd.f32 v20, v19;
	[tilespmem:s12+$0x13000] =	vst v39  }
0x30c: {  	v58 =	vld [tilespmem:s12+$0x19460];
	v45 =	vadd.f32 v22, v21;
	[tilespmem:s12+$0x13010] =	vst v41  }
0x30d: {  	v51 =	vadd.f32 v63, v61;
	[tilespmem:s12+$0x13020] =	vst v43  }
0x30e: {  	v53 =	vadd.f32 v30, v29;
	[tilespmem:s12+$0x13030] =	vst v45  }
0x30f: {  	v61 =	vadd.f32 v50, v48;
	[tilespmem:s12+$0x13060] =	vst v51  }
0x310: {  	v62 =	vadd.f32 v54, v52;
	[tilespmem:s12+$0x13070] =	vst v53  }
0x311: {  	s15 =	sadd.s32 s9, s8;
	v63 =	vadd.f32 v58, v56;
	[tilespmem:s12+$0x13440] =	vst v61  }
0x312: {  	s6 =	sadd.s32 $0x3, s6;
	s11 =	sshrl.u32 s15, $0x3;
	[tilespmem:s12+$0x13450] =	vst v62  }
0x313: {  	s11 =	sadd.s32 s5, s11;
	[tilespmem:s12+$0x13460] =	vst v63;
	s12 =	smul.u32 @!p2 $0xC1800, s6  }
0x314: {  	[hbm4b:s11+s2] =	stream.linear.scatter [tilespmem:s30], [sflag:$0x4], $0x6000, $0x38;
	[tilespmem:$0x1EF00] =	vst v63  }
0x315: {  	s11 =	sadd.s32 @!p2 s3, s12  }
0x316: {  	s11 =	sshrl.u32 @!p2 s11, $0x3  }
0x317: {  	s13 =	simm.s32 @!p2 $0x0;
	s14 =	simm.s32 @!p2 $0x6000;
	s11 =	sadd.s32 @!p2 s4, s11  }
0x318: {  	[tilespmem:s14], [sflag:$0x2] =	stream.linear.gather @!p2 [hbm4b:s11+s13], $0x3000, $0x38;
	[tilespmem:$0x1EF00] =	vst v63  }
.Ltmp7:
0x319: {  	_ = 	snop;
	(pc) =	sbr.rel @p0 .LBB2_11-.Ltmp7, $4  }
0x31a: {  	s11 =	sadd.s32 @!p2 s7, s12  }
0x31b: {  	s11 =	sshrl.u32 @!p2 s11, $0x3  }
0x31c: {  	s12 =	simm.s32 @!p2 $0x9000;
	s11 =	sadd.s32 @!p2 s4, s11  }
0x31d: {  	[tilespmem:s12], [sflag:$0x2] =	stream.linear.gather @!p2 [hbm4b:s11+s13], $0x3000, $0x38;
	[tilespmem:$0x1EF00] =	vst v63  }
0x31e: {  	_ =	swait.ge [sflag:s31], $0x300  }
0x31f: {  	[sflag:s31] =	ssyncset.done $0x0  }
0x320: {  	s11 =	simm.s32 @!p1 $0x8;
	[sflag:s31] =	ssyncadd.s32 $0xFFFFFD00  }
0x321: {  	_ =	swait.ge @!p1 [sflag:s11], $0x300  }
0x322: {  	[sflag:s11] =	ssyncset.done @!p1 $0x0  }
0x323: {  	[sflag:s11] =	ssyncadd.s32 @!p1 $0xFFFFFD00  }
0x324: {  	v0 =	vld [tilespmem:$0x1E300]  }
0x325: {  	v1 =	vld [tilespmem:$0x1EC00]  }
0x326: {  	v2 =	vld [tilespmem:$0x1E310]  }
0x327: {  	v3 =	vld [tilespmem:$0x1EC10]  }
0x328: {  	v4 =	vld [tilespmem:$0x1E320]  }
0x329: {  	v5 =	vld [tilespmem:$0x1EC20]  }
0x32a: {  	v6 =	vld [tilespmem:$0x1E330]  }
0x32b: {  	v7 =	vld [tilespmem:$0x1EC30]  }
0x32c: {  	v8 =	vld [tilespmem:$0x1E340]  }
0x32d: {  	v9 =	vld [tilespmem:$0x1EC40]  }
0x32e: {  	v10 =	vld [tilespmem:$0x1E350]  }
0x32f: {  	v11 =	vld [tilespmem:$0x1EC50]  }
0x330: {  	v12 =	vld [tilespmem:$0x1E360]  }
0x331: {  	v13 =	vld [tilespmem:$0x1EC60]  }
0x332: {  	v14 =	vld [tilespmem:$0x1E370]  }
0x333: {  	v15 =	vld [tilespmem:$0x1EC70]  }
0x334: {  	v16 =	vld [tilespmem:$0x1E380]  }
0x335: {  	v17 =	vld [tilespmem:$0x1EC80]  }
0x336: {  	v18 =	vld [tilespmem:$0x1E390]  }
0x337: {  	v19 =	vld [tilespmem:$0x1EC90]  }
0x338: {  	v20 =	vld [tilespmem:$0x1E3A0]  }
0x339: {  	v21 =	vld [tilespmem:$0x1ECA0]  }
0x33a: {  	v22 =	vld [tilespmem:$0x1E3B0]  }
0x33b: {  	v23 =	vld [tilespmem:$0x1ECB0]  }
0x33c: {  	v24 =	vld [tilespmem:$0x1E3C0]  }
0x33d: {  	v25 =	vld [tilespmem:$0x1ECC0]  }
0x33e: {  	v26 =	vld [tilespmem:$0x1E3D0]  }
0x33f: {  	v27 =	vld [tilespmem:$0x1ECD0]  }
0x340: {  	v28 =	vld [tilespmem:$0x1E3E0]  }
0x341: {  	v29 =	vld [tilespmem:$0x1ECE0]  }
0x342: {  	v30 =	vld [tilespmem:$0x1E3F0]  }
0x343: {  	v31 =	vld [tilespmem:$0x1ECF0]  }
0x344: {  	v32 =	vld [tilespmem:$0x1E400]  }
0x345: {  	v33 =	vld [tilespmem:$0x1ED00]  }
0x346: {  	v34 =	vld [tilespmem:$0x1E410]  }
0x347: {  	v35 =	vld [tilespmem:$0x1ED10]  }
0x348: {  	v36 =	vld [tilespmem:$0x1E420]  }
0x349: {  	v37 =	vld [tilespmem:$0x1ED20]  }
0x34a: {  	v38 =	vld [tilespmem:$0x1E430]  }
0x34b: {  	v39 =	vld [tilespmem:$0x1ED30]  }
0x34c: {  	v40 =	vld [tilespmem:$0x1E440]  }
0x34d: {  	v41 =	vld [tilespmem:$0x1ED40]  }
0x34e: {  	v42 =	vld [tilespmem:$0x1E450]  }
0x34f: {  	v43 =	vld [tilespmem:$0x1ED50]  }
0x350: {  	v44 =	vld [tilespmem:$0x1E460]  }
0x351: {  	v45 =	vld [tilespmem:$0x1ED60]  }
0x352: {  	v46 =	vld [tilespmem:$0x1E470]  }
0x353: {  	v47 =	vld [tilespmem:$0x1ED70]  }
0x354: {  	v48 =	vld [tilespmem:$0x1E480]  }
0x355: {  	v49 =	vld [tilespmem:$0x1ED80]  }
0x356: {  	v50 =	vld [tilespmem:$0x1E490]  }
0x357: {  	v51 =	vld [tilespmem:$0x1ED90]  }
0x358: {  	v52 =	vld [tilespmem:$0x1E4A0]  }
0x359: {  	v53 =	vld [tilespmem:$0x1E550];
	v0 =	vadd.f32 v1, v0  }
0x35a: {  	v55 =	vld [tilespmem:$0x1EE50];
	v2 =	vadd.f32 v3, v2  }
0x35b: {  	v57 =	vld [tilespmem:$0x1E560];
	v60 =	vadd.f32 v5, v4;
	[tilespmem:$0x1E900] =	vst v0  }
0x35c: {  	v59 =	vld [tilespmem:$0x1EE60];
	v61 =	vadd.f32 v7, v6;
	[tilespmem:$0x1E910] =	vst v2  }
0x35d: {  	v1 =	vld [tilespmem:$0x1EDA0];
	v62 =	vadd.f32 v9, v8;
	[tilespmem:$0x1E920] =	vst v60  }
0x35e: {  	v3 =	vld [tilespmem:$0x1E4B0];
	v63 =	vadd.f32 v11, v10;
	[tilespmem:$0x1E930] =	vst v61  }
0x35f: {  	v4 =	vld [tilespmem:$0x1EDB0];
	v13 =	vadd.f32 v13, v12;
	[tilespmem:$0x1E940] =	vst v62  }
0x360: {  	v5 =	vld [tilespmem:$0x1E4C0];
	v15 =	vadd.f32 v15, v14;
	[tilespmem:$0x1E950] =	vst v63  }
0x361: {  	v6 =	vld [tilespmem:$0x1EDC0];
	v17 =	vadd.f32 v17, v16;
	[tilespmem:$0x1E960] =	vst v13  }
0x362: {  	v7 =	vld [tilespmem:$0x1E4D0];
	v19 =	vadd.f32 v19, v18;
	[tilespmem:$0x1E970] =	vst v15  }
0x363: {  	v8 =	vld [tilespmem:$0x1EDD0];
	v21 =	vadd.f32 v21, v20;
	[tilespmem:$0x1E980] =	vst v17  }
0x364: {  	v9 =	vld [tilespmem:$0x1E4E0];
	v23 =	vadd.f32 v23, v22;
	[tilespmem:$0x1E990] =	vst v19  }
0x365: {  	v10 =	vld [tilespmem:$0x1EDE0];
	v25 =	vadd.f32 v25, v24;
	[tilespmem:$0x1E9A0] =	vst v21  }
0x366: {  	v11 =	vld [tilespmem:$0x1E4F0];
	v27 =	vadd.f32 v27, v26;
	[tilespmem:$0x1E9B0] =	vst v23  }
0x367: {  	v12 =	vld [tilespmem:$0x1EDF0];
	v29 =	vadd.f32 v29, v28;
	[tilespmem:$0x1E9C0] =	vst v25  }
0x368: {  	v14 =	vld [tilespmem:$0x1EE00];
	v31 =	vadd.f32 v31, v30;
	[tilespmem:$0x1E9D0] =	vst v27  }
0x369: {  	v16 =	vld [tilespmem:$0x1EE10];
	v33 =	vadd.f32 v33, v32;
	[tilespmem:$0x1E9E0] =	vst v29  }
0x36a: {  	v18 =	vld [tilespmem:$0x1EE20];
	v35 =	vadd.f32 v35, v34;
	[tilespmem:$0x1E9F0] =	vst v31  }
0x36b: {  	v37 =	vadd.f32 v37, v36;
	v20 =	vld [tilespmem:$0x1EE30];
	[tilespmem:$0x1EA00] =	vst v33  }
0x36c: {  	v39 =	vadd.f32 v39, v38;
	v22 =	vld [tilespmem:$0x1EE40];
	[tilespmem:$0x1EA10] =	vst v35  }
0x36d: {  	v41 =	vadd.f32 v41, v40;
	v54 =	vadd.f32 v45, v44;
	v45 =	vld [tilespmem:$0x1E5C0];
	[tilespmem:$0x1EA20] =	vst v37  }
0x36e: {  	v43 =	vadd.f32 v43, v42;
	v56 =	vadd.f32 v47, v46;
	v47 =	vld [tilespmem:$0x1EEC0];
	[tilespmem:$0x1EA30] =	vst v39  }
0x36f: {  	v58 =	vadd.f32 v49, v48;
	v49 =	vld [tilespmem:$0x1E5D0];
	[tilespmem:$0x1EA40] =	vst v41  }
0x370: {  	v13 =	vld [tilespmem:$0x1E500];
	[tilespmem:$0x1EA50] =	vst v43  }
0x371: {  	v15 =	vld [tilespmem:$0x1E510];
	[tilespmem:$0x1EA60] =	vst v54  }
0x372: {  	v48 =	vadd.f32 v55, v53;
	v17 =	vld [tilespmem:$0x1E520];
	[tilespmem:$0x1EA70] =	vst v56  }
0x373: {  	v19 =	vld [tilespmem:$0x1E530];
	v60 =	vadd.f32 v51, v50;
	[tilespmem:$0x1EA80] =	vst v58  }
0x374: {  	v21 =	vld [tilespmem:$0x1E540];
	v50 =	vadd.f32 v59, v57;
	[tilespmem:$0x1EB50] =	vst v48  }
0x375: {  	v61 =	vld [tilespmem:$0x1E570];
	[tilespmem:$0x1EA90] =	vst v60;
	v62 =	vadd.f32 v1, v52  }
0x376: {  	v63 =	vld [tilespmem:$0x1EE70];
	[tilespmem:$0x1EB60] =	vst v50;
	v28 =	vadd.f32 v4, v3  }
0x377: {  	v29 =	vld [tilespmem:$0x1E580];
	v30 =	vadd.f32 v6, v5;
	[tilespmem:$0x1EAA0] =	vst v62  }
0x378: {  	v31 =	vld [tilespmem:$0x1EE80];
	v32 =	vadd.f32 v8, v7;
	[tilespmem:$0x1EAB0] =	vst v28  }
0x379: {  	v33 =	vld [tilespmem:$0x1E590];
	v34 =	vadd.f32 v10, v9;
	[tilespmem:$0x1EAC0] =	vst v30  }
0x37a: {  	v35 =	vld [tilespmem:$0x1EE90];
	v36 =	vadd.f32 v12, v11;
	[tilespmem:$0x1EAD0] =	vst v32  }
0x37b: {  	v37 =	vld [tilespmem:$0x1E5A0];
	v60 =	vadd.f32 v47, v45;
	[tilespmem:$0x1EAE0] =	vst v34  }
0x37c: {  	v39 =	vld [tilespmem:$0x1EEA0];
	v38 =	vadd.f32 v14, v13;
	[tilespmem:$0x1EAF0] =	vst v36  }
0x37d: {  	v41 =	vld [tilespmem:$0x1E5B0];
	v40 =	vadd.f32 v16, v15;
	[tilespmem:$0x1EBC0] =	vst v60  }
0x37e: {  	v43 =	vld [tilespmem:$0x1EEB0];
	v42 =	vadd.f32 v18, v17;
	[tilespmem:$0x1EB00] =	vst v38  }
0x37f: {  	v51 =	vld [tilespmem:$0x1EED0];
	v44 =	vadd.f32 v20, v19;
	[tilespmem:$0x1EB10] =	vst v40  }
0x380: {  	v54 =	vld [tilespmem:$0x1EEE0];
	v46 =	vadd.f32 v22, v21;
	[tilespmem:$0x1EB20] =	vst v42  }
0x381: {  	v56 =	vld [tilespmem:$0x1E5F0];
	v1 =	vadd.f32 v63, v61;
	[tilespmem:$0x1EB30] =	vst v44  }
0x382: {  	v58 =	vld [tilespmem:$0x1EEF0];
	v53 =	vadd.f32 v31, v29;
	[tilespmem:$0x1EB40] =	vst v46  }
0x383: {  	v52 =	vld [tilespmem:$0x1E5E0];
	v55 =	vadd.f32 v35, v33;
	[tilespmem:$0x1EB70] =	vst v1  }
0x384: {  	v57 =	vadd.f32 v39, v37;
	[tilespmem:$0x1EB80] =	vst v53  }
0x385: {  	v59 =	vadd.f32 v43, v41;
	[tilespmem:$0x1EB90] =	vst v55  }
0x386: {  	v61 =	vadd.f32 v51, v49;
	[tilespmem:$0x1EBA0] =	vst v57  }
.Ltmp8:
0x387: {  	v63 =	vadd.f32 v58, v56;
	[tilespmem:$0x1EBB0] =	vst v59;
	(pc) =	sbr.rel @p2 .LBB2_12-.Ltmp8, $4  }
0x388: {  	s9 =	sadd.s32 $0x181800, s9;
	[tilespmem:$0x1EBD0] =	vst v61;
	v62 =	vadd.f32 v54, v52  }
0x389: {  	s9 =	sshrl.u32 s9, $0x3;
	[tilespmem:$0x1EBF0] =	vst v63  }
0x38a: {  	s9 =	sadd.s32 s5, s9;
	[tilespmem:$0x1EBE0] =	vst v62  }
0x38b: {  	[hbm4b:s9+s25] =	stream.strided.scatter [tilespmem:s1], [sflag:$0x8], $0x300, s26, s25, $0x38;
	[tilespmem:$0x1EF00] =	vst v63  }
0x38c: {  	s6 =	smul.u32 $0xC1800, s6  }
.Ltmp9:
0x38d: {  	_ = 	snop;
	(pc) =	sbr.rel .LBB2_11-.Ltmp9, $4  }
0x38e: {  	s6 =	sshrl.u32 s6, $0x3  }
0x38f: {  	s6 =	sadd.s32 s4, s6  }
0x390: {  	s6 =	sadd.s32 $0x18000, s6  }
0x391: {  	[tilespmem:s0], [sflag:$0x6] =	stream.strided.gather [hbm4b:s6+s25], $0x300, s26, s25, $0x38;
	[tilespmem:$0x1EF00] =	vst v63  }
.LBB2_13:
0x392: {  	_ =	sfence.sel $0x180000  }
0x393: {  	[bflag:$0x0] =	sbarrier.arrive $0xFFFF  }
0x394: {  	_ =	strace $0x90000047  }
0x395: {  	s0 =	stileid.u32;
	[bflag:$0x2] =	sbarrier.arrive $0xFFFF  }
0x396: {  	p0 =	sne.s32 s0, $0x0;
	s0 =	rddreg [dreg:$0x2]  }
0x397: {  	s0 =	sadd.s32 @!p0 $0x100000, s0  }
0x398: {  	[sflag:s0] =	ssyncadd.tile.s32 @!p0 $0x1;
	_ =	shalt  }
.Lfunc_end2:
_tile_overlayer_lowered:
.L_overlay_start_2:
0x399: {  	(tag) =	ssettag $0x2  }
0x39a: {  	s0 =	rddreg [dreg:$0x0];
	s2 =	stileid.u32  }
0x39b: {  	s1 =	rddreg [dreg:$0x1];
	p0 =	sne.s32 s2, $0x0  }
0x39c: {  	s3 =	rddreg [dreg:$0x2];
	[bflag:$0x3] =	sbarrier.arrive $0xFFFF;
	s2 =	simm.s32 @!p0 $0x1C09  }
0x39d: {  	[timem:s3], [sflag:s2] =	dma.local @!p0 [hbm:s0], s1  }
0x39e: {  	s0 =	simm.s32 @!p0 $0x9  }
0x39f: {  	_ =	swait.ge @!p0 [sflag:s0], s1  }
0x3a0: {  	s1 =	ssub.s32 @!p0 $0x0, s1;
	[sflag:s0] =	ssyncset.done @!p0 $0x0  }
0x3a1: {  	[sflag:s0] =	ssyncadd.s32 @!p0 s1  }
0x3a2: {  	[bflag:$0x3] =	sbarrier.arrive $0xFFFF  }
0x3a3: {  	_ =	shalt  }

</sc_bundles>
